<compile_context>
chip_gen: v7x
topology: tpu7x:2x2x1
jax: 0.10.2.dev20260603
libtpu: 0.0.44.dev20260713+nightly
codegen_flags: <defaults>
</compile_context>

<pallas_src>
import functools

import jax
import jax.numpy as jnp
from jax import lax
from jax.experimental import pallas as pl
from jax.experimental.pallas import tpu as pltpu
from jax.experimental.pallas import tpu_sc as plsc

MAX_RES_OFFSET = 32
MAX_SYM_OFFSET = 2
D = 32
N = 1024
R_ROWS = 2 * MAX_RES_OFFSET + 2
S_ROWS = 2 * MAX_SYM_OFFSET + 2
C_ROWS = R_ROWS * S_ROWS

NUM_CORES = 2
NUM_SUBCORES = 16
NUM_WORKERS = NUM_CORES * NUM_SUBCORES
ROWS_PER_WORKER = N // NUM_WORKERS
L = 16

_SC_PARAMS = dict(
    compiler_params=pltpu.CompilerParams(
        needs_layout_passes=False, use_tc_tiling_on_sc=False
    ),
)


def _worker_id():
    return lax.axis_index("s") * NUM_CORES + lax.axis_index("c")


@functools.cache
def _make_kernels():
    mesh = plsc.VectorSubcoreMesh(core_axis_name="c", subcore_axis_name="s")

    @functools.partial(
        pl.kernel,
        out_type=jax.ShapeDtypeStruct((C_ROWS * D,), jnp.float32),
        mesh=mesh,
        scratch_types=[
            pltpu.VMEM((R_ROWS, D), jnp.float32),
            pltpu.VMEM((S_ROWS, D), jnp.float32),
            pltpu.VMEM((C_ROWS * D,), jnp.float32),
        ],
        **_SC_PARAMS,
    )
    def build_comb(res_hbm, sym_hbm, comb_hbm, res_v, sym_v, comb_v):
        wid = _worker_id()

        @pl.when(wid == 0)
        def _():
            pltpu.sync_copy(res_hbm, res_v)
            pltpu.sync_copy(sym_hbm, sym_v)
            sym_rows = [
                [sym_v[b, pl.ds(h * L, L)] for h in range(D // L)]
                for b in range(S_ROWS)
            ]

            def body(a, carry):
                for h in range(D // L):
                    r = res_v[a, pl.ds(h * L, L)]
                    for b in range(S_ROWS):
                        comb_v[pl.ds((a * S_ROWS + b) * D + h * L, L)] = (
                            r + sym_rows[b][h]
                        )
                return carry

            lax.fori_loop(0, R_ROWS, body, 0)
            pltpu.sync_copy(comb_v, comb_hbm)

    @functools.partial(
        pl.kernel,
        out_type=jax.ShapeDtypeStruct((N, N * D), jnp.float32),
        mesh=mesh,
        scratch_types=[
            pltpu.VMEM((N,), jnp.int32),
            pltpu.VMEM((N,), jnp.int32),
            pltpu.VMEM((N,), jnp.int32),
            pltpu.VMEM((N,), jnp.int32),
            pltpu.VMEM((ROWS_PER_WORKER,), jnp.int32),
            pltpu.VMEM((ROWS_PER_WORKER,), jnp.int32),
            pltpu.VMEM((ROWS_PER_WORKER,), jnp.int32),
            pltpu.VMEM((ROWS_PER_WORKER,), jnp.int32),
            pltpu.VMEM((C_ROWS * D,), jnp.float32),
            pltpu.VMEM((N * D,), jnp.float32),
            pltpu.VMEM((N * D,), jnp.float32),
            pltpu.SemaphoreType.DMA,
            pltpu.SemaphoreType.DMA,
        ],
        **_SC_PARAMS,
    )
    def edge_embed(
        ri_hbm, ch_hbm, en_hbm, sy_hbm, comb_hbm, out_hbm,
        ri_v, ch_v, en_v, sy_v, qri_v, qch_v, qen_v, qsy_v, comb_v,
        rows_a, rows_b, sem_a, sem_b,
    ):
        wid = _worker_id()
        base = wid * ROWS_PER_WORKER

        pltpu.sync_copy(ri_hbm, ri_v)
        pltpu.sync_copy(ch_hbm, ch_v)
        pltpu.sync_copy(en_hbm, en_v)
        pltpu.sync_copy(sy_hbm, sy_v)
        pltpu.sync_copy(ri_hbm.at[pl.ds(base, ROWS_PER_WORKER)], qri_v)
        pltpu.sync_copy(ch_hbm.at[pl.ds(base, ROWS_PER_WORKER)], qch_v)
        pltpu.sync_copy(en_hbm.at[pl.ds(base, ROWS_PER_WORKER)], qen_v)
        pltpu.sync_copy(sy_hbm.at[pl.ds(base, ROWS_PER_WORKER)], qsy_v)
        pltpu.sync_copy(comb_hbm, comb_v)

        iota = lax.iota(jnp.int32, L)
        lane_d = iota * D

        def fill_row(il, slab):
            splat_il = jnp.full((L,), il, jnp.int32)
            q_ri = plsc.load_gather(qri_v, [splat_il])
            q_ch = plsc.load_gather(qch_v, [splat_il])
            q_en = plsc.load_gather(qen_v, [splat_il])
            q_sy = plsc.load_gather(qsy_v, [splat_il])

            @plsc.parallel_loop(0, N // L, 1, unroll=2)
            def grp_body(g):
                j0 = g * L
                rj = ri_v[pl.ds(j0, L)]
                cj = ch_v[pl.ds(j0, L)]
                ej = en_v[pl.ds(j0, L)]
                sj = sy_v[pl.ds(j0, L)]
                rel = jnp.clip(rj - q_ri + MAX_RES_OFFSET, 0, 2 * MAX_RES_OFFSET)
                rel = jnp.where(cj == q_ch, rel, 2 * MAX_RES_OFFSET + 1)
                rs = jnp.clip(sj - q_sy + MAX_SYM_OFFSET, 0, 2 * MAX_SYM_OFFSET)
                rs = jnp.where(ej == q_en, rs, 2 * MAX_SYM_OFFSET + 1)
                src0 = (rel * S_ROWS + rs) * D
                dst0 = lane_d + j0 * D
                for v in range(D):
                    dx = lax.bitwise_xor(iota, v)
                    vals = plsc.load_gather(comb_v, [src0 + dx])
                    plsc.store_scatter(slab, [dst0 + dx], vals)

        slabs = ((rows_a, sem_a), (rows_b, sem_b))

        def row_pair(t, carry):
            for parity, (slab, sem) in enumerate(slabs):
                il = 2 * t + parity

                @pl.when(t > 0)
                def _():
                    pltpu.make_async_copy(slab, out_hbm.at[base], sem).wait()

                fill_row(il, slab)
                pltpu.async_copy(slab, out_hbm.at[base + il], sem)
            return carry

        lax.fori_loop(0, ROWS_PER_WORKER // 2, row_pair, 0)
        for slab, sem in slabs:
            pltpu.make_async_copy(slab, out_hbm.at[base], sem).wait()

    return build_comb, edge_embed


def kernel(residue_index, chain_id, entity_id, sym_id, res_offset_emb, sym_offset_emb):
    build_comb, edge_embed = _make_kernels()
    comb = build_comb(res_offset_emb, sym_offset_emb)
    out = edge_embed(residue_index, chain_id, entity_id, sym_id, comb)
    return out.reshape(N, N, D)

# --- scband reference (transcript-rebuilt; emitter-appended) ---
"""Pipeline reference for scband-edge-type-embedding-833223656431 (READ-ONLY COPY).

The authoritative reference and input builder live on the scoring server;
editing this copy changes nothing except your own understanding.
"""

import jax, jax.numpy as jnp
import numpy as np

MAX_RES_OFFSET = 32
MAX_SYM_OFFSET = 2
D = 32
N = 1024


def setup_inputs(seed: int = 0) -> dict:
    key = jax.random.key(seed)
    k1, k2, k3, k4, k5, k6 = jax.random.split(key, 6)
    residue_index = jax.random.randint(k1, (N,), 0, 512, dtype=jnp.int32)
    chain_id = jax.random.randint(k2, (N,), 0, 4, dtype=jnp.int32)
    entity_id = jax.random.randint(k3, (N,), 0, 2, dtype=jnp.int32)
    sym_id = jax.random.randint(k4, (N,), 0, 4, dtype=jnp.int32)
    res_offset_emb = jax.random.normal(k5, (2 * MAX_RES_OFFSET + 2, D), dtype=jnp.float32) * 0.02
    sym_offset_emb = jax.random.normal(k6, (2 * MAX_SYM_OFFSET + 2, D), dtype=jnp.float32) * 0.02
    return {
        "residue_index": residue_index,
        "chain_id": chain_id,
        "entity_id": entity_id,
        "sym_id": sym_id,
        "res_offset_emb": res_offset_emb,
        "sym_offset_emb": sym_offset_emb,
    }


def _compute_rel_res_offset(residue_index, chain_id):
    same_chain = chain_id[..., None, :] == chain_id[..., None]
    rel = residue_index[..., None, :] - residue_index[..., None]
    rel = jnp.clip(rel + MAX_RES_OFFSET, 0, 2 * MAX_RES_OFFSET).astype(jnp.int32)
    rel = jnp.where(same_chain, rel, 2 * MAX_RES_OFFSET + 1)
    return rel


def _compute_rel_sym_offset(sym_id, entity_id):
    same_entity = entity_id[..., None, :] == entity_id[..., None]
    rel = sym_id[..., None, :] - sym_id[..., None]
    rel = jnp.clip(rel + MAX_SYM_OFFSET, 0, 2 * MAX_SYM_OFFSET).astype(jnp.int32)
    rel = jnp.where(same_entity, rel, 2 * MAX_SYM_OFFSET + 1)
    return rel


def reference(residue_index, chain_id, entity_id, sym_id, res_offset_emb, sym_offset_emb):
    rel_res_offset = _compute_rel_res_offset(residue_index, chain_id)
    rel_sym_offset = _compute_rel_sym_offset(sym_id, entity_id)
    emb = jnp.take(res_offset_emb, rel_res_offset, axis=0) + jnp.take(sym_offset_emb, rel_sym_offset, axis=0)
    # dropout p=0.0 -> identity
    return emb

if __name__ == "__main__":
    import jax
    _d = setup_inputs()
    print(jax.jit(kernel)(*tuple(_d.values())))

</pallas_src>

<mosaic_0001>
#map = affine_map<(d0, d1) -> (0, 0)>
#map1 = affine_map<(d0, d1) -> (0)>
module attributes {stable_mosaic.version = 14 : i64} {
  func.func @build_comb(%arg0: i32, %arg1: i32, %arg2: memref<66x32xf32, #tpu.memory_space<hbm>>, %arg3: memref<6x32xf32, #tpu.memory_space<hbm>>, %arg4: memref<12672xf32, #tpu.memory_space<hbm>>, %arg5: memref<66x32xf32, #tpu.memory_space<vmem>>, %arg6: memref<6x32xf32, #tpu.memory_space<vmem>>, %arg7: memref<12672xf32, #tpu.memory_space<vmem>>) attributes {dimension_semantics = [#tpu.dimension_semantics<core_parallel>, #tpu.dimension_semantics<subcore_parallel>], iteration_bounds = array<i64: 2, 16>, scalar_prefetch = 0 : i64, scratch_operands = 3 : i64, tpu.core_type = #tpu.core_type<sc_vector_subcore>, window_params = [{transform_indices = #map}, {transform_indices = #map}, {transform_indices = #map1}]} {
    %mul3A = arith.constant 2 : i32
    %mul3A_0 = arith.muli %arg1, %mul3A : i32
    %add3A = arith.addi %mul3A_0, %arg0 : i32
    %eq3A = arith.constant 0 : i32
    %eq3A_1 = arith.cmpi eq, %add3A, %eq3A : i32
    %convert_element_type3A = arith.extui %eq3A_1 : i1 to i32
    %cond3A = arith.constant 0 : i32
    %cond3A_2 = arith.cmpi ne, %convert_element_type3A, %cond3A : i32
    scf.if %cond3A_2 {
      "tpu.region"() ({
        %run_scoped3A = tpu.sem_alloc : memref<!tpu.dma_semaphore, #tpu.memory_space<semaphore_mem>>
        tpu.enqueue_dma source(%arg2 : memref<66x32xf32, #tpu.memory_space<hbm>>) target(%arg5 : memref<66x32xf32, #tpu.memory_space<vmem>>) target_semaphore(%run_scoped3A : memref<!tpu.dma_semaphore, #tpu.memory_space<semaphore_mem>>)
        tpu.wait_dma2 semaphore(%run_scoped3A : memref<!tpu.dma_semaphore, #tpu.memory_space<semaphore_mem>>) src(%arg2 : memref<66x32xf32, #tpu.memory_space<hbm>>) dst(%arg5 : memref<66x32xf32, #tpu.memory_space<vmem>>)
        tpu.yield
      }) : () -> ()
      "tpu.region"() ({
        %run_scoped3A = tpu.sem_alloc : memref<!tpu.dma_semaphore, #tpu.memory_space<semaphore_mem>>
        tpu.enqueue_dma source(%arg3 : memref<6x32xf32, #tpu.memory_space<hbm>>) target(%arg6 : memref<6x32xf32, #tpu.memory_space<vmem>>) target_semaphore(%run_scoped3A : memref<!tpu.dma_semaphore, #tpu.memory_space<semaphore_mem>>)
        tpu.wait_dma2 semaphore(%run_scoped3A : memref<!tpu.dma_semaphore, #tpu.memory_space<semaphore_mem>>) src(%arg3 : memref<6x32xf32, #tpu.memory_space<hbm>>) dst(%arg6 : memref<6x32xf32, #tpu.memory_space<vmem>>)
        tpu.yield
      }) : () -> ()
      %get3A = arith.constant 0 : i32
      %get3A_3 = arith.index_cast %get3A : i32 to index
      %get3A_4 = arith.constant 0 : index
      %get3A_5 = tpu.vector_load %arg6[%get3A_3, %get3A_4] {strides = array<i32>} : memref<6x32xf32, #tpu.memory_space<vmem>>, vector<16xf32>,
      %get3A_6 = arith.constant 0 : i32
      %get3A_7 = arith.index_cast %get3A_6 : i32 to index
      %get3A_8 = arith.constant 16 : index
      %get3A_9 = tpu.vector_load %arg6[%get3A_7, %get3A_8] {strides = array<i32>} : memref<6x32xf32, #tpu.memory_space<vmem>>, vector<16xf32>,
      %get3A_10 = arith.constant 1 : i32
      %get3A_11 = arith.index_cast %get3A_10 : i32 to index
      %get3A_12 = arith.constant 0 : index
      %get3A_13 = tpu.vector_load %arg6[%get3A_11, %get3A_12] {strides = array<i32>} : memref<6x32xf32, #tpu.memory_space<vmem>>, vector<16xf32>,
      %get3A_14 = arith.constant 1 : i32
      %get3A_15 = arith.index_cast %get3A_14 : i32 to index
      %get3A_16 = arith.constant 16 : index
      %get3A_17 = tpu.vector_load %arg6[%get3A_15, %get3A_16] {strides = array<i32>} : memref<6x32xf32, #tpu.memory_space<vmem>>, vector<16xf32>,
      %get3A_18 = arith.constant 2 : i32
      %get3A_19 = arith.index_cast %get3A_18 : i32 to index
      %get3A_20 = arith.constant 0 : index
      %get3A_21 = tpu.vector_load %arg6[%get3A_19, %get3A_20] {strides = array<i32>} : memref<6x32xf32, #tpu.memory_space<vmem>>, vector<16xf32>,
      %get3A_22 = arith.constant 2 : i32
      %get3A_23 = arith.index_cast %get3A_22 : i32 to index
      %get3A_24 = arith.constant 16 : index
      %get3A_25 = tpu.vector_load %arg6[%get3A_23, %get3A_24] {strides = array<i32>} : memref<6x32xf32, #tpu.memory_space<vmem>>, vector<16xf32>,
      %get3A_26 = arith.constant 3 : i32
      %get3A_27 = arith.index_cast %get3A_26 : i32 to index
      %get3A_28 = arith.constant 0 : index
      %get3A_29 = tpu.vector_load %arg6[%get3A_27, %get3A_28] {strides = array<i32>} : memref<6x32xf32, #tpu.memory_space<vmem>>, vector<16xf32>,
      %get3A_30 = arith.constant 3 : i32
      %get3A_31 = arith.index_cast %get3A_30 : i32 to index
      %get3A_32 = arith.constant 16 : index
      %get3A_33 = tpu.vector_load %arg6[%get3A_31, %get3A_32] {strides = array<i32>} : memref<6x32xf32, #tpu.memory_space<vmem>>, vector<16xf32>,
      %get3A_34 = arith.constant 4 : i32
      %get3A_35 = arith.index_cast %get3A_34 : i32 to index
      %get3A_36 = arith.constant 0 : index
      %get3A_37 = tpu.vector_load %arg6[%get3A_35, %get3A_36] {strides = array<i32>} : memref<6x32xf32, #tpu.memory_space<vmem>>, vector<16xf32>,
      %get3A_38 = arith.constant 4 : i32
      %get3A_39 = arith.index_cast %get3A_38 : i32 to index
      %get3A_40 = arith.constant 16 : index
      %get3A_41 = tpu.vector_load %arg6[%get3A_39, %get3A_40] {strides = array<i32>} : memref<6x32xf32, #tpu.memory_space<vmem>>, vector<16xf32>,
      %get3A_42 = arith.constant 5 : i32
      %get3A_43 = arith.index_cast %get3A_42 : i32 to index
      %get3A_44 = arith.constant 0 : index
      %get3A_45 = tpu.vector_load %arg6[%get3A_43, %get3A_44] {strides = array<i32>} : memref<6x32xf32, #tpu.memory_space<vmem>>, vector<16xf32>,
      %get3A_46 = arith.constant 5 : i32
      %get3A_47 = arith.index_cast %get3A_46 : i32 to index
      %get3A_48 = arith.constant 16 : index
      %get3A_49 = tpu.vector_load %arg6[%get3A_47, %get3A_48] {strides = array<i32>} : memref<6x32xf32, #tpu.memory_space<vmem>>, vector<16xf32>,
      %scan3A = arith.constant 0 : i32
      %scan3A_50 = arith.constant 0 : i32
      %scan3A_51 = arith.constant 66 : i32
      %scan3A_52 = arith.addi %scan3A_50, %scan3A_51 : i32
      %scan3A_53 = arith.constant 1 : i32
      scf.for %scan3A_55 = %scan3A_50 to %scan3A_52 step %scan3A_53  : i32 {
        %get3A_56 = arith.index_cast %scan3A_55 : i32 to index
        %get3A_57 = arith.constant 0 : index
        %get3A_58 = tpu.vector_load %arg5[%get3A_56, %get3A_57] {strides = array<i32>} : memref<66x32xf32, #tpu.memory_space<vmem>>, vector<16xf32>,
        %add3A_59 = arith.addf %get3A_58, %get3A_5 : vector<16xf32>
        %mul3A_60 = arith.constant 6 : i32
        %mul3A_61 = arith.muli %scan3A_55, %mul3A_60 : i32
        %add3A_62 = arith.constant 0 : i32
        %add3A_63 = arith.addi %mul3A_61, %add3A_62 : i32
        %mul3A_64 = arith.constant 32 : i32
        %mul3A_65 = arith.muli %add3A_63, %mul3A_64 : i32
        %add3A_66 = arith.constant 0 : i32
        %add3A_67 = arith.addi %mul3A_65, %add3A_66 : i32
        %swap3A = arith.index_cast %add3A_67 : i32 to index
        %swap3A_68 = tpu.vector_load %arg7[%swap3A] {strides = array<i32>} : memref<12672xf32, #tpu.memory_space<vmem>>, vector<16xf32>,
        tpu.vector_store %arg7[%swap3A], %add3A_59 {strides = array<i32>} : memref<12672xf32, #tpu.memory_space<vmem>>, vector<16xf32>,
        %add3A_69 = arith.addf %get3A_58, %get3A_13 : vector<16xf32>
        %mul3A_70 = arith.constant 6 : i32
        %mul3A_71 = arith.muli %scan3A_55, %mul3A_70 : i32
        %add3A_72 = arith.constant 1 : i32
        %add3A_73 = arith.addi %mul3A_71, %add3A_72 : i32
        %mul3A_74 = arith.constant 32 : i32
        %mul3A_75 = arith.muli %add3A_73, %mul3A_74 : i32
        %add3A_76 = arith.constant 0 : i32
        %add3A_77 = arith.addi %mul3A_75, %add3A_76 : i32
        %swap3A_78 = arith.index_cast %add3A_77 : i32 to index
        %swap3A_79 = tpu.vector_load %arg7[%swap3A_78] {strides = array<i32>} : memref<12672xf32, #tpu.memory_space<vmem>>, vector<16xf32>,
        tpu.vector_store %arg7[%swap3A_78], %add3A_69 {strides = array<i32>} : memref<12672xf32, #tpu.memory_space<vmem>>, vector<16xf32>,
        %add3A_80 = arith.addf %get3A_58, %get3A_21 : vector<16xf32>
        %mul3A_81 = arith.constant 6 : i32
        %mul3A_82 = arith.muli %scan3A_55, %mul3A_81 : i32
        %add3A_83 = arith.constant 2 : i32
        %add3A_84 = arith.addi %mul3A_82, %add3A_83 : i32
        %mul3A_85 = arith.constant 32 : i32
        %mul3A_86 = arith.muli %add3A_84, %mul3A_85 : i32
        %add3A_87 = arith.constant 0 : i32
        %add3A_88 = arith.addi %mul3A_86, %add3A_87 : i32
        %swap3A_89 = arith.index_cast %add3A_88 : i32 to index
        %swap3A_90 = tpu.vector_load %arg7[%swap3A_89] {strides = array<i32>} : memref<12672xf32, #tpu.memory_space<vmem>>, vector<16xf32>,
        tpu.vector_store %arg7[%swap3A_89], %add3A_80 {strides = array<i32>} : memref<12672xf32, #tpu.memory_space<vmem>>, vector<16xf32>,
        %add3A_91 = arith.addf %get3A_58, %get3A_29 : vector<16xf32>
        %mul3A_92 = arith.constant 6 : i32
        %mul3A_93 = arith.muli %scan3A_55, %mul3A_92 : i32
        %add3A_94 = arith.constant 3 : i32
        %add3A_95 = arith.addi %mul3A_93, %add3A_94 : i32
        %mul3A_96 = arith.constant 32 : i32
        %mul3A_97 = arith.muli %add3A_95, %mul3A_96 : i32
        %add3A_98 = arith.constant 0 : i32
        %add3A_99 = arith.addi %mul3A_97, %add3A_98 : i32
        %swap3A_100 = arith.index_cast %add3A_99 : i32 to index
        %swap3A_101 = tpu.vector_load %arg7[%swap3A_100] {strides = array<i32>} : memref<12672xf32, #tpu.memory_space<vmem>>, vector<16xf32>,
        tpu.vector_store %arg7[%swap3A_100], %add3A_91 {strides = array<i32>} : memref<12672xf32, #tpu.memory_space<vmem>>, vector<16xf32>,
        %add3A_102 = arith.addf %get3A_58, %get3A_37 : vector<16xf32>
        %mul3A_103 = arith.constant 6 : i32
        %mul3A_104 = arith.muli %scan3A_55, %mul3A_103 : i32
        %add3A_105 = arith.constant 4 : i32
        %add3A_106 = arith.addi %mul3A_104, %add3A_105 : i32
        %mul3A_107 = arith.constant 32 : i32
        %mul3A_108 = arith.muli %add3A_106, %mul3A_107 : i32
        %add3A_109 = arith.constant 0 : i32
        %add3A_110 = arith.addi %mul3A_108, %add3A_109 : i32
        %swap3A_111 = arith.index_cast %add3A_110 : i32 to index
        %swap3A_112 = tpu.vector_load %arg7[%swap3A_111] {strides = array<i32>} : memref<12672xf32, #tpu.memory_space<vmem>>, vector<16xf32>,
        tpu.vector_store %arg7[%swap3A_111], %add3A_102 {strides = array<i32>} : memref<12672xf32, #tpu.memory_space<vmem>>, vector<16xf32>,
        %add3A_113 = arith.addf %get3A_58, %get3A_45 : vector<16xf32>
        %mul3A_114 = arith.constant 6 : i32
        %mul3A_115 = arith.muli %scan3A_55, %mul3A_114 : i32
        %add3A_116 = arith.constant 5 : i32
        %add3A_117 = arith.addi %mul3A_115, %add3A_116 : i32
        %mul3A_118 = arith.constant 32 : i32
        %mul3A_119 = arith.muli %add3A_117, %mul3A_118 : i32
        %add3A_120 = arith.constant 0 : i32
        %add3A_121 = arith.addi %mul3A_119, %add3A_120 : i32
        %swap3A_122 = arith.index_cast %add3A_121 : i32 to index
        %swap3A_123 = tpu.vector_load %arg7[%swap3A_122] {strides = array<i32>} : memref<12672xf32, #tpu.memory_space<vmem>>, vector<16xf32>,
        tpu.vector_store %arg7[%swap3A_122], %add3A_113 {strides = array<i32>} : memref<12672xf32, #tpu.memory_space<vmem>>, vector<16xf32>,
        %get3A_124 = arith.index_cast %scan3A_55 : i32 to index
        %get3A_125 = arith.constant 16 : index
        %get3A_126 = tpu.vector_load %arg5[%get3A_124, %get3A_125] {strides = array<i32>} : memref<66x32xf32, #tpu.memory_space<vmem>>, vector<16xf32>,
        %add3A_127 = arith.addf %get3A_126, %get3A_9 : vector<16xf32>
        %mul3A_128 = arith.constant 6 : i32
        %mul3A_129 = arith.muli %scan3A_55, %mul3A_128 : i32
        %add3A_130 = arith.constant 0 : i32
        %add3A_131 = arith.addi %mul3A_129, %add3A_130 : i32
        %mul3A_132 = arith.constant 32 : i32
        %mul3A_133 = arith.muli %add3A_131, %mul3A_132 : i32
        %add3A_134 = arith.constant 16 : i32
        %add3A_135 = arith.addi %mul3A_133, %add3A_134 : i32
        %swap3A_136 = arith.index_cast %add3A_135 : i32 to index
        %swap3A_137 = tpu.vector_load %arg7[%swap3A_136] {strides = array<i32>} : memref<12672xf32, #tpu.memory_space<vmem>>, vector<16xf32>,
        tpu.vector_store %arg7[%swap3A_136], %add3A_127 {strides = array<i32>} : memref<12672xf32, #tpu.memory_space<vmem>>, vector<16xf32>,
        %add3A_138 = arith.addf %get3A_126, %get3A_17 : vector<16xf32>
        %mul3A_139 = arith.constant 6 : i32
        %mul3A_140 = arith.muli %scan3A_55, %mul3A_139 : i32
        %add3A_141 = arith.constant 1 : i32
        %add3A_142 = arith.addi %mul3A_140, %add3A_141 : i32
        %mul3A_143 = arith.constant 32 : i32
        %mul3A_144 = arith.muli %add3A_142, %mul3A_143 : i32
        %add3A_145 = arith.constant 16 : i32
        %add3A_146 = arith.addi %mul3A_144, %add3A_145 : i32
        %swap3A_147 = arith.index_cast %add3A_146 : i32 to index
        %swap3A_148 = tpu.vector_load %arg7[%swap3A_147] {strides = array<i32>} : memref<12672xf32, #tpu.memory_space<vmem>>, vector<16xf32>,
        tpu.vector_store %arg7[%swap3A_147], %add3A_138 {strides = array<i32>} : memref<12672xf32, #tpu.memory_space<vmem>>, vector<16xf32>,
        %add3A_149 = arith.addf %get3A_126, %get3A_25 : vector<16xf32>
        %mul3A_150 = arith.constant 6 : i32
        %mul3A_151 = arith.muli %scan3A_55, %mul3A_150 : i32
        %add3A_152 = arith.constant 2 : i32
        %add3A_153 = arith.addi %mul3A_151, %add3A_152 : i32
        %mul3A_154 = arith.constant 32 : i32
        %mul3A_155 = arith.muli %add3A_153, %mul3A_154 : i32
        %add3A_156 = arith.constant 16 : i32
        %add3A_157 = arith.addi %mul3A_155, %add3A_156 : i32
        %swap3A_158 = arith.index_cast %add3A_157 : i32 to index
        %swap3A_159 = tpu.vector_load %arg7[%swap3A_158] {strides = array<i32>} : memref<12672xf32, #tpu.memory_space<vmem>>, vector<16xf32>,
        tpu.vector_store %arg7[%swap3A_158], %add3A_149 {strides = array<i32>} : memref<12672xf32, #tpu.memory_space<vmem>>, vector<16xf32>,
        %add3A_160 = arith.addf %get3A_126, %get3A_33 : vector<16xf32>
        %mul3A_161 = arith.constant 6 : i32
        %mul3A_162 = arith.muli %scan3A_55, %mul3A_161 : i32
        %add3A_163 = arith.constant 3 : i32
        %add3A_164 = arith.addi %mul3A_162, %add3A_163 : i32
        %mul3A_165 = arith.constant 32 : i32
        %mul3A_166 = arith.muli %add3A_164, %mul3A_165 : i32
        %add3A_167 = arith.constant 16 : i32
        %add3A_168 = arith.addi %mul3A_166, %add3A_167 : i32
        %swap3A_169 = arith.index_cast %add3A_168 : i32 to index
        %swap3A_170 = tpu.vector_load %arg7[%swap3A_169] {strides = array<i32>} : memref<12672xf32, #tpu.memory_space<vmem>>, vector<16xf32>,
        tpu.vector_store %arg7[%swap3A_169], %add3A_160 {strides = array<i32>} : memref<12672xf32, #tpu.memory_space<vmem>>, vector<16xf32>,
        %add3A_171 = arith.addf %get3A_126, %get3A_41 : vector<16xf32>
        %mul3A_172 = arith.constant 6 : i32
        %mul3A_173 = arith.muli %scan3A_55, %mul3A_172 : i32
        %add3A_174 = arith.constant 4 : i32
        %add3A_175 = arith.addi %mul3A_173, %add3A_174 : i32
        %mul3A_176 = arith.constant 32 : i32
        %mul3A_177 = arith.muli %add3A_175, %mul3A_176 : i32
        %add3A_178 = arith.constant 16 : i32
        %add3A_179 = arith.addi %mul3A_177, %add3A_178 : i32
        %swap3A_180 = arith.index_cast %add3A_179 : i32 to index
        %swap3A_181 = tpu.vector_load %arg7[%swap3A_180] {strides = array<i32>} : memref<12672xf32, #tpu.memory_space<vmem>>, vector<16xf32>,
        tpu.vector_store %arg7[%swap3A_180], %add3A_171 {strides = array<i32>} : memref<12672xf32, #tpu.memory_space<vmem>>, vector<16xf32>,
        %add3A_182 = arith.addf %get3A_126, %get3A_49 : vector<16xf32>
        %mul3A_183 = arith.constant 6 : i32
        %mul3A_184 = arith.muli %scan3A_55, %mul3A_183 : i32
        %add3A_185 = arith.constant 5 : i32
        %add3A_186 = arith.addi %mul3A_184, %add3A_185 : i32
        %mul3A_187 = arith.constant 32 : i32
        %mul3A_188 = arith.muli %add3A_186, %mul3A_187 : i32
        %add3A_189 = arith.constant 16 : i32
        %add3A_190 = arith.addi %mul3A_188, %add3A_189 : i32
        %swap3A_191 = arith.index_cast %add3A_190 : i32 to index
        %swap3A_192 = tpu.vector_load %arg7[%swap3A_191] {strides = array<i32>} : memref<12672xf32, #tpu.memory_space<vmem>>, vector<16xf32>,
        tpu.vector_store %arg7[%swap3A_191], %add3A_182 {strides = array<i32>} : memref<12672xf32, #tpu.memory_space<vmem>>, vector<16xf32>,
      }
      %scan3A_54 = arith.constant 66 : i32
      "tpu.region"() ({
        %run_scoped3A = tpu.sem_alloc : memref<!tpu.dma_semaphore, #tpu.memory_space<semaphore_mem>>
        tpu.enqueue_dma source(%arg7 : memref<12672xf32, #tpu.memory_space<vmem>>) target(%arg4 : memref<12672xf32, #tpu.memory_space<hbm>>) target_semaphore(%run_scoped3A : memref<!tpu.dma_semaphore, #tpu.memory_space<semaphore_mem>>)
        tpu.wait_dma2 semaphore(%run_scoped3A : memref<!tpu.dma_semaphore, #tpu.memory_space<semaphore_mem>>) src(%arg7 : memref<12672xf32, #tpu.memory_space<vmem>>) dst(%arg4 : memref<12672xf32, #tpu.memory_space<hbm>>)
        tpu.yield
      }) : () -> ()
    } else {
    }
    return
  }
}

#map = affine_map<(d0, d1) -> (0)>
#map1 = affine_map<(d0, d1) -> (0, 0)>
module attributes {stable_mosaic.version = 14 : i64} {
  func.func @edge_embed(%arg0: i32, %arg1: i32, %arg2: memref<1024xi32, #tpu.memory_space<hbm>>, %arg3: memref<1024xi32, #tpu.memory_space<hbm>>, %arg4: memref<1024xi32, #tpu.memory_space<hbm>>, %arg5: memref<1024xi32, #tpu.memory_space<hbm>>, %arg6: memref<12672xf32, #tpu.memory_space<hbm>>, %arg7: memref<1024x32768xf32, #tpu.memory_space<hbm>>, %arg8: memref<1024xi32, #tpu.memory_space<vmem>>, %arg9: memref<1024xi32, #tpu.memory_space<vmem>>, %arg10: memref<1024xi32, #tpu.memory_space<vmem>>, %arg11: memref<1024xi32, #tpu.memory_space<vmem>>, %arg12: memref<32xi32, #tpu.memory_space<vmem>>, %arg13: memref<32xi32, #tpu.memory_space<vmem>>, %arg14: memref<32xi32, #tpu.memory_space<vmem>>, %arg15: memref<32xi32, #tpu.memory_space<vmem>>, %arg16: memref<12672xf32, #tpu.memory_space<vmem>>, %arg17: memref<32768xf32, #tpu.memory_space<vmem>>, %arg18: memref<32768xf32, #tpu.memory_space<vmem>>, %arg19: memref<!tpu.dma_semaphore, #tpu.memory_space<semaphore_mem>>, %arg20: memref<!tpu.dma_semaphore, #tpu.memory_space<semaphore_mem>>) attributes {dimension_semantics = [#tpu.dimension_semantics<core_parallel>, #tpu.dimension_semantics<subcore_parallel>], iteration_bounds = array<i64: 2, 16>, scalar_prefetch = 0 : i64, scratch_operands = 13 : i64, tpu.core_type = #tpu.core_type<sc_vector_subcore>, window_params = [{transform_indices = #map}, {transform_indices = #map}, {transform_indices = #map}, {transform_indices = #map}, {transform_indices = #map}, {transform_indices = #map1}]} {
    %mul3A = arith.constant 2 : i32
    %mul3A_0 = arith.muli %arg1, %mul3A : i32
    %add3A = arith.addi %mul3A_0, %arg0 : i32
    %mul3A_1 = arith.constant 32 : i32
    %mul3A_2 = arith.muli %add3A, %mul3A_1 : i32
    "tpu.region"() ({
      %run_scoped3A = tpu.sem_alloc : memref<!tpu.dma_semaphore, #tpu.memory_space<semaphore_mem>>
      tpu.enqueue_dma source(%arg2 : memref<1024xi32, #tpu.memory_space<hbm>>) target(%arg8 : memref<1024xi32, #tpu.memory_space<vmem>>) target_semaphore(%run_scoped3A : memref<!tpu.dma_semaphore, #tpu.memory_space<semaphore_mem>>)
      tpu.wait_dma2 semaphore(%run_scoped3A : memref<!tpu.dma_semaphore, #tpu.memory_space<semaphore_mem>>) src(%arg2 : memref<1024xi32, #tpu.memory_space<hbm>>) dst(%arg8 : memref<1024xi32, #tpu.memory_space<vmem>>)
      tpu.yield
    }) : () -> ()
    "tpu.region"() ({
      %run_scoped3A = tpu.sem_alloc : memref<!tpu.dma_semaphore, #tpu.memory_space<semaphore_mem>>
      tpu.enqueue_dma source(%arg3 : memref<1024xi32, #tpu.memory_space<hbm>>) target(%arg9 : memref<1024xi32, #tpu.memory_space<vmem>>) target_semaphore(%run_scoped3A : memref<!tpu.dma_semaphore, #tpu.memory_space<semaphore_mem>>)
      tpu.wait_dma2 semaphore(%run_scoped3A : memref<!tpu.dma_semaphore, #tpu.memory_space<semaphore_mem>>) src(%arg3 : memref<1024xi32, #tpu.memory_space<hbm>>) dst(%arg9 : memref<1024xi32, #tpu.memory_space<vmem>>)
      tpu.yield
    }) : () -> ()
    "tpu.region"() ({
      %run_scoped3A = tpu.sem_alloc : memref<!tpu.dma_semaphore, #tpu.memory_space<semaphore_mem>>
      tpu.enqueue_dma source(%arg4 : memref<1024xi32, #tpu.memory_space<hbm>>) target(%arg10 : memref<1024xi32, #tpu.memory_space<vmem>>) target_semaphore(%run_scoped3A : memref<!tpu.dma_semaphore, #tpu.memory_space<semaphore_mem>>)
      tpu.wait_dma2 semaphore(%run_scoped3A : memref<!tpu.dma_semaphore, #tpu.memory_space<semaphore_mem>>) src(%arg4 : memref<1024xi32, #tpu.memory_space<hbm>>) dst(%arg10 : memref<1024xi32, #tpu.memory_space<vmem>>)
      tpu.yield
    }) : () -> ()
    "tpu.region"() ({
      %run_scoped3A = tpu.sem_alloc : memref<!tpu.dma_semaphore, #tpu.memory_space<semaphore_mem>>
      tpu.enqueue_dma source(%arg5 : memref<1024xi32, #tpu.memory_space<hbm>>) target(%arg11 : memref<1024xi32, #tpu.memory_space<vmem>>) target_semaphore(%run_scoped3A : memref<!tpu.dma_semaphore, #tpu.memory_space<semaphore_mem>>)
      tpu.wait_dma2 semaphore(%run_scoped3A : memref<!tpu.dma_semaphore, #tpu.memory_space<semaphore_mem>>) src(%arg5 : memref<1024xi32, #tpu.memory_space<hbm>>) dst(%arg11 : memref<1024xi32, #tpu.memory_space<vmem>>)
      tpu.yield
    }) : () -> ()
    "tpu.region"() ({
      %run_scoped3A = tpu.sem_alloc : memref<!tpu.dma_semaphore, #tpu.memory_space<semaphore_mem>>
      %dma_start3A = tpu.memref_slice %arg2[%mul3A_2] : memref<1024xi32, #tpu.memory_space<hbm>> -> memref<32xi32, #tpu.memory_space<hbm>>
      %dma_start3A_22 = tpu.memref_slice %arg2[%mul3A_2] : memref<1024xi32, #tpu.memory_space<hbm>> -> memref<32xi32, #tpu.memory_space<hbm>>
      tpu.enqueue_dma source(%dma_start3A_22 : memref<32xi32, #tpu.memory_space<hbm>>) target(%arg12 : memref<32xi32, #tpu.memory_space<vmem>>) target_semaphore(%run_scoped3A : memref<!tpu.dma_semaphore, #tpu.memory_space<semaphore_mem>>)
      %dma_wait3A_23 = tpu.memref_slice %arg2[%mul3A_2] : memref<1024xi32, #tpu.memory_space<hbm>> -> memref<32xi32, #tpu.memory_space<hbm>>
      %dma_wait3A_24 = tpu.memref_slice %arg2[%mul3A_2] : memref<1024xi32, #tpu.memory_space<hbm>> -> memref<32xi32, #tpu.memory_space<hbm>>
      tpu.wait_dma2 semaphore(%run_scoped3A : memref<!tpu.dma_semaphore, #tpu.memory_space<semaphore_mem>>) src(%dma_wait3A_24 : memref<32xi32, #tpu.memory_space<hbm>>) dst(%arg12 : memref<32xi32, #tpu.memory_space<vmem>>)
      tpu.yield
    }) : () -> ()
    "tpu.region"() ({
      %run_scoped3A = tpu.sem_alloc : memref<!tpu.dma_semaphore, #tpu.memory_space<semaphore_mem>>
      %dma_start3A = tpu.memref_slice %arg3[%mul3A_2] : memref<1024xi32, #tpu.memory_space<hbm>> -> memref<32xi32, #tpu.memory_space<hbm>>
      %dma_start3A_22 = tpu.memref_slice %arg3[%mul3A_2] : memref<1024xi32, #tpu.memory_space<hbm>> -> memref<32xi32, #tpu.memory_space<hbm>>
      tpu.enqueue_dma source(%dma_start3A_22 : memref<32xi32, #tpu.memory_space<hbm>>) target(%arg13 : memref<32xi32, #tpu.memory_space<vmem>>) target_semaphore(%run_scoped3A : memref<!tpu.dma_semaphore, #tpu.memory_space<semaphore_mem>>)
      %dma_wait3A_23 = tpu.memref_slice %arg3[%mul3A_2] : memref<1024xi32, #tpu.memory_space<hbm>> -> memref<32xi32, #tpu.memory_space<hbm>>
      %dma_wait3A_24 = tpu.memref_slice %arg3[%mul3A_2] : memref<1024xi32, #tpu.memory_space<hbm>> -> memref<32xi32, #tpu.memory_space<hbm>>
      tpu.wait_dma2 semaphore(%run_scoped3A : memref<!tpu.dma_semaphore, #tpu.memory_space<semaphore_mem>>) src(%dma_wait3A_24 : memref<32xi32, #tpu.memory_space<hbm>>) dst(%arg13 : memref<32xi32, #tpu.memory_space<vmem>>)
      tpu.yield
    }) : () -> ()
    "tpu.region"() ({
      %run_scoped3A = tpu.sem_alloc : memref<!tpu.dma_semaphore, #tpu.memory_space<semaphore_mem>>
      %dma_start3A = tpu.memref_slice %arg4[%mul3A_2] : memref<1024xi32, #tpu.memory_space<hbm>> -> memref<32xi32, #tpu.memory_space<hbm>>
      %dma_start3A_22 = tpu.memref_slice %arg4[%mul3A_2] : memref<1024xi32, #tpu.memory_space<hbm>> -> memref<32xi32, #tpu.memory_space<hbm>>
      tpu.enqueue_dma source(%dma_start3A_22 : memref<32xi32, #tpu.memory_space<hbm>>) target(%arg14 : memref<32xi32, #tpu.memory_space<vmem>>) target_semaphore(%run_scoped3A : memref<!tpu.dma_semaphore, #tpu.memory_space<semaphore_mem>>)
      %dma_wait3A_23 = tpu.memref_slice %arg4[%mul3A_2] : memref<1024xi32, #tpu.memory_space<hbm>> -> memref<32xi32, #tpu.memory_space<hbm>>
      %dma_wait3A_24 = tpu.memref_slice %arg4[%mul3A_2] : memref<1024xi32, #tpu.memory_space<hbm>> -> memref<32xi32, #tpu.memory_space<hbm>>
      tpu.wait_dma2 semaphore(%run_scoped3A : memref<!tpu.dma_semaphore, #tpu.memory_space<semaphore_mem>>) src(%dma_wait3A_24 : memref<32xi32, #tpu.memory_space<hbm>>) dst(%arg14 : memref<32xi32, #tpu.memory_space<vmem>>)
      tpu.yield
    }) : () -> ()
    "tpu.region"() ({
      %run_scoped3A = tpu.sem_alloc : memref<!tpu.dma_semaphore, #tpu.memory_space<semaphore_mem>>
      %dma_start3A = tpu.memref_slice %arg5[%mul3A_2] : memref<1024xi32, #tpu.memory_space<hbm>> -> memref<32xi32, #tpu.memory_space<hbm>>
      %dma_start3A_22 = tpu.memref_slice %arg5[%mul3A_2] : memref<1024xi32, #tpu.memory_space<hbm>> -> memref<32xi32, #tpu.memory_space<hbm>>
      tpu.enqueue_dma source(%dma_start3A_22 : memref<32xi32, #tpu.memory_space<hbm>>) target(%arg15 : memref<32xi32, #tpu.memory_space<vmem>>) target_semaphore(%run_scoped3A : memref<!tpu.dma_semaphore, #tpu.memory_space<semaphore_mem>>)
      %dma_wait3A_23 = tpu.memref_slice %arg5[%mul3A_2] : memref<1024xi32, #tpu.memory_space<hbm>> -> memref<32xi32, #tpu.memory_space<hbm>>
      %dma_wait3A_24 = tpu.memref_slice %arg5[%mul3A_2] : memref<1024xi32, #tpu.memory_space<hbm>> -> memref<32xi32, #tpu.memory_space<hbm>>
      tpu.wait_dma2 semaphore(%run_scoped3A : memref<!tpu.dma_semaphore, #tpu.memory_space<semaphore_mem>>) src(%dma_wait3A_24 : memref<32xi32, #tpu.memory_space<hbm>>) dst(%arg15 : memref<32xi32, #tpu.memory_space<vmem>>)
      tpu.yield
    }) : () -> ()
    "tpu.region"() ({
      %run_scoped3A = tpu.sem_alloc : memref<!tpu.dma_semaphore, #tpu.memory_space<semaphore_mem>>
      tpu.enqueue_dma source(%arg6 : memref<12672xf32, #tpu.memory_space<hbm>>) target(%arg16 : memref<12672xf32, #tpu.memory_space<vmem>>) target_semaphore(%run_scoped3A : memref<!tpu.dma_semaphore, #tpu.memory_space<semaphore_mem>>)
      tpu.wait_dma2 semaphore(%run_scoped3A : memref<!tpu.dma_semaphore, #tpu.memory_space<semaphore_mem>>) src(%arg6 : memref<12672xf32, #tpu.memory_space<hbm>>) dst(%arg16 : memref<12672xf32, #tpu.memory_space<vmem>>)
      tpu.yield
    }) : () -> ()
    %iota3A = tpu.iota {dimensions = array<i32: 0>} : vector<16xi32>
    %mul3A_3 = arith.constant 32 : i32
    %mul3A_4 = vector.broadcast %mul3A_3 : i32 to vector<16xi32>
    %mul3A_5 = arith.muli %iota3A, %mul3A_4 : vector<16xi32>
    %scan3A = arith.constant 0 : i32
    %scan3A_6 = arith.constant 0 : i32
    %scan3A_7 = arith.constant 16 : i32
    %scan3A_8 = arith.addi %scan3A_6, %scan3A_7 : i32
    %scan3A_9 = arith.constant 1 : i32
    scf.for %scan3A_22 = %scan3A_6 to %scan3A_8 step %scan3A_9  : i32 {
      %mul3A_23 = arith.constant 2 : i32
      %mul3A_24 = arith.muli %mul3A_23, %scan3A_22 : i32
      %add3A_25 = arith.constant 0 : i32
      %add3A_26 = arith.addi %mul3A_24, %add3A_25 : i32
      %gt3A = arith.constant 0 : i32
      %gt3A_27 = arith.cmpi sgt, %scan3A_22, %gt3A : i32
      %convert_element_type3A = arith.extui %gt3A_27 : i1 to i32
      %cond3A = arith.constant 0 : i32
      %cond3A_28 = arith.cmpi ne, %convert_element_type3A, %cond3A : i32
      scf.if %cond3A_28 {
        %dma_wait3A_64 = arith.constant 0 : i32
        %dma_wait3A_65 = tpu.memref_slice %arg7[%mul3A_2, %dma_wait3A_64] : memref<1024x32768xf32, #tpu.memory_space<hbm>> -> memref<1x32768xf32, #tpu.memory_space<hbm>>
        %dma_wait3A_66 = tpu.memref_squeeze %dma_wait3A_65 : memref<1x32768xf32, #tpu.memory_space<hbm>> -> memref<32768xf32, #tpu.memory_space<hbm>>
        %dma_wait3A_67 = arith.constant 0 : i32
        %dma_wait3A_68 = tpu.memref_slice %arg7[%mul3A_2, %dma_wait3A_67] : memref<1024x32768xf32, #tpu.memory_space<hbm>> -> memref<1x32768xf32, #tpu.memory_space<hbm>>
        %dma_wait3A_69 = tpu.memref_squeeze %dma_wait3A_68 : memref<1x32768xf32, #tpu.memory_space<hbm>> -> memref<32768xf32, #tpu.memory_space<hbm>>
        tpu.wait_dma2 semaphore(%arg19 : memref<!tpu.dma_semaphore, #tpu.memory_space<semaphore_mem>>) src(%arg17 : memref<32768xf32, #tpu.memory_space<vmem>>) dst(%dma_wait3A_69 : memref<32768xf32, #tpu.memory_space<hbm>>)
      } else {
      }
      %broadcast_in_dim3A = vector.broadcast %add3A_26 : i32 to vector<16xi32>
      %gather3A = tpu.vector_load_idx %arg12[%broadcast_in_dim3A] : memref<32xi32, #tpu.memory_space<vmem>>[vector<16xi32>], vector<16xi32>,
      %gather3A_29 = tpu.vector_load_idx %arg13[%broadcast_in_dim3A] : memref<32xi32, #tpu.memory_space<vmem>>[vector<16xi32>], vector<16xi32>,
      %gather3A_30 = tpu.vector_load_idx %arg14[%broadcast_in_dim3A] : memref<32xi32, #tpu.memory_space<vmem>>[vector<16xi32>], vector<16xi32>,
      %gather3A_31 = tpu.vector_load_idx %arg15[%broadcast_in_dim3A] : memref<32xi32, #tpu.memory_space<vmem>>[vector<16xi32>], vector<16xi32>,
      %parallel_loop3A = arith.constant 0 : i32
      %parallel_loop3A_32 = arith.constant 64 : i32
      %parallel_loop3A_33 = arith.constant 1 : i32
      scf.for %parallel_loop3A_64 = %parallel_loop3A to %parallel_loop3A_32 step %parallel_loop3A_33  : i32 {
        %parallel_loop3A_65 = arith.constant 16 : i32
        %parallel_loop3A_66 = arith.muli %parallel_loop3A_64, %parallel_loop3A_65 : i32
        %parallel_loop3A_67 = arith.index_cast %parallel_loop3A_66 : i32 to index
        %parallel_loop3A_68 = tpu.vector_load %arg8[%parallel_loop3A_67] {strides = array<i32>} : memref<1024xi32, #tpu.memory_space<vmem>>, vector<16xi32>,
        %parallel_loop3A_69 = arith.index_cast %parallel_loop3A_66 : i32 to index
        %parallel_loop3A_70 = tpu.vector_load %arg9[%parallel_loop3A_69] {strides = array<i32>} : memref<1024xi32, #tpu.memory_space<vmem>>, vector<16xi32>,
        %parallel_loop3A_71 = arith.index_cast %parallel_loop3A_66 : i32 to index
        %parallel_loop3A_72 = tpu.vector_load %arg10[%parallel_loop3A_71] {strides = array<i32>} : memref<1024xi32, #tpu.memory_space<vmem>>, vector<16xi32>,
        %parallel_loop3A_73 = arith.index_cast %parallel_loop3A_66 : i32 to index
        %parallel_loop3A_74 = tpu.vector_load %arg11[%parallel_loop3A_73] {strides = array<i32>} : memref<1024xi32, #tpu.memory_space<vmem>>, vector<16xi32>,
        %parallel_loop3A_75 = arith.subi %parallel_loop3A_68, %gather3A : vector<16xi32>
        %parallel_loop3A_76 = arith.constant 32 : i32
        %parallel_loop3A_77 = vector.broadcast %parallel_loop3A_76 : i32 to vector<16xi32>
        %parallel_loop3A_78 = arith.addi %parallel_loop3A_75, %parallel_loop3A_77 : vector<16xi32>
        %parallel_loop3A_79 = arith.constant 0 : i32
        %parallel_loop3A_80 = arith.constant 64 : i32
        %parallel_loop3A_81 = vector.broadcast %parallel_loop3A_79 : i32 to vector<16xi32>
        %parallel_loop3A_82 = arith.maxsi %parallel_loop3A_81, %parallel_loop3A_78 : vector<16xi32>
        %parallel_loop3A_83 = vector.broadcast %parallel_loop3A_80 : i32 to vector<16xi32>
        %parallel_loop3A_84 = arith.minsi %parallel_loop3A_83, %parallel_loop3A_82 : vector<16xi32>
        %parallel_loop3A_85 = arith.cmpi eq, %parallel_loop3A_70, %gather3A_29 : vector<16xi32>
        %parallel_loop3A_86 = arith.constant 65 : i32
        %parallel_loop3A_87 = vector.broadcast %parallel_loop3A_86 : i32 to vector<16xi32>
        %parallel_loop3A_88 = arith.select %parallel_loop3A_85, %parallel_loop3A_84, %parallel_loop3A_87 : vector<16xi1>, vector<16xi32>
        %parallel_loop3A_89 = arith.subi %parallel_loop3A_74, %gather3A_31 : vector<16xi32>
        %parallel_loop3A_90 = arith.constant 2 : i32
        %parallel_loop3A_91 = vector.broadcast %parallel_loop3A_90 : i32 to vector<16xi32>
        %parallel_loop3A_92 = arith.addi %parallel_loop3A_89, %parallel_loop3A_91 : vector<16xi32>
        %parallel_loop3A_93 = arith.constant 0 : i32
        %parallel_loop3A_94 = arith.constant 4 : i32
        %parallel_loop3A_95 = vector.broadcast %parallel_loop3A_93 : i32 to vector<16xi32>
        %parallel_loop3A_96 = arith.maxsi %parallel_loop3A_95, %parallel_loop3A_92 : vector<16xi32>
        %parallel_loop3A_97 = vector.broadcast %parallel_loop3A_94 : i32 to vector<16xi32>
        %parallel_loop3A_98 = arith.minsi %parallel_loop3A_97, %parallel_loop3A_96 : vector<16xi32>
        %parallel_loop3A_99 = arith.cmpi eq, %parallel_loop3A_72, %gather3A_30 : vector<16xi32>
        %parallel_loop3A_100 = arith.constant 5 : i32
        %parallel_loop3A_101 = vector.broadcast %parallel_loop3A_100 : i32 to vector<16xi32>
        %parallel_loop3A_102 = arith.select %parallel_loop3A_99, %parallel_loop3A_98, %parallel_loop3A_101 : vector<16xi1>, vector<16xi32>
        %parallel_loop3A_103 = arith.constant 6 : i32
        %parallel_loop3A_104 = vector.broadcast %parallel_loop3A_103 : i32 to vector<16xi32>
        %parallel_loop3A_105 = arith.muli %parallel_loop3A_88, %parallel_loop3A_104 : vector<16xi32>
        %parallel_loop3A_106 = arith.addi %parallel_loop3A_105, %parallel_loop3A_102 : vector<16xi32>
        %parallel_loop3A_107 = arith.constant 32 : i32
        %parallel_loop3A_108 = vector.broadcast %parallel_loop3A_107 : i32 to vector<16xi32>
        %parallel_loop3A_109 = arith.muli %parallel_loop3A_106, %parallel_loop3A_108 : vector<16xi32>
        %parallel_loop3A_110 = arith.constant 32 : i32
        %parallel_loop3A_111 = arith.muli %parallel_loop3A_66, %parallel_loop3A_110 : i32
        %parallel_loop3A_112 = vector.broadcast %parallel_loop3A_111 : i32 to vector<16xi32>
        %parallel_loop3A_113 = arith.addi %mul3A_5, %parallel_loop3A_112 : vector<16xi32>
        %parallel_loop3A_114 = arith.constant 0 : i32
        %parallel_loop3A_115 = vector.broadcast %parallel_loop3A_114 : i32 to vector<16xi32>
        %parallel_loop3A_116 = arith.xori %iota3A, %parallel_loop3A_115 : vector<16xi32>
        %parallel_loop3A_117 = arith.addi %parallel_loop3A_109, %parallel_loop3A_116 : vector<16xi32>
        %parallel_loop3A_118 = tpu.vector_load_idx %arg16[%parallel_loop3A_117] : memref<12672xf32, #tpu.memory_space<vmem>>[vector<16xi32>], vector<16xf32>,
        %parallel_loop3A_119 = arith.addi %parallel_loop3A_113, %parallel_loop3A_116 : vector<16xi32>
        tpu.vector_store_idx %arg17[%parallel_loop3A_119], %parallel_loop3A_118 : memref<32768xf32, #tpu.memory_space<vmem>>[vector<16xi32>], vector<16xf32>,
        %parallel_loop3A_120 = arith.constant 1 : i32
        %parallel_loop3A_121 = vector.broadcast %parallel_loop3A_120 : i32 to vector<16xi32>
        %parallel_loop3A_122 = arith.xori %iota3A, %parallel_loop3A_121 : vector<16xi32>
        %parallel_loop3A_123 = arith.addi %parallel_loop3A_109, %parallel_loop3A_122 : vector<16xi32>
        %parallel_loop3A_124 = tpu.vector_load_idx %arg16[%parallel_loop3A_123] : memref<12672xf32, #tpu.memory_space<vmem>>[vector<16xi32>], vector<16xf32>,
        %parallel_loop3A_125 = arith.addi %parallel_loop3A_113, %parallel_loop3A_122 : vector<16xi32>
        tpu.vector_store_idx %arg17[%parallel_loop3A_125], %parallel_loop3A_124 : memref<32768xf32, #tpu.memory_space<vmem>>[vector<16xi32>], vector<16xf32>,
        %parallel_loop3A_126 = arith.constant 2 : i32
        %parallel_loop3A_127 = vector.broadcast %parallel_loop3A_126 : i32 to vector<16xi32>
        %parallel_loop3A_128 = arith.xori %iota3A, %parallel_loop3A_127 : vector<16xi32>
        %parallel_loop3A_129 = arith.addi %parallel_loop3A_109, %parallel_loop3A_128 : vector<16xi32>
        %parallel_loop3A_130 = tpu.vector_load_idx %arg16[%parallel_loop3A_129] : memref<12672xf32, #tpu.memory_space<vmem>>[vector<16xi32>], vector<16xf32>,
        %parallel_loop3A_131 = arith.addi %parallel_loop3A_113, %parallel_loop3A_128 : vector<16xi32>
        tpu.vector_store_idx %arg17[%parallel_loop3A_131], %parallel_loop3A_130 : memref<32768xf32, #tpu.memory_space<vmem>>[vector<16xi32>], vector<16xf32>,
        %parallel_loop3A_132 = arith.constant 3 : i32
        %parallel_loop3A_133 = vector.broadcast %parallel_loop3A_132 : i32 to vector<16xi32>
        %parallel_loop3A_134 = arith.xori %iota3A, %parallel_loop3A_133 : vector<16xi32>
        %parallel_loop3A_135 = arith.addi %parallel_loop3A_109, %parallel_loop3A_134 : vector<16xi32>
        %parallel_loop3A_136 = tpu.vector_load_idx %arg16[%parallel_loop3A_135] : memref<12672xf32, #tpu.memory_space<vmem>>[vector<16xi32>], vector<16xf32>,
        %parallel_loop3A_137 = arith.addi %parallel_loop3A_113, %parallel_loop3A_134 : vector<16xi32>
        tpu.vector_store_idx %arg17[%parallel_loop3A_137], %parallel_loop3A_136 : memref<32768xf32, #tpu.memory_space<vmem>>[vector<16xi32>], vector<16xf32>,
        %parallel_loop3A_138 = arith.constant 4 : i32
        %parallel_loop3A_139 = vector.broadcast %parallel_loop3A_138 : i32 to vector<16xi32>
        %parallel_loop3A_140 = arith.xori %iota3A, %parallel_loop3A_139 : vector<16xi32>
        %parallel_loop3A_141 = arith.addi %parallel_loop3A_109, %parallel_loop3A_140 : vector<16xi32>
        %parallel_loop3A_142 = tpu.vector_load_idx %arg16[%parallel_loop3A_141] : memref<12672xf32, #tpu.memory_space<vmem>>[vector<16xi32>], vector<16xf32>,
        %parallel_loop3A_143 = arith.addi %parallel_loop3A_113, %parallel_loop3A_140 : vector<16xi32>
        tpu.vector_store_idx %arg17[%parallel_loop3A_143], %parallel_loop3A_142 : memref<32768xf32, #tpu.memory_space<vmem>>[vector<16xi32>], vector<16xf32>,
        %parallel_loop3A_144 = arith.constant 5 : i32
        %parallel_loop3A_145 = vector.broadcast %parallel_loop3A_144 : i32 to vector<16xi32>
        %parallel_loop3A_146 = arith.xori %iota3A, %parallel_loop3A_145 : vector<16xi32>
        %parallel_loop3A_147 = arith.addi %parallel_loop3A_109, %parallel_loop3A_146 : vector<16xi32>
        %parallel_loop3A_148 = tpu.vector_load_idx %arg16[%parallel_loop3A_147] : memref<12672xf32, #tpu.memory_space<vmem>>[vector<16xi32>], vector<16xf32>,
        %parallel_loop3A_149 = arith.addi %parallel_loop3A_113, %parallel_loop3A_146 : vector<16xi32>
        tpu.vector_store_idx %arg17[%parallel_loop3A_149], %parallel_loop3A_148 : memref<32768xf32, #tpu.memory_space<vmem>>[vector<16xi32>], vector<16xf32>,
        %parallel_loop3A_150 = arith.constant 6 : i32
        %parallel_loop3A_151 = vector.broadcast %parallel_loop3A_150 : i32 to vector<16xi32>
        %parallel_loop3A_152 = arith.xori %iota3A, %parallel_loop3A_151 : vector<16xi32>
        %parallel_loop3A_153 = arith.addi %parallel_loop3A_109, %parallel_loop3A_152 : vector<16xi32>
        %parallel_loop3A_154 = tpu.vector_load_idx %arg16[%parallel_loop3A_153] : memref<12672xf32, #tpu.memory_space<vmem>>[vector<16xi32>], vector<16xf32>,
        %parallel_loop3A_155 = arith.addi %parallel_loop3A_113, %parallel_loop3A_152 : vector<16xi32>
        tpu.vector_store_idx %arg17[%parallel_loop3A_155], %parallel_loop3A_154 : memref<32768xf32, #tpu.memory_space<vmem>>[vector<16xi32>], vector<16xf32>,
        %parallel_loop3A_156 = arith.constant 7 : i32
        %parallel_loop3A_157 = vector.broadcast %parallel_loop3A_156 : i32 to vector<16xi32>
        %parallel_loop3A_158 = arith.xori %iota3A, %parallel_loop3A_157 : vector<16xi32>
        %parallel_loop3A_159 = arith.addi %parallel_loop3A_109, %parallel_loop3A_158 : vector<16xi32>
        %parallel_loop3A_160 = tpu.vector_load_idx %arg16[%parallel_loop3A_159] : memref<12672xf32, #tpu.memory_space<vmem>>[vector<16xi32>], vector<16xf32>,
        %parallel_loop3A_161 = arith.addi %parallel_loop3A_113, %parallel_loop3A_158 : vector<16xi32>
        tpu.vector_store_idx %arg17[%parallel_loop3A_161], %parallel_loop3A_160 : memref<32768xf32, #tpu.memory_space<vmem>>[vector<16xi32>], vector<16xf32>,
        %parallel_loop3A_162 = arith.constant 8 : i32
        %parallel_loop3A_163 = vector.broadcast %parallel_loop3A_162 : i32 to vector<16xi32>
        %parallel_loop3A_164 = arith.xori %iota3A, %parallel_loop3A_163 : vector<16xi32>
        %parallel_loop3A_165 = arith.addi %parallel_loop3A_109, %parallel_loop3A_164 : vector<16xi32>
        %parallel_loop3A_166 = tpu.vector_load_idx %arg16[%parallel_loop3A_165] : memref<12672xf32, #tpu.memory_space<vmem>>[vector<16xi32>], vector<16xf32>,
        %parallel_loop3A_167 = arith.addi %parallel_loop3A_113, %parallel_loop3A_164 : vector<16xi32>
        tpu.vector_store_idx %arg17[%parallel_loop3A_167], %parallel_loop3A_166 : memref<32768xf32, #tpu.memory_space<vmem>>[vector<16xi32>], vector<16xf32>,
        %parallel_loop3A_168 = arith.constant 9 : i32
        %parallel_loop3A_169 = vector.broadcast %parallel_loop3A_168 : i32 to vector<16xi32>
        %parallel_loop3A_170 = arith.xori %iota3A, %parallel_loop3A_169 : vector<16xi32>
        %parallel_loop3A_171 = arith.addi %parallel_loop3A_109, %parallel_loop3A_170 : vector<16xi32>
        %parallel_loop3A_172 = tpu.vector_load_idx %arg16[%parallel_loop3A_171] : memref<12672xf32, #tpu.memory_space<vmem>>[vector<16xi32>], vector<16xf32>,
        %parallel_loop3A_173 = arith.addi %parallel_loop3A_113, %parallel_loop3A_170 : vector<16xi32>
        tpu.vector_store_idx %arg17[%parallel_loop3A_173], %parallel_loop3A_172 : memref<32768xf32, #tpu.memory_space<vmem>>[vector<16xi32>], vector<16xf32>,
        %parallel_loop3A_174 = arith.constant 10 : i32
        %parallel_loop3A_175 = vector.broadcast %parallel_loop3A_174 : i32 to vector<16xi32>
        %parallel_loop3A_176 = arith.xori %iota3A, %parallel_loop3A_175 : vector<16xi32>
        %parallel_loop3A_177 = arith.addi %parallel_loop3A_109, %parallel_loop3A_176 : vector<16xi32>
        %parallel_loop3A_178 = tpu.vector_load_idx %arg16[%parallel_loop3A_177] : memref<12672xf32, #tpu.memory_space<vmem>>[vector<16xi32>], vector<16xf32>,
        %parallel_loop3A_179 = arith.addi %parallel_loop3A_113, %parallel_loop3A_176 : vector<16xi32>
        tpu.vector_store_idx %arg17[%parallel_loop3A_179], %parallel_loop3A_178 : memref<32768xf32, #tpu.memory_space<vmem>>[vector<16xi32>], vector<16xf32>,
        %parallel_loop3A_180 = arith.constant 11 : i32
        %parallel_loop3A_181 = vector.broadcast %parallel_loop3A_180 : i32 to vector<16xi32>
        %parallel_loop3A_182 = arith.xori %iota3A, %parallel_loop3A_181 : vector<16xi32>
        %parallel_loop3A_183 = arith.addi %parallel_loop3A_109, %parallel_loop3A_182 : vector<16xi32>
        %parallel_loop3A_184 = tpu.vector_load_idx %arg16[%parallel_loop3A_183] : memref<12672xf32, #tpu.memory_space<vmem>>[vector<16xi32>], vector<16xf32>,
        %parallel_loop3A_185 = arith.addi %parallel_loop3A_113, %parallel_loop3A_182 : vector<16xi32>
        tpu.vector_store_idx %arg17[%parallel_loop3A_185], %parallel_loop3A_184 : memref<32768xf32, #tpu.memory_space<vmem>>[vector<16xi32>], vector<16xf32>,
        %parallel_loop3A_186 = arith.constant 12 : i32
        %parallel_loop3A_187 = vector.broadcast %parallel_loop3A_186 : i32 to vector<16xi32>
        %parallel_loop3A_188 = arith.xori %iota3A, %parallel_loop3A_187 : vector<16xi32>
        %parallel_loop3A_189 = arith.addi %parallel_loop3A_109, %parallel_loop3A_188 : vector<16xi32>
        %parallel_loop3A_190 = tpu.vector_load_idx %arg16[%parallel_loop3A_189] : memref<12672xf32, #tpu.memory_space<vmem>>[vector<16xi32>], vector<16xf32>,
        %parallel_loop3A_191 = arith.addi %parallel_loop3A_113, %parallel_loop3A_188 : vector<16xi32>
        tpu.vector_store_idx %arg17[%parallel_loop3A_191], %parallel_loop3A_190 : memref<32768xf32, #tpu.memory_space<vmem>>[vector<16xi32>], vector<16xf32>,
        %parallel_loop3A_192 = arith.constant 13 : i32
        %parallel_loop3A_193 = vector.broadcast %parallel_loop3A_192 : i32 to vector<16xi32>
        %parallel_loop3A_194 = arith.xori %iota3A, %parallel_loop3A_193 : vector<16xi32>
        %parallel_loop3A_195 = arith.addi %parallel_loop3A_109, %parallel_loop3A_194 : vector<16xi32>
        %parallel_loop3A_196 = tpu.vector_load_idx %arg16[%parallel_loop3A_195] : memref<12672xf32, #tpu.memory_space<vmem>>[vector<16xi32>], vector<16xf32>,
        %parallel_loop3A_197 = arith.addi %parallel_loop3A_113, %parallel_loop3A_194 : vector<16xi32>
        tpu.vector_store_idx %arg17[%parallel_loop3A_197], %parallel_loop3A_196 : memref<32768xf32, #tpu.memory_space<vmem>>[vector<16xi32>], vector<16xf32>,
        %parallel_loop3A_198 = arith.constant 14 : i32
        %parallel_loop3A_199 = vector.broadcast %parallel_loop3A_198 : i32 to vector<16xi32>
        %parallel_loop3A_200 = arith.xori %iota3A, %parallel_loop3A_199 : vector<16xi32>
        %parallel_loop3A_201 = arith.addi %parallel_loop3A_109, %parallel_loop3A_200 : vector<16xi32>
        %parallel_loop3A_202 = tpu.vector_load_idx %arg16[%parallel_loop3A_201] : memref<12672xf32, #tpu.memory_space<vmem>>[vector<16xi32>], vector<16xf32>,
        %parallel_loop3A_203 = arith.addi %parallel_loop3A_113, %parallel_loop3A_200 : vector<16xi32>
        tpu.vector_store_idx %arg17[%parallel_loop3A_203], %parallel_loop3A_202 : memref<32768xf32, #tpu.memory_space<vmem>>[vector<16xi32>], vector<16xf32>,
        %parallel_loop3A_204 = arith.constant 15 : i32
        %parallel_loop3A_205 = vector.broadcast %parallel_loop3A_204 : i32 to vector<16xi32>
        %parallel_loop3A_206 = arith.xori %iota3A, %parallel_loop3A_205 : vector<16xi32>
        %parallel_loop3A_207 = arith.addi %parallel_loop3A_109, %parallel_loop3A_206 : vector<16xi32>
        %parallel_loop3A_208 = tpu.vector_load_idx %arg16[%parallel_loop3A_207] : memref<12672xf32, #tpu.memory_space<vmem>>[vector<16xi32>], vector<16xf32>,
        %parallel_loop3A_209 = arith.addi %parallel_loop3A_113, %parallel_loop3A_206 : vector<16xi32>
        tpu.vector_store_idx %arg17[%parallel_loop3A_209], %parallel_loop3A_208 : memref<32768xf32, #tpu.memory_space<vmem>>[vector<16xi32>], vector<16xf32>,
        %parallel_loop3A_210 = arith.constant 16 : i32
        %parallel_loop3A_211 = vector.broadcast %parallel_loop3A_210 : i32 to vector<16xi32>
        %parallel_loop3A_212 = arith.xori %iota3A, %parallel_loop3A_211 : vector<16xi32>
        %parallel_loop3A_213 = arith.addi %parallel_loop3A_109, %parallel_loop3A_212 : vector<16xi32>
        %parallel_loop3A_214 = tpu.vector_load_idx %arg16[%parallel_loop3A_213] : memref<12672xf32, #tpu.memory_space<vmem>>[vector<16xi32>], vector<16xf32>,
        %parallel_loop3A_215 = arith.addi %parallel_loop3A_113, %parallel_loop3A_212 : vector<16xi32>
        tpu.vector_store_idx %arg17[%parallel_loop3A_215], %parallel_loop3A_214 : memref<32768xf32, #tpu.memory_space<vmem>>[vector<16xi32>], vector<16xf32>,
        %parallel_loop3A_216 = arith.constant 17 : i32
        %parallel_loop3A_217 = vector.broadcast %parallel_loop3A_216 : i32 to vector<16xi32>
        %parallel_loop3A_218 = arith.xori %iota3A, %parallel_loop3A_217 : vector<16xi32>
        %parallel_loop3A_219 = arith.addi %parallel_loop3A_109, %parallel_loop3A_218 : vector<16xi32>
        %parallel_loop3A_220 = tpu.vector_load_idx %arg16[%parallel_loop3A_219] : memref<12672xf32, #tpu.memory_space<vmem>>[vector<16xi32>], vector<16xf32>,
        %parallel_loop3A_221 = arith.addi %parallel_loop3A_113, %parallel_loop3A_218 : vector<16xi32>
        tpu.vector_store_idx %arg17[%parallel_loop3A_221], %parallel_loop3A_220 : memref<32768xf32, #tpu.memory_space<vmem>>[vector<16xi32>], vector<16xf32>,
        %parallel_loop3A_222 = arith.constant 18 : i32
        %parallel_loop3A_223 = vector.broadcast %parallel_loop3A_222 : i32 to vector<16xi32>
        %parallel_loop3A_224 = arith.xori %iota3A, %parallel_loop3A_223 : vector<16xi32>
        %parallel_loop3A_225 = arith.addi %parallel_loop3A_109, %parallel_loop3A_224 : vector<16xi32>
        %parallel_loop3A_226 = tpu.vector_load_idx %arg16[%parallel_loop3A_225] : memref<12672xf32, #tpu.memory_space<vmem>>[vector<16xi32>], vector<16xf32>,
        %parallel_loop3A_227 = arith.addi %parallel_loop3A_113, %parallel_loop3A_224 : vector<16xi32>
        tpu.vector_store_idx %arg17[%parallel_loop3A_227], %parallel_loop3A_226 : memref<32768xf32, #tpu.memory_space<vmem>>[vector<16xi32>], vector<16xf32>,
        %parallel_loop3A_228 = arith.constant 19 : i32
        %parallel_loop3A_229 = vector.broadcast %parallel_loop3A_228 : i32 to vector<16xi32>
        %parallel_loop3A_230 = arith.xori %iota3A, %parallel_loop3A_229 : vector<16xi32>
        %parallel_loop3A_231 = arith.addi %parallel_loop3A_109, %parallel_loop3A_230 : vector<16xi32>
        %parallel_loop3A_232 = tpu.vector_load_idx %arg16[%parallel_loop3A_231] : memref<12672xf32, #tpu.memory_space<vmem>>[vector<16xi32>], vector<16xf32>,
        %parallel_loop3A_233 = arith.addi %parallel_loop3A_113, %parallel_loop3A_230 : vector<16xi32>
        tpu.vector_store_idx %arg17[%parallel_loop3A_233], %parallel_loop3A_232 : memref<32768xf32, #tpu.memory_space<vmem>>[vector<16xi32>], vector<16xf32>,
        %parallel_loop3A_234 = arith.constant 20 : i32
        %parallel_loop3A_235 = vector.broadcast %parallel_loop3A_234 : i32 to vector<16xi32>
        %parallel_loop3A_236 = arith.xori %iota3A, %parallel_loop3A_235 : vector<16xi32>
        %parallel_loop3A_237 = arith.addi %parallel_loop3A_109, %parallel_loop3A_236 : vector<16xi32>
        %parallel_loop3A_238 = tpu.vector_load_idx %arg16[%parallel_loop3A_237] : memref<12672xf32, #tpu.memory_space<vmem>>[vector<16xi32>], vector<16xf32>,
        %parallel_loop3A_239 = arith.addi %parallel_loop3A_113, %parallel_loop3A_236 : vector<16xi32>
        tpu.vector_store_idx %arg17[%parallel_loop3A_239], %parallel_loop3A_238 : memref<32768xf32, #tpu.memory_space<vmem>>[vector<16xi32>], vector<16xf32>,
        %parallel_loop3A_240 = arith.constant 21 : i32
        %parallel_loop3A_241 = vector.broadcast %parallel_loop3A_240 : i32 to vector<16xi32>
        %parallel_loop3A_242 = arith.xori %iota3A, %parallel_loop3A_241 : vector<16xi32>
        %parallel_loop3A_243 = arith.addi %parallel_loop3A_109, %parallel_loop3A_242 : vector<16xi32>
        %parallel_loop3A_244 = tpu.vector_load_idx %arg16[%parallel_loop3A_243] : memref<12672xf32, #tpu.memory_space<vmem>>[vector<16xi32>], vector<16xf32>,
        %parallel_loop3A_245 = arith.addi %parallel_loop3A_113, %parallel_loop3A_242 : vector<16xi32>
        tpu.vector_store_idx %arg17[%parallel_loop3A_245], %parallel_loop3A_244 : memref<32768xf32, #tpu.memory_space<vmem>>[vector<16xi32>], vector<16xf32>,
        %parallel_loop3A_246 = arith.constant 22 : i32
        %parallel_loop3A_247 = vector.broadcast %parallel_loop3A_246 : i32 to vector<16xi32>
        %parallel_loop3A_248 = arith.xori %iota3A, %parallel_loop3A_247 : vector<16xi32>
        %parallel_loop3A_249 = arith.addi %parallel_loop3A_109, %parallel_loop3A_248 : vector<16xi32>
        %parallel_loop3A_250 = tpu.vector_load_idx %arg16[%parallel_loop3A_249] : memref<12672xf32, #tpu.memory_space<vmem>>[vector<16xi32>], vector<16xf32>,
        %parallel_loop3A_251 = arith.addi %parallel_loop3A_113, %parallel_loop3A_248 : vector<16xi32>
        tpu.vector_store_idx %arg17[%parallel_loop3A_251], %parallel_loop3A_250 : memref<32768xf32, #tpu.memory_space<vmem>>[vector<16xi32>], vector<16xf32>,
        %parallel_loop3A_252 = arith.constant 23 : i32
        %parallel_loop3A_253 = vector.broadcast %parallel_loop3A_252 : i32 to vector<16xi32>
        %parallel_loop3A_254 = arith.xori %iota3A, %parallel_loop3A_253 : vector<16xi32>
        %parallel_loop3A_255 = arith.addi %parallel_loop3A_109, %parallel_loop3A_254 : vector<16xi32>
        %parallel_loop3A_256 = tpu.vector_load_idx %arg16[%parallel_loop3A_255] : memref<12672xf32, #tpu.memory_space<vmem>>[vector<16xi32>], vector<16xf32>,
        %parallel_loop3A_257 = arith.addi %parallel_loop3A_113, %parallel_loop3A_254 : vector<16xi32>
        tpu.vector_store_idx %arg17[%parallel_loop3A_257], %parallel_loop3A_256 : memref<32768xf32, #tpu.memory_space<vmem>>[vector<16xi32>], vector<16xf32>,
        %parallel_loop3A_258 = arith.constant 24 : i32
        %parallel_loop3A_259 = vector.broadcast %parallel_loop3A_258 : i32 to vector<16xi32>
        %parallel_loop3A_260 = arith.xori %iota3A, %parallel_loop3A_259 : vector<16xi32>
        %parallel_loop3A_261 = arith.addi %parallel_loop3A_109, %parallel_loop3A_260 : vector<16xi32>
        %parallel_loop3A_262 = tpu.vector_load_idx %arg16[%parallel_loop3A_261] : memref<12672xf32, #tpu.memory_space<vmem>>[vector<16xi32>], vector<16xf32>,
        %parallel_loop3A_263 = arith.addi %parallel_loop3A_113, %parallel_loop3A_260 : vector<16xi32>
        tpu.vector_store_idx %arg17[%parallel_loop3A_263], %parallel_loop3A_262 : memref<32768xf32, #tpu.memory_space<vmem>>[vector<16xi32>], vector<16xf32>,
        %parallel_loop3A_264 = arith.constant 25 : i32
        %parallel_loop3A_265 = vector.broadcast %parallel_loop3A_264 : i32 to vector<16xi32>
        %parallel_loop3A_266 = arith.xori %iota3A, %parallel_loop3A_265 : vector<16xi32>
        %parallel_loop3A_267 = arith.addi %parallel_loop3A_109, %parallel_loop3A_266 : vector<16xi32>
        %parallel_loop3A_268 = tpu.vector_load_idx %arg16[%parallel_loop3A_267] : memref<12672xf32, #tpu.memory_space<vmem>>[vector<16xi32>], vector<16xf32>,
        %parallel_loop3A_269 = arith.addi %parallel_loop3A_113, %parallel_loop3A_266 : vector<16xi32>
        tpu.vector_store_idx %arg17[%parallel_loop3A_269], %parallel_loop3A_268 : memref<32768xf32, #tpu.memory_space<vmem>>[vector<16xi32>], vector<16xf32>,
        %parallel_loop3A_270 = arith.constant 26 : i32
        %parallel_loop3A_271 = vector.broadcast %parallel_loop3A_270 : i32 to vector<16xi32>
        %parallel_loop3A_272 = arith.xori %iota3A, %parallel_loop3A_271 : vector<16xi32>
        %parallel_loop3A_273 = arith.addi %parallel_loop3A_109, %parallel_loop3A_272 : vector<16xi32>
        %parallel_loop3A_274 = tpu.vector_load_idx %arg16[%parallel_loop3A_273] : memref<12672xf32, #tpu.memory_space<vmem>>[vector<16xi32>], vector<16xf32>,
        %parallel_loop3A_275 = arith.addi %parallel_loop3A_113, %parallel_loop3A_272 : vector<16xi32>
        tpu.vector_store_idx %arg17[%parallel_loop3A_275], %parallel_loop3A_274 : memref<32768xf32, #tpu.memory_space<vmem>>[vector<16xi32>], vector<16xf32>,
        %parallel_loop3A_276 = arith.constant 27 : i32
        %parallel_loop3A_277 = vector.broadcast %parallel_loop3A_276 : i32 to vector<16xi32>
        %parallel_loop3A_278 = arith.xori %iota3A, %parallel_loop3A_277 : vector<16xi32>
        %parallel_loop3A_279 = arith.addi %parallel_loop3A_109, %parallel_loop3A_278 : vector<16xi32>
        %parallel_loop3A_280 = tpu.vector_load_idx %arg16[%parallel_loop3A_279] : memref<12672xf32, #tpu.memory_space<vmem>>[vector<16xi32>], vector<16xf32>,
        %parallel_loop3A_281 = arith.addi %parallel_loop3A_113, %parallel_loop3A_278 : vector<16xi32>
        tpu.vector_store_idx %arg17[%parallel_loop3A_281], %parallel_loop3A_280 : memref<32768xf32, #tpu.memory_space<vmem>>[vector<16xi32>], vector<16xf32>,
        %parallel_loop3A_282 = arith.constant 28 : i32
        %parallel_loop3A_283 = vector.broadcast %parallel_loop3A_282 : i32 to vector<16xi32>
        %parallel_loop3A_284 = arith.xori %iota3A, %parallel_loop3A_283 : vector<16xi32>
        %parallel_loop3A_285 = arith.addi %parallel_loop3A_109, %parallel_loop3A_284 : vector<16xi32>
        %parallel_loop3A_286 = tpu.vector_load_idx %arg16[%parallel_loop3A_285] : memref<12672xf32, #tpu.memory_space<vmem>>[vector<16xi32>], vector<16xf32>,
        %parallel_loop3A_287 = arith.addi %parallel_loop3A_113, %parallel_loop3A_284 : vector<16xi32>
        tpu.vector_store_idx %arg17[%parallel_loop3A_287], %parallel_loop3A_286 : memref<32768xf32, #tpu.memory_space<vmem>>[vector<16xi32>], vector<16xf32>,
        %parallel_loop3A_288 = arith.constant 29 : i32
        %parallel_loop3A_289 = vector.broadcast %parallel_loop3A_288 : i32 to vector<16xi32>
        %parallel_loop3A_290 = arith.xori %iota3A, %parallel_loop3A_289 : vector<16xi32>
        %parallel_loop3A_291 = arith.addi %parallel_loop3A_109, %parallel_loop3A_290 : vector<16xi32>
        %parallel_loop3A_292 = tpu.vector_load_idx %arg16[%parallel_loop3A_291] : memref<12672xf32, #tpu.memory_space<vmem>>[vector<16xi32>], vector<16xf32>,
        %parallel_loop3A_293 = arith.addi %parallel_loop3A_113, %parallel_loop3A_290 : vector<16xi32>
        tpu.vector_store_idx %arg17[%parallel_loop3A_293], %parallel_loop3A_292 : memref<32768xf32, #tpu.memory_space<vmem>>[vector<16xi32>], vector<16xf32>,
        %parallel_loop3A_294 = arith.constant 30 : i32
        %parallel_loop3A_295 = vector.broadcast %parallel_loop3A_294 : i32 to vector<16xi32>
        %parallel_loop3A_296 = arith.xori %iota3A, %parallel_loop3A_295 : vector<16xi32>
        %parallel_loop3A_297 = arith.addi %parallel_loop3A_109, %parallel_loop3A_296 : vector<16xi32>
        %parallel_loop3A_298 = tpu.vector_load_idx %arg16[%parallel_loop3A_297] : memref<12672xf32, #tpu.memory_space<vmem>>[vector<16xi32>], vector<16xf32>,
        %parallel_loop3A_299 = arith.addi %parallel_loop3A_113, %parallel_loop3A_296 : vector<16xi32>
        tpu.vector_store_idx %arg17[%parallel_loop3A_299], %parallel_loop3A_298 : memref<32768xf32, #tpu.memory_space<vmem>>[vector<16xi32>], vector<16xf32>,
        %parallel_loop3A_300 = arith.constant 31 : i32
        %parallel_loop3A_301 = vector.broadcast %parallel_loop3A_300 : i32 to vector<16xi32>
        %parallel_loop3A_302 = arith.xori %iota3A, %parallel_loop3A_301 : vector<16xi32>
        %parallel_loop3A_303 = arith.addi %parallel_loop3A_109, %parallel_loop3A_302 : vector<16xi32>
        %parallel_loop3A_304 = tpu.vector_load_idx %arg16[%parallel_loop3A_303] : memref<12672xf32, #tpu.memory_space<vmem>>[vector<16xi32>], vector<16xf32>,
        %parallel_loop3A_305 = arith.addi %parallel_loop3A_113, %parallel_loop3A_302 : vector<16xi32>
        tpu.vector_store_idx %arg17[%parallel_loop3A_305], %parallel_loop3A_304 : memref<32768xf32, #tpu.memory_space<vmem>>[vector<16xi32>], vector<16xf32>,
      } {sc.loop_unroll_factor = 2 : i64, sc.parallel_access}
      %add3A_34 = arith.addi %mul3A_2, %add3A_26 : i32
      %dma_start3A = arith.constant 0 : i32
      %dma_start3A_35 = tpu.memref_slice %arg7[%add3A_34, %dma_start3A] : memref<1024x32768xf32, #tpu.memory_space<hbm>> -> memref<1x32768xf32, #tpu.memory_space<hbm>>
      %dma_start3A_36 = tpu.memref_squeeze %dma_start3A_35 : memref<1x32768xf32, #tpu.memory_space<hbm>> -> memref<32768xf32, #tpu.memory_space<hbm>>
      %dma_start3A_37 = arith.constant 0 : i32
      %dma_start3A_38 = tpu.memref_slice %arg7[%add3A_34, %dma_start3A_37] : memref<1024x32768xf32, #tpu.memory_space<hbm>> -> memref<1x32768xf32, #tpu.memory_space<hbm>>
      %dma_start3A_39 = tpu.memref_squeeze %dma_start3A_38 : memref<1x32768xf32, #tpu.memory_space<hbm>> -> memref<32768xf32, #tpu.memory_space<hbm>>
      tpu.enqueue_dma source(%arg17 : memref<32768xf32, #tpu.memory_space<vmem>>) target(%dma_start3A_39 : memref<32768xf32, #tpu.memory_space<hbm>>) target_semaphore(%arg19 : memref<!tpu.dma_semaphore, #tpu.memory_space<semaphore_mem>>)
      %mul3A_40 = arith.constant 2 : i32
      %mul3A_41 = arith.muli %mul3A_40, %scan3A_22 : i32
      %add3A_42 = arith.constant 1 : i32
      %add3A_43 = arith.addi %mul3A_41, %add3A_42 : i32
      %gt3A_44 = arith.constant 0 : i32
      %gt3A_45 = arith.cmpi sgt, %scan3A_22, %gt3A_44 : i32
      %convert_element_type3A_46 = arith.extui %gt3A_45 : i1 to i32
      %cond3A_47 = arith.constant 0 : i32
      %cond3A_48 = arith.cmpi ne, %convert_element_type3A_46, %cond3A_47 : i32
      scf.if %cond3A_48 {
        %dma_wait3A_64 = arith.constant 0 : i32
        %dma_wait3A_65 = tpu.memref_slice %arg7[%mul3A_2, %dma_wait3A_64] : memref<1024x32768xf32, #tpu.memory_space<hbm>> -> memref<1x32768xf32, #tpu.memory_space<hbm>>
        %dma_wait3A_66 = tpu.memref_squeeze %dma_wait3A_65 : memref<1x32768xf32, #tpu.memory_space<hbm>> -> memref<32768xf32, #tpu.memory_space<hbm>>
        %dma_wait3A_67 = arith.constant 0 : i32
        %dma_wait3A_68 = tpu.memref_slice %arg7[%mul3A_2, %dma_wait3A_67] : memref<1024x32768xf32, #tpu.memory_space<hbm>> -> memref<1x32768xf32, #tpu.memory_space<hbm>>
        %dma_wait3A_69 = tpu.memref_squeeze %dma_wait3A_68 : memref<1x32768xf32, #tpu.memory_space<hbm>> -> memref<32768xf32, #tpu.memory_space<hbm>>
        tpu.wait_dma2 semaphore(%arg20 : memref<!tpu.dma_semaphore, #tpu.memory_space<semaphore_mem>>) src(%arg18 : memref<32768xf32, #tpu.memory_space<vmem>>) dst(%dma_wait3A_69 : memref<32768xf32, #tpu.memory_space<hbm>>)
      } else {
      }
      %broadcast_in_dim3A_49 = vector.broadcast %add3A_43 : i32 to vector<16xi32>
      %gather3A_50 = tpu.vector_load_idx %arg12[%broadcast_in_dim3A_49] : memref<32xi32, #tpu.memory_space<vmem>>[vector<16xi32>], vector<16xi32>,
      %gather3A_51 = tpu.vector_load_idx %arg13[%broadcast_in_dim3A_49] : memref<32xi32, #tpu.memory_space<vmem>>[vector<16xi32>], vector<16xi32>,
      %gather3A_52 = tpu.vector_load_idx %arg14[%broadcast_in_dim3A_49] : memref<32xi32, #tpu.memory_space<vmem>>[vector<16xi32>], vector<16xi32>,
      %gather3A_53 = tpu.vector_load_idx %arg15[%broadcast_in_dim3A_49] : memref<32xi32, #tpu.memory_space<vmem>>[vector<16xi32>], vector<16xi32>,
      %parallel_loop3A_54 = arith.constant 0 : i32
      %parallel_loop3A_55 = arith.constant 64 : i32
      %parallel_loop3A_56 = arith.constant 1 : i32
      scf.for %parallel_loop3A_64 = %parallel_loop3A_54 to %parallel_loop3A_55 step %parallel_loop3A_56  : i32 {
        %parallel_loop3A_65 = arith.constant 16 : i32
        %parallel_loop3A_66 = arith.muli %parallel_loop3A_64, %parallel_loop3A_65 : i32
        %parallel_loop3A_67 = arith.index_cast %parallel_loop3A_66 : i32 to index
        %parallel_loop3A_68 = tpu.vector_load %arg8[%parallel_loop3A_67] {strides = array<i32>} : memref<1024xi32, #tpu.memory_space<vmem>>, vector<16xi32>,
        %parallel_loop3A_69 = arith.index_cast %parallel_loop3A_66 : i32 to index
        %parallel_loop3A_70 = tpu.vector_load %arg9[%parallel_loop3A_69] {strides = array<i32>} : memref<1024xi32, #tpu.memory_space<vmem>>, vector<16xi32>,
        %parallel_loop3A_71 = arith.index_cast %parallel_loop3A_66 : i32 to index
        %parallel_loop3A_72 = tpu.vector_load %arg10[%parallel_loop3A_71] {strides = array<i32>} : memref<1024xi32, #tpu.memory_space<vmem>>, vector<16xi32>,
        %parallel_loop3A_73 = arith.index_cast %parallel_loop3A_66 : i32 to index
        %parallel_loop3A_74 = tpu.vector_load %arg11[%parallel_loop3A_73] {strides = array<i32>} : memref<1024xi32, #tpu.memory_space<vmem>>, vector<16xi32>,
        %parallel_loop3A_75 = arith.subi %parallel_loop3A_68, %gather3A_50 : vector<16xi32>
        %parallel_loop3A_76 = arith.constant 32 : i32
        %parallel_loop3A_77 = vector.broadcast %parallel_loop3A_76 : i32 to vector<16xi32>
        %parallel_loop3A_78 = arith.addi %parallel_loop3A_75, %parallel_loop3A_77 : vector<16xi32>
        %parallel_loop3A_79 = arith.constant 0 : i32
        %parallel_loop3A_80 = arith.constant 64 : i32
        %parallel_loop3A_81 = vector.broadcast %parallel_loop3A_79 : i32 to vector<16xi32>
        %parallel_loop3A_82 = arith.maxsi %parallel_loop3A_81, %parallel_loop3A_78 : vector<16xi32>
        %parallel_loop3A_83 = vector.broadcast %parallel_loop3A_80 : i32 to vector<16xi32>
        %parallel_loop3A_84 = arith.minsi %parallel_loop3A_83, %parallel_loop3A_82 : vector<16xi32>
        %parallel_loop3A_85 = arith.cmpi eq, %parallel_loop3A_70, %gather3A_51 : vector<16xi32>
        %parallel_loop3A_86 = arith.constant 65 : i32
        %parallel_loop3A_87 = vector.broadcast %parallel_loop3A_86 : i32 to vector<16xi32>
        %parallel_loop3A_88 = arith.select %parallel_loop3A_85, %parallel_loop3A_84, %parallel_loop3A_87 : vector<16xi1>, vector<16xi32>
        %parallel_loop3A_89 = arith.subi %parallel_loop3A_74, %gather3A_53 : vector<16xi32>
        %parallel_loop3A_90 = arith.constant 2 : i32
        %parallel_loop3A_91 = vector.broadcast %parallel_loop3A_90 : i32 to vector<16xi32>
        %parallel_loop3A_92 = arith.addi %parallel_loop3A_89, %parallel_loop3A_91 : vector<16xi32>
        %parallel_loop3A_93 = arith.constant 0 : i32
        %parallel_loop3A_94 = arith.constant 4 : i32
        %parallel_loop3A_95 = vector.broadcast %parallel_loop3A_93 : i32 to vector<16xi32>
        %parallel_loop3A_96 = arith.maxsi %parallel_loop3A_95, %parallel_loop3A_92 : vector<16xi32>
        %parallel_loop3A_97 = vector.broadcast %parallel_loop3A_94 : i32 to vector<16xi32>
        %parallel_loop3A_98 = arith.minsi %parallel_loop3A_97, %parallel_loop3A_96 : vector<16xi32>
        %parallel_loop3A_99 = arith.cmpi eq, %parallel_loop3A_72, %gather3A_52 : vector<16xi32>
        %parallel_loop3A_100 = arith.constant 5 : i32
        %parallel_loop3A_101 = vector.broadcast %parallel_loop3A_100 : i32 to vector<16xi32>
        %parallel_loop3A_102 = arith.select %parallel_loop3A_99, %parallel_loop3A_98, %parallel_loop3A_101 : vector<16xi1>, vector<16xi32>
        %parallel_loop3A_103 = arith.constant 6 : i32
        %parallel_loop3A_104 = vector.broadcast %parallel_loop3A_103 : i32 to vector<16xi32>
        %parallel_loop3A_105 = arith.muli %parallel_loop3A_88, %parallel_loop3A_104 : vector<16xi32>
        %parallel_loop3A_106 = arith.addi %parallel_loop3A_105, %parallel_loop3A_102 : vector<16xi32>
        %parallel_loop3A_107 = arith.constant 32 : i32
        %parallel_loop3A_108 = vector.broadcast %parallel_loop3A_107 : i32 to vector<16xi32>
        %parallel_loop3A_109 = arith.muli %parallel_loop3A_106, %parallel_loop3A_108 : vector<16xi32>
        %parallel_loop3A_110 = arith.constant 32 : i32
        %parallel_loop3A_111 = arith.muli %parallel_loop3A_66, %parallel_loop3A_110 : i32
        %parallel_loop3A_112 = vector.broadcast %parallel_loop3A_111 : i32 to vector<16xi32>
        %parallel_loop3A_113 = arith.addi %mul3A_5, %parallel_loop3A_112 : vector<16xi32>
        %parallel_loop3A_114 = arith.constant 0 : i32
        %parallel_loop3A_115 = vector.broadcast %parallel_loop3A_114 : i32 to vector<16xi32>
        %parallel_loop3A_116 = arith.xori %iota3A, %parallel_loop3A_115 : vector<16xi32>
        %parallel_loop3A_117 = arith.addi %parallel_loop3A_109, %parallel_loop3A_116 : vector<16xi32>
        %parallel_loop3A_118 = tpu.vector_load_idx %arg16[%parallel_loop3A_117] : memref<12672xf32, #tpu.memory_space<vmem>>[vector<16xi32>], vector<16xf32>,
        %parallel_loop3A_119 = arith.addi %parallel_loop3A_113, %parallel_loop3A_116 : vector<16xi32>
        tpu.vector_store_idx %arg18[%parallel_loop3A_119], %parallel_loop3A_118 : memref<32768xf32, #tpu.memory_space<vmem>>[vector<16xi32>], vector<16xf32>,
        %parallel_loop3A_120 = arith.constant 1 : i32
        %parallel_loop3A_121 = vector.broadcast %parallel_loop3A_120 : i32 to vector<16xi32>
        %parallel_loop3A_122 = arith.xori %iota3A, %parallel_loop3A_121 : vector<16xi32>
        %parallel_loop3A_123 = arith.addi %parallel_loop3A_109, %parallel_loop3A_122 : vector<16xi32>
        %parallel_loop3A_124 = tpu.vector_load_idx %arg16[%parallel_loop3A_123] : memref<12672xf32, #tpu.memory_space<vmem>>[vector<16xi32>], vector<16xf32>,
        %parallel_loop3A_125 = arith.addi %parallel_loop3A_113, %parallel_loop3A_122 : vector<16xi32>
        tpu.vector_store_idx %arg18[%parallel_loop3A_125], %parallel_loop3A_124 : memref<32768xf32, #tpu.memory_space<vmem>>[vector<16xi32>], vector<16xf32>,
        %parallel_loop3A_126 = arith.constant 2 : i32
        %parallel_loop3A_127 = vector.broadcast %parallel_loop3A_126 : i32 to vector<16xi32>
        %parallel_loop3A_128 = arith.xori %iota3A, %parallel_loop3A_127 : vector<16xi32>
        %parallel_loop3A_129 = arith.addi %parallel_loop3A_109, %parallel_loop3A_128 : vector<16xi32>
        %parallel_loop3A_130 = tpu.vector_load_idx %arg16[%parallel_loop3A_129] : memref<12672xf32, #tpu.memory_space<vmem>>[vector<16xi32>], vector<16xf32>,
        %parallel_loop3A_131 = arith.addi %parallel_loop3A_113, %parallel_loop3A_128 : vector<16xi32>
        tpu.vector_store_idx %arg18[%parallel_loop3A_131], %parallel_loop3A_130 : memref<32768xf32, #tpu.memory_space<vmem>>[vector<16xi32>], vector<16xf32>,
        %parallel_loop3A_132 = arith.constant 3 : i32
        %parallel_loop3A_133 = vector.broadcast %parallel_loop3A_132 : i32 to vector<16xi32>
        %parallel_loop3A_134 = arith.xori %iota3A, %parallel_loop3A_133 : vector<16xi32>
        %parallel_loop3A_135 = arith.addi %parallel_loop3A_109, %parallel_loop3A_134 : vector<16xi32>
        %parallel_loop3A_136 = tpu.vector_load_idx %arg16[%parallel_loop3A_135] : memref<12672xf32, #tpu.memory_space<vmem>>[vector<16xi32>], vector<16xf32>,
        %parallel_loop3A_137 = arith.addi %parallel_loop3A_113, %parallel_loop3A_134 : vector<16xi32>
        tpu.vector_store_idx %arg18[%parallel_loop3A_137], %parallel_loop3A_136 : memref<32768xf32, #tpu.memory_space<vmem>>[vector<16xi32>], vector<16xf32>,
        %parallel_loop3A_138 = arith.constant 4 : i32
        %parallel_loop3A_139 = vector.broadcast %parallel_loop3A_138 : i32 to vector<16xi32>
        %parallel_loop3A_140 = arith.xori %iota3A, %parallel_loop3A_139 : vector<16xi32>
        %parallel_loop3A_141 = arith.addi %parallel_loop3A_109, %parallel_loop3A_140 : vector<16xi32>
        %parallel_loop3A_142 = tpu.vector_load_idx %arg16[%parallel_loop3A_141] : memref<12672xf32, #tpu.memory_space<vmem>>[vector<16xi32>], vector<16xf32>,
        %parallel_loop3A_143 = arith.addi %parallel_loop3A_113, %parallel_loop3A_140 : vector<16xi32>
        tpu.vector_store_idx %arg18[%parallel_loop3A_143], %parallel_loop3A_142 : memref<32768xf32, #tpu.memory_space<vmem>>[vector<16xi32>], vector<16xf32>,
        %parallel_loop3A_144 = arith.constant 5 : i32
        %parallel_loop3A_145 = vector.broadcast %parallel_loop3A_144 : i32 to vector<16xi32>
        %parallel_loop3A_146 = arith.xori %iota3A, %parallel_loop3A_145 : vector<16xi32>
        %parallel_loop3A_147 = arith.addi %parallel_loop3A_109, %parallel_loop3A_146 : vector<16xi32>
        %parallel_loop3A_148 = tpu.vector_load_idx %arg16[%parallel_loop3A_147] : memref<12672xf32, #tpu.memory_space<vmem>>[vector<16xi32>], vector<16xf32>,
        %parallel_loop3A_149 = arith.addi %parallel_loop3A_113, %parallel_loop3A_146 : vector<16xi32>
        tpu.vector_store_idx %arg18[%parallel_loop3A_149], %parallel_loop3A_148 : memref<32768xf32, #tpu.memory_space<vmem>>[vector<16xi32>], vector<16xf32>,
        %parallel_loop3A_150 = arith.constant 6 : i32
        %parallel_loop3A_151 = vector.broadcast %parallel_loop3A_150 : i32 to vector<16xi32>
        %parallel_loop3A_152 = arith.xori %iota3A, %parallel_loop3A_151 : vector<16xi32>
        %parallel_loop3A_153 = arith.addi %parallel_loop3A_109, %parallel_loop3A_152 : vector<16xi32>
        %parallel_loop3A_154 = tpu.vector_load_idx %arg16[%parallel_loop3A_153] : memref<12672xf32, #tpu.memory_space<vmem>>[vector<16xi32>], vector<16xf32>,
        %parallel_loop3A_155 = arith.addi %parallel_loop3A_113, %parallel_loop3A_152 : vector<16xi32>
        tpu.vector_store_idx %arg18[%parallel_loop3A_155], %parallel_loop3A_154 : memref<32768xf32, #tpu.memory_space<vmem>>[vector<16xi32>], vector<16xf32>,
        %parallel_loop3A_156 = arith.constant 7 : i32
        %parallel_loop3A_157 = vector.broadcast %parallel_loop3A_156 : i32 to vector<16xi32>
        %parallel_loop3A_158 = arith.xori %iota3A, %parallel_loop3A_157 : vector<16xi32>
        %parallel_loop3A_159 = arith.addi %parallel_loop3A_109, %parallel_loop3A_158 : vector<16xi32>
        %parallel_loop3A_160 = tpu.vector_load_idx %arg16[%parallel_loop3A_159] : memref<12672xf32, #tpu.memory_space<vmem>>[vector<16xi32>], vector<16xf32>,
        %parallel_loop3A_161 = arith.addi %parallel_loop3A_113, %parallel_loop3A_158 : vector<16xi32>
        tpu.vector_store_idx %arg18[%parallel_loop3A_161], %parallel_loop3A_160 : memref<32768xf32, #tpu.memory_space<vmem>>[vector<16xi32>], vector<16xf32>,
        %parallel_loop3A_162 = arith.constant 8 : i32
        %parallel_loop3A_163 = vector.broadcast %parallel_loop3A_162 : i32 to vector<16xi32>
        %parallel_loop3A_164 = arith.xori %iota3A, %parallel_loop3A_163 : vector<16xi32>
        %parallel_loop3A_165 = arith.addi %parallel_loop3A_109, %parallel_loop3A_164 : vector<16xi32>
        %parallel_loop3A_166 = tpu.vector_load_idx %arg16[%parallel_loop3A_165] : memref<12672xf32, #tpu.memory_space<vmem>>[vector<16xi32>], vector<16xf32>,
        %parallel_loop3A_167 = arith.addi %parallel_loop3A_113, %parallel_loop3A_164 : vector<16xi32>
        tpu.vector_store_idx %arg18[%parallel_loop3A_167], %parallel_loop3A_166 : memref<32768xf32, #tpu.memory_space<vmem>>[vector<16xi32>], vector<16xf32>,
        %parallel_loop3A_168 = arith.constant 9 : i32
        %parallel_loop3A_169 = vector.broadcast %parallel_loop3A_168 : i32 to vector<16xi32>
        %parallel_loop3A_170 = arith.xori %iota3A, %parallel_loop3A_169 : vector<16xi32>
        %parallel_loop3A_171 = arith.addi %parallel_loop3A_109, %parallel_loop3A_170 : vector<16xi32>
        %parallel_loop3A_172 = tpu.vector_load_idx %arg16[%parallel_loop3A_171] : memref<12672xf32, #tpu.memory_space<vmem>>[vector<16xi32>], vector<16xf32>,
        %parallel_loop3A_173 = arith.addi %parallel_loop3A_113, %parallel_loop3A_170 : vector<16xi32>
        tpu.vector_store_idx %arg18[%parallel_loop3A_173], %parallel_loop3A_172 : memref<32768xf32, #tpu.memory_space<vmem>>[vector<16xi32>], vector<16xf32>,
        %parallel_loop3A_174 = arith.constant 10 : i32
        %parallel_loop3A_175 = vector.broadcast %parallel_loop3A_174 : i32 to vector<16xi32>
        %parallel_loop3A_176 = arith.xori %iota3A, %parallel_loop3A_175 : vector<16xi32>
        %parallel_loop3A_177 = arith.addi %parallel_loop3A_109, %parallel_loop3A_176 : vector<16xi32>
        %parallel_loop3A_178 = tpu.vector_load_idx %arg16[%parallel_loop3A_177] : memref<12672xf32, #tpu.memory_space<vmem>>[vector<16xi32>], vector<16xf32>,
        %parallel_loop3A_179 = arith.addi %parallel_loop3A_113, %parallel_loop3A_176 : vector<16xi32>
        tpu.vector_store_idx %arg18[%parallel_loop3A_179], %parallel_loop3A_178 : memref<32768xf32, #tpu.memory_space<vmem>>[vector<16xi32>], vector<16xf32>,
        %parallel_loop3A_180 = arith.constant 11 : i32
        %parallel_loop3A_181 = vector.broadcast %parallel_loop3A_180 : i32 to vector<16xi32>
        %parallel_loop3A_182 = arith.xori %iota3A, %parallel_loop3A_181 : vector<16xi32>
        %parallel_loop3A_183 = arith.addi %parallel_loop3A_109, %parallel_loop3A_182 : vector<16xi32>
        %parallel_loop3A_184 = tpu.vector_load_idx %arg16[%parallel_loop3A_183] : memref<12672xf32, #tpu.memory_space<vmem>>[vector<16xi32>], vector<16xf32>,
        %parallel_loop3A_185 = arith.addi %parallel_loop3A_113, %parallel_loop3A_182 : vector<16xi32>
        tpu.vector_store_idx %arg18[%parallel_loop3A_185], %parallel_loop3A_184 : memref<32768xf32, #tpu.memory_space<vmem>>[vector<16xi32>], vector<16xf32>,
        %parallel_loop3A_186 = arith.constant 12 : i32
        %parallel_loop3A_187 = vector.broadcast %parallel_loop3A_186 : i32 to vector<16xi32>
        %parallel_loop3A_188 = arith.xori %iota3A, %parallel_loop3A_187 : vector<16xi32>
        %parallel_loop3A_189 = arith.addi %parallel_loop3A_109, %parallel_loop3A_188 : vector<16xi32>
        %parallel_loop3A_190 = tpu.vector_load_idx %arg16[%parallel_loop3A_189] : memref<12672xf32, #tpu.memory_space<vmem>>[vector<16xi32>], vector<16xf32>,
        %parallel_loop3A_191 = arith.addi %parallel_loop3A_113, %parallel_loop3A_188 : vector<16xi32>
        tpu.vector_store_idx %arg18[%parallel_loop3A_191], %parallel_loop3A_190 : memref<32768xf32, #tpu.memory_space<vmem>>[vector<16xi32>], vector<16xf32>,
        %parallel_loop3A_192 = arith.constant 13 : i32
        %parallel_loop3A_193 = vector.broadcast %parallel_loop3A_192 : i32 to vector<16xi32>
        %parallel_loop3A_194 = arith.xori %iota3A, %parallel_loop3A_193 : vector<16xi32>
        %parallel_loop3A_195 = arith.addi %parallel_loop3A_109, %parallel_loop3A_194 : vector<16xi32>
        %parallel_loop3A_196 = tpu.vector_load_idx %arg16[%parallel_loop3A_195] : memref<12672xf32, #tpu.memory_space<vmem>>[vector<16xi32>], vector<16xf32>,
        %parallel_loop3A_197 = arith.addi %parallel_loop3A_113, %parallel_loop3A_194 : vector<16xi32>
        tpu.vector_store_idx %arg18[%parallel_loop3A_197], %parallel_loop3A_196 : memref<32768xf32, #tpu.memory_space<vmem>>[vector<16xi32>], vector<16xf32>,
        %parallel_loop3A_198 = arith.constant 14 : i32
        %parallel_loop3A_199 = vector.broadcast %parallel_loop3A_198 : i32 to vector<16xi32>
        %parallel_loop3A_200 = arith.xori %iota3A, %parallel_loop3A_199 : vector<16xi32>
        %parallel_loop3A_201 = arith.addi %parallel_loop3A_109, %parallel_loop3A_200 : vector<16xi32>
        %parallel_loop3A_202 = tpu.vector_load_idx %arg16[%parallel_loop3A_201] : memref<12672xf32, #tpu.memory_space<vmem>>[vector<16xi32>], vector<16xf32>,
        %parallel_loop3A_203 = arith.addi %parallel_loop3A_113, %parallel_loop3A_200 : vector<16xi32>
        tpu.vector_store_idx %arg18[%parallel_loop3A_203], %parallel_loop3A_202 : memref<32768xf32, #tpu.memory_space<vmem>>[vector<16xi32>], vector<16xf32>,
        %parallel_loop3A_204 = arith.constant 15 : i32
        %parallel_loop3A_205 = vector.broadcast %parallel_loop3A_204 : i32 to vector<16xi32>
        %parallel_loop3A_206 = arith.xori %iota3A, %parallel_loop3A_205 : vector<16xi32>
        %parallel_loop3A_207 = arith.addi %parallel_loop3A_109, %parallel_loop3A_206 : vector<16xi32>
        %parallel_loop3A_208 = tpu.vector_load_idx %arg16[%parallel_loop3A_207] : memref<12672xf32, #tpu.memory_space<vmem>>[vector<16xi32>], vector<16xf32>,
        %parallel_loop3A_209 = arith.addi %parallel_loop3A_113, %parallel_loop3A_206 : vector<16xi32>
        tpu.vector_store_idx %arg18[%parallel_loop3A_209], %parallel_loop3A_208 : memref<32768xf32, #tpu.memory_space<vmem>>[vector<16xi32>], vector<16xf32>,
        %parallel_loop3A_210 = arith.constant 16 : i32
        %parallel_loop3A_211 = vector.broadcast %parallel_loop3A_210 : i32 to vector<16xi32>
        %parallel_loop3A_212 = arith.xori %iota3A, %parallel_loop3A_211 : vector<16xi32>
        %parallel_loop3A_213 = arith.addi %parallel_loop3A_109, %parallel_loop3A_212 : vector<16xi32>
        %parallel_loop3A_214 = tpu.vector_load_idx %arg16[%parallel_loop3A_213] : memref<12672xf32, #tpu.memory_space<vmem>>[vector<16xi32>], vector<16xf32>,
        %parallel_loop3A_215 = arith.addi %parallel_loop3A_113, %parallel_loop3A_212 : vector<16xi32>
        tpu.vector_store_idx %arg18[%parallel_loop3A_215], %parallel_loop3A_214 : memref<32768xf32, #tpu.memory_space<vmem>>[vector<16xi32>], vector<16xf32>,
        %parallel_loop3A_216 = arith.constant 17 : i32
        %parallel_loop3A_217 = vector.broadcast %parallel_loop3A_216 : i32 to vector<16xi32>
        %parallel_loop3A_218 = arith.xori %iota3A, %parallel_loop3A_217 : vector<16xi32>
        %parallel_loop3A_219 = arith.addi %parallel_loop3A_109, %parallel_loop3A_218 : vector<16xi32>
        %parallel_loop3A_220 = tpu.vector_load_idx %arg16[%parallel_loop3A_219] : memref<12672xf32, #tpu.memory_space<vmem>>[vector<16xi32>], vector<16xf32>,
        %parallel_loop3A_221 = arith.addi %parallel_loop3A_113, %parallel_loop3A_218 : vector<16xi32>
        tpu.vector_store_idx %arg18[%parallel_loop3A_221], %parallel_loop3A_220 : memref<32768xf32, #tpu.memory_space<vmem>>[vector<16xi32>], vector<16xf32>,
        %parallel_loop3A_222 = arith.constant 18 : i32
        %parallel_loop3A_223 = vector.broadcast %parallel_loop3A_222 : i32 to vector<16xi32>
        %parallel_loop3A_224 = arith.xori %iota3A, %parallel_loop3A_223 : vector<16xi32>
        %parallel_loop3A_225 = arith.addi %parallel_loop3A_109, %parallel_loop3A_224 : vector<16xi32>
        %parallel_loop3A_226 = tpu.vector_load_idx %arg16[%parallel_loop3A_225] : memref<12672xf32, #tpu.memory_space<vmem>>[vector<16xi32>], vector<16xf32>,
        %parallel_loop3A_227 = arith.addi %parallel_loop3A_113, %parallel_loop3A_224 : vector<16xi32>
        tpu.vector_store_idx %arg18[%parallel_loop3A_227], %parallel_loop3A_226 : memref<32768xf32, #tpu.memory_space<vmem>>[vector<16xi32>], vector<16xf32>,
        %parallel_loop3A_228 = arith.constant 19 : i32
        %parallel_loop3A_229 = vector.broadcast %parallel_loop3A_228 : i32 to vector<16xi32>
        %parallel_loop3A_230 = arith.xori %iota3A, %parallel_loop3A_229 : vector<16xi32>
        %parallel_loop3A_231 = arith.addi %parallel_loop3A_109, %parallel_loop3A_230 : vector<16xi32>
        %parallel_loop3A_232 = tpu.vector_load_idx %arg16[%parallel_loop3A_231] : memref<12672xf32, #tpu.memory_space<vmem>>[vector<16xi32>], vector<16xf32>,
        %parallel_loop3A_233 = arith.addi %parallel_loop3A_113, %parallel_loop3A_230 : vector<16xi32>
        tpu.vector_store_idx %arg18[%parallel_loop3A_233], %parallel_loop3A_232 : memref<32768xf32, #tpu.memory_space<vmem>>[vector<16xi32>], vector<16xf32>,
        %parallel_loop3A_234 = arith.constant 20 : i32
        %parallel_loop3A_235 = vector.broadcast %parallel_loop3A_234 : i32 to vector<16xi32>
        %parallel_loop3A_236 = arith.xori %iota3A, %parallel_loop3A_235 : vector<16xi32>
        %parallel_loop3A_237 = arith.addi %parallel_loop3A_109, %parallel_loop3A_236 : vector<16xi32>
        %parallel_loop3A_238 = tpu.vector_load_idx %arg16[%parallel_loop3A_237] : memref<12672xf32, #tpu.memory_space<vmem>>[vector<16xi32>], vector<16xf32>,
        %parallel_loop3A_239 = arith.addi %parallel_loop3A_113, %parallel_loop3A_236 : vector<16xi32>
        tpu.vector_store_idx %arg18[%parallel_loop3A_239], %parallel_loop3A_238 : memref<32768xf32, #tpu.memory_space<vmem>>[vector<16xi32>], vector<16xf32>,
        %parallel_loop3A_240 = arith.constant 21 : i32
        %parallel_loop3A_241 = vector.broadcast %parallel_loop3A_240 : i32 to vector<16xi32>
        %parallel_loop3A_242 = arith.xori %iota3A, %parallel_loop3A_241 : vector<16xi32>
        %parallel_loop3A_243 = arith.addi %parallel_loop3A_109, %parallel_loop3A_242 : vector<16xi32>
        %parallel_loop3A_244 = tpu.vector_load_idx %arg16[%parallel_loop3A_243] : memref<12672xf32, #tpu.memory_space<vmem>>[vector<16xi32>], vector<16xf32>,
        %parallel_loop3A_245 = arith.addi %parallel_loop3A_113, %parallel_loop3A_242 : vector<16xi32>
        tpu.vector_store_idx %arg18[%parallel_loop3A_245], %parallel_loop3A_244 : memref<32768xf32, #tpu.memory_space<vmem>>[vector<16xi32>], vector<16xf32>,
        %parallel_loop3A_246 = arith.constant 22 : i32
        %parallel_loop3A_247 = vector.broadcast %parallel_loop3A_246 : i32 to vector<16xi32>
        %parallel_loop3A_248 = arith.xori %iota3A, %parallel_loop3A_247 : vector<16xi32>
        %parallel_loop3A_249 = arith.addi %parallel_loop3A_109, %parallel_loop3A_248 : vector<16xi32>
        %parallel_loop3A_250 = tpu.vector_load_idx %arg16[%parallel_loop3A_249] : memref<12672xf32, #tpu.memory_space<vmem>>[vector<16xi32>], vector<16xf32>,
        %parallel_loop3A_251 = arith.addi %parallel_loop3A_113, %parallel_loop3A_248 : vector<16xi32>
        tpu.vector_store_idx %arg18[%parallel_loop3A_251], %parallel_loop3A_250 : memref<32768xf32, #tpu.memory_space<vmem>>[vector<16xi32>], vector<16xf32>,
        %parallel_loop3A_252 = arith.constant 23 : i32
        %parallel_loop3A_253 = vector.broadcast %parallel_loop3A_252 : i32 to vector<16xi32>
        %parallel_loop3A_254 = arith.xori %iota3A, %parallel_loop3A_253 : vector<16xi32>
        %parallel_loop3A_255 = arith.addi %parallel_loop3A_109, %parallel_loop3A_254 : vector<16xi32>
        %parallel_loop3A_256 = tpu.vector_load_idx %arg16[%parallel_loop3A_255] : memref<12672xf32, #tpu.memory_space<vmem>>[vector<16xi32>], vector<16xf32>,
        %parallel_loop3A_257 = arith.addi %parallel_loop3A_113, %parallel_loop3A_254 : vector<16xi32>
        tpu.vector_store_idx %arg18[%parallel_loop3A_257], %parallel_loop3A_256 : memref<32768xf32, #tpu.memory_space<vmem>>[vector<16xi32>], vector<16xf32>,
        %parallel_loop3A_258 = arith.constant 24 : i32
        %parallel_loop3A_259 = vector.broadcast %parallel_loop3A_258 : i32 to vector<16xi32>
        %parallel_loop3A_260 = arith.xori %iota3A, %parallel_loop3A_259 : vector<16xi32>
        %parallel_loop3A_261 = arith.addi %parallel_loop3A_109, %parallel_loop3A_260 : vector<16xi32>
        %parallel_loop3A_262 = tpu.vector_load_idx %arg16[%parallel_loop3A_261] : memref<12672xf32, #tpu.memory_space<vmem>>[vector<16xi32>], vector<16xf32>,
        %parallel_loop3A_263 = arith.addi %parallel_loop3A_113, %parallel_loop3A_260 : vector<16xi32>
        tpu.vector_store_idx %arg18[%parallel_loop3A_263], %parallel_loop3A_262 : memref<32768xf32, #tpu.memory_space<vmem>>[vector<16xi32>], vector<16xf32>,
        %parallel_loop3A_264 = arith.constant 25 : i32
        %parallel_loop3A_265 = vector.broadcast %parallel_loop3A_264 : i32 to vector<16xi32>
        %parallel_loop3A_266 = arith.xori %iota3A, %parallel_loop3A_265 : vector<16xi32>
        %parallel_loop3A_267 = arith.addi %parallel_loop3A_109, %parallel_loop3A_266 : vector<16xi32>
        %parallel_loop3A_268 = tpu.vector_load_idx %arg16[%parallel_loop3A_267] : memref<12672xf32, #tpu.memory_space<vmem>>[vector<16xi32>], vector<16xf32>,
        %parallel_loop3A_269 = arith.addi %parallel_loop3A_113, %parallel_loop3A_266 : vector<16xi32>
        tpu.vector_store_idx %arg18[%parallel_loop3A_269], %parallel_loop3A_268 : memref<32768xf32, #tpu.memory_space<vmem>>[vector<16xi32>], vector<16xf32>,
        %parallel_loop3A_270 = arith.constant 26 : i32
        %parallel_loop3A_271 = vector.broadcast %parallel_loop3A_270 : i32 to vector<16xi32>
        %parallel_loop3A_272 = arith.xori %iota3A, %parallel_loop3A_271 : vector<16xi32>
        %parallel_loop3A_273 = arith.addi %parallel_loop3A_109, %parallel_loop3A_272 : vector<16xi32>
        %parallel_loop3A_274 = tpu.vector_load_idx %arg16[%parallel_loop3A_273] : memref<12672xf32, #tpu.memory_space<vmem>>[vector<16xi32>], vector<16xf32>,
        %parallel_loop3A_275 = arith.addi %parallel_loop3A_113, %parallel_loop3A_272 : vector<16xi32>
        tpu.vector_store_idx %arg18[%parallel_loop3A_275], %parallel_loop3A_274 : memref<32768xf32, #tpu.memory_space<vmem>>[vector<16xi32>], vector<16xf32>,
        %parallel_loop3A_276 = arith.constant 27 : i32
        %parallel_loop3A_277 = vector.broadcast %parallel_loop3A_276 : i32 to vector<16xi32>
        %parallel_loop3A_278 = arith.xori %iota3A, %parallel_loop3A_277 : vector<16xi32>
        %parallel_loop3A_279 = arith.addi %parallel_loop3A_109, %parallel_loop3A_278 : vector<16xi32>
        %parallel_loop3A_280 = tpu.vector_load_idx %arg16[%parallel_loop3A_279] : memref<12672xf32, #tpu.memory_space<vmem>>[vector<16xi32>], vector<16xf32>,
        %parallel_loop3A_281 = arith.addi %parallel_loop3A_113, %parallel_loop3A_278 : vector<16xi32>
        tpu.vector_store_idx %arg18[%parallel_loop3A_281], %parallel_loop3A_280 : memref<32768xf32, #tpu.memory_space<vmem>>[vector<16xi32>], vector<16xf32>,
        %parallel_loop3A_282 = arith.constant 28 : i32
        %parallel_loop3A_283 = vector.broadcast %parallel_loop3A_282 : i32 to vector<16xi32>
        %parallel_loop3A_284 = arith.xori %iota3A, %parallel_loop3A_283 : vector<16xi32>
        %parallel_loop3A_285 = arith.addi %parallel_loop3A_109, %parallel_loop3A_284 : vector<16xi32>
        %parallel_loop3A_286 = tpu.vector_load_idx %arg16[%parallel_loop3A_285] : memref<12672xf32, #tpu.memory_space<vmem>>[vector<16xi32>], vector<16xf32>,
        %parallel_loop3A_287 = arith.addi %parallel_loop3A_113, %parallel_loop3A_284 : vector<16xi32>
        tpu.vector_store_idx %arg18[%parallel_loop3A_287], %parallel_loop3A_286 : memref<32768xf32, #tpu.memory_space<vmem>>[vector<16xi32>], vector<16xf32>,
        %parallel_loop3A_288 = arith.constant 29 : i32
        %parallel_loop3A_289 = vector.broadcast %parallel_loop3A_288 : i32 to vector<16xi32>
        %parallel_loop3A_290 = arith.xori %iota3A, %parallel_loop3A_289 : vector<16xi32>
        %parallel_loop3A_291 = arith.addi %parallel_loop3A_109, %parallel_loop3A_290 : vector<16xi32>
        %parallel_loop3A_292 = tpu.vector_load_idx %arg16[%parallel_loop3A_291] : memref<12672xf32, #tpu.memory_space<vmem>>[vector<16xi32>], vector<16xf32>,
        %parallel_loop3A_293 = arith.addi %parallel_loop3A_113, %parallel_loop3A_290 : vector<16xi32>
        tpu.vector_store_idx %arg18[%parallel_loop3A_293], %parallel_loop3A_292 : memref<32768xf32, #tpu.memory_space<vmem>>[vector<16xi32>], vector<16xf32>,
        %parallel_loop3A_294 = arith.constant 30 : i32
        %parallel_loop3A_295 = vector.broadcast %parallel_loop3A_294 : i32 to vector<16xi32>
        %parallel_loop3A_296 = arith.xori %iota3A, %parallel_loop3A_295 : vector<16xi32>
        %parallel_loop3A_297 = arith.addi %parallel_loop3A_109, %parallel_loop3A_296 : vector<16xi32>
        %parallel_loop3A_298 = tpu.vector_load_idx %arg16[%parallel_loop3A_297] : memref<12672xf32, #tpu.memory_space<vmem>>[vector<16xi32>], vector<16xf32>,
        %parallel_loop3A_299 = arith.addi %parallel_loop3A_113, %parallel_loop3A_296 : vector<16xi32>
        tpu.vector_store_idx %arg18[%parallel_loop3A_299], %parallel_loop3A_298 : memref<32768xf32, #tpu.memory_space<vmem>>[vector<16xi32>], vector<16xf32>,
        %parallel_loop3A_300 = arith.constant 31 : i32
        %parallel_loop3A_301 = vector.broadcast %parallel_loop3A_300 : i32 to vector<16xi32>
        %parallel_loop3A_302 = arith.xori %iota3A, %parallel_loop3A_301 : vector<16xi32>
        %parallel_loop3A_303 = arith.addi %parallel_loop3A_109, %parallel_loop3A_302 : vector<16xi32>
        %parallel_loop3A_304 = tpu.vector_load_idx %arg16[%parallel_loop3A_303] : memref<12672xf32, #tpu.memory_space<vmem>>[vector<16xi32>], vector<16xf32>,
        %parallel_loop3A_305 = arith.addi %parallel_loop3A_113, %parallel_loop3A_302 : vector<16xi32>
        tpu.vector_store_idx %arg18[%parallel_loop3A_305], %parallel_loop3A_304 : memref<32768xf32, #tpu.memory_space<vmem>>[vector<16xi32>], vector<16xf32>,
      } {sc.loop_unroll_factor = 2 : i64, sc.parallel_access}
      %add3A_57 = arith.addi %mul3A_2, %add3A_43 : i32
      %dma_start3A_58 = arith.constant 0 : i32
      %dma_start3A_59 = tpu.memref_slice %arg7[%add3A_57, %dma_start3A_58] : memref<1024x32768xf32, #tpu.memory_space<hbm>> -> memref<1x32768xf32, #tpu.memory_space<hbm>>
      %dma_start3A_60 = tpu.memref_squeeze %dma_start3A_59 : memref<1x32768xf32, #tpu.memory_space<hbm>> -> memref<32768xf32, #tpu.memory_space<hbm>>
      %dma_start3A_61 = arith.constant 0 : i32
      %dma_start3A_62 = tpu.memref_slice %arg7[%add3A_57, %dma_start3A_61] : memref<1024x32768xf32, #tpu.memory_space<hbm>> -> memref<1x32768xf32, #tpu.memory_space<hbm>>
      %dma_start3A_63 = tpu.memref_squeeze %dma_start3A_62 : memref<1x32768xf32, #tpu.memory_space<hbm>> -> memref<32768xf32, #tpu.memory_space<hbm>>
      tpu.enqueue_dma source(%arg18 : memref<32768xf32, #tpu.memory_space<vmem>>) target(%dma_start3A_63 : memref<32768xf32, #tpu.memory_space<hbm>>) target_semaphore(%arg20 : memref<!tpu.dma_semaphore, #tpu.memory_space<semaphore_mem>>)
    }
    %scan3A_10 = arith.constant 16 : i32
    %dma_wait3A = arith.constant 0 : i32
    %dma_wait3A_11 = tpu.memref_slice %arg7[%mul3A_2, %dma_wait3A] : memref<1024x32768xf32, #tpu.memory_space<hbm>> -> memref<1x32768xf32, #tpu.memory_space<hbm>>
    %dma_wait3A_12 = tpu.memref_squeeze %dma_wait3A_11 : memref<1x32768xf32, #tpu.memory_space<hbm>> -> memref<32768xf32, #tpu.memory_space<hbm>>
    %dma_wait3A_13 = arith.constant 0 : i32
    %dma_wait3A_14 = tpu.memref_slice %arg7[%mul3A_2, %dma_wait3A_13] : memref<1024x32768xf32, #tpu.memory_space<hbm>> -> memref<1x32768xf32, #tpu.memory_space<hbm>>
    %dma_wait3A_15 = tpu.memref_squeeze %dma_wait3A_14 : memref<1x32768xf32, #tpu.memory_space<hbm>> -> memref<32768xf32, #tpu.memory_space<hbm>>
    tpu.wait_dma2 semaphore(%arg19 : memref<!tpu.dma_semaphore, #tpu.memory_space<semaphore_mem>>) src(%arg17 : memref<32768xf32, #tpu.memory_space<vmem>>) dst(%dma_wait3A_15 : memref<32768xf32, #tpu.memory_space<hbm>>)
    %dma_wait3A_16 = arith.constant 0 : i32
    %dma_wait3A_17 = tpu.memref_slice %arg7[%mul3A_2, %dma_wait3A_16] : memref<1024x32768xf32, #tpu.memory_space<hbm>> -> memref<1x32768xf32, #tpu.memory_space<hbm>>
    %dma_wait3A_18 = tpu.memref_squeeze %dma_wait3A_17 : memref<1x32768xf32, #tpu.memory_space<hbm>> -> memref<32768xf32, #tpu.memory_space<hbm>>
    %dma_wait3A_19 = arith.constant 0 : i32
    %dma_wait3A_20 = tpu.memref_slice %arg7[%mul3A_2, %dma_wait3A_19] : memref<1024x32768xf32, #tpu.memory_space<hbm>> -> memref<1x32768xf32, #tpu.memory_space<hbm>>
    %dma_wait3A_21 = tpu.memref_squeeze %dma_wait3A_20 : memref<1x32768xf32, #tpu.memory_space<hbm>> -> memref<32768xf32, #tpu.memory_space<hbm>>
    tpu.wait_dma2 semaphore(%arg20 : memref<!tpu.dma_semaphore, #tpu.memory_space<semaphore_mem>>) src(%arg18 : memref<32768xf32, #tpu.memory_space<vmem>>) dst(%dma_wait3A_21 : memref<32768xf32, #tpu.memory_space<hbm>>)
    return
  }
}

</mosaic_0001>

<sc_bundles>
// kernel: kernel.4.cloned.1.call-start
scs
__scs_entry_jumppad:
0x0: {  	(pc) =	sbr.rel $0x88, $3  }
0x1: {  	(tag) =	ssettag $0x0;
	lr =	simm.s32 $0x1  }
0x2: {  	[smem:$0x3F9B] =	sst lr;
	_ =	strace $0xD0000000  }
0x3: {  	_ = 	snop  }
0x4: {  	_ = 	snop  }
0x5: {  	_ = 	snop  }
0x6: {  	_ = 	snop  }
0x7: {  	_ = 	snop  }
__scs_overlays_trampoline_lowered:
0x8: {  	[smem:$0x3FAA] =	sst s0  }
0x9: {  	[smem:$0x3FAB] =	sst s1  }
0xa: {  	[smem:$0x3FAC] =	sst s2  }
0xb: {  	[smem:$0x3FAD] =	sst s3  }
0xc: {  	[smem:$0x3FAE] =	sst s4  }
0xd: {  	[smem:$0x3FAF] =	sst s5  }
0xe: {  	[smem:$0x3FB0] =	sst s6  }
0xf: {  	[smem:$0x3FB1] =	sst s7  }
0x10: {  	[smem:$0x3FB2] =	sst s8  }
0x11: {  	[smem:$0x3FB3] =	sst s9;
	s0 =	simm.s32 @!p0 $0x0  }
0x12: {  	s1 =	sld [smem:$0x3F99];
	s0 =	simm.s32 @p0 $0x1  }
0x13: {  	[smem:$0x3FB4] =	sst s0;
	s0 =	simm.s32 @!p1 $0x0  }
0x14: {  	s2 =	sld [smem:$0x3F98];
	s0 =	simm.s32 @p1 $0x1  }
0x15: {  	[smem:$0x3FB5] =	sst s0;
	s0 =	simm.s32 @!p2 $0x0  }
0x16: {  	s3 =	sld [smem:$0x3FDB];
	s0 =	simm.s32 @p2 $0x1  }
0x17: {  	s4 =	simm.s32 $0x1BF5;
	[smem:$0x3FB7] =	sst s0  }
0x18: {  	s0 =	sld [smem:$0x3F9A];
	_ =	swait.ge [sflag:s4], $0x0  }
0x19: {  	s7 =	sld [smem:$0x3F9B]  }
0x1a: {  	s8 =	sadd.s32 $0xFFFFE003, lr  }
0x1b: {  	s9 =	sadd.s32 $0xFFFFFEF7, lr;
	s5 =	simm.s32 $0xFFFFFFFF;
	p2 =	slt.u32 s8, $0xFFFFF086  }
0x1c: {  	p1 =	slt.u32 s9, $0xF7A;
	s5 =	simm.s32 @!p2 $0x0  }
0x1d: {  	s5 =	simm.s32 @p1 $0x1;
	p0 =	seq.s32 s7, s2  }
0x1e: {  	s7 =	smul.u32 @!p0 $0xF7A, s2;
	p2 =	seq.s32 @!p0 s5, $0x0  }
0x1f: {  	s9 =	smul.u32 $0xF7A, s1;
	s8 =	simm.s32 @!p0 $0x1BF5;
	p2 =	por !p2, p0  }
0x20: {  	[sflag:s8] =	ssyncset.s32 @!p0 $0xFFFFF086;
	s6 =	sadd.s32 @!p0 s3, s7;
	s7 =	simm.s32 @!p0 $0x108  }
0x21: {  	s3 =	sadd.s32 s3, s9;
	s6 =	sadd.s32 @!p0 $0x88, s6;
	s7 =	simm.s32 @p2 $0x1082  }
0x22: {  	[simem:s7], [sflag:s8] =	dma.local @!p0 [hbm:s6], $0xF7A  }
0x23: {  	s9 =	sor.u32 $0xD0000000, s2;
	s6 =	simm.s32 $0x108;
	_ =	swait.ge @!p0 [sflag:s8], $0x0  }
0x24: {  	s3 =	sadd.s32 $0x88, s3;
	s6 =	simm.s32 @!p1 $0x1082;
	[sflag:s4] =	ssyncset.s32 $0xFFFFF086  }
0x25: {  	[simem:s6], [sflag:s4] =	dma.local [hbm:s3], $0xF7A  }
0x26: {  	[smem:$0x3F9B] =	sst s1;
	(tag) =	ssettag s2;
	_ =	strace s9  }
0x27: {  	s1 =	sld [smem:$0x3FAB]  }
0x28: {  	s2 =	sld [smem:$0x3FAC]  }
0x29: {  	s4 =	sld [smem:$0x3FAE]  }
0x2a: {  	p0 =	seq.s32 s5, $0x0;
	s5 =	sld [smem:$0x3FAF]  }
0x2b: {  	s6 =	sld [smem:$0x3FB0]  }
0x2c: {  	s7 =	sld [smem:$0x3FB1]  }
0x2d: {  	s3 =	simm.s32 $0x108;
	s8 =	sld [smem:$0x3FB2]  }
0x2e: {  	s3 =	simm.s32 @!p0 $0x1082;
	s9 =	sld [smem:$0x3FB3]  }
0x2f: {  	lr =	sadd.s32 s0, s3;
	s0 =	sld [smem:$0x3FAA]  }
0x30: {  	s3 =	sld [smem:$0x3FAD]  }
0x31: {  	[smem:$0x3FB6] =	sst s10  }
0x32: {  	s10 =	sld [smem:$0x3FB4];
	_ =	sdelay $0x3  }
0x33: {  	p0 =	seq.s32 s10, $0x1;
	s10 =	sld [smem:$0x3FB6];
	_ =	sdelay $0x3  }
0x34: {  	[smem:$0x3FB6] =	sst s10  }
0x35: {  	s10 =	sld [smem:$0x3FB5];
	_ =	sdelay $0x3  }
0x36: {  	p1 =	seq.s32 s10, $0x1;
	s10 =	sld [smem:$0x3FB6];
	_ =	sdelay $0x3  }
0x37: {  	[smem:$0x3FB6] =	sst s10  }
0x38: {  	s10 =	sld [smem:$0x3FB7]  }
0x39: {  	_ = 	snop;
	(pc) =	sbr.ind lr, $3  }
0x3a: {  	_ = 	snop  }
0x3b: {  	_ = 	snop  }
0x3c: {  	p2 =	seq.s32 s10, $0x1;
	s10 =	sld [smem:$0x3FB6]  }
0x3d: {  	_ =	shalt  }
0x3e: {  	_ =	shalt  }
0x3f: {  	_ =	shalt  }
0x40: {  	_ =	shalt  }
0x41: {  	_ =	shalt  }
0x42: {  	_ =	shalt  }
0x43: {  	_ =	shalt  }
0x44: {  	_ =	shalt  }
0x45: {  	_ =	shalt  }
0x46: {  	_ =	shalt  }
0x47: {  	_ =	shalt  }
0x48: {  	_ =	shalt  }
0x49: {  	_ =	shalt  }
0x4a: {  	_ =	shalt  }
0x4b: {  	_ =	shalt  }
0x4c: {  	_ =	shalt  }
0x4d: {  	_ =	shalt  }
0x4e: {  	_ =	shalt  }
0x4f: {  	_ =	shalt  }
0x50: {  	_ =	shalt  }
0x51: {  	_ =	shalt  }
0x52: {  	_ =	shalt  }
0x53: {  	_ =	shalt  }
0x54: {  	_ =	shalt  }
0x55: {  	_ =	shalt  }
0x56: {  	_ =	shalt  }
0x57: {  	_ =	shalt  }
0x58: {  	_ =	shalt  }
0x59: {  	_ =	shalt  }
0x5a: {  	_ =	shalt  }
0x5b: {  	_ =	shalt  }
0x5c: {  	_ =	shalt  }
0x5d: {  	_ =	shalt  }
0x5e: {  	_ =	shalt  }
0x5f: {  	_ =	shalt  }
0x60: {  	_ =	shalt  }
0x61: {  	_ =	shalt  }
0x62: {  	_ =	shalt  }
0x63: {  	_ =	shalt  }
0x64: {  	_ =	shalt  }
0x65: {  	_ =	shalt  }
0x66: {  	_ =	shalt  }
0x67: {  	_ =	shalt  }
0x68: {  	_ =	shalt  }
0x69: {  	_ =	shalt  }
0x6a: {  	_ =	shalt  }
0x6b: {  	_ =	shalt  }
0x6c: {  	_ =	shalt  }
0x6d: {  	_ =	shalt  }
0x6e: {  	_ =	shalt  }
0x6f: {  	_ =	shalt  }
0x70: {  	_ =	shalt  }
0x71: {  	_ =	shalt  }
0x72: {  	_ =	shalt  }
0x73: {  	_ =	shalt  }
0x74: {  	_ =	shalt  }
0x75: {  	_ =	shalt  }
0x76: {  	_ =	shalt  }
0x77: {  	_ =	shalt  }
0x78: {  	_ =	shalt  }
0x79: {  	_ =	shalt  }
0x7a: {  	_ =	shalt  }
0x7b: {  	_ =	shalt  }
0x7c: {  	_ =	shalt  }
0x7d: {  	_ =	shalt  }
0x7e: {  	_ =	shalt  }
0x7f: {  	_ =	shalt  }
0x80: {  	_ =	shalt  }
0x81: {  	_ =	shalt  }
0x82: {  	_ =	shalt  }
0x83: {  	_ =	shalt  }
0x84: {  	_ =	shalt  }
0x85: {  	_ =	shalt  }
0x86: {  	_ =	shalt  }
0x87: {  	_ =	shalt  }
.Lfunc_end0:
.L_simem_size_0:
called_computation.2_lowered:
.L_overlay_start_0:
0x88: {  	s2 =	sld [smem:$0x3FD9]  }
0x89: {  	s3 =	sld [smem:$0x3FFE];
	_ =	sdelay $0x1  }
0x8a: {  	s1 =	srdreg.scid  }
0x8b: {  	s0 =	sand.u32 $0x1, s1  }
0x8c: {  	s17 =	sshll.u32 s0, $0xA;
	s2 =	sadd.s32 s3, s2  }
0x8d: {  	s2 =	sadd.s32 s2, s17  }
0x8e: {  	[smem:$0x3FC2] =	sst s2  }
0x8f: {  	_ = 	snop  }
0x90: {  	s2 =	sld [smem:$0x3FD0];
	(tm) =	ssettm $0x1  }
0x91: {  	s18 =	sld [smem:$0x3FFB];
	_ =	sdelay $0x3  }
0x92: {  	_ =	strace s18  }
0x93: {  	s3 =	sld [smem:$0x3FFC];
	_ =	sdelay $0x3  }
0x94: {  	_ =	strace s3  }
0x95: {  	s3 =	sld [smem:$0x3FFD];
	_ =	sdelay $0x3  }
0x96: {  	_ =	strace s3  }
0x97: {  	_ =	strace $0x8FFFFFFF  }
0x98: {  	s19 =	sld [smem:$0x3FDB];
	_ =	sdelay $0x1  }
0x99: {  	s4 =	simm.s32 $_scs_section_size  }
0x9a: {  	s5 =	simm.s32 $_size__tile_overlayer_lowered;
	s6 =	simm.s32 $_tile_overlayer_lowered  }
0x9b: {  	s22 =	simm.s32 $0x1BFF;
	s21 =	sshll.u32 s6, $0x1;
	s3 =	sadd.s32 s4, s19  }
0x9c: {  	s7 =	simm.s32 $0x0;
	s20 =	sshll.u32 s5, $0x1;
	s5 =	sadd.s32 s21, s3  }
0x9d: {  	[timem:s7], [sflag:s22] =	dma.local [hbm:s5], s20  }
0x9e: {  	_ =	swait.ge [sflag:s22], s20  }
0x9f: {  	s4 =	ssub.s32 $0x0, s20;
	[sflag:s22] =	ssyncset.done $0x0  }
0xa0: {  	[sflag:s22] =	ssyncadd.s32 s4;
	_ =	sdelay $0x1  }
0xa1: {  	s23 =	simm.s32 $0x1B8B  }
0xa2: {  	_ =	swait.ge [sflag:s23], $0x1  }
0xa3: {  	[sflag:s23] =	ssyncset.done $0x0  }
0xa4: {  	s25 =	simm.s32 $0x1B8E;
	s24 =	sld [smem:$0x3FFE];
	[sflag:s23] =	ssyncadd.s32 $0xFFFFFFFF  }
0xa5: {  	s26 =	simm.s32 $execute0_lowered;
	[smem:$0x3FD2] =	sst s25  }
0xa6: {  	s5 =	sshll.u32 s26, $0x1;
	_ =	strace $0x80000046;
	[dreg:$0x1] =	wrdreg $0xFFFFFFFF  }
0xa7: {  	s28 =	simm.s32 $_size_execute0_lowered;
	s3 =	sadd.s32 s3, s5;
	[dreg:$0x0] =	wrdreg $0x0  }
0xa8: {  	s5 =	sshll.u32 s28, $0x1;
	[dreg:$0x2] =	wrdreg s3  }
0xa9: {  	[dreg:$0x3] =	wrdreg s5  }
0xaa: {  	[dreg:$0x4] =	wrdreg $0xC0  }
0xab: {  	_ =	task [dreg:s7], $0x5FFFF  }
0xac: {  	[dreg:$0x1] =	wrdreg $0xFFFFFFFF  }
0xad: {  	[dreg:$0x0] =	wrdreg $0x60  }
0xae: {  	[dreg:$0x2] =	wrdreg s24  }
0xaf: {  	[dreg:$0x3] =	wrdreg s2  }
0xb0: {  	[dreg:$0x4] =	wrdreg $0x9  }
0xb1: {  	_ =	task.clear_ibuf [dreg:s7], $0x5FFFF;
	_ =	strace $0x90000046  }
0xb2: {  	s29 =	simm.s32 $0x9;
	_ =	strace $0x80000048  }
0xb3: {  	_ =	swait.ge [sflag:s29], $0x1  }
0xb4: {  	[sflag:s29] =	ssyncadd.s32 $0xFFFFFFFF  }
0xb5: {  	_ =	strace $0x90000048  }
0xb6: {  	_ =	sfence  }
0xb7: {  	s30 =	sld [smem:$0x0];
	_ =	sdelay $0x2  }
0xb8: {  	s31 =	sshll.u32 s1, $0xD;
	s1 =	sshrl.u32 s1, $0x2  }
0xb9: {  	s3 =	sand.u32 $0x4000, s31;
	s1 =	sadd.s32 s1, s30  }
0xba: {  	s0 =	sor.u32 s3, s0;
	s1 =	sshll.u32 s1, $0x11  }
0xbb: {  	s0 =	sor.u32 s1, s0  }
0xbc: {  	s0 =	sadd.s32 $0x8F2B, s0  }
0xbd: {  	[sflag:s0] =	ssyncadd.remote.s32 $0x1  }
0xbe: {  	_ =	sfence.sel $0xFFFF  }
0xbf: {  	[dreg:$0x0] =	wrdreg $0xFFFFFFFF;
	(pc) =	sbr.abs _section_cstart, $3  }
0xc0: {  	[dreg:$0x1] =	wrdreg $0xFFFFFFFF  }
0xc1: {  	_ =	task.clear_ibuf [dreg:s7], $0x2FFFF;
	_ =	strace $0x9FFFFFFF  }
0xc2: {  	(tm) =	ssettm $0x7FFFFFFF  }
0xc3: {  	_ =	shalt  }
tec
execute0_lowered:
.L_overlay_start_1:
0x0: {  	(tag) =	ssettag $0x1  }
0x1: {  	s0 =	srdreg.scid  }
0x2: {  	s3 =	sand.u32 $0x1, s0;
	s0 =	stileid.u32  }
0x3: {  	s5 =	sshll.u32 s0, $0x1;
	s6 =	ssub.s32 $0x0, s3  }
0x4: {  	p0 =	sne.s32 s5, s6  }
.Ltmp0:
0x5: {  	_ = 	snop;
	(pc) =	sbr.rel @p0 .LBB2_5-.Ltmp0, $4  }
0x6: {  	_ = 	snop  }
0x7: {  	s4 =	rddreg [dreg:$0x0]  }
0x8: {  	s2 =	rddreg [dreg:$0x1]  }
0x9: {  	s1 =	rddreg [dreg:$0x2];
	_ =	strace $0x80000047  }
0xa: {  	s5 =	ssub.s32 $0x2, s3;
	s3 =	sadd.s32 $0x1200, s4  }
0xb: {  	s4 =	sadd.s32 $0x1000, s4;
	s7 =	simm.s32 $0x1;
	s6 =	sshrl.u32 s5, $0x1  }
0xc: {  	s8 =	simm.s32 $0x840;
	s9 =	simm.s32 $0x900;
	s5 =	ssub.s32 s5, s6  }
0xd: {  	s10 =	simm.s32 $0x0;
	s6 =	simm.s32 $0x0;
	s5 =	smax.u32 s5, $0x1  }
.LBB2_2:
0xe: {  	[tilespmem:s6], [sflag:$0x1] =	stream.linear.gather [hbm4b:s3+s6], $0x840, $0x38;
	[tilespmem:$0x3A80] =	vst v63  }
0xf: {  	_ =	swait.ge [sflag:s7], $0x840  }
0x10: {  	[sflag:s7] =	ssyncset.done $0x0  }
0x11: {  	[sflag:s7] =	ssyncadd.s32 $0xFFFFF7C0  }
0x12: {  	[tilespmem:s8], [sflag:$0x1] =	stream.linear.gather [hbm4b:s4+s6], $0xC0, $0x38;
	[tilespmem:$0x3A80] =	vst v63  }
0x13: {  	_ =	swait.ge [sflag:s7], $0xC0  }
0x14: {  	[sflag:s7] =	ssyncset.done $0x0  }
0x15: {  	[sflag:s7] =	ssyncadd.s32 $0xFFFFFF40  }
0x16: {  	v2 =	vld [tilespmem:$0x840]  }
0x17: {  	v0 =	vld [tilespmem:$0x850]  }
0x18: {  	v3 =	vld [tilespmem:$0x860]  }
0x19: {  	v1 =	vld [tilespmem:$0x870]  }
0x1a: {  	s12 =	simm.s32 $0x10;
	v7 =	vld [tilespmem:$0x8E0]  }
0x1b: {  	v12 =	vld [tilespmem:s12+$0xFFFFFFF0]  }
0x1c: {  	v4 =	vld [tilespmem:$0x880]  }
0x1d: {  	v8 =	vld [tilespmem:$0x890]  }
0x1e: {  	v10 =	vld [tilespmem:$0x8A0]  }
0x1f: {  	v5 =	vld [tilespmem:$0x8B0]  }
0x20: {  	v11 =	vld [tilespmem:$0x8C0];
	v13 =	vadd.f32 v12, v7  }
0x21: {  	s11 =	simm.s32 $0x960;
	v6 =	vld [tilespmem:$0x8D0];
	v14 =	vadd.f32 v12, v2  }
0x22: {  	v9 =	vld [tilespmem:$0x8F0];
	v15 =	vadd.f32 v12, v4;
	[tilespmem:s11+$0x40] =	vst v13  }
0x23: {  	v13 =	vadd.f32 v12, v3;
	[tilespmem:s11+$0xFFFFFFA0] =	vst v14  }
0x24: {  	v14 =	vadd.f32 v12, v10;
	[tilespmem:s11+$0xFFFFFFE0] =	vst v15  }
0x25: {  	v12 =	vadd.f32 v12, v11;
	[tilespmem:s11+$0xFFFFFFC0] =	vst v13  }
0x26: {  	[tilespmem:s11+$0x0] =	vst v14  }
0x27: {  	[tilespmem:s11+$0x20] =	vst v12  }
0x28: {  	s13 =	simm.s32 $0xC0;
	v12 =	vld [tilespmem:s12+$0x0];
	s12 =	simm.s32 $0x960  }
.LBB2_3:
0x29: {  	p0 =	sne.s32 s13, $0x20C0  }
0x2a: {  	s11 =	sadd.s32 $0xC0, s11;
	s14 =	smov.u32 s13;
	s13 =	sadd.s32 $0x80, s13  }
0x2b: {  	_ =	sdelay $0x1  }
0x2c: {  	v13 =	vadd.f32 v12, v0;
	v14 =	vadd.f32 v12, v1  }
0x2d: {  	v15 =	vadd.f32 v12, v8;
	v16 =	vadd.f32 v12, v5  }
0x2e: {  	[tilespmem:s12+$0xFFFFFFB0] =	vst v13;
	v13 =	vadd.f32 v12, v6;
	v12 =	vadd.f32 v12, v9  }
0x2f: {  	[tilespmem:s12+$0xFFFFFFF0] =	vst v15  }
0x30: {  	[tilespmem:s12+$0xFFFFFFD0] =	vst v14  }
0x31: {  	[tilespmem:s12+$0x10] =	vst v16  }
0x32: {  	[tilespmem:s12+$0x30] =	vst v13  }
0x33: {  	s14 =	sshra.s32 s14, $0x2;
	[tilespmem:s12+$0x50] =	vst v12;
	s12 =	smov.u32 s11  }
0x34: {  	v12 =	vld [tilespmem:s14+$0xFFFFFFF0];
	_ =	sdelay $0x4  }
0x35: {  	v13 =	vadd.f32 v12, v2;
	v14 =	vadd.f32 v12, v7  }
0x36: {  	v15 =	vadd.f32 v12, v4;
	v16 =	vadd.f32 v12, v11  }
0x37: {  	v17 =	vadd.f32 v12, v3;
	v12 =	vadd.f32 v12, v10;
	[tilespmem:s11+$0x40] =	vst v14  }
0x38: {  	[tilespmem:s11+$0xFFFFFFA0] =	vst v13  }
.Ltmp1:
0x39: {  	[tilespmem:s11+$0xFFFFFFE0] =	vst v15;
	(pc) =	sbr.rel @p0 .LBB2_3-.Ltmp1, $4  }
0x3a: {  	[tilespmem:s11+$0xFFFFFFC0] =	vst v17  }
0x3b: {  	[tilespmem:s11+$0x0] =	vst v12  }
0x3c: {  	[tilespmem:s11+$0x20] =	vst v16  }
0x3d: {  	v12 =	vld [tilespmem:s14+$0x0]  }
0x3e: {  	_ =	sdelay $0x3  }
0x3f: {  	v0 =	vadd.f32 v12, v0  }
0x40: {  	v2 =	vadd.f32 v12, v8  }
0x41: {  	v1 =	vadd.f32 v12, v1;
	[tilespmem:s12+$0xFFFFFFB0] =	vst v0  }
0x42: {  	v61 =	vadd.f32 v12, v5;
	[tilespmem:s12+$0xFFFFFFF0] =	vst v2  }
0x43: {  	v62 =	vadd.f32 v12, v6;
	[tilespmem:s12+$0xFFFFFFD0] =	vst v1  }
0x44: {  	s10 =	sadd.s32 $0x1, s10;
	v63 =	vadd.f32 v12, v9;
	[tilespmem:s12+$0x10] =	vst v61  }
0x45: {  	p0 =	sne.s32 s10, s5;
	[tilespmem:s12+$0x30] =	vst v62  }
.Ltmp2:
0x46: {  	[tilespmem:s12+$0x50] =	vst v63;
	(pc) =	sbr.rel @p0 .LBB2_2-.Ltmp2, $4  }
0x47: {  	[hbm4b:s2+s6] =	stream.linear.scatter [tilespmem:s9], [sflag:$0x1], $0x3180, $0x38;
	[tilespmem:$0x3A80] =	vst v63  }
0x48: {  	_ =	swait.ge [sflag:s7], $0x3180  }
0x49: {  	[sflag:s7] =	ssyncset.done $0x0  }
0x4a: {  	[sflag:s7] =	ssyncadd.s32 $0xFFFFCE80  }
.LBB2_5:
0x4b: {  	_ =	sfence.sel $0x180000  }
0x4c: {  	[bflag:$0x0] =	sbarrier.arrive $0xFFFF  }
0x4d: {  	p0 =	sne.s32 s0, $0x0;
	_ =	strace $0x90000047  }
0x4e: {  	s0 =	sadd.s32 @!p0 $0x100000, s1;
	[bflag:$0x2] =	sbarrier.arrive $0xFFFF  }
0x4f: {  	[sflag:s0] =	ssyncadd.tile.s32 @!p0 $0x1;
	_ =	shalt  }
.Lfunc_end2:
_tile_overlayer_lowered:
.L_overlay_start_2:
0x50: {  	(tag) =	ssettag $0x2  }
0x51: {  	s0 =	rddreg [dreg:$0x0];
	s2 =	stileid.u32  }
0x52: {  	s1 =	rddreg [dreg:$0x1];
	p0 =	sne.s32 s2, $0x0  }
0x53: {  	s3 =	rddreg [dreg:$0x2];
	[bflag:$0x3] =	sbarrier.arrive $0xFFFF;
	s2 =	simm.s32 @!p0 $0x1C01  }
0x54: {  	[timem:s3], [sflag:s2] =	dma.local @!p0 [hbm:s0], s1  }
0x55: {  	s0 =	simm.s32 @!p0 $0x1  }
0x56: {  	_ =	swait.ge @!p0 [sflag:s0], s1  }
0x57: {  	s1 =	ssub.s32 @!p0 $0x0, s1;
	[sflag:s0] =	ssyncset.done @!p0 $0x0  }
0x58: {  	[sflag:s0] =	ssyncadd.s32 @!p0 s1  }
0x59: {  	[bflag:$0x3] =	sbarrier.arrive $0xFFFF  }
0x5a: {  	_ =	shalt  }

// kernel: kernel.7.cloned.1.call-start
scs
__scs_entry_jumppad:
0x0: {  	(pc) =	sbr.rel $0x88, $3  }
0x1: {  	(tag) =	ssettag $0x0;
	lr =	simm.s32 $0x1  }
0x2: {  	[smem:$0x3F9B] =	sst lr;
	_ =	strace $0xD0000000  }
0x3: {  	_ = 	snop  }
0x4: {  	_ = 	snop  }
0x5: {  	_ = 	snop  }
0x6: {  	_ = 	snop  }
0x7: {  	_ = 	snop  }
__scs_overlays_trampoline_lowered:
0x8: {  	[smem:$0x3FAA] =	sst s0  }
0x9: {  	[smem:$0x3FAB] =	sst s1  }
0xa: {  	[smem:$0x3FAC] =	sst s2  }
0xb: {  	[smem:$0x3FAD] =	sst s3  }
0xc: {  	[smem:$0x3FAE] =	sst s4  }
0xd: {  	[smem:$0x3FAF] =	sst s5  }
0xe: {  	[smem:$0x3FB0] =	sst s6  }
0xf: {  	[smem:$0x3FB1] =	sst s7  }
0x10: {  	[smem:$0x3FB2] =	sst s8  }
0x11: {  	[smem:$0x3FB3] =	sst s9;
	s0 =	simm.s32 @!p0 $0x0  }
0x12: {  	s1 =	sld [smem:$0x3F99];
	s0 =	simm.s32 @p0 $0x1  }
0x13: {  	[smem:$0x3FB4] =	sst s0;
	s0 =	simm.s32 @!p1 $0x0  }
0x14: {  	s2 =	sld [smem:$0x3F98];
	s0 =	simm.s32 @p1 $0x1  }
0x15: {  	[smem:$0x3FB5] =	sst s0;
	s0 =	simm.s32 @!p2 $0x0  }
0x16: {  	s3 =	sld [smem:$0x3FDB];
	s0 =	simm.s32 @p2 $0x1  }
0x17: {  	s4 =	simm.s32 $0x1BF5;
	[smem:$0x3FB7] =	sst s0  }
0x18: {  	s0 =	sld [smem:$0x3F9A];
	_ =	swait.ge [sflag:s4], $0x0  }
0x19: {  	s7 =	sld [smem:$0x3F9B]  }
0x1a: {  	s8 =	sadd.s32 $0xFFFFE003, lr  }
0x1b: {  	s9 =	sadd.s32 $0xFFFFFEF7, lr;
	s5 =	simm.s32 $0xFFFFFFFF;
	p2 =	slt.u32 s8, $0xFFFFF086  }
0x1c: {  	p1 =	slt.u32 s9, $0xF7A;
	s5 =	simm.s32 @!p2 $0x0  }
0x1d: {  	s5 =	simm.s32 @p1 $0x1;
	p0 =	seq.s32 s7, s2  }
0x1e: {  	s7 =	smul.u32 @!p0 $0xF7A, s2;
	p2 =	seq.s32 @!p0 s5, $0x0  }
0x1f: {  	s9 =	smul.u32 $0xF7A, s1;
	s8 =	simm.s32 @!p0 $0x1BF5;
	p2 =	por !p2, p0  }
0x20: {  	[sflag:s8] =	ssyncset.s32 @!p0 $0xFFFFF086;
	s6 =	sadd.s32 @!p0 s3, s7;
	s7 =	simm.s32 @!p0 $0x108  }
0x21: {  	s3 =	sadd.s32 s3, s9;
	s6 =	sadd.s32 @!p0 $0x88, s6;
	s7 =	simm.s32 @p2 $0x1082  }
0x22: {  	[simem:s7], [sflag:s8] =	dma.local @!p0 [hbm:s6], $0xF7A  }
0x23: {  	s9 =	sor.u32 $0xD0000000, s2;
	s6 =	simm.s32 $0x108;
	_ =	swait.ge @!p0 [sflag:s8], $0x0  }
0x24: {  	s3 =	sadd.s32 $0x88, s3;
	s6 =	simm.s32 @!p1 $0x1082;
	[sflag:s4] =	ssyncset.s32 $0xFFFFF086  }
0x25: {  	[simem:s6], [sflag:s4] =	dma.local [hbm:s3], $0xF7A  }
0x26: {  	[smem:$0x3F9B] =	sst s1;
	(tag) =	ssettag s2;
	_ =	strace s9  }
0x27: {  	s1 =	sld [smem:$0x3FAB]  }
0x28: {  	s2 =	sld [smem:$0x3FAC]  }
0x29: {  	s4 =	sld [smem:$0x3FAE]  }
0x2a: {  	p0 =	seq.s32 s5, $0x0;
	s5 =	sld [smem:$0x3FAF]  }
0x2b: {  	s6 =	sld [smem:$0x3FB0]  }
0x2c: {  	s7 =	sld [smem:$0x3FB1]  }
0x2d: {  	s3 =	simm.s32 $0x108;
	s8 =	sld [smem:$0x3FB2]  }
0x2e: {  	s3 =	simm.s32 @!p0 $0x1082;
	s9 =	sld [smem:$0x3FB3]  }
0x2f: {  	lr =	sadd.s32 s0, s3;
	s0 =	sld [smem:$0x3FAA]  }
0x30: {  	s3 =	sld [smem:$0x3FAD]  }
0x31: {  	[smem:$0x3FB6] =	sst s10  }
0x32: {  	s10 =	sld [smem:$0x3FB4];
	_ =	sdelay $0x3  }
0x33: {  	p0 =	seq.s32 s10, $0x1;
	s10 =	sld [smem:$0x3FB6];
	_ =	sdelay $0x3  }
0x34: {  	[smem:$0x3FB6] =	sst s10  }
0x35: {  	s10 =	sld [smem:$0x3FB5];
	_ =	sdelay $0x3  }
0x36: {  	p1 =	seq.s32 s10, $0x1;
	s10 =	sld [smem:$0x3FB6];
	_ =	sdelay $0x3  }
0x37: {  	[smem:$0x3FB6] =	sst s10  }
0x38: {  	s10 =	sld [smem:$0x3FB7]  }
0x39: {  	_ = 	snop;
	(pc) =	sbr.ind lr, $3  }
0x3a: {  	_ = 	snop  }
0x3b: {  	_ = 	snop  }
0x3c: {  	p2 =	seq.s32 s10, $0x1;
	s10 =	sld [smem:$0x3FB6]  }
0x3d: {  	_ =	shalt  }
0x3e: {  	_ =	shalt  }
0x3f: {  	_ =	shalt  }
0x40: {  	_ =	shalt  }
0x41: {  	_ =	shalt  }
0x42: {  	_ =	shalt  }
0x43: {  	_ =	shalt  }
0x44: {  	_ =	shalt  }
0x45: {  	_ =	shalt  }
0x46: {  	_ =	shalt  }
0x47: {  	_ =	shalt  }
0x48: {  	_ =	shalt  }
0x49: {  	_ =	shalt  }
0x4a: {  	_ =	shalt  }
0x4b: {  	_ =	shalt  }
0x4c: {  	_ =	shalt  }
0x4d: {  	_ =	shalt  }
0x4e: {  	_ =	shalt  }
0x4f: {  	_ =	shalt  }
0x50: {  	_ =	shalt  }
0x51: {  	_ =	shalt  }
0x52: {  	_ =	shalt  }
0x53: {  	_ =	shalt  }
0x54: {  	_ =	shalt  }
0x55: {  	_ =	shalt  }
0x56: {  	_ =	shalt  }
0x57: {  	_ =	shalt  }
0x58: {  	_ =	shalt  }
0x59: {  	_ =	shalt  }
0x5a: {  	_ =	shalt  }
0x5b: {  	_ =	shalt  }
0x5c: {  	_ =	shalt  }
0x5d: {  	_ =	shalt  }
0x5e: {  	_ =	shalt  }
0x5f: {  	_ =	shalt  }
0x60: {  	_ =	shalt  }
0x61: {  	_ =	shalt  }
0x62: {  	_ =	shalt  }
0x63: {  	_ =	shalt  }
0x64: {  	_ =	shalt  }
0x65: {  	_ =	shalt  }
0x66: {  	_ =	shalt  }
0x67: {  	_ =	shalt  }
0x68: {  	_ =	shalt  }
0x69: {  	_ =	shalt  }
0x6a: {  	_ =	shalt  }
0x6b: {  	_ =	shalt  }
0x6c: {  	_ =	shalt  }
0x6d: {  	_ =	shalt  }
0x6e: {  	_ =	shalt  }
0x6f: {  	_ =	shalt  }
0x70: {  	_ =	shalt  }
0x71: {  	_ =	shalt  }
0x72: {  	_ =	shalt  }
0x73: {  	_ =	shalt  }
0x74: {  	_ =	shalt  }
0x75: {  	_ =	shalt  }
0x76: {  	_ =	shalt  }
0x77: {  	_ =	shalt  }
0x78: {  	_ =	shalt  }
0x79: {  	_ =	shalt  }
0x7a: {  	_ =	shalt  }
0x7b: {  	_ =	shalt  }
0x7c: {  	_ =	shalt  }
0x7d: {  	_ =	shalt  }
0x7e: {  	_ =	shalt  }
0x7f: {  	_ =	shalt  }
0x80: {  	_ =	shalt  }
0x81: {  	_ =	shalt  }
0x82: {  	_ =	shalt  }
0x83: {  	_ =	shalt  }
0x84: {  	_ =	shalt  }
0x85: {  	_ =	shalt  }
0x86: {  	_ =	shalt  }
0x87: {  	_ =	shalt  }
.Lfunc_end0:
.L_simem_size_0:
called_computation.3_lowered:
.L_overlay_start_0:
0x88: {  	s2 =	sld [smem:$0x3FD9]  }
0x89: {  	s3 =	sld [smem:$0x3FFE];
	_ =	sdelay $0x1  }
0x8a: {  	s1 =	srdreg.scid  }
0x8b: {  	s0 =	sand.u32 $0x1, s1  }
0x8c: {  	s17 =	sshll.u32 s0, $0xA;
	s2 =	sadd.s32 s3, s2  }
0x8d: {  	s2 =	sadd.s32 s2, s17  }
0x8e: {  	[smem:$0x3FC2] =	sst s2  }
0x8f: {  	_ = 	snop  }
0x90: {  	s2 =	sld [smem:$0x3FC9]  }
0x91: {  	s18 =	sld [smem:$0x3FC8]  }
0x92: {  	s4 =	sld [smem:$0x3FC7]  }
0x93: {  	s5 =	sld [smem:$0x3FC6]  }
0x94: {  	s6 =	sld [smem:$0x3FD0];
	(tm) =	ssettm $0x1  }
0x95: {  	s7 =	sld [smem:$0x3FFB];
	_ =	sdelay $0x3  }
0x96: {  	_ =	strace s7  }
0x97: {  	s7 =	sld [smem:$0x3FFC];
	_ =	sdelay $0x3  }
0x98: {  	_ =	strace s7  }
0x99: {  	s7 =	sld [smem:$0x3FFD];
	_ =	sdelay $0x3  }
0x9a: {  	_ =	strace s7  }
0x9b: {  	_ =	strace $0x8FFFFFFF  }
0x9c: {  	s19 =	sld [smem:$0x3FDB];
	_ =	sdelay $0x1  }
0x9d: {  	s8 =	simm.s32 $_scs_section_size  }
0x9e: {  	s9 =	simm.s32 $_size__tile_overlayer_lowered;
	s10 =	simm.s32 $_tile_overlayer_lowered  }
0x9f: {  	s22 =	simm.s32 $0x1BFF;
	s21 =	sshll.u32 s10, $0x1;
	s7 =	sadd.s32 s8, s19  }
0xa0: {  	s11 =	simm.s32 $0x0;
	s20 =	sshll.u32 s9, $0x1;
	s9 =	sadd.s32 s21, s7  }
0xa1: {  	[timem:s11], [sflag:s22] =	dma.local [hbm:s9], s20  }
0xa2: {  	_ =	swait.ge [sflag:s22], s20  }
0xa3: {  	s8 =	ssub.s32 $0x0, s20;
	[sflag:s22] =	ssyncset.done $0x0  }
0xa4: {  	[sflag:s22] =	ssyncadd.s32 s8;
	_ =	sdelay $0x1  }
0xa5: {  	s23 =	simm.s32 $0x1B8B  }
0xa6: {  	_ =	swait.ge [sflag:s23], $0x1  }
0xa7: {  	[sflag:s23] =	ssyncset.done $0x0  }
0xa8: {  	s25 =	simm.s32 $0x1B8E;
	s24 =	sld [smem:$0x3FFE];
	[sflag:s23] =	ssyncadd.s32 $0xFFFFFFFF  }
0xa9: {  	s26 =	simm.s32 $execute0_lowered;
	[smem:$0x3FD2] =	sst s25  }
0xaa: {  	s9 =	sshll.u32 s26, $0x1;
	_ =	strace $0x80000049;
	[dreg:$0x1] =	wrdreg $0xFFFFFFFF  }
0xab: {  	s28 =	simm.s32 $_size_execute0_lowered;
	s7 =	sadd.s32 s7, s9;
	[dreg:$0x0] =	wrdreg $0x0  }
0xac: {  	s9 =	sshll.u32 s28, $0x1;
	[dreg:$0x2] =	wrdreg s7  }
0xad: {  	[dreg:$0x3] =	wrdreg s9  }
0xae: {  	[dreg:$0x4] =	wrdreg $0xC0  }
0xaf: {  	_ =	task [dreg:s11], $0x5FFFF  }
0xb0: {  	[dreg:$0x1] =	wrdreg $0xFFFFFFFF  }
0xb1: {  	[dreg:$0x0] =	wrdreg $0x60  }
0xb2: {  	[dreg:$0x2] =	wrdreg s2  }
0xb3: {  	[dreg:$0x3] =	wrdreg s18  }
0xb4: {  	[dreg:$0x4] =	wrdreg s4  }
0xb5: {  	[dreg:$0x5] =	wrdreg s5  }
0xb6: {  	[dreg:$0x6] =	wrdreg s6  }
0xb7: {  	[dreg:$0x7] =	wrdreg s24  }
0xb8: {  	[dreg:$0x8] =	wrdreg $0x9  }
0xb9: {  	_ =	task.clear_ibuf [dreg:s11], $0x9FFFF;
	_ =	strace $0x90000049  }
0xba: {  	s29 =	simm.s32 $0x9;
	_ =	strace $0x8000004B  }
0xbb: {  	_ =	swait.ge [sflag:s29], $0x1  }
0xbc: {  	[sflag:s29] =	ssyncadd.s32 $0xFFFFFFFF  }
0xbd: {  	_ =	strace $0x9000004B  }
0xbe: {  	_ =	sfence  }
0xbf: {  	s30 =	sld [smem:$0x0];
	_ =	sdelay $0x2  }
0xc0: {  	s31 =	sshll.u32 s1, $0xD;
	s1 =	sshrl.u32 s1, $0x2  }
0xc1: {  	s3 =	sand.u32 $0x4000, s31;
	s1 =	sadd.s32 s1, s30  }
0xc2: {  	s0 =	sor.u32 s3, s0;
	s1 =	sshll.u32 s1, $0x11  }
0xc3: {  	s0 =	sor.u32 s1, s0  }
0xc4: {  	s0 =	sadd.s32 $0x8F2B, s0  }
0xc5: {  	[sflag:s0] =	ssyncadd.remote.s32 $0x1  }
0xc6: {  	_ =	sfence.sel $0xFFFF  }
0xc7: {  	[dreg:$0x0] =	wrdreg $0xFFFFFFFF;
	(pc) =	sbr.abs _section_cstart, $3  }
0xc8: {  	[dreg:$0x1] =	wrdreg $0xFFFFFFFF  }
0xc9: {  	_ =	task.clear_ibuf [dreg:s11], $0x2FFFF;
	_ =	strace $0x9FFFFFFF  }
0xca: {  	(tm) =	ssettm $0x7FFFFFFF  }
0xcb: {  	_ =	shalt  }
tec
execute0_lowered:
.L_overlay_start_1:
0x0: {  	(tag) =	ssettag $0x1  }
0x1: {  	v0 =	vimm.s32 $0xEFCDAB89;
	v1 =	vimm.s32 $0x67452301  }
0x2: {  	v2 =	vimm.s32 $0x62432001;
	v4 =	vimm.s32 $0xE6C7A485;
	vm8 =	vcmask $0xF00  }
0x3: {  	vm0 =	vcmask $0x1F10;
	v56 =	vlaneseq.u32;
	vm7 =	vcmask $0x2320  }
0x4: {  	vm6 =	vcmask $0x2724;
	v0 =	vunpack.c.l.s4.s8 v0;
	v2 =	vunpack.c.0.s8.s32 v2  }
0x5: {  	vm5 =	vcmask $0x2B28;
	v3 =	vunpack.c.l.s4.s8 v1;
	v4 =	vunpack.c.0.s8.s32 v4  }
0x6: {  	vm2 =	vcmask $0x2F2C;
	v1 =	vunpack.c.0.s8.s32 v0;
	v2 =	vand.u32 $0xFF, v2  }
0x7: {  	v0 =	vunpack.c.0.s8.s32 v3;
	v3 =	vand.u32 $0xFF, v4;
	v2 =	vnsel vm8, $0x1EE, v2  }
0x8: {  	vm1 =	vcmask $0x3330;
	v5 =	vimm.s32 $0xDCFE98BA;
	v2 =	vsel vm0, v3, v2  }
0x9: {  	v6 =	vimm.s32 $0x54761032;
	vm3 =	vcmask $0x3734;
	v2 =	vsel vm7, $0x109, v2  }
0xa: {  	vm4 =	vcmask $0x3B38;
	v3 =	vcombine.low v0, v1;
	v2 =	vsel vm6, $0x128, v2  }
0xb: {  	v9 =	vimm.s32 $0xBA98FEDC;
	v10 =	vimm.s32 $0x32107654;
	v2 =	vsel vm5, $0x14B, v2  }
0xc: {  	v58 =	vand.u32 $0xF, v3;
	v3 =	vimm.s32 $0x61402302;
	v2 =	vsel vm2, $0x16A, v2  }
0xd: {  	v12 =	vimm.s32 $0xAB89EFCD;
	v4 =	vsel vm1, $0x18D, v2;
	v2 =	vunpack.c.0.s8.s32 v3  }
0xe: {  	v13 =	vimm.s32 $0x23016745;
	v5 =	vunpack.c.l.s4.s8 v5;
	v3 =	vimm.s32 $0xE5C4A786  }
0xf: {  	v6 =	vunpack.c.l.s4.s8 v6;
	v3 =	vunpack.c.0.s8.s32 v3;
	v2 =	vand.u32 $0xFF, v2  }
0x10: {  	v9 =	vunpack.c.l.s4.s8 v9;
	v10 =	vunpack.c.l.s4.s8 v10;
	v7 =	vnsel vm8, $0x1ED, v2  }
0x11: {  	v8 =	vand.u32 $0xFF, v3;
	v3 =	vunpack.c.0.s8.s32 v5;
	v2 =	vunpack.c.0.s8.s32 v6  }
0x12: {  	v4 =	vsel vm3, $0x1AC, v4;
	v5 =	vsel vm0, v8, v7;
	v7 =	vimm.s32 $0x60412203  }
0x13: {  	v5 =	vsel vm7, $0x10A, v5;
	v6 =	vcombine.low v2, v3;
	v7 =	vunpack.c.0.s8.s32 v7  }
0x14: {  	v59 =	vsel vm4, $0x1CF, v4;
	v8 =	vimm.s32 $0xE4C5A687;
	v5 =	vsel vm6, $0x12B, v5  }
0x15: {  	v5 =	vsel vm5, $0x148, v5;
	v60 =	vand.u32 $0xF, v6;
	v6 =	vand.u32 $0xFF, v7  }
0x16: {  	v7 =	vimm.s32 $0xCDEF89AB;
	v4 =	vsel vm2, $0x169, v5;
	v5 =	vunpack.c.0.s8.s32 v8  }
0x17: {  	v12 =	vunpack.c.l.s4.s8 v12;
	v6 =	vnsel vm8, $0x1EC, v6;
	v7 =	vunpack.c.l.s4.s8 v7  }
0x18: {  	v8 =	vimm.s32 $0x45670123;
	v4 =	vsel vm1, $0x18E, v4;
	v5 =	vand.u32 $0xFF, v5  }
0x19: {  	v4 =	vsel vm3, $0x1AF, v4;
	v5 =	vsel vm0, v5, v6;
	v6 =	vunpack.c.l.s4.s8 v8  }
0x1a: {  	v7 =	vunpack.c.0.s8.s32 v7;
	v61 =	vsel vm4, $0x1CC, v4;
	v5 =	vsel vm7, $0x10B, v5  }
0x1b: {  	v4 =	vsel vm6, $0x12A, v5;
	v5 =	vunpack.c.0.s8.s32 v6;
	v6 =	vimm.s32 $0x67462504  }
0x1c: {  	v8 =	vimm.s32 $0xE3C2A180;
	v4 =	vsel vm5, $0x149, v4;
	v6 =	vunpack.c.0.s8.s32 v6  }
0x1d: {  	v9 =	vunpack.c.0.s8.s32 v9;
	v8 =	vunpack.c.0.s8.s32 v8;
	v4 =	vsel vm2, $0x168, v4  }
0x1e: {  	v11 =	vcombine.low v5, v7;
	v4 =	vsel vm1, $0x18F, v4;
	v6 =	vand.u32 $0xFF, v6  }
0x1f: {  	v8 =	vand.u32 $0xFF, v8;
	v6 =	vnsel vm8, $0x1EB, v6;
	v4 =	vsel vm3, $0x1AE, v4  }
0x20: {  	v62 =	vand.u32 $0xF, v11;
	v11 =	vimm.s32 $0xE2C3A081;
	v6 =	vsel vm0, v8, v6  }
0x21: {  	v8 =	vunpack.c.0.s8.s32 v10;
	v63 =	vsel vm4, $0x1CD, v4;
	v6 =	vsel vm7, $0x10C, v6  }
0x22: {  	v11 =	vunpack.c.0.s8.s32 v11;
	v4 =	vsel vm6, $0x12D, v6;
	v6 =	vimm.s32 $0x66472405  }
0x23: {  	v10 =	vcombine.low v8, v9;
	v4 =	vsel vm5, $0x14E, v4;
	v6 =	vunpack.c.0.s8.s32 v6  }
0x24: {  	v13 =	vunpack.c.l.s4.s8 v13;
	v11 =	vand.u32 $0xFF, v11;
	v4 =	vsel vm2, $0x16F, v4  }
0x25: {  	v45 =	vand.u32 $0xF, v10;
	v6 =	vand.u32 $0xFF, v6;
	v14 =	vsel vm1, $0x188, v4  }
0x26: {  	v4 =	vunpack.c.0.s8.s32 v13;
	v15 =	vnsel vm8, $0x1EA, v6;
	v6 =	vunpack.c.0.s8.s32 v12  }
0x27: {  	v13 =	vimm.s32 $0x65442706;
	v10 =	vsel vm3, $0x1A9, v14;
	v11 =	vsel vm0, v11, v15  }
0x28: {  	v13 =	vunpack.c.0.s8.s32 v13;
	v11 =	vsel vm7, $0x10D, v11;
	v12 =	vcombine.low v4, v6  }
0x29: {  	v14 =	vimm.s32 $0xE1C0A382;
	v21 =	vsel vm4, $0x1CA, v10;
	v11 =	vsel vm6, $0x12C, v11  }
0x2a: {  	v11 =	vsel vm5, $0x14F, v11;
	v27 =	vand.u32 $0xF, v12;
	v12 =	vand.u32 $0xFF, v13  }
0x2b: {  	v13 =	vimm.s32 $0x98BADCFE;
	v10 =	vsel vm2, $0x16E, v11;
	v11 =	vunpack.c.0.s8.s32 v14  }
0x2c: {  	v16 =	vimm.s32 $0xE0C1A283;
	v12 =	vnsel vm8, $0x1E9, v12;
	v13 =	vunpack.c.l.s4.s8 v13  }
0x2d: {  	v14 =	vimm.s32 $0x10325476;
	v10 =	vsel vm1, $0x189, v10;
	v11 =	vand.u32 $0xFF, v11  }
0x2e: {  	v10 =	vsel vm3, $0x1A8, v10;
	v11 =	vsel vm0, v11, v12;
	v12 =	vunpack.c.l.s4.s8 v14  }
0x2f: {  	v16 =	vunpack.c.0.s8.s32 v16;
	v50 =	vsel vm4, $0x1CB, v10;
	v14 =	vsel vm7, $0x10E, v11  }
0x30: {  	v11 =	vunpack.c.0.s8.s32 v13;
	v13 =	vsel vm6, $0x12F, v14;
	v10 =	vunpack.c.0.s8.s32 v12  }
0x31: {  	v14 =	vimm.s32 $0x1234567;
	v12 =	vsel vm5, $0x14C, v13;
	v13 =	vimm.s32 $0x89ABCDEF  }
0x32: {  	v15 =	vimm.s32 $0x64452607;
	v14 =	vunpack.c.l.s4.s8 v14;
	v13 =	vunpack.c.l.s4.s8 v13  }
0x33: {  	v16 =	vand.u32 $0xFF, v16;
	v1 =	vand.u32 $0xF, v1;
	v15 =	vunpack.c.0.s8.s32 v15  }
0x34: {  	v12 =	vsel vm2, $0x16D, v12;
	v14 =	vunpack.c.0.s8.s32 v14;
	v13 =	vunpack.c.0.s8.s32 v13  }
0x35: {  	v24 =	vcombine.low v1, v0;
	v15 =	vand.u32 $0xFF, v15;
	v12 =	vsel vm1, $0x18A, v12  }
0x36: {  	v15 =	vnsel vm8, $0x1E8, v15;
	v12 =	vsel vm3, $0x1AB, v12;
	v13 =	vcombine.low v14, v13  }
0x37: {  	v34 =	vsel vm4, $0x1C8, v12;
	v14 =	vsel vm0, v16, v15;
	v15 =	vimm.s32 $0x76543210  }
0x38: {  	v12 =	vsel vm7, $0x10F, v14;
	v25 =	vand.u32 $0xF, v13;
	v13 =	vimm.s32 $0x6B4A2908  }
0x39: {  	v14 =	vimm.s32 $0xEFCEAD8C;
	v12 =	vsel vm6, $0x12E, v12;
	v13 =	vunpack.c.0.s8.s32 v13  }
0x3a: {  	v16 =	vimm.s32 $0xFEDCBA98;
	v14 =	vunpack.c.0.s8.s32 v14;
	v12 =	vsel vm5, $0x14D, v12  }
0x3b: {  	v15 =	vunpack.c.l.s4.s8 v15;
	v12 =	vsel vm2, $0x16C, v12;
	v13 =	vand.u32 $0xFF, v13  }
0x3c: {  	v14 =	vand.u32 $0xFF, v14;
	v12 =	vsel vm1, $0x18B, v12;
	v13 =	vnsel vm8, $0x1E7, v13  }
0x3d: {  	v16 =	vunpack.c.l.s4.s8 v16;
	v12 =	vsel vm3, $0x1AA, v12;
	v13 =	vsel vm0, v14, v13  }
0x3e: {  	v33 =	vsel vm4, $0x1C9, v12;
	v12 =	vunpack.c.0.s8.s32 v15;
	v13 =	vsel vm7, $0x100, v13  }
0x3f: {  	v14 =	vunpack.c.0.s8.s32 v16;
	v15 =	vimm.s32 $0x6A4B2809;
	v13 =	vsel vm6, $0x121, v13  }
0x40: {  	v16 =	vimm.s32 $0xEECFAC8D;
	v15 =	vunpack.c.0.s8.s32 v15;
	v13 =	vsel vm5, $0x142, v13  }
0x41: {  	v16 =	vunpack.c.0.s8.s32 v16;
	v14 =	vand.u32 $0xF, v14;
	v13 =	vsel vm2, $0x163, v13  }
0x42: {  	v35 =	vcombine.low v14, v12;
	v12 =	vsel vm1, $0x184, v13;
	v13 =	vand.u32 $0xFF, v15  }
0x43: {  	v14 =	vand.u32 $0xFF, v16;
	v12 =	vsel vm3, $0x1A5, v12;
	v13 =	vnsel vm8, $0x1E6, v13  }
0x44: {  	v22 =	vsel vm4, $0x1C6, v12;
	v12 =	vsel vm0, v14, v13;
	v13 =	vimm.s32 $0x69482B0A  }
0x45: {  	v14 =	vimm.s32 $0xEDCCAF8E;
	v12 =	vsel vm7, $0x101, v12;
	v13 =	vunpack.c.0.s8.s32 v13  }
0x46: {  	v3 =	vand.u32 $0xF, v3;
	v14 =	vunpack.c.0.s8.s32 v14;
	v12 =	vsel vm6, $0x120, v12  }
0x47: {  	v17 =	vcombine.low v10, v11;
	v0 =	vsel vm5, $0x143, v12;
	v1 =	vand.u32 $0xFF, v13  }
0x48: {  	v12 =	vand.u32 $0xFF, v14;
	v13 =	vimm.s32 $0xECCDAE8F;
	v1 =	vnsel vm8, $0x1E5, v1  }
0x49: {  	v0 =	vsel vm2, $0x162, v0;
	v1 =	vsel vm0, v12, v1;
	v12 =	vimm.s32 $0x68492A0B  }
0x4a: {  	v0 =	vsel vm1, $0x185, v0;
	v1 =	vsel vm7, $0x102, v1;
	v12 =	vunpack.c.0.s8.s32 v12  }
0x4b: {  	v13 =	vunpack.c.0.s8.s32 v13;
	v0 =	vsel vm3, $0x1A4, v0;
	v1 =	vsel vm6, $0x123, v1  }
0x4c: {  	v29 =	vsel vm4, $0x1C7, v0;
	v0 =	vsel vm5, $0x140, v1;
	v1 =	vand.u32 $0xFF, v12  }
0x4d: {  	v12 =	vand.u32 $0xFF, v13;
	v0 =	vsel vm2, $0x161, v0;
	v1 =	vnsel vm8, $0x1E4, v1  }
0x4e: {  	v52 =	vand.u32 $0xF, v17;
	v0 =	vsel vm1, $0x186, v0;
	v1 =	vsel vm0, v12, v1  }
0x4f: {  	v16 =	vcombine.low v3, v2;
	v0 =	vsel vm3, $0x1A7, v0;
	v1 =	vsel vm7, $0x103, v1  }
0x50: {  	v38 =	vsel vm4, $0x1C4, v0;
	v0 =	vsel vm6, $0x122, v1;
	v1 =	vimm.s32 $0x6F4E2D0C  }
0x51: {  	v2 =	vimm.s32 $0xEBCAA988;
	v0 =	vsel vm5, $0x141, v0;
	v1 =	vunpack.c.0.s8.s32 v1  }
0x52: {  	v3 =	vand.u32 $0xF, v7;
	v2 =	vunpack.c.0.s8.s32 v2;
	v0 =	vsel vm2, $0x160, v0  }
0x53: {  	v31 =	vcombine.low v3, v5;
	v0 =	vsel vm1, $0x187, v0;
	v1 =	vand.u32 $0xFF, v1  }
0x54: {  	v2 =	vand.u32 $0xFF, v2;
	v0 =	vsel vm3, $0x1A6, v0;
	v1 =	vnsel vm8, $0x1E3, v1  }
0x55: {  	v36 =	vsel vm4, $0x1C5, v0;
	v0 =	vsel vm0, v2, v1;
	v1 =	vimm.s32 $0x6E4F2C0D  }
0x56: {  	v3 =	vand.u32 $0xF, v9;
	v2 =	vimm.s32 $0xEACBA889;
	v1 =	vunpack.c.0.s8.s32 v1  }
0x57: {  	v55 =	vcombine.low v3, v8;
	v0 =	vsel vm7, $0x104, v0;
	v2 =	vunpack.c.0.s8.s32 v2  }
0x58: {  	v3 =	vimm.s32 $0x6D4C2F0E;
	v0 =	vsel vm6, $0x125, v0;
	v1 =	vand.u32 $0xFF, v1  }
0x59: {  	v0 =	vsel vm5, $0x146, v0;
	v2 =	vand.u32 $0xFF, v2;
	v1 =	vnsel vm8, $0x1E2, v1  }
0x5a: {  	v1 =	vsel vm0, v2, v1;
	v2 =	vunpack.c.0.s8.s32 v3;
	v3 =	vimm.s32 $0xE9C8AB8A  }
0x5b: {  	v0 =	vsel vm2, $0x167, v0;
	v1 =	vsel vm7, $0x105, v1;
	v3 =	vunpack.c.0.s8.s32 v3  }
0x5c: {  	v0 =	vsel vm1, $0x180, v0;
	v1 =	vsel vm6, $0x124, v1;
	v2 =	vand.u32 $0xFF, v2  }
0x5d: {  	v1 =	vsel vm5, $0x147, v1;
	v2 =	vnsel vm8, $0x1E1, v2;
	v3 =	vand.u32 $0xFF, v3  }
0x5e: {  	v0 =	vsel vm3, $0x1A1, v0;
	v1 =	vsel vm2, $0x166, v1;
	v2 =	vsel vm0, v3, v2  }
0x5f: {  	v54 =	vsel vm4, $0x1C2, v0;
	v0 =	vsel vm1, $0x181, v1;
	v1 =	vsel vm7, $0x106, v2  }
0x60: {  	v3 =	vimm.s32 $0xF6D7B495;
	v0 =	vsel vm3, $0x1A0, v0;
	v1 =	vsel vm6, $0x127, v1  }
0x61: {  	v2 =	vand.u32 $0xF, v6;
	v53 =	vsel vm4, $0x1C3, v0;
	v0 =	vsel vm5, $0x144, v1  }
0x62: {  	v39 =	vcombine.low v2, v4;
	v2 =	vimm.s32 $0x72533011;
	v0 =	vsel vm2, $0x165, v0  }
0x63: {  	v1 =	vand.u32 $0xF, v11;
	v2 =	vunpack.c.0.s8.s32 v2;
	v0 =	vsel vm1, $0x182, v0  }
0x64: {  	v17 =	vcombine.low v1, v10;
	v1 =	vunpack.c.0.s8.s32 v3;
	v0 =	vsel vm3, $0x1A3, v0  }
0x65: {  	v3 =	vmul.u32 $0xFFFFFFFF, v56;
	v48 =	vsel vm4, $0x1C0, v0;
	v0 =	vand.u32 $0xFF, v2  }
0x66: {  	v1 =	vand.u32 $0xFF, v1;
	v0 =	vnsel vm8, $0x1FE, v0  }
0x67: {  	v47 =	vadd.s32 $0xF, v3;
	v0 =	vsel vm0, v1, v0  }
0x68: {  	[tilespmem:$0x1FBD0] =	vst v3;
	v3 =	vimm.s32 $0xF5D4B796;
	v2 =	vimm.s32 $0x1A1B1819;
	v0 =	vsel vm7, $0x119, v0  }
0x69: {  	v12 =	vunpack.c.0.s8.s32 v2;
	v2 =	vimm.s32 $0x12131011;
	v0 =	vsel vm6, $0x138, v0  }
0x6a: {  	v1 =	vimm.s32 $0x1E1F1C1D;
	v14 =	vunpack.c.0.s8.s32 v2;
	v0 =	vsel vm5, $0x15B, v0  }
0x6b: {  	v2 =	vimm.s32 $0x71503312;
	v13 =	vunpack.c.0.s8.s32 v1;
	v0 =	vsel vm2, $0x17A, v0  }
0x6c: {  	v1 =	vimm.s32 $0x16171415;
	v2 =	vunpack.c.0.s8.s32 v2;
	v0 =	vsel vm1, $0x19D, v0  }
0x6d: {  	v15 =	vunpack.c.0.s8.s32 v1;
	v1 =	vunpack.c.0.s8.s32 v3;
	v0 =	vsel vm3, $0x1BC, v0  }
0x6e: {  	v2 =	vand.u32 $0xFF, v2;
	v0 =	vsel vm4, $0x1DF, v0  }
0x6f: {  	v2 =	vnsel vm8, $0x1FD, v2;
	v1 =	vand.u32 $0xFF, v1;
	[tilespmem:$0x1FBF0] =	vst v0;
	v0 =	vimm.s32 $0x19181B1A  }
0x70: {  	v32 =	vunpack.c.0.s8.s32 v0;
	v0 =	vsel vm0, v1, v2  }
0x71: {  	v0 =	vsel vm7, $0x11A, v0  }
0x72: {  	v0 =	vsel vm6, $0x13B, v0  }
0x73: {  	v0 =	vsel vm5, $0x158, v0  }
0x74: {  	v0 =	vsel vm2, $0x179, v0  }
0x75: {  	v0 =	vsel vm1, $0x19E, v0  }
0x76: {  	v0 =	vsel vm3, $0x1BF, v0  }
0x77: {  	v51 =	vsel vm4, $0x1DC, v0;
	v0 =	vimm.s32 $0x18191A1B  }
0x78: {  	v3 =	vimm.s32 $0x1D1C1F1E;
	v1 =	vimm.s32 $0x11101312;
	v0 =	vunpack.c.0.s8.s32 v0  }
0x79: {  	v20 =	vunpack.c.0.s8.s32 v3;
	v2 =	vimm.s32 $0x70513213;
	v1 =	vunpack.c.0.s8.s32 v1  }
0x7a: {  	v3 =	vimm.s32 $0xF4D5B697;
	v2 =	vunpack.c.0.s8.s32 v2;
	[tilespmem:$0x1FC20] =	vst v0;
	v0 =	vimm.s32 $0x1C1D1E1F  }
0x7b: {  	[tilespmem:$0x1FC00] =	vst v1;
	v1 =	vunpack.c.0.s8.s32 v3;
	v0 =	vunpack.c.0.s8.s32 v0  }
0x7c: {  	v2 =	vand.u32 $0xFF, v2  }
0x7d: {  	v2 =	vnsel vm8, $0x1FC, v2;
	v1 =	vand.u32 $0xFF, v1;
	[tilespmem:$0x1FC30] =	vst v0;
	v0 =	vimm.s32 $0x10111213  }
0x7e: {  	v1 =	vsel vm0, v1, v2;
	v0 =	vunpack.c.0.s8.s32 v0  }
0x7f: {  	v1 =	vsel vm7, $0x11B, v1  }
0x80: {  	v1 =	vsel vm6, $0x13A, v1;
	[tilespmem:$0x1FC40] =	vst v0;
	v0 =	vimm.s32 $0x14151617  }
0x81: {  	v1 =	vsel vm5, $0x159, v1;
	v0 =	vunpack.c.0.s8.s32 v0  }
0x82: {  	v1 =	vsel vm2, $0x178, v1  }
0x83: {  	[tilespmem:$0x1FC50] =	vst v0;
	v0 =	vsel vm1, $0x19F, v1  }
0x84: {  	v0 =	vsel vm3, $0x1BE, v0  }
0x85: {  	v7 =	vimm.s32 $0x7A5B3819;
	v5 =	vimm.s32 $0x74553617;
	v0 =	vsel vm4, $0x1DD, v0  }
0x86: {  	v4 =	vmul.u32 $0x1F, v56;
	v1 =	vimm.s32 $0x77563514;
	[tilespmem:$0x1FC60] =	vst v0;
	v0 =	vimm.s32 $0x1F1E1D1C  }
0x87: {  	v2 =	vimm.s32 $0xF3D2B190;
	v1 =	vunpack.c.0.s8.s32 v1;
	v0 =	vunpack.c.0.s8.s32 v0  }
0x88: {  	v19 =	vadd.s32 $0xF, v4;
	v3 =	vimm.s32 $0x15141716;
	v2 =	vunpack.c.0.s8.s32 v2  }
0x89: {  	v3 =	vunpack.c.0.s8.s32 v3;
	v1 =	vand.u32 $0xFF, v1;
	[tilespmem:$0x1FC70] =	vst v0;
	v0 =	vimm.s32 $0x1B1A1918  }
0x8a: {  	[tilespmem:$0x1FBE0] =	vst v4;
	v2 =	vand.u32 $0xFF, v2;
	v1 =	vnsel vm8, $0x1FB, v1;
	v0 =	vunpack.c.0.s8.s32 v0  }
0x8b: {  	v4 =	vimm.s32 $0x17161514;
	[tilespmem:$0x1FC10] =	vst v3;
	v3 =	vimm.s32 $0x76573415;
	v1 =	vsel vm0, v2, v1  }
0x8c: {  	v2 =	vunpack.c.0.s8.s32 v3;
	v3 =	vimm.s32 $0x75543716;
	[tilespmem:$0x1FC80] =	vst v0;
	v0 =	vunpack.c.0.s8.s32 v4  }
0x8d: {  	v9 =	vimm.s32 $0x78593A1B;
	v3 =	vunpack.c.0.s8.s32 v3;
	v4 =	vimm.s32 $0xF1D0B392  }
0x8e: {  	[tilespmem:$0x1FC90] =	vst v0;
	v0 =	vsel vm7, $0x11C, v1;
	v1 =	vand.u32 $0xFF, v2;
	v2 =	vimm.s32 $0xF2D3B091  }
0x8f: {  	v3 =	vand.u32 $0xFF, v3;
	v4 =	vunpack.c.0.s8.s32 v4;
	v2 =	vunpack.c.0.s8.s32 v2  }
0x90: {  	v5 =	vunpack.c.0.s8.s32 v5;
	v8 =	vimm.s32 $0x79583B1A;
	v3 =	vnsel vm8, $0x1F9, v3  }
0x91: {  	v1 =	vnsel vm8, $0x1FA, v1;
	v4 =	vand.u32 $0xFF, v4;
	v2 =	vand.u32 $0xFF, v2  }
0x92: {  	v1 =	vsel vm0, v2, v1;
	v2 =	vsel vm0, v4, v3;
	v3 =	vimm.s32 $0xF0D1B293  }
0x93: {  	v4 =	vand.u32 $0xFF, v5;
	v5 =	vimm.s32 $0x7B5A3918;
	v3 =	vunpack.c.0.s8.s32 v3  }
0x94: {  	v9 =	vunpack.c.0.s8.s32 v9;
	v6 =	vimm.s32 $0xFFDEBD9C;
	v5 =	vunpack.c.0.s8.s32 v5  }
0x95: {  	v6 =	vunpack.c.0.s8.s32 v6;
	v4 =	vnsel vm8, $0x1F8, v4;
	v3 =	vand.u32 $0xFF, v3  }
0x96: {  	v3 =	vsel vm0, v3, v4;
	v4 =	vand.u32 $0xFF, v5;
	v5 =	vunpack.c.0.s8.s32 v7  }
0x97: {  	v9 =	vand.u32 $0xFF, v9;
	v6 =	vand.u32 $0xFF, v6;
	v7 =	vimm.s32 $0xFEDFBC9D  }
0x98: {  	v4 =	vnsel vm8, $0x1F7, v4;
	v7 =	vunpack.c.0.s8.s32 v7;
	v5 =	vand.u32 $0xFF, v5  }
0x99: {  	v4 =	vsel vm0, v6, v4;
	v6 =	vunpack.c.0.s8.s32 v8;
	v8 =	vimm.s32 $0xFDDCBF9E  }
0x9a: {  	v5 =	vnsel vm8, $0x1F6, v5;
	v7 =	vand.u32 $0xFF, v7;
	v8 =	vunpack.c.0.s8.s32 v8  }
0x9b: {  	v6 =	vand.u32 $0xFF, v6;
	v5 =	vsel vm0, v7, v5;
	v7 =	vimm.s32 $0xFCDDBE9F  }
0x9c: {  	v6 =	vnsel vm8, $0x1F5, v6;
	v8 =	vand.u32 $0xFF, v8;
	v7 =	vunpack.c.0.s8.s32 v7  }
0x9d: {  	v6 =	vsel vm0, v8, v6;
	v8 =	vnsel vm8, $0x1F4, v9;
	v9 =	vimm.s32 $0x7F5E3D1C  }
0x9e: {  	v10 =	vimm.s32 $0xFBDAB998;
	v7 =	vand.u32 $0xFF, v7;
	v9 =	vunpack.c.0.s8.s32 v9  }
0x9f: {  	v7 =	vsel vm0, v7, v8;
	v8 =	vunpack.c.0.s8.s32 v10;
	v10 =	vimm.s32 $0x7E5F3C1D  }
0xa0: {  	v11 =	vimm.s32 $0xFADBB899;
	v9 =	vand.u32 $0xFF, v9;
	v10 =	vunpack.c.0.s8.s32 v10  }
0xa1: {  	v11 =	vunpack.c.0.s8.s32 v11;
	v9 =	vnsel vm8, $0x1F3, v9;
	v8 =	vand.u32 $0xFF, v8  }
0xa2: {  	v8 =	vsel vm0, v8, v9;
	v9 =	vand.u32 $0xFF, v10  }
0xa3: {  	v10 =	vand.u32 $0xFF, v11;
	v11 =	vimm.s32 $0x7D5C3F1E;
	v9 =	vnsel vm8, $0x1F2, v9  }
0xa4: {  	v9 =	vsel vm0, v10, v9;
	v10 =	vunpack.c.0.s8.s32 v11;
	v11 =	vimm.s32 $0xF9D8BB9A  }
0xa5: {  	v11 =	vunpack.c.0.s8.s32 v11  }
0xa6: {  	v10 =	vand.u32 $0xFF, v10  }
0xa7: {  	s4 =	rddreg [dreg:$0x0];
	v10 =	vnsel vm8, $0x1F1, v10;
	v11 =	vand.u32 $0xFF, v11  }
0xa8: {  	s5 =	rddreg [dreg:$0x1];
	v0 =	vsel vm6, $0x13D, v0;
	v10 =	vsel vm0, v11, v10;
	v11 =	vimm.s32 $0x13121110  }
0xa9: {  	s6 =	rddreg [dreg:$0x2];
	v0 =	vsel vm5, $0x15E, v0;
	v11 =	vunpack.c.0.s8.s32 v11  }
0xaa: {  	s10 =	rddreg [dreg:$0x3];
	s7 =	simm.s32 $0x0;
	v0 =	vsel vm2, $0x17F, v0  }
0xab: {  	[smem:$0x7FF] =	sst s7;
	v0 =	vsel vm1, $0x198, v0;
	[tilespmem:$0x1FCA0] =	vst v11  }
0xac: {  	s0 =	rddreg [dreg:$0x5];
	v1 =	vsel vm7, $0x11D, v1;
	v0 =	vsel vm3, $0x1B9, v0;
	_ =	strace $0x8000004A;
	[tilespmem:$0x1FCB0] =	vst v12  }
0xad: {  	v1 =	vsel vm6, $0x13C, v1;
	v37 =	vsel vm4, $0x1DA, v0;
	v0 =	vsel vm7, $0x11E, v2;
	[tilespmem:$0x1FCC0] =	vst v13  }
0xae: {  	v1 =	vsel vm5, $0x15F, v1;
	v0 =	vsel vm6, $0x13F, v0;
	[tilespmem:$0x1FCD0] =	vst v14  }
0xaf: {  	v1 =	vsel vm2, $0x17E, v1;
	v0 =	vsel vm5, $0x15C, v0;
	[tilespmem:$0x1FCE0] =	vst v15  }
0xb0: {  	v1 =	vsel vm1, $0x199, v1;
	v0 =	vsel vm2, $0x17D, v0;
	[tilespmem:$0x1FD10] =	vst v32  }
0xb1: {  	v1 =	vsel vm3, $0x1B8, v1;
	v0 =	vsel vm1, $0x19A, v0;
	[tilespmem:$0x1FD20] =	vst v20  }
0xb2: {  	v0 =	vsel vm3, $0x1BB, v0;
	v11 =	vsel vm4, $0x1DB, v1;
	[tilespmem:$0x1FD30] =	vst v17  }
0xb3: {  	v1 =	vsel vm7, $0x11F, v3;
	v3 =	vsel vm4, $0x1D8, v0;
	[tilespmem:$0x1FD40] =	vst v11  }
0xb4: {  	v28 =	vsel vm0, v20, v32;
	v2 =	vsel vm7, $0x110, v4;
	[tilespmem:$0x1FD50] =	vst v3  }
0xb5: {  	v2 =	vsel vm6, $0x131, v2;
	[tilespmem:$0x1FD70] =	vst v28  }
0xb6: {  	v57 =	vmul.u32 $0x21, v56;
	v2 =	vsel vm5, $0x152, v2;
	[tilespmem:$0x1FD80] =	vst v47  }
0xb7: {  	v23 =	vor.u32 $0x10, v56;
	v2 =	vsel vm2, $0x173, v2;
	[tilespmem:$0x1FD90] =	vst v19  }
0xb8: {  	v26 =	vadd.s32 $0x10, v57;
	v2 =	vsel vm1, $0x194, v2;
	[tilespmem:$0x1FDF0] =	vst v23  }
0xb9: {  	v2 =	vsel vm3, $0x1B5, v2;
	[tilespmem:$0x1FE00] =	vst v26  }
0xba: {  	v42 =	vsel vm4, $0x1D6, v2;
	[tilespmem:$0x1FE20] =	vst v51  }
0xbb: {  	[tilespmem:$0x1FE30] =	vst v42  }
0xbc: {  	[tilespmem:$0x1FE40] =	vst v37  }
0xbd: {  	[tilespmem:$0x1FE60] =	vst v48  }
0xbe: {  	[tilespmem:$0x1FE70] =	vst v36  }
0xbf: {  	[tilespmem:$0x1FE80] =	vst v55  }
0xc0: {  	[tilespmem:$0x1FE90] =	vst v54  }
0xc1: {  	[tilespmem:$0x1FEA0] =	vst v39  }
0xc2: {  	[tilespmem:$0x1FEB0] =	vst v53  }
0xc3: {  	[tilespmem:$0x1FEC0] =	vst v31  }
0xc4: {  	[tilespmem:$0x1FED0] =	vst v57  }
0xc5: {  	[tilespmem:$0x1FEE0] =	vst v21  }
0xc6: {  	[tilespmem:$0x1FEF0] =	vst v27  }
0xc7: {  	[tilespmem:$0x1FF00] =	vst v34  }
0xc8: {  	v0 =	vsel vm7, $0x111, v5;
	v5 =	vmov v22;
	[tilespmem:$0x1FF10] =	vst v33  }
0xc9: {  	v2 =	vsel vm7, $0x113, v7;
	v7 =	vmov v29;
	[tilespmem:$0x1FF20] =	vst v5  }
0xca: {  	[tilespmem:$0x1FF30] =	vst v7  }
0xcb: {  	[tilespmem:$0x1FF40] =	vst v58  }
0xcc: {  	v2 =	vsel vm6, $0x132, v2;
	v1 =	vsel vm6, $0x13E, v1;
	v0 =	vsel vm6, $0x130, v0;
	[tilespmem:$0x1FF50] =	vst v59  }
0xcd: {  	v2 =	vsel vm5, $0x151, v2;
	[tilespmem:$0x1FF60] =	vst v60;
	v1 =	vsel vm5, $0x15D, v1;
	v0 =	vsel vm5, $0x153, v0  }
0xce: {  	v2 =	vsel vm2, $0x170, v2;
	[tilespmem:$0x1FF80] =	vst v61;
	v1 =	vsel vm2, $0x17C, v1;
	v0 =	vsel vm2, $0x172, v0  }
0xcf: {  	v2 =	vsel vm1, $0x197, v2;
	[tilespmem:$0x1FF90] =	vst v16;
	v1 =	vsel vm1, $0x19B, v1;
	v0 =	vsel vm1, $0x195, v0  }
0xd0: {  	v2 =	vsel vm3, $0x1B6, v2;
	[tilespmem:$0x1FFA0] =	vst v62;
	v1 =	vsel vm3, $0x1BA, v1;
	v0 =	vsel vm3, $0x1B4, v0  }
0xd1: {  	[tilespmem:$0x1FFB0] =	vst v45;
	v4 =	vsel vm4, $0x1D9, v1;
	v1 =	vsel vm7, $0x112, v6;
	v44 =	vsel vm4, $0x1D7, v0  }
0xd2: {  	[tilespmem:$0x1FFC0] =	vst v50;
	v6 =	vmovc v24;
	v24 =	vsel vm4, $0x1D5, v2;
	v0 =	vsel vm7, $0x114, v8;
	v1 =	vsel vm6, $0x133, v1  }
0xd3: {  	[tilespmem:$0x1FFE0] =	vst v38;
	v2 =	vsel vm7, $0x116, v10;
	v0 =	vsel vm6, $0x135, v0;
	v1 =	vsel vm5, $0x150, v1  }
0xd4: {  	[tilespmem:$0x1FFF0] =	vst v35;
	v2 =	vsel vm6, $0x137, v2;
	v0 =	vsel vm5, $0x156, v0;
	v1 =	vsel vm2, $0x171, v1  }
0xd5: {  	[tilespmem:$0x1FD60] =	vst v4;
	v2 =	vsel vm5, $0x154, v2;
	v0 =	vsel vm2, $0x177, v0;
	v1 =	vsel vm1, $0x196, v1  }
0xd6: {  	[tilespmem:$0x1FDB0] =	vst v24;
	v2 =	vsel vm2, $0x175, v2;
	v0 =	vsel vm1, $0x190, v0;
	v1 =	vsel vm3, $0x1B7, v1  }
0xd7: {  	s1 =	srdreg.scid;
	[tilespmem:$0x1FE50] =	vst v44;
	v0 =	vsel vm3, $0x1B1, v0;
	v22 =	vsel vm4, $0x1D4, v1;
	v1 =	vsel vm7, $0x115, v9  }
0xd8: {  	s2 =	stileid.u32;
	s15 =	simm.s32 $0x3;
	s19 =	simm.s32 $0x1000;
	[tilespmem:$0x1FF70] =	vst v6;
	v9 =	vmovc v25;
	v25 =	vsel vm4, $0x1D2, v0;
	v0 =	vsel vm0, v13, v12;
	v1 =	vsel vm6, $0x134, v1  }
0xd9: {  	s20 =	simm.s32 $0x1020;
	s21 =	simm.s32 $0x1040;
	s22 =	simm.s32 $0x1060;
	v2 =	vsel vm1, $0x192, v2;
	[tilespmem:$0x1FCF0] =	vst v0;
	v1 =	vsel vm5, $0x157, v1  }
0xda: {  	s23 =	simm.s32 $0x1080;
	s24 =	simm.s32 $0x4200;
	s25 =	simm.s32 $0xC200;
	v2 =	vsel vm3, $0x1B3, v2;
	[tilespmem:$0x1FDA0] =	vst v22;
	v1 =	vsel vm2, $0x176, v1  }
0xdb: {  	s28 =	simm.s32 $0x2;
	s29 =	simm.s32 $0x0;
	s1 =	sand.u32 $0x1, s1;
	v8 =	vsel vm4, $0x1D0, v2;
	[tilespmem:$0x1FDC0] =	vst v25;
	v1 =	vsel vm1, $0x191, v1  }
0xdc: {  	s2 =	sshll.u32 s2, $0x6;
	s3 =	sshll.u32 s1, $0x5;
	s1 =	ssub.s32 $0x2, s1;
	[tilespmem:$0x1FDE0] =	vst v8;
	v1 =	vsel vm3, $0x1B0, v1  }
0xdd: {  	s9 =	sadd.s32 $0x1000, s0;
	s8 =	sor.u32 s3, s2;
	s26 =	sshrl.u32 s1, $0x1;
	[tilespmem:$0x1FFD0] =	vst v9;
	v10 =	vsel vm4, $0x1D3, v1;
	v1 =	vsel vm0, v15, v14  }
0xde: {  	s3 =	sshrl.u32 s8, $0x3;
	s30 =	ssub.s32 s1, s26;
	s26 =	simm.s32 $0x1;
	[tilespmem:$0x1FD00] =	vst v1;
	v29 =	vcombine.low v1, v0  }
0xdf: {  	s31 =	sadd.s32 s4, s3;
	s11 =	sadd.s32 s5, s3;
	s12 =	sadd.s32 s6, s3;
	v20 =	vmov v38;
	v12 =	vmov v36;
	[tilespmem:$0x1FDD0] =	vst v10  }
0xe0: {  	s13 =	sadd.s32 s10, s3;
	s14 =	smax.u32 s30, $0x1;
	[dreg:$0x7] =	wrdreg s31;
	v13 =	vmovc v35;
	v2 =	vmovc v33;
	v14 =	vmov v39;
	v0 =	vmov v27;
	v1 =	vmov v34;
	[tilespmem:$0x1FE10] =	vst v29  }
.LBB2_1:
0xe1: {  	s0 =	rddreg [dreg:$0x0]  }
0xe2: {  	[tilespmem:s7], [sflag:$0x3] =	stream.linear.gather [hbm4b:s0+s7], $0x400, $0x38;
	[tilespmem:$0x14200] =	vst v63  }
0xe3: {  	_ =	swait.ge [sflag:s15], $0x400  }
0xe4: {  	[sflag:s15] =	ssyncset.done $0x0  }
0xe5: {  	[sflag:s15] =	ssyncadd.s32 $0xFFFFFC00  }
0xe6: {  	s1 =	simm.s32 $0x400;
	s5 =	rddreg [dreg:$0x1]  }
0xe7: {  	[tilespmem:s1], [sflag:$0x3] =	stream.linear.gather [hbm4b:s5+s7], $0x400, $0x38;
	[tilespmem:$0x14200] =	vst v63  }
0xe8: {  	_ =	swait.ge [sflag:s15], $0x400  }
0xe9: {  	[sflag:s15] =	ssyncset.done $0x0  }
0xea: {  	[sflag:s15] =	ssyncadd.s32 $0xFFFFFC00  }
0xeb: {  	s10 =	simm.s32 $0x800;
	s6 =	rddreg [dreg:$0x2]  }
0xec: {  	[tilespmem:s10], [sflag:$0x3] =	stream.linear.gather [hbm4b:s6+s7], $0x400, $0x38;
	[tilespmem:$0x14200] =	vst v63  }
0xed: {  	_ =	swait.ge [sflag:s15], $0x400  }
0xee: {  	[sflag:s15] =	ssyncset.done $0x0  }
0xef: {  	[sflag:s15] =	ssyncadd.s32 $0xFFFFFC00  }
0xf0: {  	s17 =	simm.s32 $0xC00;
	s16 =	rddreg [dreg:$0x3]  }
0xf1: {  	[tilespmem:s17], [sflag:$0x3] =	stream.linear.gather [hbm4b:s16+s7], $0x400, $0x38;
	[tilespmem:$0x14200] =	vst v63  }
0xf2: {  	_ =	swait.ge [sflag:s15], $0x400  }
0xf3: {  	[sflag:s15] =	ssyncset.done $0x0  }
0xf4: {  	s18 =	rddreg [dreg:$0x7];
	[sflag:s15] =	ssyncadd.s32 $0xFFFFFC00  }
0xf5: {  	[tilespmem:s19], [sflag:$0x3] =	stream.linear.gather [hbm4b:s18+s7], $0x20, $0x38;
	[tilespmem:$0x14200] =	vst v63  }
0xf6: {  	_ =	swait.ge [sflag:s15], $0x20  }
0xf7: {  	[sflag:s15] =	ssyncset.done $0x0  }
0xf8: {  	[sflag:s15] =	ssyncadd.s32 $0xFFFFFFE0  }
0xf9: {  	[tilespmem:s20], [sflag:$0x3] =	stream.linear.gather [hbm4b:s11+s7], $0x20, $0x38;
	[tilespmem:$0x14200] =	vst v63  }
0xfa: {  	_ =	swait.ge [sflag:s15], $0x20  }
0xfb: {  	[sflag:s15] =	ssyncset.done $0x0  }
0xfc: {  	[sflag:s15] =	ssyncadd.s32 $0xFFFFFFE0  }
0xfd: {  	[tilespmem:s21], [sflag:$0x3] =	stream.linear.gather [hbm4b:s12+s7], $0x20, $0x38;
	[tilespmem:$0x14200] =	vst v63  }
0xfe: {  	_ =	swait.ge [sflag:s15], $0x20  }
0xff: {  	[sflag:s15] =	ssyncset.done $0x0  }
0x100: {  	[sflag:s15] =	ssyncadd.s32 $0xFFFFFFE0  }
0x101: {  	[tilespmem:s22], [sflag:$0x3] =	stream.linear.gather [hbm4b:s13+s7], $0x20, $0x38;
	[tilespmem:$0x14200] =	vst v63  }
0x102: {  	_ =	swait.ge [sflag:s15], $0x20  }
0x103: {  	[sflag:s15] =	ssyncset.done $0x0  }
0x104: {  	[sflag:s15] =	ssyncadd.s32 $0xFFFFFFE0  }
0x105: {  	s31 =	rddreg [dreg:$0x4]  }
0x106: {  	[tilespmem:s23], [sflag:$0x3] =	stream.linear.gather [hbm4b:s31+s7], $0x3180, $0x38;
	[tilespmem:$0x14200] =	vst v63  }
0x107: {  	_ =	swait.ge [sflag:s15], $0x3180  }
0x108: {  	[sflag:s15] =	ssyncset.done $0x0  }
0x109: {  	s30 =	simm.s32 $0x0;
	[sflag:s15] =	ssyncadd.s32 $0xFFFFCE80  }
.LBB2_2:
0x10a: {  	s31 =	sshll.u32 s30, $0x1  }
0x10b: {  	v11 =	vmov v0;
	p0 =	seq.s32 s30, $0x0;
	v0 =	vmov s31  }
0x10c: {  	s0 =	simm.s32 @!p0 $0x1;
	v0 =	vand.u32 $0xFFFFFFFE, v0  }
0x10d: {  	_ =	swait.ge @!p0 [sflag:s0], $0x8000;
	v0 =	vbroadcast v0, $0x0  }
0x10e: {  	[sflag:s0] =	ssyncset.done @!p0 $0x0  }
0x10f: {  	s3 =	simm.s32 $0xC10;
	[sflag:s0] =	ssyncadd.s32 @!p0 $0xFFFF8000  }
0x110: {  	s1 =	simm.s32 $0x10;
	v3 =	vld [tilespmem:s3+$0x0]  }
0x111: {  	s5 =	simm.s32 $0x410;
	v4 =	vld [tilespmem:s1+$0xFFFFFFF0]  }
0x112: {  	v37 =	vmov v6;
	v6 =	vld [tilespmem:s5+$0x0]  }
0x113: {  	v10 =	vmov v1;
	v1 =	vld.idx.msk [tilespmem:v0+s19+$0x0], $0xffff  }
0x114: {  	v41 =	vmov v2;
	v2 =	vld.idx.msk [tilespmem:v0+s22+$0x0], $0xffff  }
0x115: {  	v30 =	vld.idx.msk [tilespmem:v0+s20+$0x0], $0xffff  }
0x116: {  	v44 =	vld.idx.msk [tilespmem:v0+s21+$0x0], $0xffff  }
0x117: {  	v0 =	vld [tilespmem:s1+$0x0];
	_ =	sdelay $0x1  }
0x118: {  	v38 =	vsub.s32 $0x2, v2;
	v2 =	vld [tilespmem:s3+$0xFFFFFFF0]  }
0x119: {  	s4 =	simm.s32 $0x810;
	v36 =	vsub.s32 $0x20, v1  }
0x11a: {  	v32 =	vmovc v5;
	v5 =	vld [tilespmem:s4+$0x0];
	vm3 =	veq.s32 v6, v30;
	v3 =	vadd.s32 v38, v3;
	v4 =	vadd.s32 v36, v4  }
0x11b: {  	v1 =	vld [tilespmem:s4+$0xFFFFFFF0];
	v0 =	vadd.s32 v36, v0;
	vm1 =	vgt.s32 v3, $0x0;
	vm2 =	vgt.s32 v4, $0x0  }
0x11c: {  	v27 =	vmovc v7;
	v7 =	vld [tilespmem:s5+$0xFFFFFFF0];
	v3 =	vnsel vm1, $0x0, v3;
	vm1 =	vgt.s32 v0, $0x0;
	v4 =	vnsel vm2, $0x0, v4  }
0x11d: {  	v3 =	vmin.u32 v3, $0x4;
	v0 =	vnsel vm1, $0x0, v0;
	v2 =	vadd.s32 v38, v2  }
0x11e: {  	v4 =	vmin.u32 v4, $0x40;
	v0 =	vmin.u32 v0, $0x40;
	vm1 =	vgt.s32 v2, $0x0  }
0x11f: {  	v0 =	vmul.u32 $0x6, v0;
	v2 =	vnsel vm1, $0x0, v2;
	vm1 =	veq.s32 v5, v44  }
0x120: {  	vm2 =	veq.s32 v1, v44;
	v1 =	vmul.u32 $0x6, v4;
	v3 =	vnsel vm1, $0x5, v3  }
0x121: {  	v0 =	vnsel vm3, $0x186, v0;
	vm1 =	veq.s32 v7, v30;
	v2 =	vmin.u32 v2, $0x4  }
0x122: {  	v0 =	vadd.s32 v0, v3;
	v2 =	vnsel vm2, $0x5, v2;
	v1 =	vnsel vm1, $0x186, v1  }
0x123: {  	v8 =	vshll.u32 v0, $0x5;
	v0 =	vadd.s32 v1, v2  }
0x124: {  	v1 =	vor.u32 v56, v8;
	v33 =	vshll.u32 v0, $0x5  }
0x125: {  	v0 =	vor.u32 v56, v33;
	_ =	sdelay $0x2  }
0x126: {  	s18 =	simm.s32 $0x200  }
0x127: {  	s17 =	simm.s32 $0x0;
	v2 =	vor.u32 s18, v57;
	v1 =	vld.idx.msk [tilespmem:v1+s23+$0x0], $0xffff  }
0x128: {  	v5 =	vor.u32 s17, v57;
	v3 =	vor.u32 v58, v8;
	v0 =	vld.idx.msk [tilespmem:v0+s23+$0x0], $0xffff  }
0x129: {  	v6 =	vor.u32 v58, v33;
	_ =	sdelay $0x2  }
0x12a: {  	[tilespmem:v2+s24+$0x0] =	vst.idx.msk $0xffff, v1  }
0x12b: {  	v2 =	vor.u32 s18, v59;
	v1 =	vld.idx.msk [tilespmem:v3+s23+$0x0], $0xffff;
	[tilespmem:v5+s24+$0x0] =	vst.idx.msk $0xffff, v0  }
0x12c: {  	v0 =	vor.u32 v60, v8;
	v5 =	vor.u32 s17, v59;
	v3 =	vld.idx.msk [tilespmem:v6+s23+$0x0], $0xffff  }
0x12d: {  	v6 =	vor.u32 v60, v33;
	_ =	sdelay $0x2  }
0x12e: {  	[tilespmem:v2+s24+$0x0] =	vst.idx.msk $0xffff, v1  }
0x12f: {  	v1 =	vor.u32 s18, v61;
	v0 =	vld.idx.msk [tilespmem:v0+s23+$0x0], $0xffff;
	[tilespmem:v5+s24+$0x0] =	vst.idx.msk $0xffff, v3  }
0x130: {  	v2 =	vor.u32 v62, v8;
	v5 =	vor.u32 s17, v61;
	v3 =	vld.idx.msk [tilespmem:v6+s23+$0x0], $0xffff  }
0x131: {  	v6 =	vor.u32 v62, v33;
	_ =	sdelay $0x2  }
0x132: {  	[tilespmem:v1+s24+$0x0] =	vst.idx.msk $0xffff, v0  }
0x133: {  	v1 =	vor.u32 s18, v63;
	v0 =	vld.idx.msk [tilespmem:v2+s23+$0x0], $0xffff;
	[tilespmem:v5+s24+$0x0] =	vst.idx.msk $0xffff, v3  }
0x134: {  	v2 =	vor.u32 v45, v8;
	v5 =	vor.u32 s17, v63;
	v3 =	vld.idx.msk [tilespmem:v6+s23+$0x0], $0xffff  }
0x135: {  	v6 =	vor.u32 v45, v33;
	_ =	sdelay $0x2  }
0x136: {  	[tilespmem:v1+s24+$0x0] =	vst.idx.msk $0xffff, v0  }
0x137: {  	v1 =	vor.u32 s18, v21;
	v0 =	vld.idx.msk [tilespmem:v2+s23+$0x0], $0xffff;
	[tilespmem:v5+s24+$0x0] =	vst.idx.msk $0xffff, v3  }
0x138: {  	v2 =	vor.u32 v11, v8;
	v5 =	vor.u32 s17, v21;
	v3 =	vld.idx.msk [tilespmem:v6+s23+$0x0], $0xffff  }
0x139: {  	v6 =	vor.u32 v11, v33;
	_ =	sdelay $0x2  }
0x13a: {  	[tilespmem:v1+s24+$0x0] =	vst.idx.msk $0xffff, v0  }
0x13b: {  	v1 =	vor.u32 s18, v50;
	v0 =	vld.idx.msk [tilespmem:v2+s23+$0x0], $0xffff;
	[tilespmem:v5+s24+$0x0] =	vst.idx.msk $0xffff, v3  }
0x13c: {  	v2 =	vor.u32 v52, v8;
	v5 =	vor.u32 s17, v50;
	v3 =	vld.idx.msk [tilespmem:v6+s23+$0x0], $0xffff  }
0x13d: {  	v6 =	vor.u32 v52, v33;
	_ =	sdelay $0x1  }
0x13e: {  	s2 =	simm.s32 $0x430  }
0x13f: {  	v40 =	vmov v12;
	v12 =	vld [tilespmem:s2+$0xFFFFFFF0];
	[tilespmem:v1+s24+$0x0] =	vst.idx.msk $0xffff, v0  }
0x140: {  	v1 =	vor.u32 s18, v10;
	v0 =	vld.idx.msk [tilespmem:v2+s23+$0x0], $0xffff;
	[tilespmem:v5+s24+$0x0] =	vst.idx.msk $0xffff, v3  }
0x141: {  	s6 =	simm.s32 $0xC30;
	v3 =	vor.u32 v9, v8;
	v5 =	vld.idx.msk [tilespmem:v6+s23+$0x0], $0xffff;
	v6 =	vor.u32 s17, v10  }
0x142: {  	s10 =	simm.s32 $0x30;
	v42 =	vmov v10;
	v7 =	vld [tilespmem:s6+$0x0];
	v10 =	vmov v9;
	v9 =	vor.u32 v9, v33  }
0x143: {  	v35 =	vmov v10;
	v10 =	vld [tilespmem:s10+$0xFFFFFFF0]  }
0x144: {  	s16 =	simm.s32 $0x830;
	v2 =	vld [tilespmem:s6+$0xFFFFFFF0]  }
0x145: {  	v49 =	vmov v11;
	v11 =	vld [tilespmem:s16+$0xFFFFFFF0];
	[tilespmem:v1+s24+$0x0] =	vst.idx.msk $0xffff, v0  }
0x146: {  	v1 =	vor.u32 s18, v41;
	v0 =	vld.idx.msk [tilespmem:v3+s23+$0x0], $0xffff;
	[tilespmem:v6+s24+$0x0] =	vst.idx.msk $0xffff, v5  }
0x147: {  	v5 =	vor.u32 v13, v8;
	v6 =	vld.idx.msk [tilespmem:v9+s23+$0x0], $0xffff;
	v9 =	vor.u32 s17, v41  }
0x148: {  	v15 =	vor.u32 s17, v32;
	v3 =	vadd.s32 v38, v7;
	v7 =	vld [tilespmem:s10+$0x0];
	v10 =	vadd.s32 v36, v10  }
0x149: {  	v46 =	vmovc v13;
	v2 =	vadd.s32 v38, v2;
	v13 =	vor.u32 v13, v33;
	vm2 =	vgt.s32 v10, $0x0  }
0x14a: {  	v34 =	vmovc v16;
	v16 =	vor.u32 s18, v32;
	vm1 =	vgt.s32 v2, $0x0;
	v10 =	vnsel vm2, $0x0, v10  }
0x14b: {  	v43 =	vld [tilespmem:s16+$0x0];
	vm3 =	vgt.s32 v3, $0x0;
	v2 =	vnsel vm1, $0x0, v2;
	[tilespmem:v1+s24+$0x0] =	vst.idx.msk $0xffff, v0;
	v0 =	vmin.u32 v10, $0x40  }
0x14c: {  	vm1 =	veq.s32 v11, v44;
	v2 =	vmin.u32 v2, $0x4;
	v5 =	vld.idx.msk [tilespmem:v5+s23+$0x0], $0xffff;
	v0 =	vmul.u32 $0x6, v0;
	[tilespmem:v9+s24+$0x0] =	vst.idx.msk $0xffff, v6  }
0x14d: {  	vm2 =	veq.s32 v12, v30;
	v1 =	vadd.s32 v36, v7;
	v7 =	vor.u32 v37, v8;
	v6 =	vld [tilespmem:s2+$0x0];
	[tilespmem:$0x1FB80] =	vst v30  }
0x14e: {  	v2 =	vnsel vm1, $0x5, v2;
	vm1 =	vgt.s32 v1, $0x0;
	v9 =	vld.idx.msk [tilespmem:v13+s23+$0x0], $0xffff;
	v0 =	vnsel vm2, $0x186, v0  }
0x14f: {  	v10 =	vor.u32 v37, v33;
	v1 =	vnsel vm1, $0x0, v1;
	v0 =	vadd.s32 v0, v2  }
0x150: {  	vm1 =	veq.s32 v43, v44;
	v1 =	vmin.u32 v1, $0x40;
	v0 =	vshll.u32 v0, $0x5  }
0x151: {  	v2 =	vnsel vm3, $0x0, v3;
	v1 =	vmul.u32 $0x6, v1;
	v3 =	vor.u32 v56, v0;
	[tilespmem:v16+s24+$0x0] =	vst.idx.msk $0xffff, v5  }
0x152: {  	v2 =	vmin.u32 v2, $0x4;
	vm2 =	veq.s32 v6, v30;
	v6 =	vor.u32 s18, v27;
	v5 =	vld.idx.msk [tilespmem:v7+s23+$0x0], $0xffff  }
0x153: {  	v2 =	vnsel vm1, $0x5, v2;
	v1 =	vnsel vm2, $0x186, v1;
	v7 =	vor.u32 v34, v8;
	[tilespmem:v15+s24+$0x0] =	vst.idx.msk $0xffff, v9  }
0x154: {  	v9 =	vor.u32 s17, v27;
	v1 =	vadd.s32 v1, v2;
	v10 =	vld.idx.msk [tilespmem:v10+s23+$0x0], $0xffff  }
0x155: {  	s5 =	simm.s32 $0x400;
	v2 =	vor.u32 v34, v33;
	v1 =	vshll.u32 v1, $0x5  }
0x156: {  	v34 =	vor.u32 s5, v57;
	v11 =	vor.u32 v56, v1;
	v3 =	vld.idx.msk [tilespmem:v3+s23+$0x0], $0xffff  }
0x157: {  	[tilespmem:v6+s24+$0x0] =	vst.idx.msk $0xffff, v5;
	v5 =	vor.u32 v58, v0  }
0x158: {  	v6 =	vld.idx.msk [tilespmem:v7+s23+$0x0], $0xffff;
	v7 =	vor.u32 s18, v20  }
0x159: {  	v43 =	vor.u32 v31, v8;
	[tilespmem:v9+s24+$0x0] =	vst.idx.msk $0xffff, v10  }
0x15a: {  	s6 =	simm.s32 $0x600;
	v9 =	vor.u32 s17, v20;
	v2 =	vld.idx.msk [tilespmem:v2+s23+$0x0], $0xffff  }
0x15b: {  	v10 =	vld.idx.msk [tilespmem:v11+s23+$0x0], $0xffff;
	v11 =	vor.u32 s6, v57;
	[tilespmem:v34+s24+$0x0] =	vst.idx.msk $0xffff, v3;
	v3 =	vor.u32 v31, v33  }
0x15c: {  	v12 =	vor.u32 v58, v1;
	v34 =	vor.u32 s5, v59;
	v5 =	vld.idx.msk [tilespmem:v5+s23+$0x0], $0xffff  }
0x15d: {  	[tilespmem:v7+s24+$0x0] =	vst.idx.msk $0xffff, v6;
	v6 =	vor.u32 v60, v0  }
0x15e: {  	v7 =	vld.idx.msk [tilespmem:v43+s23+$0x0], $0xffff;
	v43 =	vor.u32 s18, v40  }
0x15f: {  	[tilespmem:v9+s24+$0x0] =	vst.idx.msk $0xffff, v2;
	v2 =	vor.u32 v55, v8  }
0x160: {  	[tilespmem:v11+s24+$0x0] =	vst.idx.msk $0xffff, v10;
	v9 =	vor.u32 s17, v40;
	v3 =	vld.idx.msk [tilespmem:v3+s23+$0x0], $0xffff  }
0x161: {  	v11 =	vor.u32 v55, v33;
	v10 =	vld.idx.msk [tilespmem:v12+s23+$0x0], $0xffff;
	[tilespmem:v34+s24+$0x0] =	vst.idx.msk $0xffff, v5;
	v5 =	vor.u32 s6, v59  }
0x162: {  	v55 =	vor.u32 v60, v1;
	v34 =	vor.u32 s5, v61;
	v6 =	vld.idx.msk [tilespmem:v6+s23+$0x0], $0xffff  }
0x163: {  	[tilespmem:v43+s24+$0x0] =	vst.idx.msk $0xffff, v7;
	v7 =	vor.u32 v62, v0  }
0x164: {  	v39 =	vmov v14;
	v40 =	vor.u32 s18, v54;
	v2 =	vld.idx.msk [tilespmem:v2+s23+$0x0], $0xffff  }
0x165: {  	[tilespmem:v9+s24+$0x0] =	vst.idx.msk $0xffff, v3;
	v3 =	vor.u32 v39, v8  }
0x166: {  	v9 =	vor.u32 s17, v54;
	[tilespmem:v5+s24+$0x0] =	vst.idx.msk $0xffff, v10;
	v5 =	vld.idx.msk [tilespmem:v11+s23+$0x0], $0xffff  }
0x167: {  	v11 =	vor.u32 v39, v33;
	v10 =	vld.idx.msk [tilespmem:v55+s23+$0x0], $0xffff;
	[tilespmem:v34+s24+$0x0] =	vst.idx.msk $0xffff, v6;
	v6 =	vor.u32 s6, v61  }
0x168: {  	v43 =	vor.u32 v62, v1;
	v55 =	vor.u32 s5, v63;
	v7 =	vld.idx.msk [tilespmem:v7+s23+$0x0], $0xffff  }
0x169: {  	[tilespmem:v40+s24+$0x0] =	vst.idx.msk $0xffff, v2;
	v2 =	vor.u32 v45, v0  }
0x16a: {  	v34 =	vor.u32 s18, v53;
	v3 =	vld.idx.msk [tilespmem:v3+s23+$0x0], $0xffff  }
0x16b: {  	[tilespmem:v9+s24+$0x0] =	vst.idx.msk $0xffff, v5  }
0x16c: {  	v5 =	vor.u32 v17, v8;
	v9 =	vor.u32 s17, v53;
	[tilespmem:v6+s24+$0x0] =	vst.idx.msk $0xffff, v10;
	v6 =	vld.idx.msk [tilespmem:v11+s23+$0x0], $0xffff  }
0x16d: {  	v11 =	vor.u32 v17, v33;
	v10 =	vld.idx.msk [tilespmem:v43+s23+$0x0], $0xffff;
	[tilespmem:v55+s24+$0x0] =	vst.idx.msk $0xffff, v7;
	v7 =	vor.u32 s6, v63  }
0x16e: {  	v39 =	vor.u32 v45, v1;
	v40 =	vor.u32 s5, v21;
	v2 =	vld.idx.msk [tilespmem:v2+s23+$0x0], $0xffff  }
0x16f: {  	[tilespmem:v34+s24+$0x0] =	vst.idx.msk $0xffff, v3;
	v3 =	vor.u32 v49, v0;
	_ =	sdelay $0x1  }
0x170: {  	v43 =	vor.u32 s18, v48;
	v5 =	vld.idx.msk [tilespmem:v5+s23+$0x0], $0xffff;
	[tilespmem:v9+s24+$0x0] =	vst.idx.msk $0xffff, v6  }
0x171: {  	v6 =	vor.u32 v47, v8;
	v9 =	vor.u32 s17, v48;
	[tilespmem:v7+s24+$0x0] =	vst.idx.msk $0xffff, v10;
	v7 =	vld.idx.msk [tilespmem:v11+s23+$0x0], $0xffff  }
0x172: {  	v11 =	vor.u32 v47, v33;
	v10 =	vld.idx.msk [tilespmem:v39+s23+$0x0], $0xffff;
	[tilespmem:v40+s24+$0x0] =	vst.idx.msk $0xffff, v2;
	v2 =	vor.u32 s6, v21  }
0x173: {  	v47 =	vor.u32 v49, v1;
	v49 =	vor.u32 s5, v50;
	v3 =	vld.idx.msk [tilespmem:v3+s23+$0x0], $0xffff  }
0x174: {  	s3 =	simm.s32 $0xC50  }
0x175: {  	v16 =	vld [tilespmem:s3+$0xFFFFFFF0];
	[tilespmem:v43+s24+$0x0] =	vst.idx.msk $0xffff, v5;
	v5 =	vor.u32 v52, v0  }
0x176: {  	v53 =	vor.u32 s18, v19;
	v6 =	vld.idx.msk [tilespmem:v6+s23+$0x0], $0xffff;
	[tilespmem:v9+s24+$0x0] =	vst.idx.msk $0xffff, v7  }
0x177: {  	v9 =	vor.u32 s17, v19;
	[tilespmem:v2+s24+$0x0] =	vst.idx.msk $0xffff, v10;
	v2 =	vld.idx.msk [tilespmem:v11+s23+$0x0], $0xffff  }
0x178: {  	v11 =	vor.u32 v23, v33;
	v10 =	vld.idx.msk [tilespmem:v47+s23+$0x0], $0xffff;
	[tilespmem:v49+s24+$0x0] =	vst.idx.msk $0xffff, v3;
	v3 =	vor.u32 s6, v50  }
0x179: {  	v15 =	vld [tilespmem:s3+$0x0]  }
0x17a: {  	v5 =	vld.idx.msk [tilespmem:v5+s23+$0x0], $0xffff;
	[tilespmem:$0x1FB00] =	vst v38  }
0x17b: {  	[tilespmem:v53+s24+$0x0] =	vst.idx.msk $0xffff, v6  }
0x17c: {  	[tilespmem:v9+s24+$0x0] =	vst.idx.msk $0xffff, v2  }
0x17d: {  	[tilespmem:v3+s24+$0x0] =	vst.idx.msk $0xffff, v10;
	v3 =	vld.idx.msk [tilespmem:v11+s23+$0x0], $0xffff  }
0x17e: {  	v9 =	vld [tilespmem:$0x1FC90]  }
0x17f: {  	v11 =	vld [tilespmem:$0x1FCA0]  }
0x180: {  	v7 =	vor.u32 v23, v8  }
0x181: {  	v34 =	vor.u32 s5, v42;
	_ =	sdelay $0x1  }
0x182: {  	s4 =	simm.s32 $0x850  }
0x183: {  	v17 =	vld [tilespmem:s4+$0x0];
	v25 =	vsel vm0, v11, v9  }
0x184: {  	v7 =	vld.idx.msk [tilespmem:v7+s23+$0x0], $0xffff;
	[tilespmem:$0x1FAD0] =	vst v25  }
0x185: {  	[tilespmem:v34+s24+$0x0] =	vst.idx.msk $0xffff, v5  }
0x186: {  	v43 =	vld [tilespmem:$0x1FC40]  }
0x187: {  	v55 =	vor.u32 v52, v1;
	v5 =	vor.u32 s6, v42;
	v42 =	vld [tilespmem:$0x1FC50]  }
0x188: {  	v4 =	vmov v31;
	v31 =	vld [tilespmem:$0x1FC00]  }
0x189: {  	v15 =	vadd.s32 v38, v15;
	v6 =	vor.u32 v35, v0;
	v49 =	vld [tilespmem:$0x1FC10]  }
0x18a: {  	v16 =	vadd.s32 v38, v16;
	vm1 =	vgt.s32 v15, $0x0  }
0x18b: {  	v15 =	vnsel vm1, $0x0, v15;
	vm1 =	vgt.s32 v16, $0x0;
	v39 =	vor.u32 s18, v26  }
0x18c: {  	v47 =	vmin.u32 v15, $0x4;
	v15 =	vnsel vm1, $0x0, v16;
	v16 =	vld.idx.msk [tilespmem:v55+s23+$0x0], $0xffff  }
0x18d: {  	v19 =	vor.u32 v35, v1;
	v35 =	vmov v20;
	v9 =	vld [tilespmem:s4+$0xFFFFFFF0];
	v20 =	vsel vm0, v42, v43  }
0x18e: {  	v27 =	vmov v51;
	v6 =	vld.idx.msk [tilespmem:v6+s23+$0x0], $0xffff;
	v51 =	vsel vm0, v49, v31;
	[tilespmem:$0x1FA80] =	vst v20  }
0x18f: {  	[tilespmem:$0x1FA50] =	vst v51  }
0x190: {  	[tilespmem:v39+s24+$0x0] =	vst.idx.msk $0xffff, v7  }
0x191: {  	v39 =	vld [tilespmem:$0x1FC20]  }
0x192: {  	v38 =	vld [tilespmem:$0x1FC30];
	_ =	sdelay $0x4  }
0x193: {  	v2 =	vor.u32 v29, v8;
	v10 =	vmov v48;
	v48 =	vld [tilespmem:$0x1FC80];
	v53 =	vsel vm0, v38, v39  }
0x194: {  	[tilespmem:$0x1FA90] =	vst v53;
	v12 =	vcombine.low v20, v53;
	v53 =	vld [tilespmem:$0x1FC70];
	_ =	sdelay $0x2  }
0x195: {  	v18 =	vor.u32 s17, v26;
	v11 =	vmovc v46;
	v7 =	vor.u32 v46, v0;
	v46 =	vmov v45;
	v45 =	vld [tilespmem:$0x1FBF0]  }
0x196: {  	v14 =	vor.u32 v29, v33;
	s10 =	simm.s32 $0x50;
	v2 =	vld.idx.msk [tilespmem:v2+s23+$0x0], $0xffff  }
0x197: {  	v22 =	vld [tilespmem:s10+$0xFFFFFFF0];
	[tilespmem:$0x1FB60] =	vst v12;
	v55 =	vsel vm0, v48, v53  }
0x198: {  	[tilespmem:$0x1FAE0] =	vst v55  }
0x199: {  	s16 =	simm.s32 $0x450;
	v24 =	vld [tilespmem:s10+$0x0]  }
0x19a: {  	v21 =	vor.u32 s5, v41;
	v51 =	vcombine.low v51, v28;
	v28 =	vcombine.low v25, v55;
	[tilespmem:v18+s24+$0x0] =	vst.idx.msk $0xffff, v3;
	v25 =	vld [tilespmem:s16+$0xFFFFFFF0]  }
0x19b: {  	[tilespmem:v5+s24+$0x0] =	vst.idx.msk $0xffff, v16;
	v14 =	vld.idx.msk [tilespmem:v14+s23+$0x0], $0xffff  }
0x19c: {  	v26 =	vor.u32 s6, v41;
	v41 =	vmov v54;
	v23 =	vor.u32 s18, v45;
	v54 =	vld [tilespmem:$0x1FE30]  }
0x19d: {  	v18 =	vor.u32 s17, v45;
	v13 =	vld [tilespmem:$0x1FC60]  }
0x19e: {  	v3 =	vor.u32 v51, v8;
	v55 =	vld [tilespmem:$0x1FE50]  }
0x19f: {  	v5 =	vor.u32 v51, v33;
	v19 =	vld.idx.msk [tilespmem:v19+s23+$0x0], $0xffff;
	[tilespmem:v21+s24+$0x0] =	vst.idx.msk $0xffff, v6  }
0x1a0: {  	v29 =	vor.u32 v11, v1;
	v21 =	vor.u32 s5, v32;
	v7 =	vld.idx.msk [tilespmem:v7+s23+$0x0], $0xffff;
	[tilespmem:$0x1FB50] =	vst v36  }
0x1a1: {  	v40 =	vmov v4;
	v4 =	vmov v36;
	v22 =	vadd.s32 v36, v22;
	[tilespmem:v23+s24+$0x0] =	vst.idx.msk $0xffff, v2;
	v2 =	vld [tilespmem:s16+$0x0]  }
0x1a2: {  	vm1 =	vgt.s32 v22, $0x0;
	v36 =	vor.u32 v37, v0;
	v23 =	vadd.s32 v4, v24;
	v4 =	vld [tilespmem:$0x1FF30];
	[tilespmem:v18+s24+$0x0] =	vst.idx.msk $0xffff, v14  }
0x1a3: {  	v16 =	vor.u32 s18, v27;
	v22 =	vnsel vm1, $0x0, v22;
	v3 =	vld.idx.msk [tilespmem:v3+s23+$0x0], $0xffff;
	vm1 =	vgt.s32 v23, $0x0;
	[tilespmem:$0x1FB70] =	vst v44  }
0x1a4: {  	v20 =	vor.u32 s17, v27;
	v18 =	vnsel vm1, $0x0, v23;
	vm1 =	veq.s32 v17, v44;
	[tilespmem:v26+s24+$0x0] =	vst.idx.msk $0xffff, v19;
	v17 =	vld.idx.msk [tilespmem:v5+s23+$0x0], $0xffff  }
0x1a5: {  	v6 =	vor.u32 v12, v8;
	[tilespmem:v21+s24+$0x0] =	vst.idx.msk $0xffff, v7;
	v19 =	vld.idx.msk [tilespmem:v29+s23+$0x0], $0xffff  }
0x1a6: {  	v32 =	vor.u32 s6, v32;
	v18 =	vmin.u32 v18, $0x40;
	v5 =	vld [tilespmem:$0x1FB80]  }
0x1a7: {  	v37 =	vor.u32 v37, v1;
	v7 =	vmin.u32 v15, $0x4;
	v15 =	vmul.u32 $0x6, v18;
	v18 =	vld.idx.msk [tilespmem:v36+s23+$0x0], $0xffff  }
0x1a8: {  	v36 =	vld [tilespmem:$0x1FD40];
	v24 =	vor.u32 s5, v4;
	[tilespmem:v16+s24+$0x0] =	vst.idx.msk $0xffff, v3  }
0x1a9: {  	v30 =	vor.u32 v12, v33;
	v34 =	vor.u32 s18, v13;
	v12 =	vmovc v13;
	v13 =	vmov v10;
	v10 =	vld [tilespmem:$0x1FF90];
	[tilespmem:v20+s24+$0x0] =	vst.idx.msk $0xffff, v17  }
0x1aa: {  	v6 =	vld.idx.msk [tilespmem:v6+s23+$0x0], $0xffff;
	[tilespmem:$0x1FB90] =	vst v28  }
0x1ab: {  	[tilespmem:v32+s24+$0x0] =	vst.idx.msk $0xffff, v19  }
0x1ac: {  	v20 =	vld.idx.msk [tilespmem:v37+s23+$0x0], $0xffff  }
0x1ad: {  	v37 =	vld [tilespmem:$0x1FD30];
	[tilespmem:v24+s24+$0x0] =	vst.idx.msk $0xffff, v18  }
0x1ae: {  	v14 =	vmin.u32 v22, $0x40;
	v16 =	vor.u32 v10, v0;
	v22 =	vor.u32 v10, v1;
	v10 =	vld [tilespmem:$0x1FCD0]  }
0x1af: {  	v14 =	vmul.u32 $0x6, v14;
	v11 =	vld [tilespmem:$0x1FCE0]  }
0x1b0: {  	vm2 =	veq.s32 v9, v44;
	vm3 =	veq.s32 v25, v5  }
0x1b1: {  	v7 =	vnsel vm2, $0x5, v7;
	vm2 =	veq.s32 v2, v5;
	v14 =	vnsel vm3, $0x186, v14  }
0x1b2: {  	v17 =	vor.u32 s17, v12;
	v9 =	vnsel vm2, $0x186, v15;
	v2 =	vadd.s32 v14, v7  }
0x1b3: {  	v5 =	vld.idx.msk [tilespmem:v30+s23+$0x0], $0xffff;
	v7 =	vnsel vm1, $0x5, v47;
	v18 =	vor.u32 s6, v4;
	v3 =	vshll.u32 v2, $0x5  }
0x1b4: {  	v2 =	vadd.s32 v9, v7;
	v9 =	vor.u32 v56, v3;
	v14 =	vsel vm0, v10, v11;
	v10 =	vld [tilespmem:$0x1FCB0]  }
0x1b5: {  	v11 =	vld [tilespmem:$0x1FCC0];
	[tilespmem:v34+s24+$0x0] =	vst.idx.msk $0xffff, v6  }
0x1b6: {  	v7 =	vor.u32 v28, v8;
	v12 =	vld [tilespmem:$0x1FE40]  }
0x1b7: {  	v23 =	vor.u32 s5, v35;
	v21 =	vor.u32 v28, v33;
	v16 =	vld.idx.msk [tilespmem:v16+s23+$0x0], $0xffff  }
0x1b8: {  	s4 =	simm.s32 $0x800;
	[tilespmem:v17+s24+$0x0] =	vst.idx.msk $0xffff, v5  }
0x1b9: {  	v47 =	vmov v35;
	v9 =	vld.idx.msk [tilespmem:v9+s23+$0x0], $0xffff;
	v5 =	vor.u32 s4, v57;
	[tilespmem:v18+s24+$0x0] =	vst.idx.msk $0xffff, v20  }
0x1ba: {  	v26 =	vor.u32 s6, v47;
	v22 =	vld.idx.msk [tilespmem:v22+s23+$0x0], $0xffff  }
0x1bb: {  	v2 =	vshll.u32 v2, $0x5;
	v6 =	vld.idx.msk [tilespmem:v7+s23+$0x0], $0xffff;
	v7 =	vor.u32 s18, v12  }
0x1bc: {  	v19 =	vor.u32 v56, v2;
	v18 =	vld.idx.msk [tilespmem:v21+s23+$0x0], $0xffff;
	[tilespmem:v23+s24+$0x0] =	vst.idx.msk $0xffff, v16;
	v20 =	vor.u32 s17, v12  }
0x1bd: {  	v15 =	vsel vm0, v10, v11;
	v10 =	vld [tilespmem:$0x1FD10]  }
0x1be: {  	v11 =	vld [tilespmem:$0x1FD20];
	v44 =	vcombine.low v14, v15;
	[tilespmem:v5+s24+$0x0] =	vst.idx.msk $0xffff, v9  }
0x1bf: {  	[tilespmem:v26+s24+$0x0] =	vst.idx.msk $0xffff, v22  }
0x1c0: {  	v17 =	vor.u32 v44, v8;
	[tilespmem:v7+s24+$0x0] =	vst.idx.msk $0xffff, v6  }
0x1c1: {  	v21 =	vor.u32 v58, v3;
	v19 =	vld.idx.msk [tilespmem:v19+s23+$0x0], $0xffff;
	[tilespmem:v20+s24+$0x0] =	vst.idx.msk $0xffff, v18  }
0x1c2: {  	s16 =	simm.s32 $0xA00;
	v25 =	vor.u32 v44, v33;
	v4 =	vld [tilespmem:$0x1FE70]  }
0x1c3: {  	v24 =	vor.u32 v40, v1;
	v23 =	vor.u32 s16, v57;
	v12 =	vsel vm0, v31, v49;
	v31 =	vld [tilespmem:$0x1FD60]  }
0x1c4: {  	v16 =	vsel vm0, v10, v11;
	v30 =	vld [tilespmem:$0x1FD50]  }
0x1c5: {  	v10 =	vcombine.low v12, v16;
	v5 =	vld.idx.msk [tilespmem:v17+s23+$0x0], $0xffff  }
0x1c6: {  	v9 =	vor.u32 s18, v36;
	v17 =	vld.idx.msk [tilespmem:v21+s23+$0x0], $0xffff  }
0x1c7: {  	v6 =	vor.u32 v40, v0;
	v18 =	vor.u32 s4, v59;
	v22 =	vld.idx.msk [tilespmem:v25+s23+$0x0], $0xffff;
	[tilespmem:$0x1FA10] =	vst v10  }
0x1c8: {  	v7 =	vor.u32 v58, v2;
	v21 =	vor.u32 s17, v36;
	v24 =	vld.idx.msk [tilespmem:v24+s23+$0x0], $0xffff;
	[tilespmem:v23+s24+$0x0] =	vst.idx.msk $0xffff, v19  }
0x1c9: {  	v20 =	vor.u32 v10, v8;
	v11 =	vld [tilespmem:$0x1FE80];
	v28 =	vor.u32 s6, v4;
	_ =	sdelay $0x1  }
0x1ca: {  	[tilespmem:v9+s24+$0x0] =	vst.idx.msk $0xffff, v5  }
0x1cb: {  	v25 =	vor.u32 v60, v3;
	v6 =	vld.idx.msk [tilespmem:v6+s23+$0x0], $0xffff;
	[tilespmem:v18+s24+$0x0] =	vst.idx.msk $0xffff, v17  }
0x1cc: {  	v29 =	vsel vm0, v39, v38;
	v27 =	vor.u32 v10, v33;
	v23 =	vld.idx.msk [tilespmem:v7+s23+$0x0], $0xffff;
	[tilespmem:v21+s24+$0x0] =	vst.idx.msk $0xffff, v22  }
0x1cd: {  	v26 =	vsel vm0, v43, v42;
	v17 =	vld.idx.msk [tilespmem:v20+s23+$0x0], $0xffff;
	v19 =	vor.u32 v11, v1;
	[tilespmem:v28+s24+$0x0] =	vst.idx.msk $0xffff, v24  }
0x1ce: {  	v10 =	vcombine.low v26, v29;
	v26 =	vor.u32 s5, v4;
	v4 =	vld [tilespmem:$0x1FCA0]  }
0x1cf: {  	v5 =	vor.u32 s16, v59;
	v9 =	vor.u32 v11, v0;
	v7 =	vld [tilespmem:$0x1FC90]  }
0x1d0: {  	v21 =	vor.u32 s18, v30;
	v18 =	vld.idx.msk [tilespmem:v25+s23+$0x0], $0xffff  }
0x1d1: {  	v20 =	vor.u32 v60, v2;
	v25 =	vor.u32 s4, v61;
	v24 =	vld.idx.msk [tilespmem:v27+s23+$0x0], $0xffff  }
0x1d2: {  	s0 =	simm.s32 $0x870;
	v22 =	vor.u32 s17, v30;
	v27 =	vor.u32 v10, v8;
	v19 =	vld.idx.msk [tilespmem:v19+s23+$0x0], $0xffff;
	[tilespmem:$0x1FA20] =	vst v10  }
0x1d3: {  	v28 =	vor.u32 v62, v3;
	v39 =	vld [tilespmem:s0+$0xFFFFFFF0];
	[tilespmem:v26+s24+$0x0] =	vst.idx.msk $0xffff, v6;
	v6 =	vor.u32 s6, v41  }
0x1d4: {  	[tilespmem:v5+s24+$0x0] =	vst.idx.msk $0xffff, v23;
	v5 =	vld.idx.msk [tilespmem:v9+s23+$0x0], $0xffff;
	v29 =	vsel vm0, v7, v4;
	v4 =	vor.u32 v10, v33  }
0x1d5: {  	v23 =	vor.u32 s5, v41;
	v10 =	vld [tilespmem:$0x1FEA0];
	[tilespmem:v21+s24+$0x0] =	vst.idx.msk $0xffff, v17  }
0x1d6: {  	v53 =	vsel vm0, v53, v48;
	v20 =	vld.idx.msk [tilespmem:v20+s23+$0x0], $0xffff;
	[tilespmem:v25+s24+$0x0] =	vst.idx.msk $0xffff, v18  }
0x1d7: {  	v17 =	vor.u32 s16, v61;
	[tilespmem:v22+s24+$0x0] =	vst.idx.msk $0xffff, v24;
	v7 =	vcombine.low v53, v29;
	v18 =	vld.idx.msk [tilespmem:v27+s23+$0x0], $0xffff  }
0x1d8: {  	v27 =	vld.idx.msk [tilespmem:v28+s23+$0x0], $0xffff;
	[tilespmem:v6+s24+$0x0] =	vst.idx.msk $0xffff, v19  }
0x1d9: {  	v26 =	vor.u32 s18, v31;
	v6 =	vld.idx.msk [tilespmem:v4+s23+$0x0], $0xffff;
	[tilespmem:$0x1FA30] =	vst v7  }
0x1da: {  	v24 =	vor.u32 v7, v8;
	[tilespmem:v23+s24+$0x0] =	vst.idx.msk $0xffff, v5  }
0x1db: {  	v22 =	vor.u32 s4, v63;
	v9 =	vor.u32 v10, v1;
	v4 =	vld [tilespmem:$0x1FEB0]  }
0x1dc: {  	v19 =	vor.u32 v46, v3;
	[tilespmem:v17+s24+$0x0] =	vst.idx.msk $0xffff, v20  }
0x1dd: {  	v29 =	vor.u32 v7, v33;
	v21 =	vor.u32 v10, v0;
	v7 =	vld [tilespmem:$0x1FCF0]  }
0x1de: {  	v25 =	vor.u32 v62, v2;
	v28 =	vor.u32 s17, v31;
	v10 =	vld [tilespmem:$0x1FD00];
	[tilespmem:v26+s24+$0x0] =	vst.idx.msk $0xffff, v18  }
0x1df: {  	v24 =	vld.idx.msk [tilespmem:v24+s23+$0x0], $0xffff  }
0x1e0: {  	[tilespmem:v22+s24+$0x0] =	vst.idx.msk $0xffff, v27;
	v9 =	vld.idx.msk [tilespmem:v9+s23+$0x0], $0xffff;
	v5 =	vor.u32 s6, v4  }
0x1e1: {  	v20 =	vor.u32 v37, v1;
	v19 =	vld.idx.msk [tilespmem:v19+s23+$0x0], $0xffff  }
0x1e2: {  	v17 =	vld.idx.msk [tilespmem:v21+s23+$0x0], $0xffff;
	v23 =	vor.u32 s5, v4  }
0x1e3: {  	v18 =	vor.u32 s16, v63;
	v21 =	vld.idx.msk [tilespmem:v25+s23+$0x0], $0xffff;
	[tilespmem:v28+s24+$0x0] =	vst.idx.msk $0xffff, v6  }
0x1e4: {  	v11 =	vld [tilespmem:$0x1FEE0];
	v7 =	vcombine.low v7, v10  }
0x1e5: {  	v22 =	vor.u32 v37, v0;
	[tilespmem:v5+s24+$0x0] =	vst.idx.msk $0xffff, v9;
	v5 =	vld.idx.msk [tilespmem:v29+s23+$0x0], $0xffff  }
0x1e6: {  	v20 =	vld.idx.msk [tilespmem:v20+s23+$0x0], $0xffff;
	[tilespmem:$0x1FA40] =	vst v7  }
0x1e7: {  	v4 =	vld [tilespmem:$0x1FEF0];
	[tilespmem:v23+s24+$0x0] =	vst.idx.msk $0xffff, v17  }
0x1e8: {  	[tilespmem:v18+s24+$0x0] =	vst.idx.msk $0xffff, v21  }
0x1e9: {  	v6 =	vor.u32 s18, v54;
	v10 =	vld [tilespmem:$0x1FD80]  }
0x1ea: {  	v27 =	vor.u32 s17, v54;
	v9 =	vor.u32 v7, v8;
	v21 =	vld.idx.msk [tilespmem:v22+s23+$0x0], $0xffff  }
0x1eb: {  	v29 =	vor.u32 v7, v33;
	v17 =	vor.u32 s6, v13;
	v22 =	vld [tilespmem:$0x1FD70]  }
0x1ec: {  	v25 =	vor.u32 v46, v2;
	v26 =	vor.u32 s4, v11;
	v7 =	vld [tilespmem:$0x1FA50]  }
0x1ed: {  	s1 =	simm.s32 $0xC70;
	v28 =	vor.u32 v4, v3  }
0x1ee: {  	v32 =	vld [tilespmem:s1+$0x0];
	[tilespmem:v6+s24+$0x0] =	vst.idx.msk $0xffff, v24;
	v18 =	vor.u32 v10, v1  }
0x1ef: {  	v9 =	vld.idx.msk [tilespmem:v9+s23+$0x0], $0xffff;
	[tilespmem:v27+s24+$0x0] =	vst.idx.msk $0xffff, v5  }
0x1f0: {  	[tilespmem:v17+s24+$0x0] =	vst.idx.msk $0xffff, v20;
	v17 =	vld.idx.msk [tilespmem:v29+s23+$0x0], $0xffff  }
0x1f1: {  	[tilespmem:v26+s24+$0x0] =	vst.idx.msk $0xffff, v19;
	v7 =	vcombine.low v22, v7;
	v22 =	vld.idx.msk [tilespmem:v25+s23+$0x0], $0xffff  }
0x1f2: {  	v24 =	vld.idx.msk [tilespmem:v28+s23+$0x0], $0xffff  }
0x1f3: {  	v29 =	vld.idx.msk [tilespmem:v18+s23+$0x0], $0xffff;
	[tilespmem:$0x1FA60] =	vst v7  }
0x1f4: {  	v25 =	vor.u32 v4, v2;
	v26 =	vor.u32 v7, v8;
	v4 =	vor.u32 v7, v33;
	v7 =	vld [tilespmem:s1+$0xFFFFFFF0]  }
0x1f5: {  	v23 =	vor.u32 s5, v13;
	_ =	sdelay $0x1  }
0x1f6: {  	v6 =	vor.u32 s16, v11;
	_ =	sdelay $0x1  }
0x1f7: {  	[tilespmem:$0x1FB40] =	vst v7  }
0x1f8: {  	v5 =	vor.u32 s18, v55;
	[tilespmem:v23+s24+$0x0] =	vst.idx.msk $0xffff, v21  }
0x1f9: {  	v27 =	vor.u32 s4, v50;
	[tilespmem:$0x1FA70] =	vst v12  }
0x1fa: {  	v20 =	vor.u32 s17, v55;
	v7 =	vld [tilespmem:$0x1FD90];
	[tilespmem:v6+s24+$0x0] =	vst.idx.msk $0xffff, v22  }
0x1fb: {  	v34 =	vld [tilespmem:$0x1FDF0]  }
0x1fc: {  	v19 =	vor.u32 v10, v0;
	v10 =	vld [tilespmem:$0x1FA80]  }
0x1fd: {  	v35 =	vld [tilespmem:$0x1FA90];
	[tilespmem:v5+s24+$0x0] =	vst.idx.msk $0xffff, v9  }
0x1fe: {  	v28 =	vor.u32 v52, v3;
	[tilespmem:v27+s24+$0x0] =	vst.idx.msk $0xffff, v24  }
0x1ff: {  	v23 =	vld.idx.msk [tilespmem:v25+s23+$0x0], $0xffff;
	[tilespmem:v20+s24+$0x0] =	vst.idx.msk $0xffff, v17  }
0x200: {  	v21 =	vor.u32 s6, v7;
	v25 =	vor.u32 s5, v7;
	v7 =	vld [tilespmem:$0x1FBD0]  }
0x201: {  	v6 =	vld.idx.msk [tilespmem:v19+s23+$0x0], $0xffff  }
0x202: {  	v24 =	vld.idx.msk [tilespmem:v26+s23+$0x0], $0xffff  }
0x203: {  	v26 =	vld.idx.msk [tilespmem:v28+s23+$0x0], $0xffff;
	v19 =	vor.u32 v34, v1  }
0x204: {  	v11 =	vcombine.low v16, v12;
	v17 =	vld [tilespmem:$0x1FDA0]  }
0x205: {  	v5 =	vor.u32 s16, v50;
	v12 =	vcombine.low v35, v10;
	v10 =	vadd.s32 $0x1F, v7;
	v7 =	vld [tilespmem:$0x1FF00];
	[tilespmem:v21+s24+$0x0] =	vst.idx.msk $0xffff, v29  }
0x206: {  	v21 =	vld.idx.msk [tilespmem:v4+s23+$0x0], $0xffff;
	[tilespmem:$0x1FAA0] =	vst v14  }
0x207: {  	[tilespmem:$0x1FAB0] =	vst v15  }
0x208: {  	v9 =	vor.u32 v34, v0;
	v38 =	vld.idx.msk [tilespmem:v19+s23+$0x0], $0xffff;
	[tilespmem:$0x1FAC0] =	vst v12  }
0x209: {  	v35 =	vld [tilespmem:$0x1FFD0];
	[tilespmem:v25+s24+$0x0] =	vst.idx.msk $0xffff, v6  }
0x20a: {  	v13 =	vcombine.low v15, v14;
	v15 =	vld [tilespmem:$0x1FE00];
	[tilespmem:v5+s24+$0x0] =	vst.idx.msk $0xffff, v23  }
0x20b: {  	s2 =	simm.s32 $0x70;
	v20 =	vor.u32 s18, v17;
	v5 =	vld [tilespmem:$0x1FBE0]  }
0x20c: {  	v27 =	vor.u32 v52, v2;
	v54 =	vld [tilespmem:s2+$0x0];
	v43 =	vor.u32 s4, v7  }
0x20d: {  	v29 =	vor.u32 s17, v17;
	v17 =	vld.idx.msk [tilespmem:v9+s23+$0x0], $0xffff  }
0x20e: {  	v9 =	vld [tilespmem:$0x1FE10]  }
0x20f: {  	v28 =	vor.u32 v12, v8;
	v46 =	vor.u32 v12, v33;
	v50 =	vld [tilespmem:$0x1FAE0]  }
0x210: {  	v4 =	vor.u32 v35, v3;
	v6 =	vor.u32 s6, v15;
	v12 =	vadd.s32 $0x1F, v5;
	v5 =	vld [tilespmem:$0x1FAD0];
	[tilespmem:v20+s24+$0x0] =	vst.idx.msk $0xffff, v24  }
0x211: {  	v25 =	vld.idx.msk [tilespmem:v27+s23+$0x0], $0xffff;
	[tilespmem:v43+s24+$0x0] =	vst.idx.msk $0xffff, v26  }
0x212: {  	v24 =	vor.u32 s16, v7;
	v7 =	vld [tilespmem:$0x1FDB0];
	[tilespmem:v29+s24+$0x0] =	vst.idx.msk $0xffff, v21  }
0x213: {  	v34 =	vld [tilespmem:$0x1FF10]  }
0x214: {  	v23 =	vor.u32 v9, v1;
	v28 =	vld.idx.msk [tilespmem:v28+s23+$0x0], $0xffff  }
0x215: {  	v27 =	vor.u32 s5, v15;
	v4 =	vld.idx.msk [tilespmem:v4+s23+$0x0], $0xffff;
	[tilespmem:v6+s24+$0x0] =	vst.idx.msk $0xffff, v38  }
0x216: {  	v41 =	vld [tilespmem:$0x1FFF0]  }
0x217: {  	v26 =	vor.u32 v9, v0;
	v48 =	vld.idx.msk [tilespmem:v46+s23+$0x0], $0xffff;
	v14 =	vcombine.low v50, v5;
	v43 =	vor.u32 s18, v7  }
0x218: {  	v55 =	vor.u32 v35, v2;
	[tilespmem:$0x1FAF0] =	vst v11;
	v15 =	vld [tilespmem:$0x1FB00];
	v29 =	vor.u32 s4, v34  }
0x219: {  	v23 =	vld.idx.msk [tilespmem:v23+s23+$0x0], $0xffff;
	[tilespmem:$0x1FB10] =	vst v14  }
0x21a: {  	v21 =	vor.u32 v14, v8;
	[tilespmem:v27+s24+$0x0] =	vst.idx.msk $0xffff, v17  }
0x21b: {  	v9 =	vor.u32 s17, v7;
	v22 =	vld [tilespmem:s2+$0xFFFFFFF0];
	[tilespmem:v24+s24+$0x0] =	vst.idx.msk $0xffff, v25;
	v7 =	vor.u32 v41, v3  }
0x21c: {  	v24 =	vld.idx.msk [tilespmem:v26+s23+$0x0], $0xffff;
	[tilespmem:v43+s24+$0x0] =	vst.idx.msk $0xffff, v28  }
0x21d: {  	v55 =	vld.idx.msk [tilespmem:v55+s23+$0x0], $0xffff;
	[tilespmem:v29+s24+$0x0] =	vst.idx.msk $0xffff, v4  }
0x21e: {  	v6 =	vadd.s32 v15, v32;
	v53 =	vld [tilespmem:$0x1FDC0];
	[tilespmem:$0x1FB20] =	vst v51  }
0x21f: {  	v17 =	vor.u32 s6, v45;
	v32 =	vor.u32 v14, v33;
	vm1 =	vgt.s32 v6, $0x0;
	v21 =	vld.idx.msk [tilespmem:v21+s23+$0x0], $0xffff;
	[tilespmem:$0x1FB30] =	vst v13  }
0x220: {  	v25 =	vor.u32 v51, v1;
	v26 =	vor.u32 s5, v45;
	v27 =	vnsel vm1, $0x0, v6;
	v7 =	vld.idx.msk [tilespmem:v7+s23+$0x0], $0xffff;
	[tilespmem:v9+s24+$0x0] =	vst.idx.msk $0xffff, v48  }
0x221: {  	v42 =	vor.u32 v10, v8;
	v45 =	vmin.u32 v27, $0x4;
	v27 =	vld [tilespmem:$0x1FF20]  }
0x222: {  	v46 =	vor.u32 v11, v8;
	v28 =	vor.u32 s16, v34;
	v4 =	vor.u32 v13, v8;
	v8 =	vld [tilespmem:$0x1FDD0]  }
0x223: {  	v14 =	vor.u32 v51, v0;
	v51 =	vld [tilespmem:$0x1FB40]  }
0x224: {  	[tilespmem:v17+s24+$0x0] =	vst.idx.msk $0xffff, v23;
	v23 =	vld.idx.msk [tilespmem:v32+s23+$0x0], $0xffff;
	v29 =	vor.u32 s18, v53  }
0x225: {  	[tilespmem:v26+s24+$0x0] =	vst.idx.msk $0xffff, v24;
	v25 =	vld.idx.msk [tilespmem:v25+s23+$0x0], $0xffff  }
0x226: {  	s3 =	simm.s32 $0x470;
	v17 =	vor.u32 s17, v53;
	v53 =	vld [tilespmem:$0x1FE20]  }
0x227: {  	[tilespmem:v28+s24+$0x0] =	vst.idx.msk $0xffff, v55;
	v28 =	vld [tilespmem:s3+$0xFFFFFFF0];
	v9 =	vor.u32 s4, v27  }
0x228: {  	v34 =	vld [tilespmem:$0x1FB50]  }
0x229: {  	[tilespmem:v29+s24+$0x0] =	vst.idx.msk $0xffff, v21;
	v29 =	vld.idx.msk [tilespmem:v14+s23+$0x0], $0xffff  }
0x22a: {  	v48 =	vadd.s32 v15, v51;
	v51 =	vld [tilespmem:$0x1FF70]  }
0x22b: {  	v26 =	vor.u32 v41, v2;
	v24 =	vor.u32 s6, v53;
	v4 =	vld.idx.msk [tilespmem:v4+s23+$0x0], $0xffff  }
0x22c: {  	v38 =	vor.u32 v13, v33;
	[tilespmem:v9+s24+$0x0] =	vst.idx.msk $0xffff, v7;
	v7 =	vld [tilespmem:s0+$0x0]  }
0x22d: {  	v50 =	vor.u32 s5, v53;
	v53 =	vld [tilespmem:$0x1FB60]  }
0x22e: {  	[tilespmem:v17+s24+$0x0] =	vst.idx.msk $0xffff, v23;
	v23 =	vld [tilespmem:s3+$0x0]  }
0x22f: {  	v18 =	vor.u32 v40, v2;
	v15 =	vld [tilespmem:$0x1FB70]  }
0x230: {  	v49 =	vmov v40;
	v40 =	vor.u32 v11, v33;
	v17 =	vor.u32 s16, v27;
	[tilespmem:v24+s24+$0x0] =	vst.idx.msk $0xffff, v25;
	v25 =	vld.idx.msk [tilespmem:v26+s23+$0x0], $0xffff  }
0x231: {  	v43 =	vor.u32 s18, v8;
	vm1 =	vgt.s32 v48, $0x0;
	v22 =	vadd.s32 v34, v22;
	v38 =	vld.idx.msk [tilespmem:v38+s23+$0x0], $0xffff  }
0x232: {  	v48 =	vnsel vm1, $0x0, v48;
	vm1 =	vgt.s32 v22, $0x0;
	v21 =	vor.u32 v51, v3;
	v27 =	vld [tilespmem:$0x1FB80];
	[tilespmem:v50+s24+$0x0] =	vst.idx.msk $0xffff, v29  }
0x233: {  	v11 =	vmovc v49;
	v49 =	vor.u32 s17, v8;
	v9 =	vnsel vm1, $0x0, v22;
	v24 =	vadd.s32 v34, v54;
	v13 =	vld [tilespmem:$0x1FF30]  }
0x234: {  	v26 =	vmin.u32 v48, $0x4;
	v22 =	vor.u32 v53, v1;
	vm1 =	veq.s32 v39, v15;
	v39 =	vld [tilespmem:$0x1FC60]  }
0x235: {  	v9 =	vmin.u32 v9, $0x40;
	v34 =	vld [tilespmem:$0x1FF90];
	[tilespmem:v17+s24+$0x0] =	vst.idx.msk $0xffff, v25;
	v26 =	vnsel vm1, $0x5, v26;
	vm1 =	vgt.s32 v24, $0x0  }
0x236: {  	v9 =	vmul.u32 $0x6, v9;
	v24 =	vnsel vm1, $0x0, v24;
	vm1 =	veq.s32 v7, v15;
	v15 =	vld [tilespmem:$0x1FB90]  }
0x237: {  	v8 =	vor.u32 v53, v0;
	vm2 =	veq.s32 v28, v27;
	v21 =	vld.idx.msk [tilespmem:v21+s23+$0x0], $0xffff;
	[tilespmem:v43+s24+$0x0] =	vst.idx.msk $0xffff, v4  }
0x238: {  	v28 =	vor.u32 v51, v2;
	v29 =	vor.u32 s4, v13;
	v9 =	vnsel vm2, $0x186, v9;
	v51 =	vld [tilespmem:$0x1FDE0]  }
0x239: {  	v9 =	vadd.s32 v9, v26;
	v22 =	vld.idx.msk [tilespmem:v22+s23+$0x0], $0xffff;
	v26 =	vor.u32 s6, v39  }
0x23a: {  	v48 =	vor.u32 v34, v3  }
0x23b: {  	v54 =	vld.idx.msk [tilespmem:v46+s23+$0x0], $0xffff;
	v9 =	vshll.u32 v9, $0x5;
	v17 =	vor.u32 v15, v1  }
0x23c: {  	v7 =	vmin.u32 v24, $0x40;
	[tilespmem:v49+s24+$0x0] =	vst.idx.msk $0xffff, v38;
	v53 =	vld.idx.msk [tilespmem:v8+s23+$0x0], $0xffff;
	v24 =	vor.u32 v56, v9;
	v50 =	vor.u32 s5, v39  }
0x23d: {  	vm2 =	veq.s32 v23, v27;
	v55 =	vor.u32 s16, v13;
	v32 =	vld.idx.msk [tilespmem:v28+s23+$0x0], $0xffff;
	[tilespmem:v29+s24+$0x0] =	vst.idx.msk $0xffff, v21  }
0x23e: {  	v28 =	vld.idx.msk [tilespmem:v40+s23+$0x0], $0xffff;
	v27 =	vor.u32 v15, v0;
	v39 =	vor.u32 s18, v51;
	[tilespmem:v26+s24+$0x0] =	vst.idx.msk $0xffff, v22  }
0x23f: {  	v4 =	vnsel vm1, $0x5, v45;
	v45 =	vor.u32 v34, v2;
	v7 =	vmul.u32 $0x6, v7;
	v15 =	vld.idx.msk [tilespmem:v48+s23+$0x0], $0xffff;
	[tilespmem:$0x1FBA0] =	vst v10  }
0x240: {  	v46 =	vor.u32 s4, v47;
	v25 =	vld.idx.msk [tilespmem:v17+s23+$0x0], $0xffff  }
0x241: {  	v19 =	vor.u32 s17, v12;
	v20 =	vor.u32 s18, v12;
	v21 =	vnsel vm2, $0x186, v7;
	v29 =	vld.idx.msk [tilespmem:v24+s23+$0x0], $0xffff;
	[tilespmem:v50+s24+$0x0] =	vst.idx.msk $0xffff, v53  }
0x242: {  	v5 =	vor.u32 s5, v12;
	v23 =	vadd.s32 v21, v4;
	v21 =	vor.u32 v10, v33;
	v10 =	vld [tilespmem:$0x1FE40];
	[tilespmem:v55+s24+$0x0] =	vst.idx.msk $0xffff, v32  }
0x243: {  	v6 =	vor.u32 s6, v12;
	v38 =	vor.u32 v44, v0;
	v8 =	vshll.u32 v23, $0x5;
	v32 =	vld.idx.msk [tilespmem:v27+s23+$0x0], $0xffff;
	[tilespmem:v39+s24+$0x0] =	vst.idx.msk $0xffff, v54  }
0x244: {  	v7 =	vor.u32 s4, v12;
	v4 =	vor.u32 s16, v12;
	s18 =	simm.s32 $0xC00;
	v23 =	vor.u32 v56, v8;
	v33 =	vld.idx.msk [tilespmem:v45+s23+$0x0], $0xffff;
	[tilespmem:$0x1FBB0] =	vst v44  }
0x245: {  	v48 =	vor.u32 s18, v57;
	v26 =	vor.u32 s17, v51;
	v24 =	vor.u32 v11, v8;
	[tilespmem:v46+s24+$0x0] =	vst.idx.msk $0xffff, v15  }
0x246: {  	v17 =	vor.u32 s18, v12;
	v55 =	vor.u32 v44, v1;
	v54 =	vor.u32 v58, v9;
	[tilespmem:$0x1FBC0] =	vst v12  }
0x247: {  	s10 =	simm.s32 $0x6;
	v40 =	vmovc v47;
	s17 =	simm.s32 $0xE00;
	v27 =	vor.u32 s16, v47;
	v22 =	vld.idx.msk [tilespmem:v42+s23+$0x0], $0xffff;
	v53 =	vor.u32 s6, v10;
	v43 =	vor.u32 s5, v10  }
.LBB2_3:
0x248: {  	_ = 	snop  }
0x249: {  	v10 =	vld.idx.msk [tilespmem:v23+s23+$0x0], $0xffff  }
0x24a: {  	v44 =	vld [tilespmem:$0x1FBC0]  }
0x24b: {  	v13 =	vld [tilespmem:$0x1FA70]  }
0x24c: {  	v39 =	vld [tilespmem:$0x1FEC0]  }
0x24d: {  	v11 =	vld [tilespmem:$0x1FE70]  }
0x24e: {  	v12 =	vld [tilespmem:$0x1FE80]  }
0x24f: {  	v14 =	vld [tilespmem:$0x1FFB0]  }
0x250: {  	v15 =	vld [tilespmem:$0x1FAB0]  }
0x251: {  	v51 =	vld [tilespmem:$0x1FD80];
	[tilespmem:v26+s24+$0x0] =	vst.idx.msk $0xffff, v28  }
0x252: {  	[tilespmem:v53+s24+$0x0] =	vst.idx.msk $0xffff, v25;
	v21 =	vld.idx.msk [tilespmem:v21+s23+$0x0], $0xffff  }
0x253: {  	v26 =	vor.u32 s17, v57;
	[tilespmem:v48+s24+$0x0] =	vst.idx.msk $0xffff, v29;
	v29 =	vld.idx.msk [tilespmem:v55+s23+$0x0], $0xffff  }
0x254: {  	[tilespmem:v27+s24+$0x0] =	vst.idx.msk $0xffff, v33;
	v23 =	vcombine.low v13, v16;
	v25 =	vor.u32 v39, v3;
	v48 =	vld.idx.msk [tilespmem:v54+s23+$0x0], $0xffff  }
0x255: {  	v58 =	vor.u32 v58, v8;
	v46 =	vor.u32 s6, v36;
	[tilespmem:v43+s24+$0x0] =	vst.idx.msk $0xffff, v32;
	v57 =	vld.idx.msk [tilespmem:v18+s23+$0x0], $0xffff  }
0x256: {  	s0 =	sadd.s32 $0x20, s0;
	v47 =	vor.u32 s18, v59;
	[tilespmem:v20+s24+$0x0] =	vst.idx.msk $0xffff, v22;
	v27 =	vld.idx.msk [tilespmem:v38+s23+$0x0], $0xffff;
	v49 =	vor.u32 v23, v1  }
0x257: {  	v50 =	vor.u32 v60, v9;
	v28 =	vor.u32 v23, v0;
	v23 =	vld [tilespmem:s0+$0x0]  }
0x258: {  	v45 =	vor.u32 s5, v36;
	[tilespmem:v26+s24+$0x0] =	vst.idx.msk $0xffff, v10;
	v10 =	vor.u32 s16, v11;
	v26 =	vor.u32 s4, v11;
	v11 =	vld [tilespmem:$0x1FA20]  }
0x259: {  	v22 =	vld.idx.msk [tilespmem:v25+s23+$0x0], $0xffff;
	[tilespmem:v19+s24+$0x0] =	vst.idx.msk $0xffff, v21  }
0x25a: {  	v21 =	vld.idx.msk [tilespmem:v58+s23+$0x0], $0xffff;
	[tilespmem:v46+s24+$0x0] =	vst.idx.msk $0xffff, v29  }
0x25b: {  	[tilespmem:v47+s24+$0x0] =	vst.idx.msk $0xffff, v48;
	v33 =	vld.idx.msk [tilespmem:v49+s23+$0x0], $0xffff  }
0x25c: {  	v38 =	vld.idx.msk [tilespmem:v50+s23+$0x0], $0xffff  }
0x25d: {  	[tilespmem:v45+s24+$0x0] =	vst.idx.msk $0xffff, v27;
	v45 =	vld [tilespmem:$0x1FEA0]  }
0x25e: {  	v25 =	vor.u32 v12, v2;
	v29 =	vor.u32 s17, v59;
	v50 =	vld [tilespmem:$0x1FA40]  }
0x25f: {  	v59 =	vor.u32 v60, v8;
	v60 =	vor.u32 s6, v30;
	v27 =	vor.u32 s5, v30;
	v30 =	vld [tilespmem:$0x1FEF0]  }
0x260: {  	v58 =	vor.u32 v12, v3;
	v49 =	vld [tilespmem:$0x1FA80]  }
0x261: {  	[tilespmem:v10+s24+$0x0] =	vst.idx.msk $0xffff, v57;
	v10 =	vld.idx.msk [tilespmem:v28+s23+$0x0], $0xffff  }
0x262: {  	v18 =	vmov v24;
	v24 =	vld [tilespmem:s0+$0xFFFFFFF0]  }
0x263: {  	v36 =	vor.u32 s18, v61;
	v53 =	vor.u32 v11, v0;
	v28 =	vor.u32 v11, v1;
	v11 =	vld [tilespmem:$0x1FE90]  }
0x264: {  	v25 =	vld.idx.msk [tilespmem:v25+s23+$0x0], $0xffff;
	[tilespmem:v26+s24+$0x0] =	vst.idx.msk $0xffff, v22  }
0x265: {  	[tilespmem:v29+s24+$0x0] =	vst.idx.msk $0xffff, v21;
	v29 =	vld.idx.msk [tilespmem:v58+s23+$0x0], $0xffff  }
0x266: {  	v46 =	vld.idx.msk [tilespmem:v59+s23+$0x0], $0xffff  }
0x267: {  	v19 =	vmovc v5;
	v5 =	vmovc v7;
	v7 =	vmov v17;
	v17 =	vor.u32 v62, v9;
	v59 =	vcombine.low v16, v13;
	v13 =	vld [tilespmem:$0x1FFC0]  }
0x268: {  	[tilespmem:v36+s24+$0x0] =	vst.idx.msk $0xffff, v38;
	v36 =	vld [tilespmem:$0x1FEB0]  }
0x269: {  	v21 =	vor.u32 v45, v2;
	[tilespmem:v60+s24+$0x0] =	vst.idx.msk $0xffff, v33;
	v60 =	vor.u32 s17, v61;
	v61 =	vor.u32 v45, v3;
	v45 =	vld [tilespmem:$0x1FAA0]  }
0x26a: {  	v22 =	vor.u32 s16, v11;
	v47 =	vor.u32 s4, v11;
	v11 =	vld [tilespmem:$0x1FA30]  }
0x26b: {  	v28 =	vld.idx.msk [tilespmem:v28+s23+$0x0], $0xffff  }
0x26c: {  	v38 =	vld.idx.msk [tilespmem:v17+s23+$0x0], $0xffff  }
0x26d: {  	s3 =	sadd.s32 $0x20, s3;
	[tilespmem:v27+s24+$0x0] =	vst.idx.msk $0xffff, v10;
	v10 =	vor.u32 s5, v31;
	v27 =	vor.u32 s6, v31;
	v31 =	vld [tilespmem:$0x1FAE0]  }
0x26e: {  	v26 =	vld [tilespmem:s3+$0xFFFFFFF0]  }
0x26f: {  	v48 =	vcombine.low v15, v45;
	v15 =	vld [tilespmem:$0x1FEE0]  }
0x270: {  	v56 =	vor.u32 s17, v44;
	v20 =	vmov v6;
	v6 =	vmov v4;
	v45 =	vld [tilespmem:$0x1FD70]  }
0x271: {  	v4 =	vmov v56;
	v56 =	vor.u32 s18, v63;
	v62 =	vor.u32 v62, v8;
	[tilespmem:v22+s24+$0x0] =	vst.idx.msk $0xffff, v25;
	v25 =	vld.idx.msk [tilespmem:v53+s23+$0x0], $0xffff  }
0x272: {  	v57 =	vor.u32 v14, v9;
	v55 =	vor.u32 v11, v0;
	v53 =	vor.u32 v11, v1;
	v11 =	vld [tilespmem:$0x1FBA0]  }
0x273: {  	[tilespmem:v47+s24+$0x0] =	vst.idx.msk $0xffff, v29;
	v29 =	vor.u32 s16, v36;
	v47 =	vor.u32 s4, v36;
	v36 =	vld [tilespmem:$0x1FD90]  }
0x274: {  	v58 =	vld.idx.msk [tilespmem:v21+s23+$0x0], $0xffff  }
0x275: {  	[tilespmem:v60+s24+$0x0] =	vst.idx.msk $0xffff, v46;
	v32 =	vld.idx.msk [tilespmem:v61+s23+$0x0], $0xffff  }
0x276: {  	[tilespmem:v56+s24+$0x0] =	vst.idx.msk $0xffff, v38;
	v43 =	vld.idx.msk [tilespmem:v62+s23+$0x0], $0xffff  }
0x277: {  	v56 =	vld.idx.msk [tilespmem:v57+s23+$0x0], $0xffff  }
0x278: {  	v46 =	vor.u32 v37, v2;
	[tilespmem:v27+s24+$0x0] =	vst.idx.msk $0xffff, v28;
	v28 =	vld [tilespmem:$0x1FA90]  }
0x279: {  	v53 =	vld.idx.msk [tilespmem:v53+s23+$0x0], $0xffff  }
0x27a: {  	v21 =	vor.u32 v11, v0;
	v22 =	vor.u32 v11, v1;
	[tilespmem:v10+s24+$0x0] =	vst.idx.msk $0xffff, v25;
	v11 =	vld [tilespmem:$0x1FE30]  }
0x27b: {  	v61 =	vor.u32 v37, v3;
	v27 =	vor.u32 s17, v63;
	[tilespmem:v29+s24+$0x0] =	vst.idx.msk $0xffff, v58;
	v29 =	vld.idx.msk [tilespmem:v55+s23+$0x0], $0xffff  }
0x27c: {  	v62 =	vor.u32 v14, v8;
	[tilespmem:v47+s24+$0x0] =	vst.idx.msk $0xffff, v32;
	v47 =	vld [tilespmem:$0x1FE60]  }
0x27d: {  	v12 =	vor.u32 s18, v15;
	v33 =	vld.idx.msk [tilespmem:v46+s23+$0x0], $0xffff  }
0x27e: {  	s1 =	sadd.s32 $0x20, s1;
	v17 =	vor.u32 v59, v0;
	v46 =	vld [tilespmem:$0x1FA50]  }
0x27f: {  	v25 =	vor.u32 v59, v1;
	v59 =	vld [tilespmem:s1+$0x0];
	v10 =	vor.u32 s5, v11;
	v11 =	vor.u32 s6, v11  }
0x280: {  	v55 =	vor.u32 v50, v1;
	[tilespmem:v27+s24+$0x0] =	vst.idx.msk $0xffff, v43;
	v27 =	vld.idx.msk [tilespmem:v61+s23+$0x0], $0xffff  }
0x281: {  	v58 =	vor.u32 v30, v9;
	v57 =	vld.idx.msk [tilespmem:v62+s23+$0x0], $0xffff  }
0x282: {  	v60 =	vor.u32 v50, v0;
	[tilespmem:v12+s24+$0x0] =	vst.idx.msk $0xffff, v56;
	v56 =	vor.u32 v30, v8;
	v30 =	vld [tilespmem:$0x1FB00];
	v32 =	vor.u32 s16, v47  }
0x283: {  	v34 =	vor.u32 v51, v2;
	v12 =	vor.u32 s17, v15;
	v15 =	vld [tilespmem:$0x1FDF0]  }
0x284: {  	v50 =	vcombine.low v45, v46;
	v46 =	vld [tilespmem:$0x1FE50];
	[tilespmem:v11+s24+$0x0] =	vst.idx.msk $0xffff, v53  }
0x285: {  	v53 =	vld.idx.msk [tilespmem:v55+s23+$0x0], $0xffff  }
0x286: {  	v55 =	vld.idx.msk [tilespmem:v58+s23+$0x0], $0xffff;
	[tilespmem:v10+s24+$0x0] =	vst.idx.msk $0xffff, v29  }
0x287: {  	v42 =	vor.u32 s4, v47;
	v47 =	vadd.s32 v30, v59;
	[tilespmem:v32+s24+$0x0] =	vst.idx.msk $0xffff, v33;
	v60 =	vld.idx.msk [tilespmem:v60+s23+$0x0], $0xffff  }
0x288: {  	v38 =	vor.u32 v48, v1;
	v45 =	vor.u32 v51, v3;
	v51 =	vmovc v63;
	vm1 =	vgt.s32 v47, $0x0;
	v63 =	vld.idx.msk [tilespmem:v34+s23+$0x0], $0xffff  }
0x289: {  	v54 =	vcombine.low v28, v49;
	v28 =	vor.u32 v48, v0;
	v49 =	vnsel vm1, $0x0, v47;
	v48 =	vld [tilespmem:s1+$0xFFFFFFF0]  }
0x28a: {  	v33 =	vmin.u32 v49, $0x4;
	v49 =	vld [tilespmem:$0x1FDD0]  }
0x28b: {  	v29 =	vor.u32 s6, v46;
	v34 =	vld [tilespmem:$0x1FDA0]  }
0x28c: {  	v11 =	vor.u32 v50, v1;
	v10 =	vor.u32 s5, v46;
	[tilespmem:v42+s24+$0x0] =	vst.idx.msk $0xffff, v27;
	v42 =	vor.u32 s16, v36;
	v46 =	vld [tilespmem:$0x1FE00]  }
0x28d: {  	v37 =	vor.u32 v15, v2;
	[tilespmem:v12+s24+$0x0] =	vst.idx.msk $0xffff, v57;
	v12 =	vld.idx.msk [tilespmem:v45+s23+$0x0], $0xffff  }
0x28e: {  	v59 =	vor.u32 s18, v13;
	v45 =	vld [tilespmem:$0x1FDE0]  }
0x28f: {  	v62 =	vor.u32 v52, v9;
	v56 =	vld.idx.msk [tilespmem:v56+s23+$0x0], $0xffff  }
0x290: {  	v61 =	vor.u32 v54, v0;
	[tilespmem:v29+s24+$0x0] =	vst.idx.msk $0xffff, v53;
	v53 =	vor.u32 v54, v1;
	v54 =	vor.u32 s17, v13;
	v13 =	vld [tilespmem:$0x1FF00]  }
0x291: {  	v11 =	vld.idx.msk [tilespmem:v11+s23+$0x0], $0xffff;
	[tilespmem:v42+s24+$0x0] =	vst.idx.msk $0xffff, v63  }
0x292: {  	v43 =	vor.u32 v50, v0;
	v50 =	vld.idx.msk [tilespmem:v37+s23+$0x0], $0xffff  }
0x293: {  	v57 =	vor.u32 s4, v36;
	[tilespmem:v59+s24+$0x0] =	vst.idx.msk $0xffff, v55;
	v37 =	vld [tilespmem:$0x1FAD0]  }
0x294: {  	v55 =	vor.u32 v15, v3;
	v59 =	vld.idx.msk [tilespmem:v62+s23+$0x0], $0xffff  }
0x295: {  	[tilespmem:v10+s24+$0x0] =	vst.idx.msk $0xffff, v60;
	v10 =	vor.u32 s5, v34;
	v36 =	vor.u32 s6, v34;
	v34 =	vld [tilespmem:$0x1FE10]  }
0x296: {  	v15 =	vld [tilespmem:$0x1FDC0];
	v62 =	vor.u32 v52, v8  }
0x297: {  	s2 =	sadd.s32 $0x20, s2;
	v43 =	vld.idx.msk [tilespmem:v43+s23+$0x0], $0xffff  }
0x298: {  	v48 =	vadd.s32 v30, v48;
	[tilespmem:v57+s24+$0x0] =	vst.idx.msk $0xffff, v12;
	v30 =	vor.u32 s18, v13;
	v42 =	vcombine.low v31, v37;
	v31 =	vld [tilespmem:s2+$0x0]  }
0x299: {  	[tilespmem:v54+s24+$0x0] =	vst.idx.msk $0xffff, v56;
	v54 =	vld.idx.msk [tilespmem:v55+s23+$0x0], $0xffff  }
0x29a: {  	v55 =	vor.u32 v34, v2;
	v37 =	vor.u32 v34, v3;
	v34 =	vld [tilespmem:$0x1FBF0]  }
0x29b: {  	v63 =	vor.u32 v35, v9;
	v56 =	vld.idx.msk [tilespmem:v62+s23+$0x0], $0xffff  }
0x29c: {  	v32 =	vor.u32 s6, v49;
	[tilespmem:v36+s24+$0x0] =	vst.idx.msk $0xffff, v11;
	v36 =	vld [tilespmem:$0x1FDB0]  }
0x29d: {  	v29 =	vor.u32 s5, v49;
	v49 =	vor.u32 s16, v46;
	[tilespmem:v30+s24+$0x0] =	vst.idx.msk $0xffff, v59;
	v30 =	vor.u32 s17, v13;
	v13 =	vld [tilespmem:$0x1FF10]  }
0x29e: {  	v53 =	vld.idx.msk [tilespmem:v53+s23+$0x0], $0xffff  }
0x29f: {  	v57 =	vor.u32 s4, v46;
	v0 =	vor.u32 v42, v0;
	v1 =	vor.u32 v42, v1;
	v42 =	vld [tilespmem:$0x1FB60]  }
0x2a0: {  	v46 =	vor.u32 v35, v8;
	v60 =	vld.idx.msk [tilespmem:v63+s23+$0x0], $0xffff  }
0x2a1: {  	v58 =	vor.u32 s5, v15;
	[tilespmem:v10+s24+$0x0] =	vst.idx.msk $0xffff, v43;
	v43 =	vor.u32 s6, v15;
	v15 =	vld [tilespmem:$0x1FB20];
	v11 =	vor.u32 s6, v36  }
0x2a2: {  	[tilespmem:v49+s24+$0x0] =	vst.idx.msk $0xffff, v50;
	v12 =	vld.idx.msk [tilespmem:v61+s23+$0x0], $0xffff;
	v10 =	vor.u32 s18, v13  }
0x2a3: {  	v50 =	vor.u32 v41, v9;
	v55 =	vld.idx.msk [tilespmem:v55+s23+$0x0], $0xffff;
	v59 =	vor.u32 s5, v36  }
0x2a4: {  	v61 =	vld [tilespmem:s2+$0xFFFFFFF0];
	[tilespmem:v57+s24+$0x0] =	vst.idx.msk $0xffff, v54  }
0x2a5: {  	[tilespmem:v30+s24+$0x0] =	vst.idx.msk $0xffff, v56;
	v30 =	vld.idx.msk [tilespmem:v37+s23+$0x0], $0xffff  }
0x2a6: {  	v56 =	vld.idx.msk [tilespmem:v46+s23+$0x0], $0xffff;
	[tilespmem:v11+s24+$0x0] =	vst.idx.msk $0xffff, v53  }
0x2a7: {  	v37 =	vor.u32 v15, v2;
	v11 =	vor.u32 v15, v3;
	v15 =	vld [tilespmem:$0x1FF20];
	[tilespmem:v10+s24+$0x0] =	vst.idx.msk $0xffff, v60  }
0x2a8: {  	v50 =	vld.idx.msk [tilespmem:v50+s23+$0x0], $0xffff;
	[tilespmem:v59+s24+$0x0] =	vst.idx.msk $0xffff, v12  }
0x2a9: {  	v27 =	vor.u32 s6, v45;
	s6 =	smov.u32 s16;
	v54 =	vld.idx.msk [tilespmem:v0+s23+$0x0], $0xffff  }
0x2aa: {  	v36 =	vor.u32 s6, v34;
	v62 =	vor.u32 v42, v3;
	v0 =	vmov v3;
	v3 =	vld [tilespmem:$0x1FB50]  }
0x2ab: {  	v49 =	vld [tilespmem:$0x1FF90]  }
0x2ac: {  	v57 =	vor.u32 s4, v34;
	v34 =	vor.u32 v42, v2;
	v42 =	vld [tilespmem:$0x1FF70]  }
0x2ad: {  	vm1 =	vgt.s32 v48, $0x0;
	v46 =	vld [tilespmem:$0x1FE20]  }
0x2ae: {  	v48 =	vnsel vm1, $0x0, v48;
	v1 =	vld.idx.msk [tilespmem:v1+s23+$0x0], $0xffff;
	v10 =	vor.u32 s17, v13  }
0x2af: {  	[tilespmem:v36+s24+$0x0] =	vst.idx.msk $0xffff, v55;
	v13 =	vld [tilespmem:$0x1FC60];
	v12 =	vor.u32 s18, v15;
	v59 =	vor.u32 s17, v15;
	v55 =	vadd.s32 v3, v61  }
0x2b0: {  	v36 =	vld [tilespmem:s3+$0x0];
	v15 =	vor.u32 v49, v9;
	v31 =	vadd.s32 v3, v31;
	vm1 =	vgt.s32 v55, $0x0  }
0x2b1: {  	v47 =	vmovc v52;
	v52 =	vld.idx.msk [tilespmem:v37+s23+$0x0], $0xffff;
	v61 =	vor.u32 v42, v9;
	v3 =	vmovc v9;
	v9 =	vnsel vm1, $0x0, v55;
	vm1 =	vgt.s32 v31, $0x0  }
0x2b2: {  	v60 =	vor.u32 v41, v8;
	[tilespmem:v57+s24+$0x0] =	vst.idx.msk $0xffff, v30;
	v30 =	vnsel vm1, $0x0, v31;
	v31 =	vld [tilespmem:$0x1FB70]  }
0x2b3: {  	v63 =	vor.u32 s6, v46;
	v14 =	vor.u32 s4, v46;
	v46 =	vmovc v41;
	v41 =	vmovc v35;
	v35 =	vmov v40;
	v40 =	vld [tilespmem:$0x1FF30]  }
0x2b4: {  	v57 =	vld [tilespmem:$0x1FED0];
	v9 =	vmin.u32 v9, $0x40  }
0x2b5: {  	v55 =	vmul.u32 $0x6, v9;
	v9 =	vmin.u32 v30, $0x40;
	v30 =	vld [tilespmem:$0x1FB80]  }
0x2b6: {  	v11 =	vld.idx.msk [tilespmem:v11+s23+$0x0], $0xffff;
	[tilespmem:v10+s24+$0x0] =	vst.idx.msk $0xffff, v56  }
0x2b7: {  	vm1 =	veq.s32 v23, v31;
	v23 =	vld.idx.msk [tilespmem:v60+s23+$0x0], $0xffff  }
0x2b8: {  	v60 =	vld [tilespmem:$0x1FF60];
	[tilespmem:v43+s24+$0x0] =	vst.idx.msk $0xffff, v1  }
0x2b9: {  	[tilespmem:v12+s24+$0x0] =	vst.idx.msk $0xffff, v50;
	v43 =	vld.idx.msk [tilespmem:v38+s23+$0x0], $0xffff  }
0x2ba: {  	vm3 =	veq.s32 v26, v30;
	v26 =	vld.idx.msk [tilespmem:v61+s23+$0x0], $0xffff  }
0x2bb: {  	v61 =	vld [tilespmem:$0x1FF80]  }
0x2bc: {  	[tilespmem:v58+s24+$0x0] =	vst.idx.msk $0xffff, v54;
	v58 =	vld [tilespmem:$0x1FF40]  }
0x2bd: {  	vm2 =	veq.s32 v24, v31;
	v24 =	vmin.u32 v48, $0x4;
	v54 =	vld [tilespmem:$0x1FB90]  }
0x2be: {  	v9 =	vmul.u32 $0x6, v9;
	v24 =	vnsel vm2, $0x5, v24;
	vm2 =	veq.s32 v36, v30;
	v36 =	vld [tilespmem:$0x1FD40]  }
0x2bf: {  	v10 =	vor.u32 v42, v8;
	[tilespmem:v63+s24+$0x0] =	vst.idx.msk $0xffff, v52;
	v28 =	vld.idx.msk [tilespmem:v28+s23+$0x0], $0xffff  }
0x2c0: {  	v37 =	vor.u32 s18, v40;
	v30 =	vnsel vm1, $0x5, v33;
	v31 =	vnsel vm2, $0x186, v9;
	v50 =	vld.idx.msk [tilespmem:v34+s23+$0x0], $0xffff;
	[tilespmem:v14+s24+$0x0] =	vst.idx.msk $0xffff, v11  }
0x2c1: {  	v1 =	vmovc v2;
	v2 =	vmov v8;
	v48 =	vnsel vm3, $0x186, v55;
	v8 =	vadd.s32 v31, v30;
	v30 =	vld.idx.msk [tilespmem:v62+s23+$0x0], $0xffff  }
0x2c2: {  	v24 =	vadd.s32 v48, v24;
	v62 =	vld [tilespmem:$0x1FFA0]  }
0x2c3: {  	v56 =	vlaneseq.u32;
	v9 =	vshll.u32 v24, $0x5;
	[tilespmem:v59+s24+$0x0] =	vst.idx.msk $0xffff, v23;
	v59 =	vld [tilespmem:$0x1FF50]  }
0x2c4: {  	v53 =	vor.u32 s6, v13;
	v55 =	vor.u32 v56, v9;
	v10 =	vld.idx.msk [tilespmem:v10+s23+$0x0], $0xffff;
	[tilespmem:v32+s24+$0x0] =	vst.idx.msk $0xffff, v43  }
0x2c5: {  	v11 =	vor.u32 v54, v1;
	[tilespmem:v37+s24+$0x0] =	vst.idx.msk $0xffff, v26;
	v37 =	vld [tilespmem:$0x1FD30]  }
0x2c6: {  	v34 =	vld.idx.msk [tilespmem:v25+s23+$0x0], $0xffff  }
0x2c7: {  	v12 =	vor.u32 s17, v40;
	v15 =	vld.idx.msk [tilespmem:v15+s23+$0x0], $0xffff;
	[tilespmem:v29+s24+$0x0] =	vst.idx.msk $0xffff, v28  }
0x2c8: {  	v31 =	vor.u32 s4, v13;
	v28 =	vld.idx.msk [tilespmem:v17+s23+$0x0], $0xffff  }
0x2c9: {  	[tilespmem:v53+s24+$0x0] =	vst.idx.msk $0xffff, v50;
	v29 =	vld.idx.msk [tilespmem:v55+s23+$0x0], $0xffff  }
0x2ca: {  	v40 =	vmov v35;
	v26 =	vor.u32 s5, v45;
	s5 =	smov.u32 s4;
	s4 =	smov.u32 s18;
	v45 =	vor.u32 v49, v2;
	v25 =	vld.idx.msk [tilespmem:v11+s23+$0x0], $0xffff  }
0x2cb: {  	s10 =	sadd.s32 $0x2, s10;
	v35 =	vmovc v41;
	v41 =	vmov v46;
	v43 =	vor.u32 v54, v0;
	v46 =	vor.u32 s4, v40;
	v11 =	vld [tilespmem:$0x1FE40]  }
0x2cc: {  	p1 =	slt.u32 s10, $0x3E;
	[tilespmem:v12+s24+$0x0] =	vst.idx.msk $0xffff, v10;
	v10 =	vld [tilespmem:$0x1FBB0]  }
.Ltmp0:
0x2cd: {  	s16 =	smov.u32 s17;
	s17 =	sadd.s32 $0x400, s17;
	v8 =	vshll.u32 v8, $0x5;
	[tilespmem:v31+s24+$0x0] =	vst.idx.msk $0xffff, v30;
	v31 =	vld [tilespmem:$0x1FD60];
	(pc) =	sbr.rel @p1 .LBB2_3-.Ltmp0, $4  }
0x2ce: {  	v52 =	vmov v47;
	v23 =	vor.u32 v56, v8;
	s18 =	sadd.s32 $0xFFFFFE00, s17;
	v30 =	vld [tilespmem:$0x1FD50]  }
0x2cf: {  	v24 =	vor.u32 v39, v8;
	v48 =	vor.u32 s18, v57;
	v17 =	vor.u32 s18, v44;
	v33 =	vld.idx.msk [tilespmem:v45+s23+$0x0], $0xffff;
	[tilespmem:v27+s24+$0x0] =	vst.idx.msk $0xffff, v34  }
0x2d0: {  	v54 =	vor.u32 v58, v9;
	v32 =	vld.idx.msk [tilespmem:v43+s23+$0x0], $0xffff;
	[tilespmem:v46+s24+$0x0] =	vst.idx.msk $0xffff, v15;
	v27 =	vor.u32 s16, v40;
	v53 =	vor.u32 s6, v11  }
0x2d1: {  	v63 =	vmovc v51;
	v22 =	vld.idx.msk [tilespmem:v22+s23+$0x0], $0xffff;
	v43 =	vor.u32 s5, v11;
	v55 =	vor.u32 v10, v1;
	v38 =	vor.u32 v10, v0  }
0x2d2: {  	_ =	sdelay $0x3  }
0x2d3: {  	[tilespmem:v26+s24+$0x0] =	vst.idx.msk $0xffff, v28  }
0x2d4: {  	v10 =	vld.idx.msk [tilespmem:v23+s23+$0x0], $0xffff;
	v11 =	vor.u32 s17, v57;
	[tilespmem:v53+s24+$0x0] =	vst.idx.msk $0xffff, v25  }
0x2d5: {  	[tilespmem:v48+s24+$0x0] =	vst.idx.msk $0xffff, v29  }
0x2d6: {  	v39 =	vld [tilespmem:$0x1FEC0];
	[tilespmem:v27+s24+$0x0] =	vst.idx.msk $0xffff, v33  }
0x2d7: {  	[tilespmem:v43+s24+$0x0] =	vst.idx.msk $0xffff, v32  }
0x2d8: {  	v29 =	vld [tilespmem:$0x1FA10];
	[tilespmem:v20+s24+$0x0] =	vst.idx.msk $0xffff, v22  }
0x2d9: {  	v12 =	vld.idx.msk [tilespmem:v21+s23+$0x0], $0xffff;
	[tilespmem:v11+s24+$0x0] =	vst.idx.msk $0xffff, v10  }
0x2da: {  	v34 =	vld [tilespmem:$0x1FE70]  }
0x2db: {  	v14 =	vld.idx.msk [tilespmem:v55+s23+$0x0], $0xffff;
	v13 =	vor.u32 v39, v3  }
0x2dc: {  	v16 =	vor.u32 s6, v36;
	v21 =	vld.idx.msk [tilespmem:v54+s23+$0x0], $0xffff  }
0x2dd: {  	v23 =	vor.u32 s18, v59;
	v18 =	vld.idx.msk [tilespmem:v18+s23+$0x0], $0xffff  }
0x2de: {  	v15 =	vor.u32 v58, v8;
	v26 =	vor.u32 s5, v36;
	v27 =	vld.idx.msk [tilespmem:v38+s23+$0x0], $0xffff  }
0x2df: {  	v25 =	vor.u32 v29, v1;
	v20 =	vor.u32 v29, v0;
	v29 =	vld [tilespmem:$0x1FE80];
	v10 =	vor.u32 s16, v34  }
0x2e0: {  	[tilespmem:v19+s24+$0x0] =	vst.idx.msk $0xffff, v12;
	v11 =	vld.idx.msk [tilespmem:v13+s23+$0x0], $0xffff;
	v12 =	vor.u32 s4, v34  }
0x2e1: {  	[tilespmem:v16+s24+$0x0] =	vst.idx.msk $0xffff, v14  }
0x2e2: {  	v28 =	vor.u32 v60, v9;
	[tilespmem:v23+s24+$0x0] =	vst.idx.msk $0xffff, v21  }
0x2e3: {  	v15 =	vld.idx.msk [tilespmem:v15+s23+$0x0], $0xffff;
	[tilespmem:v26+s24+$0x0] =	vst.idx.msk $0xffff, v27  }
0x2e4: {  	v14 =	vor.u32 s17, v59;
	v43 =	vld [tilespmem:$0x1FA20];
	[tilespmem:v10+s24+$0x0] =	vst.idx.msk $0xffff, v18  }
0x2e5: {  	[tilespmem:v12+s24+$0x0] =	vst.idx.msk $0xffff, v11  }
0x2e6: {  	v13 =	vor.u32 v29, v2;
	v53 =	vld [tilespmem:$0x1FE90]  }
0x2e7: {  	v23 =	vld.idx.msk [tilespmem:v28+s23+$0x0], $0xffff;
	v16 =	vor.u32 v29, v3  }
0x2e8: {  	v22 =	vor.u32 s6, v30;
	v19 =	vld.idx.msk [tilespmem:v25+s23+$0x0], $0xffff  }
0x2e9: {  	v21 =	vor.u32 v60, v8;
	v25 =	vor.u32 s18, v61;
	v10 =	vld.idx.msk [tilespmem:v20+s23+$0x0], $0xffff;
	[tilespmem:v14+s24+$0x0] =	vst.idx.msk $0xffff, v15  }
0x2ea: {  	v27 =	vor.u32 s5, v30;
	v26 =	vor.u32 v43, v1;
	v32 =	vld [tilespmem:$0x1FEA0]  }
0x2eb: {  	v13 =	vld.idx.msk [tilespmem:v13+s23+$0x0], $0xffff;
	v11 =	vor.u32 s16, v53  }
0x2ec: {  	v12 =	vld.idx.msk [tilespmem:v16+s23+$0x0], $0xffff;
	v15 =	vor.u32 s4, v53  }
0x2ed: {  	[tilespmem:v22+s24+$0x0] =	vst.idx.msk $0xffff, v19  }
0x2ee: {  	v18 =	vor.u32 v62, v9;
	v16 =	vld.idx.msk [tilespmem:v21+s23+$0x0], $0xffff;
	[tilespmem:v25+s24+$0x0] =	vst.idx.msk $0xffff, v23  }
0x2ef: {  	v20 =	vor.u32 v43, v0;
	v22 =	vld.idx.msk [tilespmem:v26+s23+$0x0], $0xffff;
	[tilespmem:v27+s24+$0x0] =	vst.idx.msk $0xffff, v10  }
0x2f0: {  	v19 =	vor.u32 s17, v61;
	v45 =	vld [tilespmem:$0x1FA30];
	v21 =	vor.u32 v32, v3;
	[tilespmem:v11+s24+$0x0] =	vst.idx.msk $0xffff, v13  }
0x2f1: {  	v23 =	vor.u32 v62, v8;
	v25 =	vor.u32 s6, v31;
	v46 =	vld [tilespmem:$0x1FFB0];
	[tilespmem:v15+s24+$0x0] =	vst.idx.msk $0xffff, v12  }
0x2f2: {  	v14 =	vor.u32 v32, v2;
	v33 =	vld [tilespmem:$0x1FEB0]  }
0x2f3: {  	v18 =	vld.idx.msk [tilespmem:v18+s23+$0x0], $0xffff  }
0x2f4: {  	v10 =	vor.u32 s18, v63;
	v13 =	vld.idx.msk [tilespmem:v20+s23+$0x0], $0xffff  }
0x2f5: {  	v27 =	vor.u32 s5, v31;
	[tilespmem:v19+s24+$0x0] =	vst.idx.msk $0xffff, v16;
	v15 =	vld.idx.msk [tilespmem:v21+s23+$0x0], $0xffff  }
0x2f6: {  	[tilespmem:v25+s24+$0x0] =	vst.idx.msk $0xffff, v22;
	v22 =	vor.u32 s17, v63;
	v21 =	vld.idx.msk [tilespmem:v23+s23+$0x0], $0xffff  }
0x2f7: {  	v14 =	vld.idx.msk [tilespmem:v14+s23+$0x0], $0xffff;
	v12 =	vor.u32 s16, v33  }
0x2f8: {  	v16 =	vor.u32 v37, v2;
	v19 =	vor.u32 s4, v33  }
0x2f9: {  	[tilespmem:v10+s24+$0x0] =	vst.idx.msk $0xffff, v18  }
0x2fa: {  	[tilespmem:v27+s24+$0x0] =	vst.idx.msk $0xffff, v13  }
0x2fb: {  	[tilespmem:v22+s24+$0x0] =	vst.idx.msk $0xffff, v21  }
0x2fc: {  	[tilespmem:v12+s24+$0x0] =	vst.idx.msk $0xffff, v14  }
0x2fd: {  	[tilespmem:v19+s24+$0x0] =	vst.idx.msk $0xffff, v15;
	v12 =	vld.idx.msk [tilespmem:v16+s23+$0x0], $0xffff  }
0x2fe: {  	v18 =	vor.u32 v46, v8;
	v16 =	vld [tilespmem:$0x1FEE0]  }
0x2ff: {  	v20 =	vor.u32 v46, v9;
	v19 =	vld [tilespmem:$0x1FEF0];
	_ =	sdelay $0x3  }
0x300: {  	v14 =	vld.idx.msk [tilespmem:v18+s23+$0x0], $0xffff;
	v15 =	vor.u32 s17, v16  }
0x301: {  	v20 =	vld.idx.msk [tilespmem:v20+s23+$0x0], $0xffff;
	v16 =	vor.u32 s18, v16;
	v18 =	vor.u32 v19, v8;
	_ =	sdelay $0x3  }
0x302: {  	[tilespmem:v15+s24+$0x0] =	vst.idx.msk $0xffff, v14  }
0x303: {  	[tilespmem:v16+s24+$0x0] =	vst.idx.msk $0xffff, v20;
	v14 =	vld.idx.msk [tilespmem:v18+s23+$0x0], $0xffff  }
0x304: {  	v18 =	vld [tilespmem:$0x1FFC0]  }
0x305: {  	v19 =	vor.u32 v19, v9;
	_ =	sdelay $0x3  }
0x306: {  	v15 =	vor.u32 s17, v18  }
0x307: {  	v16 =	vld.idx.msk [tilespmem:v19+s23+$0x0], $0xffff;
	v18 =	vor.u32 s18, v18;
	_ =	sdelay $0x3  }
0x308: {  	[tilespmem:v15+s24+$0x0] =	vst.idx.msk $0xffff, v14  }
0x309: {  	[tilespmem:v18+s24+$0x0] =	vst.idx.msk $0xffff, v16  }
0x30a: {  	v19 =	vor.u32 v52, v8;
	v18 =	vld [tilespmem:$0x1FF00]  }
0x30b: {  	v20 =	vor.u32 v52, v9;
	_ =	sdelay $0x3  }
0x30c: {  	v14 =	vld.idx.msk [tilespmem:v19+s23+$0x0], $0xffff;
	v15 =	vor.u32 s17, v18  }
0x30d: {  	v16 =	vld.idx.msk [tilespmem:v20+s23+$0x0], $0xffff;
	v18 =	vor.u32 s18, v18;
	_ =	sdelay $0x3  }
0x30e: {  	[tilespmem:v15+s24+$0x0] =	vst.idx.msk $0xffff, v14  }
0x30f: {  	[tilespmem:v18+s24+$0x0] =	vst.idx.msk $0xffff, v16  }
0x310: {  	v19 =	vor.u32 v35, v8;
	v18 =	vld [tilespmem:$0x1FF10]  }
0x311: {  	v20 =	vor.u32 v35, v9;
	_ =	sdelay $0x3  }
0x312: {  	v14 =	vld.idx.msk [tilespmem:v19+s23+$0x0], $0xffff;
	v15 =	vor.u32 s17, v18  }
0x313: {  	v16 =	vld.idx.msk [tilespmem:v20+s23+$0x0], $0xffff;
	v18 =	vor.u32 s18, v18;
	_ =	sdelay $0x2  }
0x314: {  	v20 =	vor.u32 v41, v9  }
0x315: {  	[tilespmem:v15+s24+$0x0] =	vst.idx.msk $0xffff, v14  }
0x316: {  	[tilespmem:v18+s24+$0x0] =	vst.idx.msk $0xffff, v16  }
0x317: {  	v19 =	vor.u32 v41, v8;
	v18 =	vld [tilespmem:$0x1FF20];
	_ =	sdelay $0x1  }
0x318: {  	v16 =	vld.idx.msk [tilespmem:v20+s23+$0x0], $0xffff  }
0x319: {  	v20 =	vld [tilespmem:$0x1FF70];
	_ =	sdelay $0x1  }
0x31a: {  	v15 =	vld.idx.msk [tilespmem:v19+s23+$0x0], $0xffff;
	v14 =	vor.u32 s17, v18  }
0x31b: {  	v18 =	vor.u32 s18, v18;
	_ =	sdelay $0x1  }
0x31c: {  	v19 =	vor.u32 v20, v8;
	v20 =	vor.u32 v20, v9;
	_ =	sdelay $0x1  }
0x31d: {  	[tilespmem:v14+s24+$0x0] =	vst.idx.msk $0xffff, v15  }
0x31e: {  	[tilespmem:v18+s24+$0x0] =	vst.idx.msk $0xffff, v16  }
0x31f: {  	v16 =	vld [tilespmem:$0x1FF30]  }
0x320: {  	v18 =	vld.idx.msk [tilespmem:v20+s23+$0x0], $0xffff  }
0x321: {  	v20 =	vld [tilespmem:$0x1FF90];
	_ =	sdelay $0x3  }
0x322: {  	v14 =	vld.idx.msk [tilespmem:v19+s23+$0x0], $0xffff;
	v15 =	vor.u32 s17, v16  }
0x323: {  	v16 =	vor.u32 s18, v16;
	v19 =	vor.u32 v20, v8  }
0x324: {  	v20 =	vor.u32 v20, v9;
	_ =	sdelay $0x2  }
0x325: {  	[tilespmem:v15+s24+$0x0] =	vst.idx.msk $0xffff, v14  }
0x326: {  	[tilespmem:v16+s24+$0x0] =	vst.idx.msk $0xffff, v18;
	v15 =	vor.u32 s17, v40;
	v14 =	vld.idx.msk [tilespmem:v19+s23+$0x0], $0xffff  }
0x327: {  	v18 =	vor.u32 s18, v40;
	v16 =	vld.idx.msk [tilespmem:v20+s23+$0x0], $0xffff  }
0x328: {  	v19 =	vor.u32 v39, v9;
	_ =	sdelay $0x2  }
0x329: {  	[tilespmem:v15+s24+$0x0] =	vst.idx.msk $0xffff, v14  }
0x32a: {  	[tilespmem:v18+s24+$0x0] =	vst.idx.msk $0xffff, v16;
	v15 =	vor.u32 s17, v34;
	v14 =	vld.idx.msk [tilespmem:v24+s23+$0x0], $0xffff  }
0x32b: {  	v18 =	vor.u32 v29, v8;
	v16 =	vld.idx.msk [tilespmem:v19+s23+$0x0], $0xffff;
	v19 =	vor.u32 s18, v34  }
0x32c: {  	v20 =	vor.u32 v29, v9;
	_ =	sdelay $0x2  }
0x32d: {  	[tilespmem:v15+s24+$0x0] =	vst.idx.msk $0xffff, v14  }
0x32e: {  	[tilespmem:v19+s24+$0x0] =	vst.idx.msk $0xffff, v16;
	v15 =	vor.u32 s17, v53;
	v14 =	vld.idx.msk [tilespmem:v18+s23+$0x0], $0xffff  }
0x32f: {  	v19 =	vor.u32 s18, v53;
	v16 =	vld.idx.msk [tilespmem:v20+s23+$0x0], $0xffff;
	_ =	sdelay $0x3  }
0x330: {  	v18 =	vor.u32 v32, v8;
	[tilespmem:v15+s24+$0x0] =	vst.idx.msk $0xffff, v14  }
0x331: {  	v20 =	vor.u32 v32, v9;
	[tilespmem:v19+s24+$0x0] =	vst.idx.msk $0xffff, v16  }
0x332: {  	v24 =	vld [tilespmem:$0x1FE60]  }
0x333: {  	v23 =	vor.u32 v37, v3;
	_ =	sdelay $0x1  }
0x334: {  	v15 =	vor.u32 s17, v33;
	v14 =	vld.idx.msk [tilespmem:v18+s23+$0x0], $0xffff  }
0x335: {  	v19 =	vor.u32 s18, v33;
	v16 =	vld.idx.msk [tilespmem:v20+s23+$0x0], $0xffff  }
0x336: {  	v18 =	vor.u32 v37, v8;
	v21 =	vor.u32 s16, v24  }
0x337: {  	v13 =	vld.idx.msk [tilespmem:v23+s23+$0x0], $0xffff;
	v20 =	vor.u32 v37, v9;
	v23 =	vor.u32 s4, v24  }
0x338: {  	v25 =	vld [tilespmem:$0x1FD80]  }
0x339: {  	[tilespmem:v15+s24+$0x0] =	vst.idx.msk $0xffff, v14  }
0x33a: {  	[tilespmem:v19+s24+$0x0] =	vst.idx.msk $0xffff, v16  }
0x33b: {  	v15 =	vld.idx.msk [tilespmem:v18+s23+$0x0], $0xffff;
	[tilespmem:v21+s24+$0x0] =	vst.idx.msk $0xffff, v12  }
0x33c: {  	v18 =	vld.idx.msk [tilespmem:v20+s23+$0x0], $0xffff;
	[tilespmem:v23+s24+$0x0] =	vst.idx.msk $0xffff, v13  }
0x33d: {  	v22 =	vor.u32 v25, v2;
	v14 =	vor.u32 v25, v3;
	v16 =	vor.u32 s17, v24;
	v23 =	vld [tilespmem:$0x1FD90]  }
0x33e: {  	v19 =	vor.u32 v25, v8;
	v20 =	vor.u32 s18, v24;
	v24 =	vor.u32 v25, v9;
	v25 =	vld [tilespmem:$0x1FDF0];
	_ =	sdelay $0x3  }
0x33f: {  	v12 =	vld.idx.msk [tilespmem:v22+s23+$0x0], $0xffff;
	v13 =	vor.u32 s16, v23  }
0x340: {  	v14 =	vld.idx.msk [tilespmem:v14+s23+$0x0], $0xffff;
	v21 =	vor.u32 v25, v2;
	v22 =	vor.u32 s4, v23;
	_ =	sdelay $0x1  }
0x341: {  	[tilespmem:v16+s24+$0x0] =	vst.idx.msk $0xffff, v15  }
0x342: {  	[tilespmem:v20+s24+$0x0] =	vst.idx.msk $0xffff, v18  }
0x343: {  	[tilespmem:v13+s24+$0x0] =	vst.idx.msk $0xffff, v12  }
0x344: {  	[tilespmem:v22+s24+$0x0] =	vst.idx.msk $0xffff, v14;
	v12 =	vld.idx.msk [tilespmem:v21+s23+$0x0], $0xffff  }
0x345: {  	v21 =	vld [tilespmem:$0x1FE00];
	_ =	sdelay $0x1  }
0x346: {  	v16 =	vld.idx.msk [tilespmem:v19+s23+$0x0], $0xffff;
	v18 =	vor.u32 s17, v23  }
0x347: {  	v19 =	vld.idx.msk [tilespmem:v24+s23+$0x0], $0xffff;
	v23 =	vor.u32 s18, v23;
	_ =	sdelay $0x1  }
0x348: {  	v13 =	vor.u32 s16, v21  }
0x349: {  	v15 =	vor.u32 v25, v3  }
0x34a: {  	v20 =	vor.u32 v25, v8;
	v24 =	vor.u32 v25, v9;
	v25 =	vld [tilespmem:$0x1FE10];
	[tilespmem:v18+s24+$0x0] =	vst.idx.msk $0xffff, v16  }
0x34b: {  	[tilespmem:v23+s24+$0x0] =	vst.idx.msk $0xffff, v19  }
0x34c: {  	v33 =	vld [tilespmem:$0x1FC00]  }
0x34d: {  	v34 =	vld [tilespmem:$0x1FC10];
	[tilespmem:v13+s24+$0x0] =	vst.idx.msk $0xffff, v12  }
0x34e: {  	v28 =	vor.u32 v45, v0;
	v39 =	vld [tilespmem:$0x1FD70];
	_ =	sdelay $0x1  }
0x34f: {  	v26 =	vor.u32 v45, v1;
	v14 =	vld.idx.msk [tilespmem:v15+s23+$0x0], $0xffff  }
0x350: {  	v18 =	vld.idx.msk [tilespmem:v20+s23+$0x0], $0xffff;
	v22 =	vor.u32 s4, v21  }
0x351: {  	v20 =	vld.idx.msk [tilespmem:v24+s23+$0x0], $0xffff;
	v19 =	vor.u32 s17, v21;
	v24 =	vor.u32 s18, v21;
	v21 =	vsel vm0, v34, v33  }
0x352: {  	v10 =	vld.idx.msk [tilespmem:v28+s23+$0x0], $0xffff;
	v28 =	vcombine.low v21, v39;
	_ =	sdelay $0x1  }
0x353: {  	v11 =	vld.idx.msk [tilespmem:v26+s23+$0x0], $0xffff;
	[tilespmem:$0x1F9D0] =	vst v28  }
0x354: {  	[tilespmem:v22+s24+$0x0] =	vst.idx.msk $0xffff, v14  }
0x355: {  	v26 =	vld [tilespmem:$0x1FBF0];
	[tilespmem:v19+s24+$0x0] =	vst.idx.msk $0xffff, v18  }
0x356: {  	[tilespmem:v24+s24+$0x0] =	vst.idx.msk $0xffff, v20  }
0x357: {  	v19 =	vld [tilespmem:$0x1FC40]  }
0x358: {  	v20 =	vld [tilespmem:$0x1FC50];
	_ =	sdelay $0x3  }
0x359: {  	v15 =	vor.u32 v25, v2;
	v27 =	vld [tilespmem:$0x1FC30]  }
0x35a: {  	v16 =	vor.u32 v25, v3;
	v19 =	vsel vm0, v20, v19;
	v20 =	vld [tilespmem:$0x1FC20]  }
0x35b: {  	v23 =	vor.u32 v25, v8  }
0x35c: {  	v25 =	vor.u32 v25, v9;
	_ =	sdelay $0x1  }
0x35d: {  	v12 =	vld.idx.msk [tilespmem:v15+s23+$0x0], $0xffff;
	v13 =	vor.u32 s16, v26  }
0x35e: {  	v14 =	vld.idx.msk [tilespmem:v16+s23+$0x0], $0xffff;
	v16 =	vor.u32 s4, v26;
	v20 =	vsel vm0, v27, v20  }
0x35f: {  	v22 =	vld.idx.msk [tilespmem:v23+s23+$0x0], $0xffff;
	v23 =	vor.u32 s17, v26;
	v54 =	vcombine.low v19, v20  }
0x360: {  	v18 =	vor.u32 v28, v3;
	v24 =	vld.idx.msk [tilespmem:v25+s23+$0x0], $0xffff;
	v26 =	vor.u32 s18, v26  }
0x361: {  	[tilespmem:$0x1F9E0] =	vst v54  }
0x362: {  	[tilespmem:v13+s24+$0x0] =	vst.idx.msk $0xffff, v12  }
0x363: {  	v29 =	vld [tilespmem:$0x1FE20];
	[tilespmem:v16+s24+$0x0] =	vst.idx.msk $0xffff, v14  }
0x364: {  	v15 =	vor.u32 v28, v2;
	[tilespmem:v23+s24+$0x0] =	vst.idx.msk $0xffff, v22  }
0x365: {  	v25 =	vor.u32 v28, v8;
	v27 =	vor.u32 v28, v9;
	[tilespmem:v26+s24+$0x0] =	vst.idx.msk $0xffff, v24;
	v28 =	vld.idx.msk [tilespmem:v18+s23+$0x0], $0xffff  }
0x366: {  	v16 =	vld [tilespmem:$0x1FC90]  }
0x367: {  	v18 =	vld [tilespmem:$0x1FCA0];
	_ =	sdelay $0x2  }
0x368: {  	v13 =	vld.idx.msk [tilespmem:v15+s23+$0x0], $0xffff;
	v12 =	vor.u32 s16, v29  }
0x369: {  	v15 =	vor.u32 s4, v29;
	v23 =	vor.u32 s17, v29;
	v26 =	vor.u32 s18, v29;
	v29 =	vld [tilespmem:$0x1FC80]  }
0x36a: {  	v16 =	vsel vm0, v18, v16;
	v18 =	vld [tilespmem:$0x1FC70];
	_ =	sdelay $0x4  }
0x36b: {  	v18 =	vsel vm0, v29, v18  }
0x36c: {  	v25 =	vld.idx.msk [tilespmem:v25+s23+$0x0], $0xffff;
	v55 =	vcombine.low v16, v18  }
0x36d: {  	v14 =	vor.u32 v54, v2;
	v27 =	vld.idx.msk [tilespmem:v27+s23+$0x0], $0xffff  }
0x36e: {  	[tilespmem:$0x1F9F0] =	vst v55  }
0x36f: {  	[tilespmem:v12+s24+$0x0] =	vst.idx.msk $0xffff, v13  }
0x370: {  	v42 =	vld [tilespmem:$0x1FC60];
	[tilespmem:v15+s24+$0x0] =	vst.idx.msk $0xffff, v28  }
0x371: {  	[tilespmem:v23+s24+$0x0] =	vst.idx.msk $0xffff, v25  }
0x372: {  	v13 =	vld.idx.msk [tilespmem:v14+s23+$0x0], $0xffff;
	[tilespmem:v26+s24+$0x0] =	vst.idx.msk $0xffff, v27  }
0x373: {  	v14 =	vld [tilespmem:$0x1FCD0]  }
0x374: {  	v15 =	vld [tilespmem:$0x1FCE0];
	_ =	sdelay $0x3  }
0x375: {  	v48 =	vmov v31;
	v22 =	vor.u32 v54, v3;
	v31 =	vld [tilespmem:$0x1FCC0]  }
0x376: {  	v24 =	vor.u32 v54, v8;
	v14 =	vsel vm0, v14, v15;
	v15 =	vld [tilespmem:$0x1FCB0]  }
0x377: {  	v29 =	vor.u32 v54, v9  }
0x378: {  	v12 =	vor.u32 s16, v42;
	_ =	sdelay $0x1  }
0x379: {  	v38 =	vmov v30;
	v22 =	vld.idx.msk [tilespmem:v22+s23+$0x0], $0xffff;
	v30 =	vor.u32 s4, v42  }
0x37a: {  	v24 =	vld.idx.msk [tilespmem:v24+s23+$0x0], $0xffff;
	v25 =	vor.u32 s17, v42;
	v15 =	vsel vm0, v15, v31  }
0x37b: {  	v27 =	vld.idx.msk [tilespmem:v29+s23+$0x0], $0xffff;
	v29 =	vor.u32 s18, v42;
	v50 =	vcombine.low v14, v15  }
0x37c: {  	[tilespmem:v12+s24+$0x0] =	vst.idx.msk $0xffff, v13  }
0x37d: {  	[tilespmem:$0x1FA00] =	vst v50  }
0x37e: {  	[tilespmem:v30+s24+$0x0] =	vst.idx.msk $0xffff, v22  }
0x37f: {  	v12 =	vld [tilespmem:$0x1FE40];
	[tilespmem:v25+s24+$0x0] =	vst.idx.msk $0xffff, v24  }
0x380: {  	v28 =	vor.u32 v55, v2;
	[tilespmem:v29+s24+$0x0] =	vst.idx.msk $0xffff, v27  }
0x381: {  	v26 =	vor.u32 v55, v8;
	v13 =	vld [tilespmem:$0x1FD10]  }
0x382: {  	v23 =	vor.u32 v55, v3;
	v54 =	vld [tilespmem:$0x1FD20];
	_ =	sdelay $0x1  }
0x383: {  	v31 =	vor.u32 v55, v9  }
0x384: {  	v53 =	vor.u32 v50, v2;
	v28 =	vld.idx.msk [tilespmem:v28+s23+$0x0], $0xffff  }
0x385: {  	v25 =	vld.idx.msk [tilespmem:v26+s23+$0x0], $0xffff;
	v22 =	vor.u32 s16, v12;
	v30 =	vor.u32 s4, v12;
	v26 =	vor.u32 s17, v12  }
0x386: {  	v23 =	vld.idx.msk [tilespmem:v23+s23+$0x0], $0xffff;
	v29 =	vor.u32 s18, v12;
	v12 =	vsel vm0, v33, v34;
	v13 =	vsel vm0, v13, v54  }
0x387: {  	v24 =	vor.u32 v50, v3;
	v34 =	vcombine.low v12, v13  }
0x388: {  	v27 =	vld.idx.msk [tilespmem:v31+s23+$0x0], $0xffff;
	v31 =	vor.u32 v50, v8  }
0x389: {  	v55 =	vor.u32 v50, v9;
	[tilespmem:$0x1F960] =	vst v34  }
0x38a: {  	[tilespmem:v22+s24+$0x0] =	vst.idx.msk $0xffff, v28  }
0x38b: {  	[tilespmem:v30+s24+$0x0] =	vst.idx.msk $0xffff, v23;
	v23 =	vor.u32 s16, v36;
	v22 =	vld.idx.msk [tilespmem:v53+s23+$0x0], $0xffff  }
0x38c: {  	v28 =	vor.u32 s4, v36;
	[tilespmem:v26+s24+$0x0] =	vst.idx.msk $0xffff, v25;
	v24 =	vld.idx.msk [tilespmem:v24+s23+$0x0], $0xffff  }
0x38d: {  	v26 =	vld.idx.msk [tilespmem:v31+s23+$0x0], $0xffff;
	[tilespmem:v29+s24+$0x0] =	vst.idx.msk $0xffff, v27;
	v27 =	vor.u32 s17, v36  }
0x38e: {  	v30 =	vor.u32 v34, v2;
	v29 =	vor.u32 s18, v36;
	v31 =	vld.idx.msk [tilespmem:v55+s23+$0x0], $0xffff;
	_ =	sdelay $0x1  }
0x38f: {  	v49 =	vor.u32 v43, v9;
	[tilespmem:v23+s24+$0x0] =	vst.idx.msk $0xffff, v22  }
0x390: {  	v37 =	vor.u32 v34, v9;
	v25 =	vor.u32 v34, v3;
	[tilespmem:v28+s24+$0x0] =	vst.idx.msk $0xffff, v24  }
0x391: {  	v36 =	vor.u32 v34, v8;
	v23 =	vor.u32 s16, v38;
	v24 =	vor.u32 s4, v38;
	[tilespmem:v27+s24+$0x0] =	vst.idx.msk $0xffff, v26  }
0x392: {  	v28 =	vor.u32 v43, v2;
	v26 =	vor.u32 v43, v3;
	v22 =	vld.idx.msk [tilespmem:v30+s23+$0x0], $0xffff;
	[tilespmem:v29+s24+$0x0] =	vst.idx.msk $0xffff, v31  }
0x393: {  	v29 =	vor.u32 s17, v38;
	v30 =	vor.u32 s18, v38;
	v38 =	vor.u32 v43, v8;
	v43 =	vld [tilespmem:$0x1FE30];
	_ =	sdelay $0x1  }
0x394: {  	v25 =	vld.idx.msk [tilespmem:v25+s23+$0x0], $0xffff  }
0x395: {  	v27 =	vld.idx.msk [tilespmem:v36+s23+$0x0], $0xffff  }
0x396: {  	v31 =	vld.idx.msk [tilespmem:v37+s23+$0x0], $0xffff  }
0x397: {  	[tilespmem:v23+s24+$0x0] =	vst.idx.msk $0xffff, v22;
	v50 =	vor.u32 s6, v43  }
0x398: {  	v55 =	vld [tilespmem:$0x1FA40]  }
0x399: {  	[tilespmem:v24+s24+$0x0] =	vst.idx.msk $0xffff, v25  }
0x39a: {  	[tilespmem:v29+s24+$0x0] =	vst.idx.msk $0xffff, v27  }
0x39b: {  	v23 =	vld.idx.msk [tilespmem:v28+s23+$0x0], $0xffff;
	v24 =	vor.u32 s16, v48;
	[tilespmem:v30+s24+$0x0] =	vst.idx.msk $0xffff, v31  }
0x39c: {  	v26 =	vld.idx.msk [tilespmem:v26+s23+$0x0], $0xffff;
	[tilespmem:v50+s24+$0x0] =	vst.idx.msk $0xffff, v11  }
0x39d: {  	v25 =	vor.u32 s4, v48;
	v22 =	vor.u32 v55, v1;
	v44 =	vld [tilespmem:$0x1FE50]  }
0x39e: {  	v28 =	vor.u32 v45, v2;
	v30 =	vor.u32 s17, v48;
	v29 =	vld.idx.msk [tilespmem:v38+s23+$0x0], $0xffff  }
0x39f: {  	v27 =	vor.u32 v45, v3;
	v31 =	vor.u32 s18, v48;
	v32 =	vld.idx.msk [tilespmem:v49+s23+$0x0], $0xffff  }
0x3a0: {  	v33 =	vor.u32 v45, v8;
	v37 =	vor.u32 s5, v43;
	v42 =	vld [tilespmem:$0x1FAF0];
	[tilespmem:v24+s24+$0x0] =	vst.idx.msk $0xffff, v23  }
0x3a1: {  	v53 =	vor.u32 v45, v9;
	v45 =	vld [tilespmem:$0x1FA60]  }
0x3a2: {  	[tilespmem:v25+s24+$0x0] =	vst.idx.msk $0xffff, v26;
	v22 =	vld.idx.msk [tilespmem:v22+s23+$0x0], $0xffff;
	v54 =	vor.u32 s6, v44  }
0x3a3: {  	v36 =	vor.u32 v55, v0;
	v24 =	vld.idx.msk [tilespmem:v28+s23+$0x0], $0xffff;
	[tilespmem:v30+s24+$0x0] =	vst.idx.msk $0xffff, v29  }
0x3a4: {  	v25 =	vor.u32 s16, v43;
	[tilespmem:v31+s24+$0x0] =	vst.idx.msk $0xffff, v32;
	v27 =	vld.idx.msk [tilespmem:v27+s23+$0x0], $0xffff  }
0x3a5: {  	v26 =	vor.u32 s4, v43;
	v31 =	vor.u32 s17, v43;
	[tilespmem:v37+s24+$0x0] =	vst.idx.msk $0xffff, v10;
	v30 =	vld.idx.msk [tilespmem:v33+s23+$0x0], $0xffff  }
0x3a6: {  	v32 =	vld.idx.msk [tilespmem:v53+s23+$0x0], $0xffff;
	v23 =	vor.u32 v45, v0;
	v53 =	vor.u32 v45, v1;
	v45 =	vcombine.low v39, v21  }
0x3a7: {  	v10 =	vor.u32 s18, v43;
	[tilespmem:v54+s24+$0x0] =	vst.idx.msk $0xffff, v22  }
0x3a8: {  	v36 =	vld.idx.msk [tilespmem:v36+s23+$0x0], $0xffff;
	v54 =	vor.u32 s5, v44;
	[tilespmem:$0x1F970] =	vst v45  }
0x3a9: {  	[tilespmem:v25+s24+$0x0] =	vst.idx.msk $0xffff, v24  }
0x3aa: {  	v28 =	vor.u32 v55, v2;
	v39 =	vld [tilespmem:$0x1FB30];
	[tilespmem:v26+s24+$0x0] =	vst.idx.msk $0xffff, v27  }
0x3ab: {  	v29 =	vor.u32 v55, v3;
	[tilespmem:v31+s24+$0x0] =	vst.idx.msk $0xffff, v30  }
0x3ac: {  	v50 =	vor.u32 v55, v8;
	v34 =	vld.idx.msk [tilespmem:v53+s23+$0x0], $0xffff;
	[tilespmem:v10+s24+$0x0] =	vst.idx.msk $0xffff, v32  }
0x3ad: {  	v22 =	vor.u32 v55, v9;
	v49 =	vld [tilespmem:$0x1FAC0];
	[tilespmem:v54+s24+$0x0] =	vst.idx.msk $0xffff, v36  }
0x3ae: {  	v48 =	vld [tilespmem:$0x1FDA0]  }
0x3af: {  	v37 =	vor.u32 v45, v9;
	v25 =	vor.u32 s16, v44;
	v24 =	vld.idx.msk [tilespmem:v28+s23+$0x0], $0xffff  }
0x3b0: {  	v26 =	vor.u32 v45, v2;
	v27 =	vor.u32 s4, v44;
	v10 =	vor.u32 s17, v44;
	v28 =	vld.idx.msk [tilespmem:v29+s23+$0x0], $0xffff  }
0x3b1: {  	v32 =	vor.u32 v45, v8;
	v29 =	vor.u32 v45, v3;
	v30 =	vld.idx.msk [tilespmem:v50+s23+$0x0], $0xffff;
	v45 =	vcombine.low v20, v19  }
0x3b2: {  	v33 =	vor.u32 s18, v44;
	v22 =	vld.idx.msk [tilespmem:v22+s23+$0x0], $0xffff  }
0x3b3: {  	v23 =	vld.idx.msk [tilespmem:v23+s23+$0x0], $0xffff;
	[tilespmem:$0x1F980] =	vst v45;
	v50 =	vor.u32 s6, v48  }
0x3b4: {  	[tilespmem:v25+s24+$0x0] =	vst.idx.msk $0xffff, v24  }
0x3b5: {  	[tilespmem:v27+s24+$0x0] =	vst.idx.msk $0xffff, v28  }
0x3b6: {  	[tilespmem:v10+s24+$0x0] =	vst.idx.msk $0xffff, v30  }
0x3b7: {  	v20 =	vld.idx.msk [tilespmem:v26+s23+$0x0], $0xffff;
	[tilespmem:v33+s24+$0x0] =	vst.idx.msk $0xffff, v22;
	v44 =	vor.u32 s5, v48  }
0x3b8: {  	v31 =	vor.u32 v49, v1;
	v27 =	vld.idx.msk [tilespmem:v29+s23+$0x0], $0xffff;
	[tilespmem:v50+s24+$0x0] =	vst.idx.msk $0xffff, v34  }
0x3b9: {  	v19 =	vor.u32 v49, v0;
	v50 =	vld [tilespmem:$0x1FDB0]  }
0x3ba: {  	v28 =	vld.idx.msk [tilespmem:v32+s23+$0x0], $0xffff;
	v24 =	vor.u32 s16, v48  }
0x3bb: {  	v26 =	vor.u32 s4, v48;
	v33 =	vld.idx.msk [tilespmem:v37+s23+$0x0], $0xffff  }
0x3bc: {  	v22 =	vor.u32 s17, v48;
	v54 =	vld [tilespmem:$0x1FB10];
	[tilespmem:v44+s24+$0x0] =	vst.idx.msk $0xffff, v23;
	v44 =	vcombine.low v18, v16  }
0x3bd: {  	v32 =	vor.u32 s18, v48;
	v31 =	vld.idx.msk [tilespmem:v31+s23+$0x0], $0xffff  }
0x3be: {  	v25 =	vor.u32 v45, v2;
	v19 =	vld.idx.msk [tilespmem:v19+s23+$0x0], $0xffff;
	[tilespmem:$0x1F9B0] =	vst v44;
	v29 =	vor.u32 s6, v50  }
0x3bf: {  	[tilespmem:v24+s24+$0x0] =	vst.idx.msk $0xffff, v20  }
0x3c0: {  	v10 =	vor.u32 v45, v3;
	[tilespmem:v26+s24+$0x0] =	vst.idx.msk $0xffff, v27  }
0x3c1: {  	v30 =	vor.u32 v45, v8;
	[tilespmem:v22+s24+$0x0] =	vst.idx.msk $0xffff, v28  }
0x3c2: {  	v23 =	vor.u32 v45, v9;
	[tilespmem:v32+s24+$0x0] =	vst.idx.msk $0xffff, v33  }
0x3c3: {  	v20 =	vld.idx.msk [tilespmem:v25+s23+$0x0], $0xffff;
	v34 =	vor.u32 v54, v1;
	v45 =	vor.u32 s5, v50;
	[tilespmem:v29+s24+$0x0] =	vst.idx.msk $0xffff, v31  }
0x3c4: {  	v16 =	vor.u32 v54, v0;
	v53 =	vld [tilespmem:$0x1FDC0]  }
0x3c5: {  	v10 =	vld.idx.msk [tilespmem:v10+s23+$0x0], $0xffff;
	v18 =	vor.u32 s16, v50  }
0x3c6: {  	v27 =	vld.idx.msk [tilespmem:v30+s23+$0x0], $0xffff;
	v25 =	vor.u32 s4, v50  }
0x3c7: {  	v49 =	vcombine.low v15, v14;
	v26 =	vor.u32 s17, v50;
	v23 =	vld.idx.msk [tilespmem:v23+s23+$0x0], $0xffff  }
0x3c8: {  	v29 =	vor.u32 s18, v50;
	v31 =	vld.idx.msk [tilespmem:v34+s23+$0x0], $0xffff;
	[tilespmem:v45+s24+$0x0] =	vst.idx.msk $0xffff, v19  }
0x3c9: {  	v24 =	vor.u32 v44, v2;
	v16 =	vld.idx.msk [tilespmem:v16+s23+$0x0], $0xffff;
	[tilespmem:$0x1F9C0] =	vst v49;
	v30 =	vor.u32 s6, v53  }
0x3ca: {  	[tilespmem:v18+s24+$0x0] =	vst.idx.msk $0xffff, v20  }
0x3cb: {  	v22 =	vor.u32 v44, v3;
	[tilespmem:v25+s24+$0x0] =	vst.idx.msk $0xffff, v10  }
0x3cc: {  	v28 =	vor.u32 v44, v8;
	[tilespmem:v26+s24+$0x0] =	vst.idx.msk $0xffff, v27  }
0x3cd: {  	v19 =	vor.u32 v44, v9;
	[tilespmem:v29+s24+$0x0] =	vst.idx.msk $0xffff, v23  }
0x3ce: {  	v21 =	vor.u32 v39, v1;
	v18 =	vld.idx.msk [tilespmem:v24+s23+$0x0], $0xffff;
	v45 =	vor.u32 s5, v53;
	[tilespmem:v30+s24+$0x0] =	vst.idx.msk $0xffff, v31  }
0x3cf: {  	v14 =	vor.u32 v39, v0;
	v54 =	vld [tilespmem:$0x1FDD0]  }
0x3d0: {  	v22 =	vld.idx.msk [tilespmem:v22+s23+$0x0], $0xffff;
	v15 =	vor.u32 s16, v53  }
0x3d1: {  	v26 =	vld.idx.msk [tilespmem:v28+s23+$0x0], $0xffff;
	v20 =	vor.u32 s4, v53  }
0x3d2: {  	v25 =	vor.u32 s17, v53;
	v19 =	vld.idx.msk [tilespmem:v19+s23+$0x0], $0xffff;
	v30 =	vcombine.low v13, v12  }
0x3d3: {  	v27 =	vor.u32 s18, v53;
	v21 =	vld.idx.msk [tilespmem:v21+s23+$0x0], $0xffff;
	[tilespmem:v45+s24+$0x0] =	vst.idx.msk $0xffff, v16  }
0x3d4: {  	v10 =	vor.u32 v49, v2;
	v14 =	vld.idx.msk [tilespmem:v14+s23+$0x0], $0xffff;
	[tilespmem:$0x1F9A0] =	vst v30;
	v28 =	vor.u32 s6, v54  }
0x3d5: {  	[tilespmem:v15+s24+$0x0] =	vst.idx.msk $0xffff, v18  }
0x3d6: {  	v24 =	vor.u32 v49, v3;
	[tilespmem:v20+s24+$0x0] =	vst.idx.msk $0xffff, v22  }
0x3d7: {  	v23 =	vor.u32 v49, v8;
	[tilespmem:v25+s24+$0x0] =	vst.idx.msk $0xffff, v26  }
0x3d8: {  	v16 =	vor.u32 v49, v9;
	[tilespmem:v27+s24+$0x0] =	vst.idx.msk $0xffff, v19  }
0x3d9: {  	v11 =	vor.u32 v42, v1;
	v10 =	vld.idx.msk [tilespmem:v10+s23+$0x0], $0xffff;
	v29 =	vor.u32 s5, v54;
	[tilespmem:v28+s24+$0x0] =	vst.idx.msk $0xffff, v21  }
0x3da: {  	v27 =	vld [tilespmem:$0x1FDE0]  }
0x3db: {  	v12 =	vor.u32 v42, v0;
	v20 =	vld.idx.msk [tilespmem:v24+s23+$0x0], $0xffff;
	v13 =	vor.u32 s16, v54  }
0x3dc: {  	v15 =	vor.u32 v30, v2;
	v23 =	vld.idx.msk [tilespmem:v23+s23+$0x0], $0xffff;
	v18 =	vor.u32 s4, v54  }
0x3dd: {  	v22 =	vor.u32 v30, v3;
	v24 =	vor.u32 s17, v54;
	v16 =	vld.idx.msk [tilespmem:v16+s23+$0x0], $0xffff  }
0x3de: {  	v19 =	vor.u32 v30, v8;
	v21 =	vor.u32 s18, v54;
	v11 =	vld.idx.msk [tilespmem:v11+s23+$0x0], $0xffff;
	[tilespmem:v29+s24+$0x0] =	vst.idx.msk $0xffff, v14  }
0x3df: {  	v28 =	vld [tilespmem:$0x1FBA0];
	v25 =	vor.u32 s6, v27  }
0x3e0: {  	v12 =	vld.idx.msk [tilespmem:v12+s23+$0x0], $0xffff;
	[tilespmem:v13+s24+$0x0] =	vst.idx.msk $0xffff, v10;
	v26 =	vor.u32 s5, v27  }
0x3e1: {  	[tilespmem:v18+s24+$0x0] =	vst.idx.msk $0xffff, v20;
	v13 =	vld.idx.msk [tilespmem:v15+s23+$0x0], $0xffff;
	v10 =	vor.u32 s16, v27  }
0x3e2: {  	[tilespmem:v24+s24+$0x0] =	vst.idx.msk $0xffff, v23;
	v18 =	vld.idx.msk [tilespmem:v22+s23+$0x0], $0xffff;
	v15 =	vor.u32 s4, v27  }
0x3e3: {  	v14 =	vor.u32 v30, v9;
	v19 =	vld.idx.msk [tilespmem:v19+s23+$0x0], $0xffff;
	[tilespmem:v21+s24+$0x0] =	vst.idx.msk $0xffff, v16;
	v20 =	vor.u32 s17, v27  }
0x3e4: {  	[tilespmem:v25+s24+$0x0] =	vst.idx.msk $0xffff, v11  }
0x3e5: {  	v1 =	vor.u32 v28, v1;
	[tilespmem:v26+s24+$0x0] =	vst.idx.msk $0xffff, v12  }
0x3e6: {  	v0 =	vor.u32 v28, v0;
	[tilespmem:v10+s24+$0x0] =	vst.idx.msk $0xffff, v13  }
0x3e7: {  	v2 =	vor.u32 v28, v2;
	[tilespmem:v15+s24+$0x0] =	vst.idx.msk $0xffff, v18  }
0x3e8: {  	v14 =	vld.idx.msk [tilespmem:v14+s23+$0x0], $0xffff;
	v3 =	vor.u32 v28, v3;
	[tilespmem:v20+s24+$0x0] =	vst.idx.msk $0xffff, v19  }
0x3e9: {  	v8 =	vor.u32 v28, v8;
	v11 =	vor.u32 s18, v27;
	v49 =	vld [tilespmem:$0x1FBC0]  }
0x3ea: {  	v9 =	vor.u32 v28, v9;
	v1 =	vld.idx.msk [tilespmem:v1+s23+$0x0], $0xffff  }
0x3eb: {  	v0 =	vld.idx.msk [tilespmem:v0+s23+$0x0], $0xffff  }
0x3ec: {  	v2 =	vld.idx.msk [tilespmem:v2+s23+$0x0], $0xffff  }
0x3ed: {  	v3 =	vld.idx.msk [tilespmem:v3+s23+$0x0], $0xffff  }
0x3ee: {  	v8 =	vld.idx.msk [tilespmem:v8+s23+$0x0], $0xffff;
	[tilespmem:v11+s24+$0x0] =	vst.idx.msk $0xffff, v14;
	v10 =	vor.u32 s17, v49  }
0x3ef: {  	[tilespmem:v6+s24+$0x0] =	vst.idx.msk $0xffff, v1;
	v1 =	vld.idx.msk [tilespmem:v9+s23+$0x0], $0xffff  }
0x3f0: {  	[tilespmem:v5+s24+$0x0] =	vst.idx.msk $0xffff, v0  }
0x3f1: {  	[tilespmem:v4+s24+$0x0] =	vst.idx.msk $0xffff, v2  }
0x3f2: {  	s0 =	sadd.s32 s8, s31;
	[tilespmem:v7+s24+$0x0] =	vst.idx.msk $0xffff, v3  }
0x3f3: {  	s0 =	sshll.u32 s0, $0xC;
	[tilespmem:v10+s24+$0x0] =	vst.idx.msk $0xffff, v8  }
0x3f4: {  	s31 =	sor.u32 $0x1, s31;
	s0 =	sadd.s32 s9, s0;
	[tilespmem:v17+s24+$0x0] =	vst.idx.msk $0xffff, v1  }
0x3f5: {  	v0 =	vmov s31;
	[hbm4b:s0+s7] =	stream.linear.scatter [tilespmem:s24], [sflag:$0x1], $0x8000, $0x38;
	[tilespmem:$0x14200] =	vst v63  }
0x3f6: {  	s0 =	simm.s32 @!p0 $0x2  }
0x3f7: {  	_ =	swait.ge @!p0 [sflag:s0], $0x8000  }
0x3f8: {  	[sflag:s0] =	ssyncset.done @!p0 $0x0  }
0x3f9: {  	[sflag:s0] =	ssyncadd.s32 @!p0 $0xFFFF8000  }
0x3fa: {  	v1 =	vld.idx.msk [tilespmem:v0+s19+$0x0], $0xffff  }
0x3fb: {  	v45 =	vld.idx.msk [tilespmem:v0+s20+$0x0], $0xffff  }
0x3fc: {  	s4 =	simm.s32 $0xC10;
	v2 =	vld.idx.msk [tilespmem:v0+s22+$0x0], $0xffff  }
0x3fd: {  	s1 =	simm.s32 $0x10;
	v3 =	vld [tilespmem:s4+$0x0]  }
0x3fe: {  	v8 =	vld [tilespmem:s1+$0x0]  }
0x3ff: {  	v44 =	vld.idx.msk [tilespmem:v0+s21+$0x0], $0xffff  }
0x400: {  	s6 =	simm.s32 $0x410;
	v0 =	vld [tilespmem:s4+$0xFFFFFFF0]  }
0x401: {  	v9 =	vld [tilespmem:s6+$0x0]  }
0x402: {  	v42 =	vsub.s32 $0x2, v2;
	v2 =	vld [tilespmem:s1+$0xFFFFFFF0]  }
0x403: {  	s5 =	simm.s32 $0x810;
	v7 =	vsub.s32 $0x20, v1;
	v3 =	vadd.s32 v42, v3  }
0x404: {  	v1 =	vld [tilespmem:s5+$0x0];
	v8 =	vadd.s32 v7, v8;
	vm1 =	vgt.s32 v3, $0x0  }
0x405: {  	v3 =	vnsel vm1, $0x0, v3;
	vm1 =	vgt.s32 v8, $0x0  }
0x406: {  	vm2 =	veq.s32 v9, v45;
	v0 =	vadd.s32 v42, v0;
	v8 =	vnsel vm1, $0x0, v8  }
0x407: {  	vm1 =	vgt.s32 v0, $0x0;
	v2 =	vadd.s32 v7, v2;
	v8 =	vmin.u32 v8, $0x40  }
0x408: {  	v10 =	vld [tilespmem:s5+$0xFFFFFFF0];
	v0 =	vnsel vm1, $0x0, v0;
	vm1 =	vgt.s32 v2, $0x0;
	v8 =	vmul.u32 $0x6, v8  }
0x409: {  	v11 =	vld [tilespmem:s6+$0xFFFFFFF0];
	v3 =	vmin.u32 v3, $0x4;
	v2 =	vnsel vm1, $0x0, v2;
	vm1 =	veq.s32 v1, v44  }
0x40a: {  	v1 =	vmin.u32 v2, $0x40;
	v2 =	vnsel vm1, $0x5, v3;
	v3 =	vnsel vm2, $0x186, v8  }
0x40b: {  	v2 =	vadd.s32 v3, v2  }
0x40c: {  	v39 =	vshll.u32 v2, $0x5  }
0x40d: {  	v1 =	vmul.u32 $0x6, v1;
	v2 =	vor.u32 v56, v39  }
0x40e: {  	v0 =	vmin.u32 v0, $0x4;
	vm1 =	veq.s32 v10, v44;
	vm2 =	veq.s32 v11, v45  }
0x40f: {  	v0 =	vnsel vm1, $0x5, v0;
	v1 =	vnsel vm2, $0x186, v1  }
0x410: {  	v0 =	vadd.s32 v1, v0  }
0x411: {  	s18 =	simm.s32 $0x200;
	v12 =	vshll.u32 v0, $0x5  }
0x412: {  	v0 =	vor.u32 v56, v12;
	v1 =	vld.idx.msk [tilespmem:v2+s23+$0x0], $0xffff;
	v2 =	vor.u32 s18, v57  }
0x413: {  	v3 =	vor.u32 v58, v39;
	_ =	sdelay $0x2  }
0x414: {  	s17 =	simm.s32 $0x0  }
0x415: {  	v8 =	vor.u32 s17, v57;
	v0 =	vld.idx.msk [tilespmem:v0+s23+$0x0], $0xffff;
	[tilespmem:v2+s25+$0x0] =	vst.idx.msk $0xffff, v1  }
0x416: {  	v9 =	vor.u32 v58, v12;
	v2 =	vor.u32 s18, v59;
	v1 =	vld.idx.msk [tilespmem:v3+s23+$0x0], $0xffff  }
0x417: {  	v3 =	vor.u32 v60, v39;
	_ =	sdelay $0x2  }
0x418: {  	[tilespmem:v8+s25+$0x0] =	vst.idx.msk $0xffff, v0  }
0x419: {  	v8 =	vor.u32 s17, v59;
	v0 =	vld.idx.msk [tilespmem:v9+s23+$0x0], $0xffff;
	[tilespmem:v2+s25+$0x0] =	vst.idx.msk $0xffff, v1  }
0x41a: {  	v9 =	vor.u32 v60, v12;
	v2 =	vor.u32 s18, v61;
	v1 =	vld.idx.msk [tilespmem:v3+s23+$0x0], $0xffff  }
0x41b: {  	v3 =	vor.u32 v62, v39;
	_ =	sdelay $0x2  }
0x41c: {  	[tilespmem:v8+s25+$0x0] =	vst.idx.msk $0xffff, v0  }
0x41d: {  	v8 =	vor.u32 s17, v61;
	v0 =	vld.idx.msk [tilespmem:v9+s23+$0x0], $0xffff;
	[tilespmem:v2+s25+$0x0] =	vst.idx.msk $0xffff, v1  }
0x41e: {  	v2 =	vor.u32 s18, v63;
	v1 =	vld.idx.msk [tilespmem:v3+s23+$0x0], $0xffff;
	_ =	sdelay $0x3  }
0x41f: {  	[tilespmem:v8+s25+$0x0] =	vst.idx.msk $0xffff, v0  }
0x420: {  	v9 =	vor.u32 v62, v12;
	[tilespmem:v2+s25+$0x0] =	vst.idx.msk $0xffff, v1  }
0x421: {  	v3 =	vor.u32 v46, v39;
	v20 =	vld [tilespmem:$0x1FEE0];
	_ =	sdelay $0x3  }
0x422: {  	v8 =	vor.u32 s17, v63;
	v0 =	vld.idx.msk [tilespmem:v9+s23+$0x0], $0xffff  }
0x423: {  	v1 =	vld.idx.msk [tilespmem:v3+s23+$0x0], $0xffff;
	v2 =	vor.u32 s18, v20  }
0x424: {  	v5 =	vld [tilespmem:$0x1FEF0];
	_ =	sdelay $0x2  }
0x425: {  	[tilespmem:v8+s25+$0x0] =	vst.idx.msk $0xffff, v0  }
0x426: {  	v9 =	vor.u32 v46, v12;
	[tilespmem:v2+s25+$0x0] =	vst.idx.msk $0xffff, v1  }
0x427: {  	v3 =	vor.u32 v5, v39;
	v22 =	vld [tilespmem:$0x1FFC0];
	_ =	sdelay $0x3  }
0x428: {  	v0 =	vld.idx.msk [tilespmem:v9+s23+$0x0], $0xffff;
	v8 =	vor.u32 s17, v20  }
0x429: {  	v1 =	vld.idx.msk [tilespmem:v3+s23+$0x0], $0xffff;
	v2 =	vor.u32 s18, v22;
	_ =	sdelay $0x3  }
0x42a: {  	[tilespmem:v8+s25+$0x0] =	vst.idx.msk $0xffff, v0  }
0x42b: {  	v9 =	vor.u32 v5, v12;
	[tilespmem:v2+s25+$0x0] =	vst.idx.msk $0xffff, v1  }
0x42c: {  	v3 =	vor.u32 v52, v39;
	v32 =	vld [tilespmem:$0x1FF00];
	_ =	sdelay $0x3  }
0x42d: {  	v0 =	vld.idx.msk [tilespmem:v9+s23+$0x0], $0xffff;
	v8 =	vor.u32 s17, v22  }
0x42e: {  	v1 =	vld.idx.msk [tilespmem:v3+s23+$0x0], $0xffff;
	v2 =	vor.u32 s18, v32;
	_ =	sdelay $0x3  }
0x42f: {  	[tilespmem:v8+s25+$0x0] =	vst.idx.msk $0xffff, v0  }
0x430: {  	v9 =	vor.u32 v52, v12;
	[tilespmem:v2+s25+$0x0] =	vst.idx.msk $0xffff, v1  }
0x431: {  	v3 =	vor.u32 v35, v39;
	v38 =	vld [tilespmem:$0x1FF10];
	_ =	sdelay $0x3  }
0x432: {  	v0 =	vld.idx.msk [tilespmem:v9+s23+$0x0], $0xffff;
	v8 =	vor.u32 s17, v32  }
0x433: {  	v1 =	vld.idx.msk [tilespmem:v3+s23+$0x0], $0xffff;
	v2 =	vor.u32 s18, v38;
	_ =	sdelay $0x1  }
0x434: {  	s10 =	simm.s32 $0xC30  }
0x435: {  	v9 =	vld [tilespmem:s10+$0x0]  }
0x436: {  	[tilespmem:v8+s25+$0x0] =	vst.idx.msk $0xffff, v0  }
0x437: {  	v10 =	vor.u32 v35, v12;
	[tilespmem:v2+s25+$0x0] =	vst.idx.msk $0xffff, v1  }
0x438: {  	v13 =	vor.u32 v41, v39;
	v31 =	vld [tilespmem:$0x1FF20];
	_ =	sdelay $0x1  }
0x439: {  	s16 =	simm.s32 $0x30;
	v11 =	vld [tilespmem:s10+$0xFFFFFFF0];
	v8 =	vadd.s32 v42, v9  }
0x43a: {  	v0 =	vld [tilespmem:s16+$0xFFFFFFF0];
	vm1 =	vgt.s32 v8, $0x0  }
0x43b: {  	v9 =	vld.idx.msk [tilespmem:v10+s23+$0x0], $0xffff;
	v8 =	vnsel vm1, $0x0, v8;
	v10 =	vor.u32 s17, v38  }
0x43c: {  	v1 =	vmin.u32 v8, $0x4;
	v8 =	vld.idx.msk [tilespmem:v13+s23+$0x0], $0xffff;
	v2 =	vor.u32 s18, v31  }
0x43d: {  	v30 =	vld [tilespmem:$0x1FF70]  }
0x43e: {  	v3 =	vld [tilespmem:s16+$0x0];
	_ =	sdelay $0x1  }
0x43f: {  	s2 =	simm.s32 $0x430;
	[tilespmem:v10+s25+$0x0] =	vst.idx.msk $0xffff, v9  }
0x440: {  	v11 =	vadd.s32 v42, v11;
	v15 =	vor.u32 v41, v12;
	v9 =	vld [tilespmem:s2+$0x0];
	[tilespmem:v2+s25+$0x0] =	vst.idx.msk $0xffff, v8  }
0x441: {  	vm1 =	vgt.s32 v11, $0x0;
	v0 =	vadd.s32 v7, v0;
	v17 =	vor.u32 v30, v39;
	v4 =	vld [tilespmem:$0x1FF30]  }
0x442: {  	s1 =	simm.s32 $0x830;
	v11 =	vnsel vm1, $0x0, v11;
	v3 =	vadd.s32 v7, v3;
	vm1 =	vgt.s32 v0, $0x0;
	v6 =	vld [tilespmem:$0x1FF90]  }
0x443: {  	v14 =	vld [tilespmem:s1+$0x0];
	v0 =	vnsel vm1, $0x0, v0;
	vm1 =	vgt.s32 v3, $0x0  }
0x444: {  	v3 =	vnsel vm1, $0x0, v3;
	v13 =	vld [tilespmem:s2+$0xFFFFFFF0]  }
0x445: {  	v3 =	vmin.u32 v3, $0x40;
	v10 =	vld.idx.msk [tilespmem:v15+s23+$0x0], $0xffff;
	v15 =	vor.u32 s17, v31  }
0x446: {  	v18 =	vor.u32 v30, v12;
	v2 =	vmul.u32 $0x6, v3;
	v3 =	vld.idx.msk [tilespmem:v17+s23+$0x0], $0xffff;
	v8 =	vor.u32 s18, v4  }
0x447: {  	vm3 =	veq.s32 v9, v45;
	v9 =	vor.u32 v6, v39  }
0x448: {  	v16 =	vld [tilespmem:s1+$0xFFFFFFF0];
	_ =	sdelay $0x1  }
0x449: {  	v0 =	vmin.u32 v0, $0x40;
	vm1 =	veq.s32 v14, v44;
	[tilespmem:v15+s25+$0x0] =	vst.idx.msk $0xffff, v10  }
0x44a: {  	v1 =	vnsel vm1, $0x5, v1;
	vm1 =	veq.s32 v13, v45;
	v13 =	vld.idx.msk [tilespmem:v18+s23+$0x0], $0xffff;
	v10 =	vor.u32 s17, v4;
	[tilespmem:v8+s25+$0x0] =	vst.idx.msk $0xffff, v3  }
0x44b: {  	v0 =	vmul.u32 $0x6, v0;
	v8 =	vld.idx.msk [tilespmem:v9+s23+$0x0], $0xffff;
	v9 =	vor.u32 s18, v40  }
0x44c: {  	vm2 =	veq.s32 v16, v44;
	v11 =	vmin.u32 v11, $0x4;
	v2 =	vnsel vm3, $0x186, v2;
	v4 =	vld [tilespmem:$0x1FEC0]  }
0x44d: {  	v11 =	vnsel vm2, $0x5, v11;
	v0 =	vnsel vm1, $0x186, v0;
	v1 =	vadd.s32 v2, v1  }
0x44e: {  	v11 =	vadd.s32 v0, v11;
	v0 =	vshll.u32 v1, $0x5;
	v2 =	vor.u32 v6, v12  }
0x44f: {  	v1 =	vshll.u32 v11, $0x5;
	v11 =	vor.u32 v56, v0;
	[tilespmem:v10+s25+$0x0] =	vst.idx.msk $0xffff, v13  }
0x450: {  	v3 =	vor.u32 v56, v1;
	[tilespmem:v9+s25+$0x0] =	vst.idx.msk $0xffff, v8  }
0x451: {  	v19 =	vmov v46;
	v14 =	vor.u32 v4, v39;
	v46 =	vld [tilespmem:$0x1FE70];
	_ =	sdelay $0x1  }
0x452: {  	s5 =	simm.s32 $0x600;
	v10 =	vor.u32 s17, v40;
	v2 =	vld.idx.msk [tilespmem:v2+s23+$0x0], $0xffff  }
0x453: {  	s6 =	simm.s32 $0x400;
	v11 =	vld.idx.msk [tilespmem:v11+s23+$0x0], $0xffff;
	v13 =	vor.u32 s5, v57  }
0x454: {  	v16 =	vor.u32 s6, v57;
	v3 =	vld.idx.msk [tilespmem:v3+s23+$0x0], $0xffff  }
0x455: {  	v9 =	vld.idx.msk [tilespmem:v14+s23+$0x0], $0xffff;
	v14 =	vor.u32 s18, v46  }
0x456: {  	v34 =	vld [tilespmem:$0x1FE80]  }
0x457: {  	[tilespmem:v10+s25+$0x0] =	vst.idx.msk $0xffff, v2  }
0x458: {  	v15 =	vor.u32 v4, v12;
	[tilespmem:v13+s25+$0x0] =	vst.idx.msk $0xffff, v11  }
0x459: {  	v17 =	vor.u32 v58, v0;
	[tilespmem:v16+s25+$0x0] =	vst.idx.msk $0xffff, v3  }
0x45a: {  	v8 =	vor.u32 v58, v1;
	[tilespmem:v14+s25+$0x0] =	vst.idx.msk $0xffff, v9  }
0x45b: {  	v18 =	vor.u32 v34, v39;
	v36 =	vld [tilespmem:$0x1FE90];
	_ =	sdelay $0x1  }
0x45c: {  	v2 =	vld.idx.msk [tilespmem:v15+s23+$0x0], $0xffff;
	v10 =	vor.u32 s17, v46  }
0x45d: {  	v11 =	vor.u32 s5, v59;
	v3 =	vld.idx.msk [tilespmem:v17+s23+$0x0], $0xffff  }
0x45e: {  	v8 =	vld.idx.msk [tilespmem:v8+s23+$0x0], $0xffff;
	v15 =	vor.u32 s6, v59  }
0x45f: {  	v14 =	vld.idx.msk [tilespmem:v18+s23+$0x0], $0xffff;
	v17 =	vor.u32 s18, v36  }
0x460: {  	v33 =	vld [tilespmem:$0x1FEA0]  }
0x461: {  	[tilespmem:v10+s25+$0x0] =	vst.idx.msk $0xffff, v2  }
0x462: {  	v13 =	vor.u32 v34, v12;
	[tilespmem:v11+s25+$0x0] =	vst.idx.msk $0xffff, v3  }
0x463: {  	v16 =	vor.u32 v60, v0;
	[tilespmem:v15+s25+$0x0] =	vst.idx.msk $0xffff, v8  }
0x464: {  	v9 =	vor.u32 v60, v1;
	[tilespmem:v17+s25+$0x0] =	vst.idx.msk $0xffff, v14  }
0x465: {  	v18 =	vor.u32 v33, v39;
	v37 =	vld [tilespmem:$0x1FEB0];
	_ =	sdelay $0x1  }
0x466: {  	v2 =	vld.idx.msk [tilespmem:v13+s23+$0x0], $0xffff;
	v3 =	vor.u32 s17, v36  }
0x467: {  	v10 =	vor.u32 s5, v61;
	v8 =	vld.idx.msk [tilespmem:v16+s23+$0x0], $0xffff  }
0x468: {  	v13 =	vor.u32 s6, v61;
	v9 =	vld.idx.msk [tilespmem:v9+s23+$0x0], $0xffff  }
0x469: {  	v16 =	vld.idx.msk [tilespmem:v18+s23+$0x0], $0xffff;
	v17 =	vor.u32 s18, v37  }
0x46a: {  	v4 =	vld [tilespmem:$0x1FD30]  }
0x46b: {  	[tilespmem:v3+s25+$0x0] =	vst.idx.msk $0xffff, v2  }
0x46c: {  	v11 =	vor.u32 v33, v12;
	[tilespmem:v10+s25+$0x0] =	vst.idx.msk $0xffff, v8  }
0x46d: {  	v15 =	vor.u32 v62, v0;
	[tilespmem:v13+s25+$0x0] =	vst.idx.msk $0xffff, v9  }
0x46e: {  	v14 =	vor.u32 v62, v1;
	[tilespmem:v17+s25+$0x0] =	vst.idx.msk $0xffff, v16  }
0x46f: {  	v18 =	vor.u32 v4, v39;
	v10 =	vor.u32 v4, v12;
	v4 =	vld [tilespmem:$0x1FE60];
	_ =	sdelay $0x1  }
0x470: {  	v2 =	vld.idx.msk [tilespmem:v11+s23+$0x0], $0xffff;
	v3 =	vor.u32 s17, v37  }
0x471: {  	v9 =	vor.u32 s5, v63;
	v8 =	vld.idx.msk [tilespmem:v15+s23+$0x0], $0xffff  }
0x472: {  	v13 =	vor.u32 s6, v63;
	v11 =	vld.idx.msk [tilespmem:v14+s23+$0x0], $0xffff;
	v14 =	vor.u32 v19, v0  }
0x473: {  	v15 =	vor.u32 v19, v1;
	v16 =	vld.idx.msk [tilespmem:v18+s23+$0x0], $0xffff;
	v17 =	vor.u32 s18, v4  }
0x474: {  	v6 =	vld [tilespmem:$0x1FD80]  }
0x475: {  	[tilespmem:v3+s25+$0x0] =	vst.idx.msk $0xffff, v2  }
0x476: {  	[tilespmem:v9+s25+$0x0] =	vst.idx.msk $0xffff, v8  }
0x477: {  	[tilespmem:v13+s25+$0x0] =	vst.idx.msk $0xffff, v11;
	v8 =	vld.idx.msk [tilespmem:v14+s23+$0x0], $0xffff  }
0x478: {  	v11 =	vld.idx.msk [tilespmem:v15+s23+$0x0], $0xffff;
	[tilespmem:v17+s25+$0x0] =	vst.idx.msk $0xffff, v16  }
0x479: {  	v14 =	vor.u32 v5, v0;
	v15 =	vor.u32 v5, v1;
	v18 =	vor.u32 v6, v39;
	v5 =	vld [tilespmem:$0x1FD90];
	_ =	sdelay $0x1  }
0x47a: {  	v2 =	vld.idx.msk [tilespmem:v10+s23+$0x0], $0xffff;
	v3 =	vor.u32 s17, v4  }
0x47b: {  	v9 =	vor.u32 s5, v20  }
0x47c: {  	v13 =	vor.u32 s6, v20  }
0x47d: {  	v10 =	vor.u32 v6, v12;
	v16 =	vld.idx.msk [tilespmem:v18+s23+$0x0], $0xffff;
	v17 =	vor.u32 s18, v5  }
0x47e: {  	v4 =	vld [tilespmem:$0x1FDF0]  }
0x47f: {  	s10 =	simm.s32 $0x50;
	[tilespmem:v3+s25+$0x0] =	vst.idx.msk $0xffff, v2  }
0x480: {  	v23 =	vld [tilespmem:s10+$0x0];
	s16 =	simm.s32 $0x450;
	[tilespmem:v9+s25+$0x0] =	vst.idx.msk $0xffff, v8  }
0x481: {  	v26 =	vld [tilespmem:s16+$0xFFFFFFF0];
	[tilespmem:v13+s25+$0x0] =	vst.idx.msk $0xffff, v11  }
0x482: {  	v2 =	vld.idx.msk [tilespmem:v10+s23+$0x0], $0xffff;
	[tilespmem:v17+s25+$0x0] =	vst.idx.msk $0xffff, v16  }
0x483: {  	s4 =	simm.s32 $0xC50;
	v19 =	vor.u32 v4, v39;
	v3 =	vor.u32 s17, v5;
	v5 =	vld [tilespmem:$0x1FE00]  }
0x484: {  	v20 =	vld [tilespmem:s4+$0x0];
	v10 =	vor.u32 v4, v12  }
0x485: {  	v8 =	vld.idx.msk [tilespmem:v14+s23+$0x0], $0xffff  }
0x486: {  	v9 =	vor.u32 s5, v22;
	v11 =	vld.idx.msk [tilespmem:v15+s23+$0x0], $0xffff  }
0x487: {  	v13 =	vor.u32 s6, v22;
	v14 =	vor.u32 v52, v0;
	v4 =	vld [tilespmem:$0x1FE10]  }
0x488: {  	v15 =	vor.u32 v52, v1;
	v16 =	vld.idx.msk [tilespmem:v19+s23+$0x0], $0xffff;
	[tilespmem:v3+s25+$0x0] =	vst.idx.msk $0xffff, v2;
	v17 =	vor.u32 s18, v5  }
0x489: {  	s3 =	simm.s32 $0x850;
	v2 =	vld.idx.msk [tilespmem:v10+s23+$0x0], $0xffff;
	v3 =	vor.u32 s17, v5  }
0x48a: {  	v22 =	vld [tilespmem:s3+$0xFFFFFFF0]  }
0x48b: {  	v19 =	vld [tilespmem:s4+$0xFFFFFFF0];
	[tilespmem:v9+s25+$0x0] =	vst.idx.msk $0xffff, v8  }
0x48c: {  	[tilespmem:v13+s25+$0x0] =	vst.idx.msk $0xffff, v11;
	v9 =	vor.u32 s5, v32;
	v8 =	vld.idx.msk [tilespmem:v14+s23+$0x0], $0xffff;
	v21 =	vor.u32 v4, v39  }
0x48d: {  	v13 =	vor.u32 s6, v32;
	v11 =	vld.idx.msk [tilespmem:v15+s23+$0x0], $0xffff;
	v10 =	vor.u32 v4, v12;
	[tilespmem:v17+s25+$0x0] =	vst.idx.msk $0xffff, v16  }
0x48e: {  	v4 =	vld [tilespmem:$0x1FBF0];
	[tilespmem:v3+s25+$0x0] =	vst.idx.msk $0xffff, v2  }
0x48f: {  	v3 =	vld [tilespmem:$0x1F9D0]  }
0x490: {  	v14 =	vor.u32 v35, v0;
	v15 =	vadd.s32 v42, v20;
	v20 =	vld [tilespmem:s10+$0xFFFFFFF0]  }
0x491: {  	v16 =	vadd.s32 v42, v19;
	v17 =	vor.u32 v35, v1;
	v19 =	vld.idx.msk [tilespmem:v21+s23+$0x0], $0xffff;
	[tilespmem:v9+s25+$0x0] =	vst.idx.msk $0xffff, v8  }
0x492: {  	vm1 =	vgt.s32 v15, $0x0;
	v8 =	vld.idx.msk [tilespmem:v10+s23+$0x0], $0xffff;
	[tilespmem:v13+s25+$0x0] =	vst.idx.msk $0xffff, v11  }
0x493: {  	v25 =	vor.u32 v41, v0;
	v15 =	vnsel vm1, $0x0, v15;
	v5 =	vld [tilespmem:$0x1F9E0];
	v21 =	vor.u32 s18, v4  }
0x494: {  	vm2 =	vgt.s32 v16, $0x0;
	v9 =	vor.u32 s17, v4;
	v4 =	vld [tilespmem:$0x1FE20];
	v2 =	vor.u32 v3, v39  }
0x495: {  	v16 =	vnsel vm2, $0x0, v16;
	v13 =	vor.u32 s5, v38;
	v11 =	vld.idx.msk [tilespmem:v14+s23+$0x0], $0xffff;
	v14 =	vor.u32 v3, v12  }
0x496: {  	v6 =	vmin.u32 v15, $0x4;
	v10 =	vor.u32 s6, v38;
	v15 =	vmin.u32 v16, $0x4;
	v16 =	vld.idx.msk [tilespmem:v17+s23+$0x0], $0xffff  }
0x497: {  	v17 =	vor.u32 v41, v1;
	v3 =	vld [tilespmem:$0x1FC60]  }
0x498: {  	v28 =	vor.u32 v5, v12;
	v29 =	vor.u32 v5, v39;
	v5 =	vld [tilespmem:s16+$0x0];
	[tilespmem:v21+s25+$0x0] =	vst.idx.msk $0xffff, v19  }
0x499: {  	v27 =	vor.u32 s18, v4;
	v21 =	vor.u32 s17, v4;
	[tilespmem:v9+s25+$0x0] =	vst.idx.msk $0xffff, v8;
	v4 =	vld.idx.msk [tilespmem:v2+s23+$0x0], $0xffff  }
0x49a: {  	[tilespmem:v13+s25+$0x0] =	vst.idx.msk $0xffff, v11;
	v19 =	vadd.s32 v7, v20;
	v11 =	vld.idx.msk [tilespmem:v14+s23+$0x0], $0xffff  }
0x49b: {  	v13 =	vld.idx.msk [tilespmem:v25+s23+$0x0], $0xffff;
	[tilespmem:v10+s25+$0x0] =	vst.idx.msk $0xffff, v16;
	v9 =	vor.u32 s5, v31;
	vm1 =	vgt.s32 v19, $0x0  }
0x49c: {  	v20 =	vor.u32 s6, v31;
	v14 =	vld.idx.msk [tilespmem:v17+s23+$0x0], $0xffff;
	v8 =	vnsel vm1, $0x0, v19  }
0x49d: {  	v19 =	vadd.s32 v7, v23;
	v8 =	vmin.u32 v8, $0x40  }
0x49e: {  	vm1 =	vgt.s32 v19, $0x0;
	v8 =	vmul.u32 $0x6, v8;
	[tilespmem:v27+s25+$0x0] =	vst.idx.msk $0xffff, v4  }
0x49f: {  	v18 =	vld [tilespmem:s3+$0x0];
	vm2 =	veq.s32 v26, v45;
	v16 =	vnsel vm1, $0x0, v19;
	vm1 =	veq.s32 v22, v44;
	[tilespmem:v21+s25+$0x0] =	vst.idx.msk $0xffff, v11  }
0x4a0: {  	v2 =	vmovc v30;
	v15 =	vnsel vm1, $0x5, v15;
	v8 =	vnsel vm2, $0x186, v8;
	vm2 =	veq.s32 v5, v45;
	v5 =	vld [tilespmem:$0x1F9F0];
	[tilespmem:v9+s25+$0x0] =	vst.idx.msk $0xffff, v13  }
0x4a1: {  	v10 =	vor.u32 v2, v0;
	v2 =	vadd.s32 v8, v15;
	v8 =	vld.idx.msk [tilespmem:v29+s23+$0x0], $0xffff;
	[tilespmem:v20+s25+$0x0] =	vst.idx.msk $0xffff, v14  }
0x4a2: {  	v24 =	vor.u32 s18, v3;
	v13 =	vor.u32 s17, v3;
	v3 =	vld [tilespmem:$0x1FF30]  }
0x4a3: {  	v16 =	vmin.u32 v16, $0x40  }
0x4a4: {  	vm1 =	veq.s32 v18, v44;
	v16 =	vmul.u32 $0x6, v16  }
0x4a5: {  	v30 =	vor.u32 v30, v1;
	v4 =	vnsel vm1, $0x5, v6;
	v2 =	vshll.u32 v2, $0x5  }
0x4a6: {  	v9 =	vld.idx.msk [tilespmem:v28+s23+$0x0], $0xffff;
	v14 =	vnsel vm2, $0x186, v16;
	v15 =	vor.u32 v56, v2;
	v11 =	vor.u32 v5, v39  }
0x4a7: {  	v16 =	vor.u32 s5, v3;
	v19 =	vor.u32 s6, v3;
	v3 =	vadd.s32 v14, v4;
	v4 =	vld [tilespmem:$0x1FF90];
	[tilespmem:v24+s25+$0x0] =	vst.idx.msk $0xffff, v8  }
0x4a8: {  	v17 =	vor.u32 v5, v12;
	v5 =	vld [tilespmem:$0x1FE40]  }
0x4a9: {  	v10 =	vld.idx.msk [tilespmem:v10+s23+$0x0], $0xffff  }
0x4aa: {  	v18 =	vld.idx.msk [tilespmem:v30+s23+$0x0], $0xffff  }
0x4ab: {  	s4 =	simm.s32 $0x800;
	v15 =	vld.idx.msk [tilespmem:v15+s23+$0x0], $0xffff  }
0x4ac: {  	v3 =	vshll.u32 v3, $0x5;
	[tilespmem:v13+s25+$0x0] =	vst.idx.msk $0xffff, v9;
	v9 =	vor.u32 s4, v57;
	v11 =	vld.idx.msk [tilespmem:v11+s23+$0x0], $0xffff  }
0x4ad: {  	v14 =	vor.u32 v4, v0;
	v20 =	vor.u32 v4, v1;
	v4 =	vld [tilespmem:$0x1FA00];
	v21 =	vor.u32 s18, v5  }
0x4ae: {  	v8 =	vor.u32 v56, v3;
	[tilespmem:v16+s25+$0x0] =	vst.idx.msk $0xffff, v10;
	v10 =	vld.idx.msk [tilespmem:v17+s23+$0x0], $0xffff;
	v16 =	vor.u32 s17, v5;
	_ =	sdelay $0x1  }
0x4af: {  	[tilespmem:v19+s25+$0x0] =	vst.idx.msk $0xffff, v18  }
0x4b0: {  	v6 =	vld [tilespmem:$0x1FEC0];
	[tilespmem:v9+s25+$0x0] =	vst.idx.msk $0xffff, v15  }
0x4b1: {  	[tilespmem:v21+s25+$0x0] =	vst.idx.msk $0xffff, v11  }
0x4b2: {  	v17 =	vor.u32 v58, v2;
	v24 =	vld.idx.msk [tilespmem:v8+s23+$0x0], $0xffff;
	[tilespmem:v16+s25+$0x0] =	vst.idx.msk $0xffff, v10  }
0x4b3: {  	v13 =	vor.u32 v4, v39;
	v8 =	vld [tilespmem:$0x1FD40]  }
0x4b4: {  	v19 =	vor.u32 s5, v40;
	v14 =	vld.idx.msk [tilespmem:v14+s23+$0x0], $0xffff;
	v18 =	vor.u32 v4, v12  }
0x4b5: {  	s16 =	simm.s32 $0xA00;
	v23 =	vor.u32 s6, v40;
	v20 =	vld.idx.msk [tilespmem:v20+s23+$0x0], $0xffff  }
0x4b6: {  	v11 =	vor.u32 s16, v57  }
0x4b7: {  	v15 =	vld.idx.msk [tilespmem:v17+s23+$0x0], $0xffff;
	v16 =	vor.u32 s4, v59  }
0x4b8: {  	v13 =	vld.idx.msk [tilespmem:v13+s23+$0x0], $0xffff;
	v10 =	vor.u32 s18, v8  }
0x4b9: {  	v22 =	vor.u32 v6, v0;
	[tilespmem:v19+s25+$0x0] =	vst.idx.msk $0xffff, v14;
	v14 =	vld.idx.msk [tilespmem:v18+s23+$0x0], $0xffff;
	v19 =	vor.u32 s17, v8  }
0x4ba: {  	v4 =	vld [tilespmem:$0x1F960];
	[tilespmem:v23+s25+$0x0] =	vst.idx.msk $0xffff, v20  }
0x4bb: {  	[tilespmem:v11+s25+$0x0] =	vst.idx.msk $0xffff, v24  }
0x4bc: {  	v9 =	vor.u32 v6, v1;
	[tilespmem:v16+s25+$0x0] =	vst.idx.msk $0xffff, v15  }
0x4bd: {  	v17 =	vor.u32 v58, v3;
	[tilespmem:v10+s25+$0x0] =	vst.idx.msk $0xffff, v13  }
0x4be: {  	v21 =	vor.u32 v60, v2;
	v22 =	vld.idx.msk [tilespmem:v22+s23+$0x0], $0xffff;
	[tilespmem:v19+s25+$0x0] =	vst.idx.msk $0xffff, v14  }
0x4bf: {  	v23 =	vor.u32 s5, v46;
	v18 =	vor.u32 v4, v39;
	v5 =	vld [tilespmem:$0x1FD50];
	_ =	sdelay $0x1  }
0x4c0: {  	v24 =	vor.u32 s6, v46;
	v11 =	vld.idx.msk [tilespmem:v9+s23+$0x0], $0xffff  }
0x4c1: {  	v17 =	vld.idx.msk [tilespmem:v17+s23+$0x0], $0xffff;
	v20 =	vor.u32 v4, v12;
	v10 =	vor.u32 s16, v59  }
0x4c2: {  	v16 =	vld.idx.msk [tilespmem:v21+s23+$0x0], $0xffff;
	v19 =	vor.u32 s4, v61  }
0x4c3: {  	v9 =	vor.u32 v34, v0;
	[tilespmem:v23+s25+$0x0] =	vst.idx.msk $0xffff, v22;
	v15 =	vld.idx.msk [tilespmem:v18+s23+$0x0], $0xffff;
	v14 =	vor.u32 s18, v5  }
0x4c4: {  	v4 =	vld [tilespmem:$0x1FA20]  }
0x4c5: {  	v13 =	vor.u32 v34, v1;
	[tilespmem:v24+s25+$0x0] =	vst.idx.msk $0xffff, v11  }
0x4c6: {  	v18 =	vor.u32 v60, v3;
	v20 =	vld.idx.msk [tilespmem:v20+s23+$0x0], $0xffff;
	[tilespmem:v10+s25+$0x0] =	vst.idx.msk $0xffff, v17;
	v22 =	vor.u32 s17, v5  }
0x4c7: {  	[tilespmem:v19+s25+$0x0] =	vst.idx.msk $0xffff, v16  }
0x4c8: {  	v23 =	vor.u32 v62, v2;
	v25 =	vld.idx.msk [tilespmem:v9+s23+$0x0], $0xffff;
	[tilespmem:v14+s25+$0x0] =	vst.idx.msk $0xffff, v15  }
0x4c9: {  	v21 =	vor.u32 v4, v39;
	v26 =	vor.u32 v4, v12;
	v4 =	vld [tilespmem:$0x1FD60]  }
0x4ca: {  	v11 =	vor.u32 s5, v36;
	v10 =	vld.idx.msk [tilespmem:v13+s23+$0x0], $0xffff  }
0x4cb: {  	v17 =	vor.u32 s6, v36;
	v18 =	vld.idx.msk [tilespmem:v18+s23+$0x0], $0xffff;
	[tilespmem:v22+s25+$0x0] =	vst.idx.msk $0xffff, v20  }
0x4cc: {  	v13 =	vor.u32 v33, v0;
	v14 =	vor.u32 s16, v61;
	v27 =	vld [tilespmem:$0x1FA30]  }
0x4cd: {  	v23 =	vld.idx.msk [tilespmem:v23+s23+$0x0], $0xffff;
	v20 =	vor.u32 s4, v63  }
0x4ce: {  	v15 =	vor.u32 v33, v1;
	v16 =	vld.idx.msk [tilespmem:v21+s23+$0x0], $0xffff;
	v21 =	vor.u32 s18, v4  }
0x4cf: {  	v19 =	vor.u32 v62, v3;
	[tilespmem:v11+s25+$0x0] =	vst.idx.msk $0xffff, v25;
	v11 =	vld.idx.msk [tilespmem:v26+s23+$0x0], $0xffff;
	v24 =	vor.u32 s17, v4  }
0x4d0: {  	v5 =	vld [tilespmem:$0x1FFB0];
	[tilespmem:v17+s25+$0x0] =	vst.idx.msk $0xffff, v10  }
0x4d1: {  	v13 =	vld.idx.msk [tilespmem:v13+s23+$0x0], $0xffff;
	[tilespmem:v14+s25+$0x0] =	vst.idx.msk $0xffff, v18;
	v22 =	vor.u32 v27, v39  }
0x4d2: {  	v10 =	vor.u32 s5, v37;
	v4 =	vld [tilespmem:$0x1FD30];
	[tilespmem:v20+s25+$0x0] =	vst.idx.msk $0xffff, v23;
	v26 =	vor.u32 v27, v12  }
0x4d3: {  	v14 =	vld.idx.msk [tilespmem:v15+s23+$0x0], $0xffff;
	v18 =	vor.u32 s6, v37;
	[tilespmem:v21+s25+$0x0] =	vst.idx.msk $0xffff, v16  }
0x4d4: {  	v17 =	vld.idx.msk [tilespmem:v19+s23+$0x0], $0xffff;
	[tilespmem:v24+s25+$0x0] =	vst.idx.msk $0xffff, v11  }
0x4d5: {  	v25 =	vor.u32 v5, v2;
	v28 =	vld [tilespmem:$0x1FEE0]  }
0x4d6: {  	v20 =	vld.idx.msk [tilespmem:v22+s23+$0x0], $0xffff  }
0x4d7: {  	v16 =	vor.u32 s16, v63;
	[tilespmem:v10+s25+$0x0] =	vst.idx.msk $0xffff, v13;
	v10 =	vld.idx.msk [tilespmem:v26+s23+$0x0], $0xffff  }
0x4d8: {  	v11 =	vor.u32 s18, v43;
	v29 =	vld [tilespmem:$0x1FEF0];
	[tilespmem:v18+s25+$0x0] =	vst.idx.msk $0xffff, v14  }
0x4d9: {  	v15 =	vor.u32 v4, v0;
	v24 =	vor.u32 s17, v43;
	v22 =	vor.u32 v5, v3;
	v5 =	vld [tilespmem:$0x1FE60]  }
0x4da: {  	v19 =	vor.u32 v4, v1;
	v21 =	vld.idx.msk [tilespmem:v25+s23+$0x0], $0xffff;
	v23 =	vor.u32 s4, v28;
	_ =	sdelay $0x1  }
0x4db: {  	[tilespmem:v16+s25+$0x0] =	vst.idx.msk $0xffff, v17  }
0x4dc: {  	v4 =	vld [tilespmem:$0x1FD80];
	[tilespmem:v11+s25+$0x0] =	vst.idx.msk $0xffff, v20  }
0x4dd: {  	v15 =	vld.idx.msk [tilespmem:v15+s23+$0x0], $0xffff;
	[tilespmem:v24+s25+$0x0] =	vst.idx.msk $0xffff, v10;
	v14 =	vor.u32 s5, v5  }
0x4de: {  	v17 =	vld.idx.msk [tilespmem:v19+s23+$0x0], $0xffff;
	v19 =	vor.u32 s6, v5;
	[tilespmem:v23+s25+$0x0] =	vst.idx.msk $0xffff, v21  }
0x4df: {  	v5 =	vld [tilespmem:$0x1FE50]  }
0x4e0: {  	v13 =	vor.u32 v55, v39;
	v18 =	vld.idx.msk [tilespmem:v22+s23+$0x0], $0xffff  }
0x4e1: {  	v25 =	vor.u32 v29, v2;
	v16 =	vor.u32 v4, v0;
	v20 =	vor.u32 v4, v1;
	v4 =	vld [tilespmem:$0x1F970]  }
0x4e2: {  	s0 =	simm.s32 $0x870;
	v26 =	vor.u32 v55, v12;
	v11 =	vor.u32 s16, v28;
	v46 =	vld [tilespmem:$0x1FFC0];
	[tilespmem:v14+s25+$0x0] =	vst.idx.msk $0xffff, v15  }
0x4e3: {  	v8 =	vld [tilespmem:s0+$0x0];
	[tilespmem:v19+s25+$0x0] =	vst.idx.msk $0xffff, v17  }
0x4e4: {  	v10 =	vor.u32 s18, v5;
	v15 =	vor.u32 s17, v5;
	v5 =	vld [tilespmem:$0x1FD90]  }
0x4e5: {  	v13 =	vld.idx.msk [tilespmem:v13+s23+$0x0], $0xffff  }
0x4e6: {  	v21 =	vld.idx.msk [tilespmem:v25+s23+$0x0], $0xffff  }
0x4e7: {  	v14 =	vld.idx.msk [tilespmem:v26+s23+$0x0], $0xffff;
	v24 =	vor.u32 s4, v46;
	[tilespmem:v11+s25+$0x0] =	vst.idx.msk $0xffff, v18  }
0x4e8: {  	v23 =	vor.u32 v4, v39;
	v28 =	vor.u32 v4, v12;
	v4 =	vld [tilespmem:$0x1FDF0]  }
0x4e9: {  	v26 =	vld.idx.msk [tilespmem:v16+s23+$0x0], $0xffff;
	v17 =	vor.u32 s5, v5  }
0x4ea: {  	v22 =	vor.u32 v29, v3;
	v11 =	vld.idx.msk [tilespmem:v20+s23+$0x0], $0xffff;
	v19 =	vor.u32 s6, v5  }
0x4eb: {  	s1 =	simm.s32 $0xC70;
	v9 =	vld [tilespmem:s0+$0xFFFFFFF0];
	[tilespmem:v10+s25+$0x0] =	vst.idx.msk $0xffff, v13  }
0x4ec: {  	v27 =	vld [tilespmem:s1+$0x0];
	v25 =	vor.u32 v52, v2;
	[tilespmem:v24+s25+$0x0] =	vst.idx.msk $0xffff, v21  }
0x4ed: {  	v18 =	vor.u32 v4, v0;
	v13 =	vor.u32 v4, v1;
	v4 =	vld [tilespmem:$0x1F980];
	[tilespmem:v15+s25+$0x0] =	vst.idx.msk $0xffff, v14  }
0x4ee: {  	v29 =	vld [tilespmem:s1+$0xFFFFFFF0];
	[tilespmem:v17+s25+$0x0] =	vst.idx.msk $0xffff, v26  }
0x4ef: {  	v20 =	vld.idx.msk [tilespmem:v22+s23+$0x0], $0xffff;
	[tilespmem:v19+s25+$0x0] =	vst.idx.msk $0xffff, v11  }
0x4f0: {  	v10 =	vor.u32 s16, v46;
	v5 =	vld [tilespmem:$0x1FE00]  }
0x4f1: {  	v21 =	vld.idx.msk [tilespmem:v23+s23+$0x0], $0xffff  }
0x4f2: {  	v23 =	vor.u32 s18, v48;
	v25 =	vld.idx.msk [tilespmem:v25+s23+$0x0], $0xffff  }
0x4f3: {  	v30 =	vor.u32 s4, v32;
	v17 =	vld.idx.msk [tilespmem:v28+s23+$0x0], $0xffff  }
0x4f4: {  	v31 =	vor.u32 s17, v48;
	v18 =	vld.idx.msk [tilespmem:v18+s23+$0x0], $0xffff  }
0x4f5: {  	[tilespmem:v10+s25+$0x0] =	vst.idx.msk $0xffff, v20;
	v10 =	vld.idx.msk [tilespmem:v13+s23+$0x0], $0xffff;
	v11 =	vor.u32 s5, v5  }
0x4f6: {  	v24 =	vor.u32 v4, v39;
	v28 =	vor.u32 v4, v12;
	v4 =	vld [tilespmem:$0x1FE10];
	[tilespmem:$0x1F990] =	vst v42  }
0x4f7: {  	[tilespmem:v23+s25+$0x0] =	vst.idx.msk $0xffff, v21  }
0x4f8: {  	[tilespmem:v30+s25+$0x0] =	vst.idx.msk $0xffff, v25  }
0x4f9: {  	v22 =	vor.u32 v52, v3;
	[tilespmem:v31+s25+$0x0] =	vst.idx.msk $0xffff, v17  }
0x4fa: {  	v19 =	vadd.s32 v42, v27;
	v27 =	vor.u32 s6, v5;
	[tilespmem:v11+s25+$0x0] =	vst.idx.msk $0xffff, v18  }
0x4fb: {  	v13 =	vor.u32 v4, v0;
	v23 =	vor.u32 v4, v1;
	v4 =	vld [tilespmem:$0x1F9B0];
	_ =	sdelay $0x2  }
0x4fc: {  	v22 =	vld.idx.msk [tilespmem:v22+s23+$0x0], $0xffff  }
0x4fd: {  	v16 =	vor.u32 v6, v3;
	v21 =	vor.u32 s16, v32;
	v6 =	vld [tilespmem:$0x1F9A0];
	[tilespmem:v27+s25+$0x0] =	vst.idx.msk $0xffff, v10  }
0x4fe: {  	v30 =	vor.u32 v4, v39;
	v31 =	vor.u32 v4, v12;
	v4 =	vld [tilespmem:$0x1FBF0]  }
0x4ff: {  	v26 =	vor.u32 v35, v2  }
0x500: {  	s2 =	simm.s32 $0x70  }
0x501: {  	v33 =	vld [tilespmem:s2+$0xFFFFFFF0]  }
0x502: {  	v17 =	vor.u32 s18, v50;
	v24 =	vld.idx.msk [tilespmem:v24+s23+$0x0], $0xffff;
	[tilespmem:v21+s25+$0x0] =	vst.idx.msk $0xffff, v22  }
0x503: {  	v10 =	vor.u32 s5, v4;
	v22 =	vor.u32 s6, v4;
	v4 =	vld [tilespmem:$0x1F9C0]  }
0x504: {  	v20 =	vadd.s32 v42, v29;
	v29 =	vor.u32 s4, v38;
	v25 =	vld.idx.msk [tilespmem:v26+s23+$0x0], $0xffff;
	v26 =	vor.u32 v35, v3  }
0x505: {  	v11 =	vld.idx.msk [tilespmem:v28+s23+$0x0], $0xffff;
	v28 =	vor.u32 s17, v50  }
0x506: {  	v13 =	vld.idx.msk [tilespmem:v13+s23+$0x0], $0xffff  }
0x507: {  	v21 =	vld.idx.msk [tilespmem:v23+s23+$0x0], $0xffff;
	[tilespmem:v17+s25+$0x0] =	vst.idx.msk $0xffff, v24  }
0x508: {  	v34 =	vor.u32 v4, v12;
	v36 =	vor.u32 v4, v39;
	v4 =	vld [tilespmem:$0x1F9D0]  }
0x509: {  	v26 =	vld.idx.msk [tilespmem:v26+s23+$0x0], $0xffff;
	[tilespmem:v29+s25+$0x0] =	vst.idx.msk $0xffff, v25  }
0x50a: {  	v42 =	vld [tilespmem:$0x1FC60];
	[tilespmem:v28+s25+$0x0] =	vst.idx.msk $0xffff, v11  }
0x50b: {  	v50 =	vor.u32 v41, v2;
	v5 =	vld [tilespmem:$0x1FF20]  }
0x50c: {  	v18 =	vor.u32 v6, v12;
	v27 =	vor.u32 v6, v39;
	v17 =	vor.u32 s16, v38;
	v6 =	vld [tilespmem:$0x1FE20];
	[tilespmem:v10+s25+$0x0] =	vst.idx.msk $0xffff, v13  }
0x50d: {  	v24 =	vld [tilespmem:s2+$0x0];
	[tilespmem:v22+s25+$0x0] =	vst.idx.msk $0xffff, v21;
	v37 =	vor.u32 v4, v0  }
0x50e: {  	v11 =	vor.u32 v4, v1;
	v4 =	vld [tilespmem:$0x1F9E0]  }
0x50f: {  	v38 =	vor.u32 s18, v53;
	v30 =	vld.idx.msk [tilespmem:v30+s23+$0x0], $0xffff  }
0x510: {  	v32 =	vld.idx.msk [tilespmem:v50+s23+$0x0], $0xffff;
	v55 =	vor.u32 s4, v5  }
0x511: {  	v43 =	vor.u32 s17, v53;
	[tilespmem:v17+s25+$0x0] =	vst.idx.msk $0xffff, v26;
	v26 =	vld.idx.msk [tilespmem:v31+s23+$0x0], $0xffff  }
0x512: {  	v28 =	vor.u32 s5, v6;
	v37 =	vld.idx.msk [tilespmem:v37+s23+$0x0], $0xffff  }
0x513: {  	v21 =	vor.u32 v4, v1;
	v17 =	vor.u32 v4, v0;
	v4 =	vld [tilespmem:$0x1FF70]  }
0x514: {  	s3 =	simm.s32 $0x470;
	vm1 =	vgt.s32 v19, $0x0;
	[tilespmem:v38+s25+$0x0] =	vst.idx.msk $0xffff, v30  }
0x515: {  	v19 =	vnsel vm1, $0x0, v19;
	vm1 =	vgt.s32 v20, $0x0;
	v10 =	vld [tilespmem:s3+$0xFFFFFFF0];
	v13 =	vor.u32 v41, v3;
	[tilespmem:v55+s25+$0x0] =	vst.idx.msk $0xffff, v32  }
0x516: {  	vm2 =	veq.s32 v9, v44;
	v20 =	vnsel vm1, $0x0, v20;
	v38 =	vld [tilespmem:$0x1FF90];
	[tilespmem:v43+s25+$0x0] =	vst.idx.msk $0xffff, v26  }
0x517: {  	v24 =	vadd.s32 v7, v24;
	v31 =	vadd.s32 v7, v33;
	v11 =	vld.idx.msk [tilespmem:v11+s23+$0x0], $0xffff;
	[tilespmem:v28+s25+$0x0] =	vst.idx.msk $0xffff, v37  }
0x518: {  	vm1 =	vgt.s32 v31, $0x0;
	v22 =	vor.u32 s6, v6;
	v53 =	vor.u32 v4, v2;
	v55 =	vld [tilespmem:$0x1FF30]  }
0x519: {  	v9 =	vld [tilespmem:s3+$0x0];
	v30 =	vnsel vm1, $0x0, v31;
	vm1 =	vgt.s32 v24, $0x0;
	v31 =	vor.u32 s16, v5  }
0x51a: {  	v30 =	vmin.u32 v30, $0x40;
	v24 =	vnsel vm1, $0x0, v24;
	vm1 =	veq.s32 v10, v45;
	v10 =	vld.idx.msk [tilespmem:v13+s23+$0x0], $0xffff  }
0x51b: {  	v23 =	vor.u32 s18, v54;
	v13 =	vmul.u32 $0x6, v30;
	v30 =	vld.idx.msk [tilespmem:v36+s23+$0x0], $0xffff  }
0x51c: {  	v25 =	vor.u32 s17, v54;
	v34 =	vld.idx.msk [tilespmem:v34+s23+$0x0], $0xffff  }
0x51d: {  	[tilespmem:v22+s25+$0x0] =	vst.idx.msk $0xffff, v11;
	v28 =	vld.idx.msk [tilespmem:v53+s23+$0x0], $0xffff;
	v43 =	vor.u32 s4, v55  }
0x51e: {  	v26 =	vor.u32 v4, v3;
	v4 =	vld [tilespmem:$0x1F9F0]  }
0x51f: {  	v19 =	vmin.u32 v19, $0x4;
	v20 =	vmin.u32 v20, $0x4;
	[tilespmem:v31+s25+$0x0] =	vst.idx.msk $0xffff, v10  }
0x520: {  	v20 =	vnsel vm2, $0x5, v20;
	vm2 =	veq.s32 v9, v45;
	v29 =	vor.u32 s5, v42;
	v17 =	vld.idx.msk [tilespmem:v17+s23+$0x0], $0xffff;
	[tilespmem:v23+s25+$0x0] =	vst.idx.msk $0xffff, v30  }
0x521: {  	v24 =	vmin.u32 v24, $0x40;
	v13 =	vnsel vm1, $0x186, v13;
	vm1 =	veq.s32 v8, v44;
	[tilespmem:v25+s25+$0x0] =	vst.idx.msk $0xffff, v34  }
0x522: {  	v24 =	vmul.u32 $0x6, v24;
	v8 =	vadd.s32 v13, v20;
	v21 =	vld.idx.msk [tilespmem:v21+s23+$0x0], $0xffff;
	v31 =	vor.u32 s6, v42;
	[tilespmem:v43+s25+$0x0] =	vst.idx.msk $0xffff, v28  }
0x523: {  	v13 =	vshll.u32 v8, $0x5;
	v22 =	vor.u32 v4, v0;
	v33 =	vor.u32 v4, v1;
	v4 =	vld [tilespmem:$0x1FDE0]  }
0x524: {  	v9 =	vnsel vm1, $0x5, v19;
	v19 =	vnsel vm2, $0x186, v24;
	v24 =	vor.u32 v56, v13;
	v36 =	vld.idx.msk [tilespmem:v27+s23+$0x0], $0xffff  }
0x525: {  	v54 =	vor.u32 v38, v2;
	v26 =	vld.idx.msk [tilespmem:v26+s23+$0x0], $0xffff;
	[tilespmem:v29+s25+$0x0] =	vst.idx.msk $0xffff, v17  }
0x526: {  	v17 =	vld [tilespmem:$0x1FBA0]  }
0x527: {  	v25 =	vld.idx.msk [tilespmem:v18+s23+$0x0], $0xffff;
	v30 =	vor.u32 s16, v55;
	[tilespmem:v31+s25+$0x0] =	vst.idx.msk $0xffff, v21  }
0x528: {  	v34 =	vor.u32 s18, v4;
	v23 =	vor.u32 s17, v4;
	v4 =	vld [tilespmem:$0x1FE40]  }
0x529: {  	v43 =	vld.idx.msk [tilespmem:v24+s23+$0x0], $0xffff  }
0x52a: {  	v32 =	vor.u32 v38, v3;
	v37 =	vld.idx.msk [tilespmem:v54+s23+$0x0], $0xffff  }
0x52b: {  	v5 =	vmov v45;
	v54 =	vor.u32 s4, v40;
	v22 =	vld.idx.msk [tilespmem:v22+s23+$0x0], $0xffff;
	v45 =	vor.u32 v17, v39  }
0x52c: {  	v14 =	vor.u32 s18, v49;
	v15 =	vor.u32 s17, v49;
	v18 =	vld [tilespmem:$0x1FEC0];
	[tilespmem:v30+s25+$0x0] =	vst.idx.msk $0xffff, v26  }
0x52d: {  	v20 =	vadd.s32 v19, v9;
	v28 =	vor.u32 s5, v4;
	v27 =	vor.u32 s6, v4;
	v4 =	vld [tilespmem:$0x1FA00]  }
0x52e: {  	v9 =	vor.u32 s5, v49;
	v26 =	vld.idx.msk [tilespmem:v33+s23+$0x0], $0xffff;
	v19 =	vor.u32 v17, v12;
	v12 =	vshll.u32 v20, $0x5  }
0x52f: {  	v8 =	vor.u32 s6, v49;
	v11 =	vor.u32 s4, v49;
	v32 =	vld.idx.msk [tilespmem:v32+s23+$0x0], $0xffff;
	v38 =	vor.u32 v56, v12;
	[tilespmem:v34+s25+$0x0] =	vst.idx.msk $0xffff, v36  }
0x530: {  	v10 =	vor.u32 s16, v49;
	v53 =	vor.u32 v58, v13;
	s17 =	simm.s32 $0xE00;
	s18 =	simm.s32 $0xC00;
	v33 =	vor.u32 s16, v40;
	[tilespmem:v54+s25+$0x0] =	vst.idx.msk $0xffff, v37;
	v24 =	vld.idx.msk [tilespmem:v45+s23+$0x0], $0xffff  }
0x531: {  	v17 =	vor.u32 s17, v49;
	v48 =	vor.u32 s18, v57;
	v29 =	vor.u32 v18, v12;
	v45 =	vld [tilespmem:$0x1FFB0]  }
0x532: {  	s10 =	simm.s32 $0x6;
	v50 =	vmovc v46;
	v6 =	vmovc v44;
	v18 =	vor.u32 s18, v49;
	v44 =	vld [tilespmem:$0x1FD50];
	v21 =	vor.u32 v4, v0;
	v20 =	vor.u32 v4, v1  }
.LBB2_5:
0x533: {  	_ = 	snop  }
0x534: {  	v30 =	vld.idx.msk [tilespmem:v38+s23+$0x0], $0xffff  }
0x535: {  	v39 =	vld [tilespmem:$0x1FEC0]  }
0x536: {  	v36 =	vld [tilespmem:$0x1F960]  }
0x537: {  	[tilespmem:v28+s25+$0x0] =	vst.idx.msk $0xffff, v22;
	v4 =	vld [tilespmem:$0x1FD40]  }
0x538: {  	v21 =	vld.idx.msk [tilespmem:v21+s23+$0x0], $0xffff;
	[tilespmem:v23+s25+$0x0] =	vst.idx.msk $0xffff, v25  }
0x539: {  	[tilespmem:v33+s25+$0x0] =	vst.idx.msk $0xffff, v32;
	v19 =	vld.idx.msk [tilespmem:v19+s23+$0x0], $0xffff  }
0x53a: {  	v23 =	vor.u32 s17, v57;
	[tilespmem:v48+s25+$0x0] =	vst.idx.msk $0xffff, v43;
	v37 =	vld.idx.msk [tilespmem:v16+s23+$0x0], $0xffff  }
0x53b: {  	[tilespmem:v14+s25+$0x0] =	vst.idx.msk $0xffff, v24;
	v24 =	vld [tilespmem:$0x1FE70]  }
0x53c: {  	v28 =	vld.idx.msk [tilespmem:v53+s23+$0x0], $0xffff;
	[tilespmem:v27+s25+$0x0] =	vst.idx.msk $0xffff, v26  }
0x53d: {  	s0 =	sadd.s32 $0x20, s0;
	v22 =	vor.u32 v39, v2;
	v49 =	vld.idx.msk [tilespmem:v20+s23+$0x0], $0xffff  }
0x53e: {  	v31 =	vor.u32 v58, v12;
	v20 =	vld [tilespmem:s0+$0x0]  }
0x53f: {  	v27 =	vor.u32 s5, v4;
	[tilespmem:v23+s25+$0x0] =	vst.idx.msk $0xffff, v30;
	v30 =	vld [tilespmem:$0x1FE80]  }
0x540: {  	v55 =	vld [tilespmem:$0x1FA20];
	v53 =	vor.u32 v36, v0  }
0x541: {  	v34 =	vor.u32 s18, v59;
	v26 =	vor.u32 s6, v4;
	v4 =	vld [tilespmem:$0x1FD60]  }
0x542: {  	v54 =	vor.u32 v60, v13;
	v14 =	vmovc v9;
	v9 =	vmov v10;
	v10 =	vmov v17;
	v22 =	vld.idx.msk [tilespmem:v22+s23+$0x0], $0xffff  }
0x543: {  	v25 =	vor.u32 v36, v1;
	v23 =	vor.u32 s16, v24;
	[tilespmem:v15+s25+$0x0] =	vst.idx.msk $0xffff, v19;
	v15 =	vmov v8;
	v19 =	vld.idx.msk [tilespmem:v31+s23+$0x0], $0xffff  }
0x544: {  	v8 =	vmovc v11;
	[tilespmem:v27+s25+$0x0] =	vst.idx.msk $0xffff, v21;
	v11 =	vmov v18;
	v18 =	vor.u32 s17, v59;
	v59 =	vld [tilespmem:$0x1FEA0];
	v17 =	vor.u32 v30, v3  }
0x545: {  	v27 =	vld.idx.msk [tilespmem:v53+s23+$0x0], $0xffff  }
0x546: {  	v24 =	vor.u32 s4, v24;
	[tilespmem:v34+s25+$0x0] =	vst.idx.msk $0xffff, v28;
	v53 =	vld [tilespmem:$0x1FA40]  }
0x547: {  	v28 =	vld.idx.msk [tilespmem:v54+s23+$0x0], $0xffff;
	[tilespmem:v26+s25+$0x0] =	vst.idx.msk $0xffff, v49  }
0x548: {  	[tilespmem:v23+s25+$0x0] =	vst.idx.msk $0xffff, v37;
	v23 =	vld.idx.msk [tilespmem:v25+s23+$0x0], $0xffff  }
0x549: {  	v21 =	vor.u32 v30, v2;
	v58 =	vld.idx.msk [tilespmem:v17+s23+$0x0], $0xffff  }
0x54a: {  	v30 =	vor.u32 v60, v12;
	v17 =	vld [tilespmem:s0+$0xFFFFFFF0]  }
0x54b: {  	v31 =	vor.u32 s5, v44;
	[tilespmem:v24+s25+$0x0] =	vst.idx.msk $0xffff, v22;
	v24 =	vld [tilespmem:$0x1FE90]  }
0x54c: {  	v56 =	vor.u32 s18, v61;
	v49 =	vld [tilespmem:$0x1FEB0];
	v25 =	vor.u32 v55, v0  }
0x54d: {  	v57 =	vor.u32 v62, v13;
	v60 =	vld [tilespmem:$0x1FA30]  }
0x54e: {  	v26 =	vor.u32 s6, v44;
	[tilespmem:v18+s25+$0x0] =	vst.idx.msk $0xffff, v19;
	v19 =	vld.idx.msk [tilespmem:v21+s23+$0x0], $0xffff  }
0x54f: {  	v21 =	vld.idx.msk [tilespmem:v30+s23+$0x0], $0xffff  }
0x550: {  	v16 =	vmovc v29;
	v29 =	vor.u32 v55, v1;
	[tilespmem:v31+s25+$0x0] =	vst.idx.msk $0xffff, v27;
	v27 =	vor.u32 s17, v61;
	v61 =	vld [tilespmem:$0x1FD80];
	v22 =	vor.u32 s16, v24  }
0x551: {  	[tilespmem:v56+s25+$0x0] =	vst.idx.msk $0xffff, v28;
	v25 =	vld.idx.msk [tilespmem:v25+s23+$0x0], $0xffff  }
0x552: {  	v18 =	vor.u32 v59, v3;
	v31 =	vld.idx.msk [tilespmem:v57+s23+$0x0], $0xffff  }
0x553: {  	[tilespmem:v26+s25+$0x0] =	vst.idx.msk $0xffff, v23;
	v23 =	vor.u32 s6, v4;
	v26 =	vor.u32 s5, v4;
	v4 =	vld [tilespmem:$0x1FD30];
	v24 =	vor.u32 s4, v24  }
0x554: {  	v28 =	vor.u32 v59, v2;
	v57 =	vld [tilespmem:$0x1FEF0]  }
0x555: {  	v42 =	vor.u32 v62, v12;
	[tilespmem:v22+s25+$0x0] =	vst.idx.msk $0xffff, v58;
	v22 =	vld.idx.msk [tilespmem:v29+s23+$0x0], $0xffff  }
0x556: {  	v43 =	vor.u32 s18, v63;
	v30 =	vor.u32 v60, v1;
	v29 =	vor.u32 v60, v0;
	v60 =	vld [tilespmem:$0x1FE60]  }
0x557: {  	v46 =	vor.u32 v45, v13;
	s3 =	sadd.s32 $0x20, s3;
	v48 =	vld.idx.msk [tilespmem:v18+s23+$0x0], $0xffff  }
0x558: {  	v18 =	vld [tilespmem:s3+$0xFFFFFFF0];
	[tilespmem:v24+s25+$0x0] =	vst.idx.msk $0xffff, v19  }
0x559: {  	[tilespmem:v27+s25+$0x0] =	vst.idx.msk $0xffff, v21;
	v21 =	vld.idx.msk [tilespmem:v28+s23+$0x0], $0xffff  }
0x55a: {  	v27 =	vld.idx.msk [tilespmem:v42+s23+$0x0], $0xffff;
	[tilespmem:v26+s25+$0x0] =	vst.idx.msk $0xffff, v25  }
0x55b: {  	v24 =	vor.u32 v4, v3;
	[tilespmem:v43+s25+$0x0] =	vst.idx.msk $0xffff, v31;
	v26 =	vor.u32 v4, v2;
	v4 =	vld [tilespmem:$0x1F970]  }
0x55c: {  	v31 =	vld.idx.msk [tilespmem:v46+s23+$0x0], $0xffff  }
0x55d: {  	v19 =	vor.u32 s16, v49;
	v46 =	vld [tilespmem:$0x1FEE0]  }
0x55e: {  	v42 =	vld [tilespmem:$0x1F990]  }
0x55f: {  	v28 =	vor.u32 s4, v49;
	[tilespmem:v23+s25+$0x0] =	vst.idx.msk $0xffff, v22;
	v23 =	vld [tilespmem:$0x1FE30]  }
0x560: {  	v25 =	vor.u32 s17, v63;
	v49 =	vld [tilespmem:$0x1FF00]  }
0x561: {  	v55 =	vor.u32 v45, v12;
	v29 =	vld.idx.msk [tilespmem:v29+s23+$0x0], $0xffff  }
0x562: {  	[tilespmem:v19+s25+$0x0] =	vst.idx.msk $0xffff, v48;
	v19 =	vld.idx.msk [tilespmem:v30+s23+$0x0], $0xffff;
	v56 =	vor.u32 s18, v46  }
0x563: {  	s1 =	sadd.s32 $0x20, s1;
	v58 =	vor.u32 v57, v13;
	v24 =	vld.idx.msk [tilespmem:v24+s23+$0x0], $0xffff  }
0x564: {  	v59 =	vld [tilespmem:s1+$0x0];
	[tilespmem:v28+s25+$0x0] =	vst.idx.msk $0xffff, v21;
	v22 =	vor.u32 s6, v23  }
0x565: {  	[tilespmem:v25+s25+$0x0] =	vst.idx.msk $0xffff, v27;
	v25 =	vld.idx.msk [tilespmem:v26+s23+$0x0], $0xffff  }
0x566: {  	v28 =	vld.idx.msk [tilespmem:v55+s23+$0x0], $0xffff;
	v23 =	vor.u32 s5, v23  }
0x567: {  	v30 =	vor.u32 v53, v0;
	v55 =	vld [tilespmem:$0x1FD90];
	[tilespmem:v56+s25+$0x0] =	vst.idx.msk $0xffff, v31  }
0x568: {  	v54 =	vor.u32 v53, v1;
	v21 =	vor.u32 s16, v60;
	v34 =	vld.idx.msk [tilespmem:v58+s23+$0x0], $0xffff  }
0x569: {  	[tilespmem:v22+s25+$0x0] =	vst.idx.msk $0xffff, v19;
	v22 =	vld [tilespmem:$0x1FE50]  }
0x56a: {  	v62 =	vor.u32 s4, v60;
	v27 =	vor.u32 v4, v1;
	v26 =	vor.u32 v61, v3;
	v56 =	vld [tilespmem:$0x1FDF0]  }
0x56b: {  	v31 =	vor.u32 v61, v2;
	[tilespmem:v23+s25+$0x0] =	vst.idx.msk $0xffff, v29;
	v23 =	vor.u32 v4, v0;
	v29 =	vor.u32 s17, v46;
	v4 =	vld [tilespmem:$0x1F980]  }
0x56c: {  	v63 =	vor.u32 v57, v12;
	v53 =	vor.u32 s18, v50;
	v30 =	vld.idx.msk [tilespmem:v30+s23+$0x0], $0xffff  }
0x56d: {  	[tilespmem:v21+s25+$0x0] =	vst.idx.msk $0xffff, v24;
	v21 =	vld.idx.msk [tilespmem:v54+s23+$0x0], $0xffff;
	v24 =	vor.u32 v52, v13  }
0x56e: {  	v54 =	vld [tilespmem:s1+$0xFFFFFFF0];
	v19 =	vor.u32 s6, v22  }
0x56f: {  	[tilespmem:v62+s25+$0x0] =	vst.idx.msk $0xffff, v25;
	v26 =	vld.idx.msk [tilespmem:v26+s23+$0x0], $0xffff;
	v46 =	vor.u32 s5, v22  }
0x570: {  	[tilespmem:v29+s25+$0x0] =	vst.idx.msk $0xffff, v28;
	v28 =	vld.idx.msk [tilespmem:v31+s23+$0x0], $0xffff  }
0x571: {  	[tilespmem:v53+s25+$0x0] =	vst.idx.msk $0xffff, v34;
	v31 =	vld.idx.msk [tilespmem:v63+s23+$0x0], $0xffff  }
0x572: {  	v24 =	vld.idx.msk [tilespmem:v24+s23+$0x0], $0xffff  }
0x573: {  	[tilespmem:v19+s25+$0x0] =	vst.idx.msk $0xffff, v21;
	v19 =	vld [tilespmem:$0x1FDA0]  }
0x574: {  	v25 =	vor.u32 s16, v55;
	[tilespmem:v46+s25+$0x0] =	vst.idx.msk $0xffff, v30;
	v46 =	vld [tilespmem:$0x1FBA0]  }
0x575: {  	v22 =	vadd.s32 v42, v59;
	v29 =	vor.u32 v56, v3;
	v21 =	vadd.s32 v42, v54;
	v42 =	vld [tilespmem:$0x1FE00]  }
0x576: {  	v57 =	vor.u32 s4, v55;
	v33 =	vor.u32 v4, v1;
	v30 =	vor.u32 v4, v0;
	v4 =	vld [tilespmem:$0x1F9A0]  }
0x577: {  	v58 =	vor.u32 s17, v50;
	v59 =	vor.u32 v56, v2;
	v54 =	vld [tilespmem:$0x1FE10]  }
0x578: {  	v23 =	vld.idx.msk [tilespmem:v23+s23+$0x0], $0xffff  }
0x579: {  	[tilespmem:v25+s25+$0x0] =	vst.idx.msk $0xffff, v26;
	v25 =	vld.idx.msk [tilespmem:v27+s23+$0x0], $0xffff  }
0x57a: {  	s2 =	sadd.s32 $0x20, s2;
	v63 =	vor.u32 s18, v49;
	v27 =	vld.idx.msk [tilespmem:v29+s23+$0x0], $0xffff  }
0x57b: {  	v60 =	vor.u32 v52, v12;
	[tilespmem:v57+s25+$0x0] =	vst.idx.msk $0xffff, v28;
	v53 =	vld [tilespmem:s2+$0x0]  }
0x57c: {  	[tilespmem:v58+s25+$0x0] =	vst.idx.msk $0xffff, v31;
	v31 =	vld.idx.msk [tilespmem:v59+s23+$0x0], $0xffff  }
0x57d: {  	v58 =	vld [tilespmem:$0x1F9B0]  }
0x57e: {  	v26 =	vor.u32 v35, v13;
	v59 =	vld [tilespmem:$0x1FDB0]  }
0x57f: {  	vm1 =	vgt.s32 v22, $0x0;
	[tilespmem:v63+s25+$0x0] =	vst.idx.msk $0xffff, v24;
	v63 =	vld [tilespmem:$0x1FF20];
	v62 =	vor.u32 s5, v19  }
0x580: {  	v22 =	vnsel vm1, $0x0, v22;
	vm1 =	vgt.s32 v21, $0x0;
	v36 =	vld.idx.msk [tilespmem:v60+s23+$0x0], $0xffff;
	v61 =	vor.u32 s6, v19  }
0x581: {  	v29 =	vnsel vm1, $0x0, v21;
	v60 =	vld [tilespmem:$0x1FDD0]  }
0x582: {  	v28 =	vor.u32 s16, v42;
	v21 =	vor.u32 v4, v1;
	v55 =	vor.u32 v4, v0;
	v4 =	vld [tilespmem:$0x1F9C0]  }
0x583: {  	v26 =	vld.idx.msk [tilespmem:v26+s23+$0x0], $0xffff  }
0x584: {  	v37 =	vor.u32 s4, v42;
	[tilespmem:v62+s25+$0x0] =	vst.idx.msk $0xffff, v23;
	v62 =	vld [tilespmem:$0x1FF10]  }
0x585: {  	v57 =	vor.u32 v54, v3;
	[tilespmem:v61+s25+$0x0] =	vst.idx.msk $0xffff, v25;
	v61 =	vld [tilespmem:$0x1FBF0]  }
0x586: {  	v30 =	vld.idx.msk [tilespmem:v30+s23+$0x0], $0xffff  }
0x587: {  	[tilespmem:v28+s25+$0x0] =	vst.idx.msk $0xffff, v27;
	v27 =	vld.idx.msk [tilespmem:v33+s23+$0x0], $0xffff  }
0x588: {  	v19 =	vor.u32 v46, v1;
	v24 =	vor.u32 v54, v2;
	v56 =	vld [tilespmem:s2+$0xFFFFFFF0]  }
0x589: {  	v38 =	vor.u32 v58, v1;
	v23 =	vor.u32 s17, v49;
	[tilespmem:v37+s25+$0x0] =	vst.idx.msk $0xffff, v31;
	v37 =	vor.u32 v4, v1;
	v1 =	vld [tilespmem:$0x1FDC0]  }
0x58a: {  	v32 =	vor.u32 v35, v12;
	v34 =	vld.idx.msk [tilespmem:v57+s23+$0x0], $0xffff  }
0x58b: {  	v43 =	vor.u32 s5, v59;
	v57 =	vor.u32 v4, v0;
	v4 =	vld [tilespmem:$0x1F9D0]  }
0x58c: {  	v42 =	vld [tilespmem:$0x1FF70];
	v28 =	vor.u32 v58, v0  }
0x58d: {  	v49 =	vld [tilespmem:$0x1FC60];
	v48 =	vor.u32 s18, v62  }
0x58e: {  	v25 =	vor.u32 s6, v59;
	v33 =	vor.u32 v41, v13;
	[tilespmem:v23+s25+$0x0] =	vst.idx.msk $0xffff, v36;
	v23 =	vld.idx.msk [tilespmem:v24+s23+$0x0], $0xffff  }
0x58f: {  	v31 =	vor.u32 s16, v61;
	v59 =	vor.u32 s4, v61;
	v32 =	vld.idx.msk [tilespmem:v32+s23+$0x0], $0xffff  }
0x590: {  	v58 =	vor.u32 s5, v1;
	v61 =	vor.u32 s6, v1;
	[tilespmem:v43+s25+$0x0] =	vst.idx.msk $0xffff, v30;
	v1 =	vmovc v2;
	v2 =	vld [tilespmem:$0x1FE20];
	v24 =	vor.u32 v4, v3  }
0x591: {  	v28 =	vld.idx.msk [tilespmem:v28+s23+$0x0], $0xffff  }
0x592: {  	v30 =	vor.u32 v4, v1;
	v4 =	vld [tilespmem:$0x1F9E0];
	[tilespmem:v48+s25+$0x0] =	vst.idx.msk $0xffff, v26  }
0x593: {  	v33 =	vld.idx.msk [tilespmem:v33+s23+$0x0], $0xffff;
	[tilespmem:v25+s25+$0x0] =	vst.idx.msk $0xffff, v27  }
0x594: {  	[tilespmem:v31+s25+$0x0] =	vst.idx.msk $0xffff, v34;
	v34 =	vld.idx.msk [tilespmem:v38+s23+$0x0], $0xffff  }
0x595: {  	v26 =	vor.u32 s17, v62;
	v48 =	vor.u32 v41, v12;
	v43 =	vor.u32 s16, v2;
	v24 =	vld.idx.msk [tilespmem:v24+s23+$0x0], $0xffff  }
0x596: {  	v27 =	vor.u32 s4, v2;
	v2 =	vmovc v13;
	v38 =	vadd.s32 v7, v56;
	v56 =	vor.u32 v42, v13;
	v13 =	vld [tilespmem:s3+$0x0]  }
0x597: {  	v62 =	vor.u32 v4, v1;
	v31 =	vor.u32 v4, v3;
	v4 =	vld [tilespmem:$0x1FF90]  }
0x598: {  	v53 =	vadd.s32 v7, v53;
	[tilespmem:v59+s25+$0x0] =	vst.idx.msk $0xffff, v23;
	v59 =	vld [tilespmem:$0x1FF50];
	vm1 =	vgt.s32 v38, $0x0  }
0x599: {  	v25 =	vor.u32 s18, v63;
	v30 =	vld.idx.msk [tilespmem:v30+s23+$0x0], $0xffff;
	v23 =	vnsel vm1, $0x0, v38;
	vm1 =	vgt.s32 v53, $0x0  }
0x59a: {  	[tilespmem:v26+s25+$0x0] =	vst.idx.msk $0xffff, v32;
	v26 =	vor.u32 v42, v12;
	v42 =	vnsel vm1, $0x0, v53;
	v53 =	vld [tilespmem:$0x1F9F0]  }
0x59b: {  	vm1 =	veq.s32 v20, v6;
	v20 =	vld.idx.msk [tilespmem:v48+s23+$0x0], $0xffff  }
0x59c: {  	[tilespmem:v58+s25+$0x0] =	vst.idx.msk $0xffff, v28;
	v58 =	vld [tilespmem:$0x1FF40]  }
0x59d: {  	vm2 =	veq.s32 v17, v6;
	vm3 =	veq.s32 v18, v5;
	v29 =	vmin.u32 v29, $0x4;
	v48 =	vld [tilespmem:$0x1FF30]  }
0x59e: {  	v22 =	vmin.u32 v22, $0x4;
	v29 =	vnsel vm2, $0x5, v29;
	v23 =	vmin.u32 v23, $0x40;
	[tilespmem:v25+s25+$0x0] =	vst.idx.msk $0xffff, v33;
	v25 =	vld.idx.msk [tilespmem:v57+s23+$0x0], $0xffff  }
0x59f: {  	v63 =	vor.u32 s17, v63;
	v17 =	vmul.u32 $0x6, v23;
	v23 =	vmin.u32 v42, $0x40;
	v57 =	vld [tilespmem:$0x1FED0]  }
0x5a0: {  	v54 =	vor.u32 s5, v60;
	v36 =	vor.u32 s6, v60;
	v18 =	vmul.u32 $0x6, v23;
	v23 =	vld.idx.msk [tilespmem:v56+s23+$0x0], $0xffff;
	[tilespmem:v61+s25+$0x0] =	vst.idx.msk $0xffff, v34  }
0x5a1: {  	v60 =	vor.u32 s16, v49;
	v61 =	vld [tilespmem:$0x1FF80];
	vm2 =	veq.s32 v13, v5;
	[tilespmem:v43+s25+$0x0] =	vst.idx.msk $0xffff, v24;
	v17 =	vnsel vm3, $0x186, v17  }
0x5a2: {  	v13 =	vadd.s32 v17, v29;
	v17 =	vnsel vm1, $0x5, v22;
	v18 =	vnsel vm2, $0x186, v18;
	v22 =	vld.idx.msk [tilespmem:v31+s23+$0x0], $0xffff  }
0x5a3: {  	v24 =	vld.idx.msk [tilespmem:v37+s23+$0x0], $0xffff;
	[tilespmem:v27+s25+$0x0] =	vst.idx.msk $0xffff, v30;
	v17 =	vadd.s32 v18, v17;
	v18 =	vor.u32 v53, v3  }
0x5a4: {  	[tilespmem:v63+s25+$0x0] =	vst.idx.msk $0xffff, v20;
	v20 =	vld.idx.msk [tilespmem:v62+s23+$0x0], $0xffff  }
0x5a5: {  	v28 =	vor.u32 s18, v48;
	v30 =	vshll.u32 v17, $0x5;
	v17 =	vld [tilespmem:$0x1FDE0]  }
0x5a6: {  	v52 =	vmov v50;
	v50 =	vmov v45;
	v45 =	vor.u32 v4, v2;
	v26 =	vld.idx.msk [tilespmem:v26+s23+$0x0], $0xffff;
	[tilespmem:v54+s25+$0x0] =	vst.idx.msk $0xffff, v25  }
0x5a7: {  	v56 =	vlaneseq.u32;
	v13 =	vshll.u32 v13, $0x5;
	v34 =	vld.idx.msk [tilespmem:v55+s23+$0x0], $0xffff;
	[tilespmem:v60+s25+$0x0] =	vst.idx.msk $0xffff, v22  }
0x5a8: {  	v27 =	vor.u32 v56, v13;
	v22 =	vld.idx.msk [tilespmem:v18+s23+$0x0], $0xffff  }
0x5a9: {  	v18 =	vld [tilespmem:$0x1FE40]  }
0x5aa: {  	v62 =	vld [tilespmem:$0x1FFA0];
	v32 =	vor.u32 s17, v48;
	[tilespmem:v28+s25+$0x0] =	vst.idx.msk $0xffff, v23  }
0x5ab: {  	v31 =	vor.u32 s4, v49;
	v37 =	vld.idx.msk [tilespmem:v45+s23+$0x0], $0xffff  }
0x5ac: {  	v33 =	vor.u32 v53, v1;
	v45 =	vor.u32 v4, v12;
	[tilespmem:v36+s25+$0x0] =	vst.idx.msk $0xffff, v24;
	v24 =	vor.u32 s5, v17;
	v4 =	vld [tilespmem:$0x1FBC0]  }
0x5ad: {  	s10 =	sadd.s32 $0x2, s10;
	v29 =	vor.u32 v39, v30;
	v23 =	vor.u32 s6, v17;
	s6 =	smov.u32 s4;
	s5 =	smov.u32 s16;
	v36 =	vor.u32 s18, v40;
	v43 =	vld.idx.msk [tilespmem:v27+s23+$0x0], $0xffff  }
0x5ae: {  	p0 =	slt.u32 s10, $0x3E;
	v39 =	vor.u32 v46, v0;
	v28 =	vor.u32 s5, v18;
	v27 =	vor.u32 s6, v18;
	v18 =	vld [tilespmem:$0x1FA00]  }
.Ltmp1:
0x5af: {  	v63 =	vmov v51;
	v60 =	vld [tilespmem:$0x1FF60];
	s16 =	smov.u32 s17;
	s17 =	sadd.s32 $0x400, s17;
	[tilespmem:v32+s25+$0x0] =	vst.idx.msk $0xffff, v26;
	(pc) =	sbr.rel @p0 .LBB2_5-.Ltmp1, $4  }
0x5b0: {  	v53 =	vor.u32 v58, v13;
	v38 =	vor.u32 v56, v30;
	s4 =	smov.u32 s18;
	v25 =	vld.idx.msk [tilespmem:v21+s23+$0x0], $0xffff;
	s18 =	sadd.s32 $0xFFFFFE00, s17;
	[tilespmem:v31+s25+$0x0] =	vst.idx.msk $0xffff, v20  }
0x5b1: {  	v0 =	vmovc v3;
	v3 =	vmov v12;
	v12 =	vmov v30;
	v48 =	vor.u32 s18, v57;
	v32 =	vld.idx.msk [tilespmem:v45+s23+$0x0], $0xffff;
	[tilespmem:v24+s25+$0x0] =	vst.idx.msk $0xffff, v34  }
0x5b2: {  	v26 =	vld.idx.msk [tilespmem:v33+s23+$0x0], $0xffff;
	v33 =	vor.u32 s16, v40;
	v17 =	vor.u32 s17, v4;
	v45 =	vmovc v50;
	v50 =	vmov v52;
	[tilespmem:v36+s25+$0x0] =	vst.idx.msk $0xffff, v37  }
0x5b3: {  	v52 =	vmovc v47;
	v24 =	vld.idx.msk [tilespmem:v39+s23+$0x0], $0xffff;
	v21 =	vor.u32 v18, v0;
	v20 =	vor.u32 v18, v1;
	v18 =	vor.u32 s18, v4  }
0x5b4: {  	_ =	sdelay $0x3  }
0x5b5: {  	v4 =	vld.idx.msk [tilespmem:v38+s23+$0x0], $0xffff;
	v5 =	vor.u32 s17, v57  }
0x5b6: {  	v6 =	vor.u32 v58, v12;
	_ =	sdelay $0x3  }
0x5b7: {  	[tilespmem:v5+s25+$0x0] =	vst.idx.msk $0xffff, v4  }
0x5b8: {  	[tilespmem:v48+s25+$0x0] =	vst.idx.msk $0xffff, v43;
	v5 =	vor.u32 s17, v59;
	v4 =	vld.idx.msk [tilespmem:v6+s23+$0x0], $0xffff  }
0x5b9: {  	v7 =	vor.u32 s18, v59;
	v30 =	vor.u32 v60, v12;
	v6 =	vld.idx.msk [tilespmem:v53+s23+$0x0], $0xffff  }
0x5ba: {  	v31 =	vor.u32 v60, v13;
	_ =	sdelay $0x2  }
0x5bb: {  	[tilespmem:v5+s25+$0x0] =	vst.idx.msk $0xffff, v4  }
0x5bc: {  	[tilespmem:v7+s25+$0x0] =	vst.idx.msk $0xffff, v6;
	v5 =	vor.u32 s17, v61;
	v4 =	vld.idx.msk [tilespmem:v30+s23+$0x0], $0xffff  }
0x5bd: {  	v7 =	vor.u32 s18, v61;
	v6 =	vld.idx.msk [tilespmem:v31+s23+$0x0], $0xffff;
	v30 =	vor.u32 v62, v12  }
0x5be: {  	v31 =	vor.u32 v62, v13;
	_ =	sdelay $0x2  }
0x5bf: {  	[tilespmem:v5+s25+$0x0] =	vst.idx.msk $0xffff, v4  }
0x5c0: {  	[tilespmem:v7+s25+$0x0] =	vst.idx.msk $0xffff, v6;
	v5 =	vor.u32 s17, v63;
	v4 =	vld.idx.msk [tilespmem:v30+s23+$0x0], $0xffff  }
0x5c1: {  	v7 =	vor.u32 s18, v63;
	v6 =	vld.idx.msk [tilespmem:v31+s23+$0x0], $0xffff;
	_ =	sdelay $0x1  }
0x5c2: {  	v31 =	vor.u32 v45, v13;
	_ =	sdelay $0x1  }
0x5c3: {  	[tilespmem:v5+s25+$0x0] =	vst.idx.msk $0xffff, v4  }
0x5c4: {  	[tilespmem:v7+s25+$0x0] =	vst.idx.msk $0xffff, v6  }
0x5c5: {  	v38 =	vld [tilespmem:$0x1FEE0]  }
0x5c6: {  	v30 =	vor.u32 v45, v12;
	v6 =	vld.idx.msk [tilespmem:v31+s23+$0x0], $0xffff  }
0x5c7: {  	v31 =	vld [tilespmem:$0x1FEF0];
	_ =	sdelay $0x3  }
0x5c8: {  	v4 =	vld.idx.msk [tilespmem:v30+s23+$0x0], $0xffff;
	v5 =	vor.u32 s17, v38  }
0x5c9: {  	v7 =	vor.u32 s18, v38;
	v30 =	vor.u32 v31, v12  }
0x5ca: {  	v31 =	vor.u32 v31, v13;
	_ =	sdelay $0x2  }
0x5cb: {  	[tilespmem:v5+s25+$0x0] =	vst.idx.msk $0xffff, v4  }
0x5cc: {  	[tilespmem:v7+s25+$0x0] =	vst.idx.msk $0xffff, v6;
	v5 =	vor.u32 s17, v50;
	v4 =	vld.idx.msk [tilespmem:v30+s23+$0x0], $0xffff  }
0x5cd: {  	v7 =	vor.u32 s18, v50;
	v6 =	vld.idx.msk [tilespmem:v31+s23+$0x0], $0xffff;
	_ =	sdelay $0x3  }
0x5ce: {  	[tilespmem:v5+s25+$0x0] =	vst.idx.msk $0xffff, v4  }
0x5cf: {  	[tilespmem:v7+s25+$0x0] =	vst.idx.msk $0xffff, v6  }
0x5d0: {  	v30 =	vor.u32 v52, v12;
	v7 =	vld [tilespmem:$0x1FF00]  }
0x5d1: {  	v31 =	vor.u32 v52, v13;
	_ =	sdelay $0x3  }
0x5d2: {  	v4 =	vld.idx.msk [tilespmem:v30+s23+$0x0], $0xffff;
	v5 =	vor.u32 s17, v7  }
0x5d3: {  	v6 =	vld.idx.msk [tilespmem:v31+s23+$0x0], $0xffff;
	v7 =	vor.u32 s18, v7;
	_ =	sdelay $0x3  }
0x5d4: {  	[tilespmem:v5+s25+$0x0] =	vst.idx.msk $0xffff, v4  }
0x5d5: {  	[tilespmem:v7+s25+$0x0] =	vst.idx.msk $0xffff, v6  }
0x5d6: {  	v30 =	vor.u32 v35, v12;
	v7 =	vld [tilespmem:$0x1FF10]  }
0x5d7: {  	v31 =	vor.u32 v35, v13;
	_ =	sdelay $0x3  }
0x5d8: {  	v4 =	vld.idx.msk [tilespmem:v30+s23+$0x0], $0xffff;
	v5 =	vor.u32 s17, v7  }
0x5d9: {  	v6 =	vld.idx.msk [tilespmem:v31+s23+$0x0], $0xffff;
	v7 =	vor.u32 s18, v7;
	_ =	sdelay $0x3  }
0x5da: {  	[tilespmem:v5+s25+$0x0] =	vst.idx.msk $0xffff, v4  }
0x5db: {  	[tilespmem:v7+s25+$0x0] =	vst.idx.msk $0xffff, v6  }
0x5dc: {  	v30 =	vor.u32 v41, v12;
	v7 =	vld [tilespmem:$0x1FF20]  }
0x5dd: {  	v31 =	vor.u32 v41, v13;
	_ =	sdelay $0x3  }
0x5de: {  	v5 =	vld.idx.msk [tilespmem:v30+s23+$0x0], $0xffff;
	v4 =	vor.u32 s17, v7  }
0x5df: {  	v6 =	vld.idx.msk [tilespmem:v31+s23+$0x0], $0xffff;
	v7 =	vor.u32 s18, v7  }
0x5e0: {  	v31 =	vld [tilespmem:$0x1FF70];
	_ =	sdelay $0x2  }
0x5e1: {  	[tilespmem:v4+s25+$0x0] =	vst.idx.msk $0xffff, v5  }
0x5e2: {  	[tilespmem:v7+s25+$0x0] =	vst.idx.msk $0xffff, v6  }
0x5e3: {  	v30 =	vor.u32 v31, v12;
	v7 =	vld [tilespmem:$0x1FF30]  }
0x5e4: {  	v31 =	vor.u32 v31, v13;
	_ =	sdelay $0x3  }
0x5e5: {  	v4 =	vld.idx.msk [tilespmem:v30+s23+$0x0], $0xffff;
	v5 =	vor.u32 s17, v7  }
0x5e6: {  	v6 =	vld.idx.msk [tilespmem:v31+s23+$0x0], $0xffff  }
0x5e7: {  	v31 =	vld [tilespmem:$0x1FF90]  }
0x5e8: {  	v7 =	vor.u32 s18, v7;
	_ =	sdelay $0x1  }
0x5e9: {  	[tilespmem:v5+s25+$0x0] =	vst.idx.msk $0xffff, v4  }
0x5ea: {  	v34 =	vld [tilespmem:$0x1FEC0]  }
0x5eb: {  	v30 =	vor.u32 v31, v12  }
0x5ec: {  	v31 =	vor.u32 v31, v13;
	[tilespmem:v7+s25+$0x0] =	vst.idx.msk $0xffff, v6  }
0x5ed: {  	[tilespmem:v33+s25+$0x0] =	vst.idx.msk $0xffff, v32  }
0x5ee: {  	v36 =	vld [tilespmem:$0x1FE70]  }
0x5ef: {  	v4 =	vor.u32 v34, v2  }
0x5f0: {  	v5 =	vld.idx.msk [tilespmem:v30+s23+$0x0], $0xffff  }
0x5f1: {  	v6 =	vor.u32 s17, v40;
	v7 =	vld.idx.msk [tilespmem:v31+s23+$0x0], $0xffff  }
0x5f2: {  	v30 =	vor.u32 s18, v40;
	v16 =	vld.idx.msk [tilespmem:v16+s23+$0x0], $0xffff  }
0x5f3: {  	v55 =	vld [tilespmem:$0x1FE80];
	v51 =	vor.u32 s16, v36  }
0x5f4: {  	v54 =	vor.u32 s4, v36;
	v4 =	vld.idx.msk [tilespmem:v4+s23+$0x0], $0xffff;
	_ =	sdelay $0x1  }
0x5f5: {  	[tilespmem:v6+s25+$0x0] =	vst.idx.msk $0xffff, v5  }
0x5f6: {  	[tilespmem:v30+s25+$0x0] =	vst.idx.msk $0xffff, v7  }
0x5f7: {  	v31 =	vor.u32 v34, v13;
	[tilespmem:v51+s25+$0x0] =	vst.idx.msk $0xffff, v16  }
0x5f8: {  	v53 =	vor.u32 v55, v3;
	[tilespmem:v54+s25+$0x0] =	vst.idx.msk $0xffff, v4  }
0x5f9: {  	v5 =	vor.u32 v55, v2;
	v54 =	vld [tilespmem:$0x1FE90];
	_ =	sdelay $0x1  }
0x5fa: {  	v6 =	vld.idx.msk [tilespmem:v29+s23+$0x0], $0xffff  }
0x5fb: {  	v7 =	vor.u32 s17, v36;
	v29 =	vld.idx.msk [tilespmem:v31+s23+$0x0], $0xffff  }
0x5fc: {  	v31 =	vor.u32 s18, v36;
	v16 =	vld.idx.msk [tilespmem:v53+s23+$0x0], $0xffff  }
0x5fd: {  	v5 =	vld.idx.msk [tilespmem:v5+s23+$0x0], $0xffff;
	v4 =	vor.u32 s16, v54  }
0x5fe: {  	v53 =	vld [tilespmem:$0x1FEA0];
	v43 =	vor.u32 s4, v54;
	_ =	sdelay $0x1  }
0x5ff: {  	[tilespmem:v7+s25+$0x0] =	vst.idx.msk $0xffff, v6  }
0x600: {  	v30 =	vor.u32 v55, v12;
	[tilespmem:v31+s25+$0x0] =	vst.idx.msk $0xffff, v29  }
0x601: {  	v40 =	vor.u32 v55, v13;
	[tilespmem:v4+s25+$0x0] =	vst.idx.msk $0xffff, v16  }
0x602: {  	v42 =	vor.u32 v53, v3;
	[tilespmem:v43+s25+$0x0] =	vst.idx.msk $0xffff, v5  }
0x603: {  	v6 =	vor.u32 v53, v2;
	v51 =	vld [tilespmem:$0x1FEB0];
	_ =	sdelay $0x1  }
0x604: {  	v7 =	vld.idx.msk [tilespmem:v30+s23+$0x0], $0xffff  }
0x605: {  	v30 =	vld.idx.msk [tilespmem:v40+s23+$0x0], $0xffff;
	v29 =	vor.u32 s17, v54  }
0x606: {  	v46 =	vor.u32 s18, v54;
	v4 =	vld.idx.msk [tilespmem:v42+s23+$0x0], $0xffff  }
0x607: {  	v6 =	vld.idx.msk [tilespmem:v6+s23+$0x0], $0xffff;
	v5 =	vor.u32 s16, v51  }
0x608: {  	v49 =	vld [tilespmem:$0x1FD30];
	v48 =	vor.u32 s4, v51;
	_ =	sdelay $0x1  }
0x609: {  	[tilespmem:v29+s25+$0x0] =	vst.idx.msk $0xffff, v7  }
0x60a: {  	v31 =	vor.u32 v53, v12;
	[tilespmem:v46+s25+$0x0] =	vst.idx.msk $0xffff, v30  }
0x60b: {  	v47 =	vor.u32 v53, v13;
	[tilespmem:v5+s25+$0x0] =	vst.idx.msk $0xffff, v4  }
0x60c: {  	v16 =	vor.u32 v49, v3;
	[tilespmem:v48+s25+$0x0] =	vst.idx.msk $0xffff, v6  }
0x60d: {  	v7 =	vor.u32 v49, v2;
	v48 =	vld [tilespmem:$0x1FE60];
	_ =	sdelay $0x1  }
0x60e: {  	v29 =	vld.idx.msk [tilespmem:v31+s23+$0x0], $0xffff  }
0x60f: {  	v31 =	vld.idx.msk [tilespmem:v47+s23+$0x0], $0xffff;
	v30 =	vor.u32 s17, v51  }
0x610: {  	v42 =	vor.u32 s18, v51;
	v4 =	vld.idx.msk [tilespmem:v16+s23+$0x0], $0xffff  }
0x611: {  	v6 =	vld.idx.msk [tilespmem:v7+s23+$0x0], $0xffff;
	v5 =	vor.u32 s16, v48  }
0x612: {  	v47 =	vld [tilespmem:$0x1FD80];
	v16 =	vor.u32 s4, v48;
	_ =	sdelay $0x1  }
0x613: {  	[tilespmem:v30+s25+$0x0] =	vst.idx.msk $0xffff, v29  }
0x614: {  	v40 =	vor.u32 v49, v12;
	[tilespmem:v42+s25+$0x0] =	vst.idx.msk $0xffff, v31  }
0x615: {  	v43 =	vor.u32 v49, v13;
	[tilespmem:v5+s25+$0x0] =	vst.idx.msk $0xffff, v4  }
0x616: {  	v7 =	vor.u32 v47, v3;
	[tilespmem:v16+s25+$0x0] =	vst.idx.msk $0xffff, v6  }
0x617: {  	v29 =	vor.u32 v47, v2;
	v46 =	vld [tilespmem:$0x1FD90];
	_ =	sdelay $0x1  }
0x618: {  	v30 =	vld.idx.msk [tilespmem:v40+s23+$0x0], $0xffff  }
0x619: {  	v32 =	vld.idx.msk [tilespmem:v43+s23+$0x0], $0xffff;
	v31 =	vor.u32 s17, v48  }
0x61a: {  	v34 =	vor.u32 s18, v48;
	v4 =	vld.idx.msk [tilespmem:v7+s23+$0x0], $0xffff  }
0x61b: {  	v6 =	vld.idx.msk [tilespmem:v29+s23+$0x0], $0xffff;
	v5 =	vor.u32 s16, v46  }
0x61c: {  	v40 =	vld [tilespmem:$0x1FDF0];
	v16 =	vor.u32 s4, v46;
	_ =	sdelay $0x1  }
0x61d: {  	[tilespmem:v31+s25+$0x0] =	vst.idx.msk $0xffff, v30  }
0x61e: {  	v33 =	vor.u32 v47, v12;
	[tilespmem:v34+s25+$0x0] =	vst.idx.msk $0xffff, v32  }
0x61f: {  	v35 =	vor.u32 v47, v13;
	[tilespmem:v5+s25+$0x0] =	vst.idx.msk $0xffff, v4  }
0x620: {  	v7 =	vor.u32 v40, v3;
	[tilespmem:v16+s25+$0x0] =	vst.idx.msk $0xffff, v6  }
0x621: {  	v42 =	vmov v41;
	v29 =	vor.u32 v40, v2;
	v41 =	vld [tilespmem:$0x1FE00];
	_ =	sdelay $0x1  }
0x622: {  	v30 =	vld.idx.msk [tilespmem:v33+s23+$0x0], $0xffff  }
0x623: {  	v32 =	vld.idx.msk [tilespmem:v35+s23+$0x0], $0xffff;
	v31 =	vor.u32 s17, v46  }
0x624: {  	v34 =	vor.u32 s18, v46;
	v4 =	vld.idx.msk [tilespmem:v7+s23+$0x0], $0xffff  }
0x625: {  	v6 =	vld.idx.msk [tilespmem:v29+s23+$0x0], $0xffff;
	v5 =	vor.u32 s16, v41  }
0x626: {  	v39 =	vld [tilespmem:$0x1FE10];
	v16 =	vor.u32 s4, v41;
	_ =	sdelay $0x1  }
0x627: {  	[tilespmem:v31+s25+$0x0] =	vst.idx.msk $0xffff, v30  }
0x628: {  	v33 =	vor.u32 v40, v12;
	[tilespmem:v34+s25+$0x0] =	vst.idx.msk $0xffff, v32  }
0x629: {  	v35 =	vor.u32 v40, v13;
	[tilespmem:v5+s25+$0x0] =	vst.idx.msk $0xffff, v4  }
0x62a: {  	v7 =	vor.u32 v39, v3;
	[tilespmem:v16+s25+$0x0] =	vst.idx.msk $0xffff, v6  }
0x62b: {  	v37 =	vld [tilespmem:$0x1FBF0];
	_ =	sdelay $0x1  }
0x62c: {  	v30 =	vld.idx.msk [tilespmem:v33+s23+$0x0], $0xffff  }
0x62d: {  	v32 =	vld.idx.msk [tilespmem:v35+s23+$0x0], $0xffff;
	v29 =	vor.u32 v39, v2;
	v31 =	vor.u32 s17, v41  }
0x62e: {  	v33 =	vor.u32 v39, v12;
	v34 =	vor.u32 s18, v41;
	v4 =	vld.idx.msk [tilespmem:v7+s23+$0x0], $0xffff  }
0x62f: {  	v36 =	vor.u32 v39, v13;
	v43 =	vld [tilespmem:$0x1F9D0];
	v5 =	vor.u32 s16, v37;
	_ =	sdelay $0x2  }
0x630: {  	v6 =	vld.idx.msk [tilespmem:v29+s23+$0x0], $0xffff;
	[tilespmem:v31+s25+$0x0] =	vst.idx.msk $0xffff, v30  }
0x631: {  	[tilespmem:v34+s25+$0x0] =	vst.idx.msk $0xffff, v32;
	v30 =	vld.idx.msk [tilespmem:v33+s23+$0x0], $0xffff  }
0x632: {  	v32 =	vld.idx.msk [tilespmem:v36+s23+$0x0], $0xffff;
	v7 =	vor.u32 v43, v3;
	v16 =	vor.u32 s4, v37;
	[tilespmem:v5+s25+$0x0] =	vst.idx.msk $0xffff, v4  }
0x633: {  	v29 =	vor.u32 v43, v2;
	v33 =	vor.u32 v43, v12;
	v36 =	vor.u32 v43, v13;
	v43 =	vld [tilespmem:$0x1FE20];
	_ =	sdelay $0x1  }
0x634: {  	v31 =	vor.u32 s17, v37  }
0x635: {  	v34 =	vor.u32 s18, v37  }
0x636: {  	v5 =	vld.idx.msk [tilespmem:v7+s23+$0x0], $0xffff;
	[tilespmem:v16+s25+$0x0] =	vst.idx.msk $0xffff, v6  }
0x637: {  	v37 =	vld [tilespmem:$0x1F9E0];
	v4 =	vor.u32 s16, v43  }
0x638: {  	v16 =	vld.idx.msk [tilespmem:v29+s23+$0x0], $0xffff;
	v6 =	vor.u32 s4, v43  }
0x639: {  	[tilespmem:v31+s25+$0x0] =	vst.idx.msk $0xffff, v30  }
0x63a: {  	[tilespmem:v34+s25+$0x0] =	vst.idx.msk $0xffff, v32  }
0x63b: {  	[tilespmem:v23+s25+$0x0] =	vst.idx.msk $0xffff, v25  }
0x63c: {  	[tilespmem:v4+s25+$0x0] =	vst.idx.msk $0xffff, v5  }
0x63d: {  	v31 =	vld.idx.msk [tilespmem:v33+s23+$0x0], $0xffff;
	v7 =	vor.u32 v37, v3;
	[tilespmem:v6+s25+$0x0] =	vst.idx.msk $0xffff, v16  }
0x63e: {  	v29 =	vor.u32 v37, v2;
	v33 =	vor.u32 v37, v12;
	v23 =	vor.u32 v37, v13;
	v37 =	vld [tilespmem:$0x1FC60]  }
0x63f: {  	v30 =	vor.u32 s17, v43  }
0x640: {  	v34 =	vld.idx.msk [tilespmem:v36+s23+$0x0], $0xffff;
	v32 =	vor.u32 s18, v43;
	_ =	sdelay $0x2  }
0x641: {  	v5 =	vld.idx.msk [tilespmem:v7+s23+$0x0], $0xffff;
	v4 =	vor.u32 s16, v37  }
0x642: {  	[tilespmem:v30+s25+$0x0] =	vst.idx.msk $0xffff, v31;
	v7 =	vld.idx.msk [tilespmem:v29+s23+$0x0], $0xffff;
	v16 =	vor.u32 s4, v37  }
0x643: {  	v31 =	vld [tilespmem:$0x1F9F0];
	[tilespmem:v32+s25+$0x0] =	vst.idx.msk $0xffff, v34  }
0x644: {  	[tilespmem:v28+s25+$0x0] =	vst.idx.msk $0xffff, v22  }
0x645: {  	[tilespmem:v27+s25+$0x0] =	vst.idx.msk $0xffff, v26  }
0x646: {  	v30 =	vld.idx.msk [tilespmem:v33+s23+$0x0], $0xffff;
	v29 =	vor.u32 s17, v37;
	[tilespmem:v4+s25+$0x0] =	vst.idx.msk $0xffff, v5  }
0x647: {  	v23 =	vld.idx.msk [tilespmem:v23+s23+$0x0], $0xffff;
	v28 =	vor.u32 s18, v37;
	[tilespmem:v16+s25+$0x0] =	vst.idx.msk $0xffff, v7  }
0x648: {  	v6 =	vor.u32 v31, v3;
	v35 =	vld [tilespmem:$0x1FE40]  }
0x649: {  	v25 =	vor.u32 v31, v2;
	v4 =	vld.idx.msk [tilespmem:v19+s23+$0x0], $0xffff;
	_ =	sdelay $0x1  }
0x64a: {  	v22 =	vor.u32 v31, v12;
	[tilespmem:v29+s25+$0x0] =	vst.idx.msk $0xffff, v30  }
0x64b: {  	v26 =	vor.u32 v31, v13;
	v27 =	vld [tilespmem:$0x1FA00];
	[tilespmem:v28+s25+$0x0] =	vst.idx.msk $0xffff, v23  }
0x64c: {  	v5 =	vld.idx.msk [tilespmem:v6+s23+$0x0], $0xffff;
	[tilespmem:v14+s25+$0x0] =	vst.idx.msk $0xffff, v24;
	v6 =	vor.u32 s16, v35  }
0x64d: {  	v7 =	vld.idx.msk [tilespmem:v25+s23+$0x0], $0xffff;
	[tilespmem:v15+s25+$0x0] =	vst.idx.msk $0xffff, v4  }
0x64e: {  	v37 =	vld [tilespmem:$0x1FD40]  }
0x64f: {  	v22 =	vld.idx.msk [tilespmem:v22+s23+$0x0], $0xffff  }
0x650: {  	v14 =	vld.idx.msk [tilespmem:v26+s23+$0x0], $0xffff;
	v16 =	vor.u32 s4, v35;
	v19 =	vor.u32 v27, v3  }
0x651: {  	v4 =	vld.idx.msk [tilespmem:v21+s23+$0x0], $0xffff;
	v25 =	vor.u32 s17, v35;
	v24 =	vor.u32 s18, v35;
	[tilespmem:v6+s25+$0x0] =	vst.idx.msk $0xffff, v5  }
0x652: {  	v23 =	vor.u32 v27, v2;
	v26 =	vor.u32 v27, v12;
	v21 =	vor.u32 v27, v13;
	v27 =	vld [tilespmem:$0x1F960]  }
0x653: {  	v15 =	vor.u32 s5, v37  }
0x654: {  	v5 =	vor.u32 s6, v37;
	v6 =	vld.idx.msk [tilespmem:v20+s23+$0x0], $0xffff  }
0x655: {  	[tilespmem:v16+s25+$0x0] =	vst.idx.msk $0xffff, v7;
	v16 =	vld.idx.msk [tilespmem:v19+s23+$0x0], $0xffff;
	v19 =	vor.u32 s16, v37  }
0x656: {  	[tilespmem:v25+s25+$0x0] =	vst.idx.msk $0xffff, v22  }
0x657: {  	[tilespmem:v24+s25+$0x0] =	vst.idx.msk $0xffff, v14;
	v20 =	vor.u32 v27, v0  }
0x658: {  	v23 =	vld.idx.msk [tilespmem:v23+s23+$0x0], $0xffff;
	[tilespmem:v15+s25+$0x0] =	vst.idx.msk $0xffff, v4;
	v7 =	vor.u32 v27, v1  }
0x659: {  	v22 =	vor.u32 s4, v37;
	v24 =	vld.idx.msk [tilespmem:v26+s23+$0x0], $0xffff;
	[tilespmem:v5+s25+$0x0] =	vst.idx.msk $0xffff, v6  }
0x65a: {  	v26 =	vor.u32 s17, v37;
	v15 =	vld.idx.msk [tilespmem:v21+s23+$0x0], $0xffff;
	[tilespmem:v19+s25+$0x0] =	vst.idx.msk $0xffff, v16  }
0x65b: {  	v4 =	vor.u32 s18, v37;
	v28 =	vld [tilespmem:$0x1FA20]  }
0x65c: {  	v6 =	vor.u32 s5, v44;
	v5 =	vld.idx.msk [tilespmem:v20+s23+$0x0], $0xffff  }
0x65d: {  	v25 =	vor.u32 v27, v3;
	v16 =	vor.u32 s6, v44;
	v7 =	vld.idx.msk [tilespmem:v7+s23+$0x0], $0xffff  }
0x65e: {  	[tilespmem:v22+s25+$0x0] =	vst.idx.msk $0xffff, v23  }
0x65f: {  	v14 =	vor.u32 v27, v2;
	[tilespmem:v26+s25+$0x0] =	vst.idx.msk $0xffff, v24  }
0x660: {  	v21 =	vor.u32 v27, v12;
	[tilespmem:v4+s25+$0x0] =	vst.idx.msk $0xffff, v15  }
0x661: {  	v20 =	vor.u32 v27, v13;
	[tilespmem:v6+s25+$0x0] =	vst.idx.msk $0xffff, v5  }
0x662: {  	v23 =	vld.idx.msk [tilespmem:v25+s23+$0x0], $0xffff;
	v19 =	vor.u32 v28, v0;
	[tilespmem:v16+s25+$0x0] =	vst.idx.msk $0xffff, v7  }
0x663: {  	v25 =	vor.u32 s16, v44;
	v22 =	vor.u32 v28, v1;
	v27 =	vld [tilespmem:$0x1FD60]  }
0x664: {  	v14 =	vld.idx.msk [tilespmem:v14+s23+$0x0], $0xffff  }
0x665: {  	v24 =	vor.u32 s4, v44;
	v15 =	vld.idx.msk [tilespmem:v21+s23+$0x0], $0xffff  }
0x666: {  	v21 =	vor.u32 s17, v44;
	v6 =	vld.idx.msk [tilespmem:v20+s23+$0x0], $0xffff  }
0x667: {  	v5 =	vor.u32 s18, v44;
	v7 =	vld.idx.msk [tilespmem:v19+s23+$0x0], $0xffff  }
0x668: {  	[tilespmem:v25+s25+$0x0] =	vst.idx.msk $0xffff, v23;
	v22 =	vld.idx.msk [tilespmem:v22+s23+$0x0], $0xffff;
	v16 =	vor.u32 s5, v27  }
0x669: {  	v26 =	vor.u32 v28, v3;
	v29 =	vld [tilespmem:$0x1FA30];
	v23 =	vor.u32 s6, v27  }
0x66a: {  	[tilespmem:v24+s25+$0x0] =	vst.idx.msk $0xffff, v14  }
0x66b: {  	v4 =	vor.u32 v28, v2;
	[tilespmem:v21+s25+$0x0] =	vst.idx.msk $0xffff, v15  }
0x66c: {  	v20 =	vor.u32 v28, v12;
	[tilespmem:v5+s25+$0x0] =	vst.idx.msk $0xffff, v6  }
0x66d: {  	v19 =	vor.u32 v28, v13;
	[tilespmem:v16+s25+$0x0] =	vst.idx.msk $0xffff, v7  }
0x66e: {  	v24 =	vld.idx.msk [tilespmem:v26+s23+$0x0], $0xffff;
	v25 =	vor.u32 v29, v0;
	[tilespmem:v23+s25+$0x0] =	vst.idx.msk $0xffff, v22  }
0x66f: {  	v26 =	vor.u32 s16, v27;
	v14 =	vor.u32 v29, v1;
	v28 =	vld [tilespmem:$0x1FE30]  }
0x670: {  	v4 =	vld.idx.msk [tilespmem:v4+s23+$0x0], $0xffff  }
0x671: {  	v6 =	vld.idx.msk [tilespmem:v20+s23+$0x0], $0xffff;
	v15 =	vor.u32 s4, v27  }
0x672: {  	v20 =	vor.u32 s17, v27;
	v16 =	vld.idx.msk [tilespmem:v19+s23+$0x0], $0xffff  }
0x673: {  	v7 =	vor.u32 s18, v27;
	v22 =	vld.idx.msk [tilespmem:v25+s23+$0x0], $0xffff  }
0x674: {  	[tilespmem:v26+s25+$0x0] =	vst.idx.msk $0xffff, v24;
	v14 =	vld.idx.msk [tilespmem:v14+s23+$0x0], $0xffff;
	v23 =	vor.u32 s5, v28  }
0x675: {  	v21 =	vor.u32 v29, v3;
	v30 =	vld [tilespmem:$0x1FA40];
	v24 =	vor.u32 s6, v28  }
0x676: {  	[tilespmem:v15+s25+$0x0] =	vst.idx.msk $0xffff, v4  }
0x677: {  	v5 =	vor.u32 v29, v2;
	[tilespmem:v20+s25+$0x0] =	vst.idx.msk $0xffff, v6  }
0x678: {  	v19 =	vor.u32 v29, v12;
	[tilespmem:v7+s25+$0x0] =	vst.idx.msk $0xffff, v16  }
0x679: {  	v25 =	vor.u32 v29, v13;
	[tilespmem:v23+s25+$0x0] =	vst.idx.msk $0xffff, v22  }
0x67a: {  	v15 =	vld.idx.msk [tilespmem:v21+s23+$0x0], $0xffff;
	v26 =	vor.u32 v30, v0;
	[tilespmem:v24+s25+$0x0] =	vst.idx.msk $0xffff, v14  }
0x67b: {  	v21 =	vor.u32 s16, v28;
	v4 =	vor.u32 v30, v1;
	v29 =	vld [tilespmem:$0x1FE50]  }
0x67c: {  	v5 =	vld.idx.msk [tilespmem:v5+s23+$0x0], $0xffff  }
0x67d: {  	v16 =	vld.idx.msk [tilespmem:v19+s23+$0x0], $0xffff;
	v6 =	vor.u32 s4, v28  }
0x67e: {  	v19 =	vor.u32 s17, v28;
	v23 =	vld.idx.msk [tilespmem:v25+s23+$0x0], $0xffff  }
0x67f: {  	v22 =	vor.u32 s18, v28;
	v14 =	vld.idx.msk [tilespmem:v26+s23+$0x0], $0xffff  }
0x680: {  	[tilespmem:v21+s25+$0x0] =	vst.idx.msk $0xffff, v15;
	v4 =	vld.idx.msk [tilespmem:v4+s23+$0x0], $0xffff;
	v24 =	vor.u32 s5, v29  }
0x681: {  	v20 =	vor.u32 v30, v3;
	v31 =	vld [tilespmem:$0x1F970];
	v21 =	vor.u32 s6, v29  }
0x682: {  	[tilespmem:v6+s25+$0x0] =	vst.idx.msk $0xffff, v5  }
0x683: {  	v7 =	vor.u32 v30, v2;
	[tilespmem:v19+s25+$0x0] =	vst.idx.msk $0xffff, v16  }
0x684: {  	v25 =	vor.u32 v30, v12;
	[tilespmem:v22+s25+$0x0] =	vst.idx.msk $0xffff, v23  }
0x685: {  	v26 =	vor.u32 v30, v13;
	[tilespmem:v24+s25+$0x0] =	vst.idx.msk $0xffff, v14  }
0x686: {  	v6 =	vld.idx.msk [tilespmem:v20+s23+$0x0], $0xffff;
	v15 =	vor.u32 v31, v0;
	[tilespmem:v21+s25+$0x0] =	vst.idx.msk $0xffff, v4  }
0x687: {  	v20 =	vor.u32 s16, v29;
	v5 =	vor.u32 v31, v1;
	v30 =	vld [tilespmem:$0x1FDA0]  }
0x688: {  	v7 =	vld.idx.msk [tilespmem:v7+s23+$0x0], $0xffff  }
0x689: {  	v23 =	vld.idx.msk [tilespmem:v25+s23+$0x0], $0xffff;
	v19 =	vor.u32 s4, v29  }
0x68a: {  	v25 =	vor.u32 s17, v29;
	v26 =	vld.idx.msk [tilespmem:v26+s23+$0x0], $0xffff  }
0x68b: {  	v24 =	vor.u32 s18, v29;
	v4 =	vld.idx.msk [tilespmem:v15+s23+$0x0], $0xffff  }
0x68c: {  	[tilespmem:v20+s25+$0x0] =	vst.idx.msk $0xffff, v6;
	v5 =	vld.idx.msk [tilespmem:v5+s23+$0x0], $0xffff;
	v15 =	vor.u32 s5, v30  }
0x68d: {  	v16 =	vor.u32 v31, v3;
	v32 =	vld [tilespmem:$0x1F980];
	v20 =	vor.u32 s6, v30  }
0x68e: {  	[tilespmem:v19+s25+$0x0] =	vst.idx.msk $0xffff, v7  }
0x68f: {  	v22 =	vor.u32 v31, v2;
	[tilespmem:v25+s25+$0x0] =	vst.idx.msk $0xffff, v23  }
0x690: {  	v14 =	vor.u32 v31, v12;
	[tilespmem:v24+s25+$0x0] =	vst.idx.msk $0xffff, v26  }
0x691: {  	v21 =	vor.u32 v31, v13;
	[tilespmem:v15+s25+$0x0] =	vst.idx.msk $0xffff, v4  }
0x692: {  	v16 =	vld.idx.msk [tilespmem:v16+s23+$0x0], $0xffff;
	v6 =	vor.u32 v32, v0;
	[tilespmem:v20+s25+$0x0] =	vst.idx.msk $0xffff, v5  }
0x693: {  	v19 =	vor.u32 s16, v30;
	v7 =	vor.u32 v32, v1;
	v31 =	vld [tilespmem:$0x1FDB0]  }
0x694: {  	v22 =	vld.idx.msk [tilespmem:v22+s23+$0x0], $0xffff  }
0x695: {  	v14 =	vld.idx.msk [tilespmem:v14+s23+$0x0], $0xffff;
	v25 =	vor.u32 s4, v30  }
0x696: {  	v26 =	vor.u32 s17, v30;
	v21 =	vld.idx.msk [tilespmem:v21+s23+$0x0], $0xffff  }
0x697: {  	v15 =	vor.u32 s18, v30;
	v5 =	vld.idx.msk [tilespmem:v6+s23+$0x0], $0xffff  }
0x698: {  	[tilespmem:v19+s25+$0x0] =	vst.idx.msk $0xffff, v16;
	v7 =	vld.idx.msk [tilespmem:v7+s23+$0x0], $0xffff;
	v6 =	vor.u32 s5, v31  }
0x699: {  	v23 =	vor.u32 v32, v3;
	v44 =	vld [tilespmem:$0x1F9B0];
	v16 =	vor.u32 s6, v31  }
0x69a: {  	[tilespmem:v25+s25+$0x0] =	vst.idx.msk $0xffff, v22  }
0x69b: {  	v24 =	vor.u32 v32, v2;
	[tilespmem:v26+s25+$0x0] =	vst.idx.msk $0xffff, v14  }
0x69c: {  	v4 =	vor.u32 v32, v12;
	[tilespmem:v15+s25+$0x0] =	vst.idx.msk $0xffff, v21  }
0x69d: {  	v20 =	vor.u32 v32, v13;
	[tilespmem:v6+s25+$0x0] =	vst.idx.msk $0xffff, v5  }
0x69e: {  	v23 =	vld.idx.msk [tilespmem:v23+s23+$0x0], $0xffff;
	v19 =	vor.u32 v44, v0;
	[tilespmem:v16+s25+$0x0] =	vst.idx.msk $0xffff, v7  }
0x69f: {  	v25 =	vor.u32 s16, v31;
	v22 =	vor.u32 v44, v1;
	v36 =	vld [tilespmem:$0x1FDC0]  }
0x6a0: {  	v24 =	vld.idx.msk [tilespmem:v24+s23+$0x0], $0xffff  }
0x6a1: {  	v4 =	vld.idx.msk [tilespmem:v4+s23+$0x0], $0xffff;
	v14 =	vor.u32 s4, v31  }
0x6a2: {  	v21 =	vor.u32 s17, v31;
	v6 =	vld.idx.msk [tilespmem:v20+s23+$0x0], $0xffff  }
0x6a3: {  	v5 =	vor.u32 s18, v31;
	v16 =	vld.idx.msk [tilespmem:v19+s23+$0x0], $0xffff  }
0x6a4: {  	[tilespmem:v25+s25+$0x0] =	vst.idx.msk $0xffff, v23;
	v22 =	vld.idx.msk [tilespmem:v22+s23+$0x0], $0xffff;
	v7 =	vor.u32 s5, v36  }
0x6a5: {  	v26 =	vor.u32 v44, v3;
	v37 =	vld [tilespmem:$0x1F9C0];
	v25 =	vor.u32 s6, v36  }
0x6a6: {  	[tilespmem:v14+s25+$0x0] =	vst.idx.msk $0xffff, v24  }
0x6a7: {  	v15 =	vor.u32 v44, v2;
	[tilespmem:v21+s25+$0x0] =	vst.idx.msk $0xffff, v4  }
0x6a8: {  	v20 =	vor.u32 v44, v12;
	[tilespmem:v5+s25+$0x0] =	vst.idx.msk $0xffff, v6  }
0x6a9: {  	v19 =	vor.u32 v44, v13;
	[tilespmem:v7+s25+$0x0] =	vst.idx.msk $0xffff, v16  }
0x6aa: {  	v26 =	vld.idx.msk [tilespmem:v26+s23+$0x0], $0xffff;
	v23 =	vor.u32 v37, v0;
	[tilespmem:v25+s25+$0x0] =	vst.idx.msk $0xffff, v22  }
0x6ab: {  	v24 =	vor.u32 s16, v36;
	v14 =	vor.u32 v37, v1;
	v34 =	vld [tilespmem:$0x1FDD0]  }
0x6ac: {  	v15 =	vld.idx.msk [tilespmem:v15+s23+$0x0], $0xffff  }
0x6ad: {  	v20 =	vld.idx.msk [tilespmem:v20+s23+$0x0], $0xffff;
	v21 =	vor.u32 s4, v36;
	v4 =	vor.u32 v37, v3  }
0x6ae: {  	v6 =	vor.u32 s17, v36;
	v19 =	vld.idx.msk [tilespmem:v19+s23+$0x0], $0xffff  }
0x6af: {  	v16 =	vor.u32 s18, v36;
	v23 =	vld.idx.msk [tilespmem:v23+s23+$0x0], $0xffff  }
0x6b0: {  	[tilespmem:v24+s25+$0x0] =	vst.idx.msk $0xffff, v26;
	v14 =	vld.idx.msk [tilespmem:v14+s23+$0x0], $0xffff;
	v22 =	vor.u32 s5, v34  }
0x6b1: {  	v44 =	vld [tilespmem:$0x1F9A0];
	v26 =	vor.u32 s6, v34  }
0x6b2: {  	[tilespmem:v21+s25+$0x0] =	vst.idx.msk $0xffff, v15;
	v4 =	vld.idx.msk [tilespmem:v4+s23+$0x0], $0xffff;
	v21 =	vor.u32 s16, v34  }
0x6b3: {  	[tilespmem:v6+s25+$0x0] =	vst.idx.msk $0xffff, v20  }
0x6b4: {  	v5 =	vor.u32 v37, v2;
	[tilespmem:v16+s25+$0x0] =	vst.idx.msk $0xffff, v19  }
0x6b5: {  	v7 =	vor.u32 v37, v12;
	[tilespmem:v22+s25+$0x0] =	vst.idx.msk $0xffff, v23  }
0x6b6: {  	v25 =	vor.u32 v37, v13;
	v24 =	vor.u32 v44, v0;
	[tilespmem:v26+s25+$0x0] =	vst.idx.msk $0xffff, v14  }
0x6b7: {  	v15 =	vor.u32 v44, v1;
	v6 =	vor.u32 v44, v3;
	v36 =	vld [tilespmem:$0x1FDE0];
	[tilespmem:v21+s25+$0x0] =	vst.idx.msk $0xffff, v4  }
0x6b8: {  	v16 =	vor.u32 v44, v2;
	v22 =	vor.u32 v44, v12;
	v26 =	vor.u32 v44, v13;
	v44 =	vld [tilespmem:$0x1FBA0]  }
0x6b9: {  	v5 =	vld.idx.msk [tilespmem:v5+s23+$0x0], $0xffff;
	v20 =	vor.u32 s4, v34  }
0x6ba: {  	v7 =	vld.idx.msk [tilespmem:v7+s23+$0x0], $0xffff;
	v19 =	vor.u32 s17, v34  }
0x6bb: {  	v25 =	vld.idx.msk [tilespmem:v25+s23+$0x0], $0xffff;
	v23 =	vor.u32 s18, v34  }
0x6bc: {  	v14 =	vld.idx.msk [tilespmem:v24+s23+$0x0], $0xffff;
	v24 =	vor.u32 s5, v36  }
0x6bd: {  	v15 =	vld.idx.msk [tilespmem:v15+s23+$0x0], $0xffff;
	v4 =	vor.u32 s6, v36;
	v0 =	vor.u32 v44, v0  }
0x6be: {  	[tilespmem:v20+s25+$0x0] =	vst.idx.msk $0xffff, v5;
	v5 =	vld.idx.msk [tilespmem:v6+s23+$0x0], $0xffff;
	v6 =	vor.u32 s16, v36;
	v1 =	vor.u32 v44, v1  }
0x6bf: {  	[tilespmem:v19+s25+$0x0] =	vst.idx.msk $0xffff, v7;
	v16 =	vld.idx.msk [tilespmem:v16+s23+$0x0], $0xffff;
	v7 =	vor.u32 s4, v36;
	v3 =	vor.u32 v44, v3  }
0x6c0: {  	[tilespmem:v23+s25+$0x0] =	vst.idx.msk $0xffff, v25;
	v19 =	vld.idx.msk [tilespmem:v22+s23+$0x0], $0xffff;
	v20 =	vor.u32 s17, v36;
	v2 =	vor.u32 v44, v2  }
0x6c1: {  	v21 =	vld.idx.msk [tilespmem:v26+s23+$0x0], $0xffff;
	v12 =	vor.u32 v44, v12;
	[tilespmem:v24+s25+$0x0] =	vst.idx.msk $0xffff, v14;
	v14 =	vor.u32 s18, v36  }
0x6c2: {  	[tilespmem:v4+s25+$0x0] =	vst.idx.msk $0xffff, v15;
	v4 =	vor.u32 v44, v13;
	v0 =	vld.idx.msk [tilespmem:v0+s23+$0x0], $0xffff  }
0x6c3: {  	[tilespmem:v6+s25+$0x0] =	vst.idx.msk $0xffff, v5;
	v1 =	vld.idx.msk [tilespmem:v1+s23+$0x0], $0xffff  }
0x6c4: {  	[tilespmem:v7+s25+$0x0] =	vst.idx.msk $0xffff, v16;
	v3 =	vld.idx.msk [tilespmem:v3+s23+$0x0], $0xffff  }
0x6c5: {  	[tilespmem:v20+s25+$0x0] =	vst.idx.msk $0xffff, v19;
	v2 =	vld.idx.msk [tilespmem:v2+s23+$0x0], $0xffff  }
0x6c6: {  	v5 =	vld.idx.msk [tilespmem:v12+s23+$0x0], $0xffff;
	[tilespmem:v14+s25+$0x0] =	vst.idx.msk $0xffff, v21  }
0x6c7: {  	[tilespmem:v9+s25+$0x0] =	vst.idx.msk $0xffff, v0;
	v0 =	vld.idx.msk [tilespmem:v4+s23+$0x0], $0xffff  }
0x6c8: {  	[tilespmem:v8+s25+$0x0] =	vst.idx.msk $0xffff, v1  }
0x6c9: {  	[tilespmem:v10+s25+$0x0] =	vst.idx.msk $0xffff, v3  }
0x6ca: {  	[tilespmem:v11+s25+$0x0] =	vst.idx.msk $0xffff, v2  }
0x6cb: {  	[tilespmem:v17+s25+$0x0] =	vst.idx.msk $0xffff, v5  }
0x6cc: {  	[tilespmem:v18+s25+$0x0] =	vst.idx.msk $0xffff, v0  }
0x6cd: {  	v0 =	vld [tilespmem:$0x1FEF0]  }
0x6ce: {  	v1 =	vld [tilespmem:$0x1FF00]  }
0x6cf: {  	v9 =	vld [tilespmem:$0x1FFD0]  }
0x6d0: {  	v2 =	vld [tilespmem:$0x1FF10]  }
0x6d1: {  	v5 =	vld [tilespmem:$0x1FF20]  }
0x6d2: {  	s30 =	sadd.s32 $0x1, s30;
	v6 =	vld [tilespmem:$0x1FF70]  }
0x6d3: {  	p0 =	sne.s32 s30, $0x10;
	v7 =	vld [tilespmem:$0x1FF30]  }
.Ltmp2:
0x6d4: {  	v16 =	vld [tilespmem:$0x1FF90];
	(pc) =	sbr.rel @p0 .LBB2_2-.Ltmp2, $4  }
0x6d5: {  	s0 =	sadd.s32 s8, s31;
	v20 =	vld [tilespmem:$0x1FFE0]  }
0x6d6: {  	s0 =	sshll.u32 s0, $0xC;
	v12 =	vld [tilespmem:$0x1FE70]  }
0x6d7: {  	s0 =	sadd.s32 s9, s0;
	v29 =	vmovc v39;
	v23 =	vmovc v40;
	v26 =	vmov v41;
	v13 =	vmov v42;
	v19 =	vmov v46;
	v31 =	vld [tilespmem:$0x1FEC0]  }
0x6d8: {  	v21 =	vmovc v38;
	v14 =	vmovc v53;
	v53 =	vmov v51;
	v51 =	vmov v43;
	v17 =	vmov v49;
	[hbm4b:s0+s7] =	stream.linear.scatter [tilespmem:s25], [sflag:$0x2], $0x8000, $0x38;
	v28 =	vld [tilespmem:$0x1FD70]  }
0x6d9: {  	s29 =	sadd.s32 $0x1, s29  }
0x6da: {  	_ =	swait.ge [sflag:s26], $0x8000;
	p0 =	sne.s32 s29, s14  }
.Ltmp3:
0x6db: {  	[sflag:s26] =	ssyncset.done $0x0;
	(pc) =	sbr.rel @p0 .LBB2_1-.Ltmp3, $4  }
0x6dc: {  	[sflag:s26] =	ssyncadd.s32 $0xFFFF8000  }
0x6dd: {  	_ =	swait.ge [sflag:s28], $0x8000  }
0x6de: {  	[sflag:s28] =	ssyncset.done $0x0  }
0x6df: {  	[sflag:s28] =	ssyncadd.s32 $0xFFFF8000  }
0x6e0: {  	_ =	sfence.sel $0x180000  }
0x6e1: {  	[bflag:$0x0] =	sbarrier.arrive $0xFFFF  }
0x6e2: {  	_ =	strace $0x9000004A  }
0x6e3: {  	s0 =	stileid.u32;
	[bflag:$0x2] =	sbarrier.arrive $0xFFFF  }
0x6e4: {  	p0 =	sne.s32 s0, $0x0;
	s0 =	rddreg [dreg:$0x6]  }
0x6e5: {  	s0 =	sadd.s32 @!p0 $0x100000, s0  }
0x6e6: {  	[sflag:s0] =	ssyncadd.tile.s32 @!p0 $0x1;
	_ =	shalt  }
.Lfunc_end2:
_tile_overlayer_lowered:
.L_overlay_start_2:
0x6e7: {  	(tag) =	ssettag $0x2  }
0x6e8: {  	s0 =	rddreg [dreg:$0x0];
	s2 =	stileid.u32  }
0x6e9: {  	s1 =	rddreg [dreg:$0x1];
	p0 =	sne.s32 s2, $0x0  }
0x6ea: {  	s3 =	rddreg [dreg:$0x2];
	[bflag:$0x3] =	sbarrier.arrive $0xFFFF;
	s2 =	simm.s32 @!p0 $0x1C03  }
0x6eb: {  	[timem:s3], [sflag:s2] =	dma.local @!p0 [hbm:s0], s1  }
0x6ec: {  	s0 =	simm.s32 @!p0 $0x3  }
0x6ed: {  	_ =	swait.ge @!p0 [sflag:s0], s1  }
0x6ee: {  	s1 =	ssub.s32 @!p0 $0x0, s1;
	[sflag:s0] =	ssyncset.done @!p0 $0x0  }
0x6ef: {  	[sflag:s0] =	ssyncadd.s32 @!p0 s1  }
0x6f0: {  	[bflag:$0x3] =	sbarrier.arrive $0xFFFF  }
0x6f1: {  	_ =	shalt  }

// kernel: sparse-core-data-format-call.1.cloned.1.call-start
scs
called_computation.1_lowered:
.L_overlay_start_0:
0x0: {  	s2 =	sld [smem:$0x3FD9]  }
0x1: {  	s3 =	sld [smem:$0x3FFE];
	_ =	sdelay $0x1  }
0x2: {  	s1 =	srdreg.scid  }
0x3: {  	s0 =	sand.u32 $0x1, s1  }
0x4: {  	s18 =	sshll.u32 s0, $0xA;
	s2 =	sadd.s32 s3, s2  }
0x5: {  	s2 =	sadd.s32 s2, s18  }
0x6: {  	[smem:$0x3FC2] =	sst s2  }
0x7: {  	_ = 	snop  }
0x8: {  	s2 =	sld [smem:$0x3FD0];
	(tm) =	ssettm $0x1  }
0x9: {  	s19 =	sld [smem:$0x3FFB];
	_ =	sdelay $0x3  }
0xa: {  	_ =	strace s19  }
0xb: {  	s3 =	sld [smem:$0x3FFC];
	_ =	sdelay $0x3  }
0xc: {  	_ =	strace s3  }
0xd: {  	s3 =	sld [smem:$0x3FFD];
	_ =	sdelay $0x3  }
0xe: {  	_ =	strace s3  }
0xf: {  	_ =	strace $0x8FFFFFFF  }
0x10: {  	s20 =	sld [smem:$0x3FDB];
	_ =	sdelay $0x1  }
0x11: {  	s4 =	simm.s32 $_scs_section_size  }
0x12: {  	s5 =	simm.s32 $_size__tile_overlayer_lowered;
	s6 =	simm.s32 $_tile_overlayer_lowered  }
0x13: {  	s23 =	simm.s32 $0x1BFF;
	s22 =	sshll.u32 s6, $0x1;
	s3 =	sadd.s32 s4, s20  }
0x14: {  	s7 =	simm.s32 $0x0;
	s21 =	sshll.u32 s5, $0x1;
	s5 =	sadd.s32 s22, s3  }
0x15: {  	[timem:s7], [sflag:s23] =	dma.local [hbm:s5], s21  }
0x16: {  	_ =	swait.ge [sflag:s23], s21  }
0x17: {  	s4 =	ssub.s32 $0x0, s21;
	[sflag:s23] =	ssyncset.done $0x0  }
0x18: {  	[sflag:s23] =	ssyncadd.s32 s4;
	_ =	sdelay $0x1  }
0x19: {  	s24 =	simm.s32 $0x1B8B  }
0x1a: {  	_ =	swait.ge [sflag:s24], $0x1  }
0x1b: {  	[sflag:s24] =	ssyncset.done $0x0  }
0x1c: {  	s26 =	simm.s32 $0x1B8E;
	s25 =	sld [smem:$0x3FFE];
	[sflag:s24] =	ssyncadd.s32 $0xFFFFFFFF  }
0x1d: {  	s27 =	simm.s32 $execute0_lowered;
	[smem:$0x3FD2] =	sst s26  }
0x1e: {  	s5 =	sshll.u32 s27, $0x1;
	_ =	strace $0x8000004C;
	[dreg:$0x1] =	wrdreg $0xFFFFFFFF  }
0x1f: {  	s28 =	simm.s32 $_size_execute0_lowered;
	s3 =	sadd.s32 s3, s5;
	[dreg:$0x0] =	wrdreg $0x0  }
0x20: {  	s5 =	sshll.u32 s28, $0x1;
	[dreg:$0x2] =	wrdreg s3  }
0x21: {  	[dreg:$0x3] =	wrdreg s5  }
0x22: {  	[dreg:$0x4] =	wrdreg $0xC0  }
0x23: {  	_ =	task [dreg:s7], $0x5FFFF  }
0x24: {  	[dreg:$0x1] =	wrdreg $0xFFFFFFFF  }
0x25: {  	[dreg:$0x0] =	wrdreg $0x60  }
0x26: {  	[dreg:$0x2] =	wrdreg s2  }
0x27: {  	[dreg:$0x3] =	wrdreg s25  }
0x28: {  	[dreg:$0x4] =	wrdreg $0x9  }
0x29: {  	_ =	task.clear_ibuf [dreg:s7], $0x5FFFF;
	_ =	strace $0x9000004C  }
0x2a: {  	s29 =	simm.s32 $0x9;
	_ =	strace $0x8000004E  }
0x2b: {  	_ =	swait.ge [sflag:s29], $0x1  }
0x2c: {  	[sflag:s29] =	ssyncadd.s32 $0xFFFFFFFF  }
0x2d: {  	_ =	strace $0x9000004E  }
0x2e: {  	_ =	sfence  }
0x2f: {  	s30 =	sld [smem:$0x0];
	_ =	sdelay $0x2  }
0x30: {  	s31 =	sshll.u32 s1, $0xD;
	s1 =	sshrl.u32 s1, $0x2  }
0x31: {  	s3 =	sand.u32 $0x4000, s31;
	s1 =	sadd.s32 s1, s30  }
0x32: {  	s0 =	sor.u32 s3, s0;
	s1 =	sshll.u32 s1, $0x11  }
0x33: {  	s0 =	sor.u32 s1, s0  }
0x34: {  	s0 =	sadd.s32 $0x8F2B, s0  }
0x35: {  	[sflag:s0] =	ssyncadd.remote.s32 $0x1  }
0x36: {  	_ =	sfence.sel $0xFFFF  }
0x37: {  	[dreg:$0x0] =	wrdreg $0xFFFFFFFF;
	(pc) =	sbr.abs _section_cstart, $3  }
0x38: {  	[dreg:$0x1] =	wrdreg $0xFFFFFFFF  }
0x39: {  	_ =	task.clear_ibuf [dreg:s7], $0x2FFFF;
	_ =	strace $0x9FFFFFFF  }
0x3a: {  	(tm) =	ssettm $0x7FFFFFFF  }
0x3b: {  	_ =	shalt  }
tec
execute0_lowered:
.L_overlay_start_1:
0x0: {  	(tag) =	ssettag $0x1  }
0x1: {  	s2 =	rddreg [dreg:$0x0];
	s0 =	stileid.u32  }
0x2: {  	s1 =	srdreg.scid;
	s7 =	rddreg [dreg:$0x1];
	s31 =	simm.s32 $0x2  }
0x3: {  	s14 =	simm.s32 $0x0;
	s13 =	simm.s32 $0x0;
	s12 =	simm.s32 $0x0  }
0x4: {  	s3 =	sshll.u32 s0, $0x7;
	s4 =	sshll.u32 s0, $0x4;
	s1 =	sshll.u32 s1, $0x8  }
0x5: {  	s3 =	sand.u32 $0x380, s3;
	s4 =	sor.u32 s4, s1;
	s1 =	rddreg [dreg:$0x2]  }
0x6: {  	_ =	strace $0x8000004D;
	s4 =	sand.u32 $0x180, s4;
	s5 =	ssub.s32 $0x400, s3  }
0x7: {  	s6 =	sand.u32 $0x380, s5;
	s8 =	ssub.s32 $0x8000, s4;
	s10 =	sshrl.u32 s5, $0xA  }
0x8: {  	p0 =	sne.s32 s6, $0x0;
	s6 =	simm.s32 $0x1;
	s9 =	sand.u32 $0x180, s8  }
0x9: {  	s6 =	simm.s32 @!p0 $0x0;
	p0 =	sne.s32 s9, $0x0;
	s9 =	simm.s32 $0x1  }
.Ltmp0:
0xa: {  	s8 =	sshrl.u32 s8, $0x9;
	s9 =	simm.s32 @!p0 $0x0;
	(pc) =	sbr.rel .LBB1_1-.Ltmp0, $4  }
0xb: {  	s5 =	simm.s32 $0x1;
	s6 =	sadd.s32 s6, s10;
	s8 =	sadd.s32 s9, s8  }
0xc: {  	s7 =	sadd.s32 $0x1000, s7;
	[sflag:s5] =	ssyncpa.u1 $0x0;
	s6 =	smul.u32 s6, s8  }
0xd: {  	s11 =	smov.u32 s3;
	[sflag:s31] =	ssyncpa.u1 $0x0;
	p0 =	por $0x0, $0x0  }
0xe: {  	s10 =	smov.u32 s4;
	s9 =	simm.s32 $0x2000;
	s8 =	sadd.s32 $0x1, s6  }
.LBB1_4:
0xf: {  	v5 =	vld [tilespmem:s18+$0xFFFFFFD0];
	[tilespmem:s17+$0x2040 ss:$0x81] =	vst.msk $0xffff, v1  }
0x10: {  	v58 =	vld [tilespmem:s18+$0xFFFFFFE0];
	[tilespmem:s17+$0x2850 ss:$0x81] =	vst.msk $0xffff, v2  }
0x11: {  	s19 =	sshra.s32 s19, $0x2;
	v59 =	vld [tilespmem:s18+$0xFFFFFFF0];
	[tilespmem:s17+$0x3060 ss:$0x81] =	vst.msk $0xffff, v3  }
0x12: {  	v60 =	vld [tilespmem:s18+$0x0];
	[tilespmem:s17+$0x0 ss:$0x81] =	vst.msk $0xffff, v0;
	s16 =	sadd.s32 s19, s16  }
0x13: {  	v61 =	vld [tilespmem:s18+$0x10];
	[tilespmem:s16+$0x3870 ss:$0x81] =	vst.msk $0xffff, v4  }
0x14: {  	v62 =	vld [tilespmem:s18+$0x20];
	s26 =	sshll.u32 s14, $0xA;
	s27 =	sshll.u32 s13, $0x3;
	[tilespmem:s16+$0x810 ss:$0x81] =	vst.msk $0xffff, v5  }
0x15: {  	v63 =	vld [tilespmem:s18+$0xFFFFFFC0];
	s29 =	sshll.u32 s14, $0x7;
	s17 =	sand.u32 $0x1FFE000, s26;
	s28 =	sand.u32 $0x1FFFC00, s27;
	[tilespmem:s16+$0x1020 ss:$0x81] =	vst.msk $0xffff, v58  }
0x16: {  	s30 =	sand.u32 $0x78, s13;
	s14 =	sand.u32 $0x380, s29;
	s17 =	sadd.s32 s28, s17;
	[tilespmem:s16+$0x1830 ss:$0x81] =	vst.msk $0xffff, v59  }
0x17: {  	s14 =	sor.u32 s30, s14;
	s17 =	sand.u32 $0x1FFFC00, s17;
	[tilespmem:s16+$0x2040 ss:$0x81] =	vst.msk $0xffff, v60  }
0x18: {  	s31 =	sand.u32 $0x7, s13;
	s14 =	sor.u32 s17, s14;
	[tilespmem:s16+$0x2850 ss:$0x81] =	vst.msk $0xffff, v61  }
0x19: {  	s13 =	sshll.u32 s31, $0x12;
	[tilespmem:s16+$0x3060 ss:$0x81] =	vst.msk $0xffff, v62;
	s14 =	sshrl.u32 s14, $0x3  }
0x1a: {  	s13 =	sor.u32 $0x400, s13;
	[tilespmem:s16+$0x0 ss:$0x81] =	vst.msk $0xffff, v63;
	s14 =	sadd.s32 s7, s14  }
0x1b: {  	[hbm4b:s14+s13] =	stream.strided.scatter [tilespmem:s15], [sflag:$0x2], $0x4000, s9, s13, $0x20;
	[tilespmem:$0x10100] =	vst v63  }
.LBB1_5:
0x1c: {  	s15 =	sadd.s32 $0x200, s10  }
0x1d: {  	s13 =	sadd.s32 $0x400, s11;
	s17 =	smov.u32 s11;
	p2 =	sgt.s32 s15, $0x7FFF  }
0x1e: {  	s17 =	smov.u32 @p2 s13  }
0x1f: {  	s15 =	smov.u32 @p2 s4;
	p2 =	sgt.s32 s17, $0x3FF  }
0x20: {  	s17 =	smov.u32 @p2 s3;
	p2 =	sne.s32 s12, s8  }
.Ltmp1:
0x21: {  	p1 =	slt.u32 s12, $0x2;
	(pc) =	sbr.rel @!p2 .LBB1_6-.Ltmp1, $4  }
0x22: {  	s16 =	simm.s32 @!p1 $0x2  }
0x23: {  	s14 =	smov.u32 s10;
	p0 =	por !p0, !p0;
	_ =	swait.ge @!p1 [sflag:s16], $0x4000  }
0x24: {  	s13 =	smov.u32 s11;
	[sflag:s16] =	ssyncset.done @!p1 $0x0;
	s10 =	smov.u32 s15  }
0x25: {  	s12 =	sadd.s32 $0x1, s12;
	[sflag:s16] =	ssyncadd.s32 @!p1 $0xFFFFC000;
	s11 =	smov.u32 s17  }
.LBB1_1:
0x26: {  	p1 =	sge.u32 s12, s6;
	s31 =	sadd.s32 $0xFFFFFFFF, s12  }
0x27: {  	s15 =	sand.u32 @!p1 $0x78, s10;
	s16 =	sshll.u32 @!p1 s11, $0xF;
	s17 =	sshll.u32 @!p1 s11, $0x7  }
0x28: {  	s18 =	sshll.u32 @!p1 s10, $0x3;
	s16 =	sand.u32 @!p1 $0x1FC0000, s16;
	s17 =	sand.u32 @!p1 $0x380, s17  }
0x29: {  	s16 =	sadd.s32 @!p1 s16, s18;
	s18 =	sand.u32 @!p1 $0x7C00, s18;
	s15 =	sor.u32 @!p1 s17, s15  }
0x2a: {  	s17 =	sxor.u32 @!p1 $0xFFFFFFFF, s12;
	s16 =	sand.u32 @!p1 $0x1FF8000, s16;
	s15 =	sor.u32 @!p1 s18, s15  }
0x2b: {  	s17 =	sshll.u32 @!p1 s17, $0xE;
	s15 =	sor.u32 @!p1 s16, s15;
	s16 =	sand.u32 @!p1 $0x7, s10  }
0x2c: {  	s18 =	simm.s32 @!p1 $0x40000;
	s15 =	sshrl.u32 @!p1 s15, $0x3;
	s16 =	sshll.u32 @!p1 s16, $0x12  }
0x2d: {  	s17 =	sand.u32 @!p1 $0x4000, s17;
	s15 =	sadd.s32 @!p1 s2, s15;
	s16 =	sor.u32 @!p1 $0x400, s16  }
0x2e: {  	[tilespmem:s17], [sflag:$0x1] =	stream.strided.gather @!p1 [hbm4b:s15+s16], $0x4000, s18, s16, $0x38;
	[tilespmem:$0x10100] =	vst v63  }
0x2f: {  	p1 =	sge.u32 s31, s6  }
.Ltmp2:
0x30: {  	_ = 	snop;
	(pc) =	sbr.rel @p1 .LBB1_5-.Ltmp2, $1  }
0x31: {  	_ =	sdelay $0x3  }
0x32: {  	s15 =	simm.s32 $0x1  }
0x33: {  	_ =	swait.ge [sflag:s5], $0x4000;
	s15 =	simm.s32 @!p0 $0x0  }
0x34: {  	[sflag:s5] =	ssyncset.done $0x0;
	s16 =	sshll.u32 s15, $0xE  }
0x35: {  	[sflag:s5] =	ssyncadd.s32 $0xFFFFC000;
	s18 =	sor.u32 $0x40, s16  }
0x36: {  	s15 =	smul.u32 $0x10200, s15;
	v0 =	vld [tilespmem:s18+$0x30]  }
0x37: {  	v3 =	vld [tilespmem:s18+$0xFFFFFFD0]  }
0x38: {  	s15 =	sshrl.u32 s15, $0x2;
	v4 =	vld [tilespmem:s18+$0xFFFFFFE0]  }
0x39: {  	v5 =	vld [tilespmem:s18+$0xFFFFFFF0];
	s16 =	sor.u32 $0x8000, s15  }
0x3a: {  	s31 =	sand.u32 $0x1, s12;
	v1 =	vld [tilespmem:s18+$0x0];
	s17 =	sadd.s32 $0x0, s16  }
0x3b: {  	v2 =	vld [tilespmem:s18+$0x10];
	s15 =	smul.u32 $0x10200, s31;
	[tilespmem:s17+$0x3870 ss:$0x81] =	vst.msk $0xffff, v0  }
0x3c: {  	[tilespmem:s17+$0x810 ss:$0x81] =	vst.msk $0xffff, v3;
	v3 =	vld [tilespmem:s18+$0x20]  }
0x3d: {  	s15 =	sshrl.u32 s15, $0x2;
	v0 =	vld [tilespmem:s18+$0xFFFFFFC0];
	[tilespmem:s17+$0x1020 ss:$0x81] =	vst.msk $0xffff, v4;
	s18 =	sadd.s32 $0x80, s18  }
0x3e: {  	s19 =	simm.s32 $0x4;
	s20 =	simm.s32 $0x8;
	s15 =	sor.u32 $0x8000, s15;
	[tilespmem:s17+$0x1830 ss:$0x81] =	vst.msk $0xffff, v5;
	v4 =	vld [tilespmem:s18+$0x30]  }
.LBB1_3:
0x3f: {  	p1 =	sne.s32 s20, $0x1FC;
	v5 =	vld [tilespmem:s18+$0xFFFFFFD0];
	[tilespmem:s17+$0x2040 ss:$0x81] =	vst.msk $0xffff, v1  }
0x40: {  	v6 =	vld [tilespmem:s18+$0xFFFFFFE0];
	[tilespmem:s17+$0x2850 ss:$0x81] =	vst.msk $0xffff, v2  }
0x41: {  	s21 =	sshra.s32 s19, $0x2;
	s19 =	smov.u32 s20;
	v7 =	vld [tilespmem:s18+$0xFFFFFFF0];
	[tilespmem:s17+$0x3060 ss:$0x81] =	vst.msk $0xffff, v3  }
.Ltmp3:
0x42: {  	v1 =	vld [tilespmem:s18+$0x0];
	[tilespmem:s17+$0x0 ss:$0x81] =	vst.msk $0xffff, v0;
	s17 =	sadd.s32 s21, s16;
	(pc) =	sbr.rel @p1 .LBB1_3-.Ltmp3, $4  }
0x43: {  	v2 =	vld [tilespmem:s18+$0x10];
	[tilespmem:s17+$0x3870 ss:$0x81] =	vst.msk $0xffff, v4  }
0x44: {  	[tilespmem:s17+$0x810 ss:$0x81] =	vst.msk $0xffff, v5;
	v3 =	vld [tilespmem:s18+$0x20]  }
0x45: {  	v0 =	vld [tilespmem:s18+$0xFFFFFFC0];
	[tilespmem:s17+$0x1020 ss:$0x81] =	vst.msk $0xffff, v6;
	s18 =	sadd.s32 $0x80, s18  }
0x46: {  	s20 =	sadd.s32 $0x4, s20;
	v4 =	vld [tilespmem:s18+$0x30];
	[tilespmem:s17+$0x1830 ss:$0x81] =	vst.msk $0xffff, v7  }
.Ltmp4:
0x47: {  	_ = 	snop;
	(pc) =	sbr.rel .LBB1_4-.Ltmp4, $1  }
0x48: {  	_ =	sdelay $0x3  }
.LBB1_6:
0x49: {  	_ =	sfence.sel $0x180000  }
0x4a: {  	s2 =	simm.s32 $0x1;
	[bflag:$0x0] =	sbarrier.arrive $0xFFFF  }
0x4b: {  	s31 =	simm.s32 $0x2;
	[sflag:s2] =	ssyncpa.u1 $0x1  }
0x4c: {  	[sflag:s31] =	ssyncpa.u1 $0x1  }
0x4d: {  	p0 =	sne.s32 s0, $0x0;
	_ =	strace $0x9000004D  }
0x4e: {  	s0 =	sadd.s32 @!p0 $0x100000, s1;
	[bflag:$0x2] =	sbarrier.arrive $0xFFFF  }
0x4f: {  	[sflag:s0] =	ssyncadd.tile.s32 @!p0 $0x1;
	_ =	shalt  }
.Lfunc_end1:
_tile_overlayer_lowered:
.L_overlay_start_2:
0x50: {  	(tag) =	ssettag $0x2  }
0x51: {  	s0 =	rddreg [dreg:$0x0];
	s2 =	stileid.u32  }
0x52: {  	s1 =	rddreg [dreg:$0x1];
	p0 =	sne.s32 s2, $0x0  }
0x53: {  	s3 =	rddreg [dreg:$0x2];
	[bflag:$0x3] =	sbarrier.arrive $0xFFFF;
	s2 =	simm.s32 @!p0 $0x1C01  }
0x54: {  	[timem:s3], [sflag:s2] =	dma.local @!p0 [hbm:s0], s1  }
0x55: {  	s0 =	simm.s32 @!p0 $0x1  }
0x56: {  	_ =	swait.ge @!p0 [sflag:s0], s1  }
0x57: {  	s1 =	ssub.s32 @!p0 $0x0, s1;
	[sflag:s0] =	ssyncset.done @!p0 $0x0  }
0x58: {  	[sflag:s0] =	ssyncadd.s32 @!p0 s1  }
0x59: {  	[bflag:$0x3] =	sbarrier.arrive $0xFFFF  }
0x5a: {  	_ =	shalt  }

// kernel: sparse-core-data-format-call.cloned.1.call-start
scs
called_computation_lowered:
.L_overlay_start_0:
0x0: {  	s2 =	sld [smem:$0x3FD9]  }
0x1: {  	s3 =	sld [smem:$0x3FFE];
	_ =	sdelay $0x1  }
0x2: {  	s1 =	srdreg.scid  }
0x3: {  	s0 =	sand.u32 $0x1, s1  }
0x4: {  	s18 =	sshll.u32 s0, $0xA;
	s2 =	sadd.s32 s3, s2  }
0x5: {  	s2 =	sadd.s32 s2, s18  }
0x6: {  	[smem:$0x3FC2] =	sst s2  }
0x7: {  	_ = 	snop  }
0x8: {  	s2 =	sld [smem:$0x3FD0];
	(tm) =	ssettm $0x1  }
0x9: {  	s19 =	sld [smem:$0x3FFB];
	_ =	sdelay $0x3  }
0xa: {  	_ =	strace s19  }
0xb: {  	s3 =	sld [smem:$0x3FFC];
	_ =	sdelay $0x3  }
0xc: {  	_ =	strace s3  }
0xd: {  	s3 =	sld [smem:$0x3FFD];
	_ =	sdelay $0x3  }
0xe: {  	_ =	strace s3  }
0xf: {  	_ =	strace $0x8FFFFFFF  }
0x10: {  	s20 =	sld [smem:$0x3FDB];
	_ =	sdelay $0x1  }
0x11: {  	s4 =	simm.s32 $_scs_section_size  }
0x12: {  	s5 =	simm.s32 $_size__tile_overlayer_lowered;
	s6 =	simm.s32 $_tile_overlayer_lowered  }
0x13: {  	s23 =	simm.s32 $0x1BFF;
	s22 =	sshll.u32 s6, $0x1;
	s3 =	sadd.s32 s4, s20  }
0x14: {  	s7 =	simm.s32 $0x0;
	s21 =	sshll.u32 s5, $0x1;
	s5 =	sadd.s32 s22, s3  }
0x15: {  	[timem:s7], [sflag:s23] =	dma.local [hbm:s5], s21  }
0x16: {  	_ =	swait.ge [sflag:s23], s21  }
0x17: {  	s4 =	ssub.s32 $0x0, s21;
	[sflag:s23] =	ssyncset.done $0x0  }
0x18: {  	[sflag:s23] =	ssyncadd.s32 s4;
	_ =	sdelay $0x1  }
0x19: {  	s24 =	simm.s32 $0x1B8B  }
0x1a: {  	_ =	swait.ge [sflag:s24], $0x1  }
0x1b: {  	[sflag:s24] =	ssyncset.done $0x0  }
0x1c: {  	s26 =	simm.s32 $0x1B8E;
	s25 =	sld [smem:$0x3FFE];
	[sflag:s24] =	ssyncadd.s32 $0xFFFFFFFF  }
0x1d: {  	s27 =	simm.s32 $execute0_lowered;
	[smem:$0x3FD2] =	sst s26  }
0x1e: {  	s5 =	sshll.u32 s27, $0x1;
	_ =	strace $0x8000004F;
	[dreg:$0x1] =	wrdreg $0xFFFFFFFF  }
0x1f: {  	s28 =	simm.s32 $_size_execute0_lowered;
	s3 =	sadd.s32 s3, s5;
	[dreg:$0x0] =	wrdreg $0x0  }
0x20: {  	s5 =	sshll.u32 s28, $0x1;
	[dreg:$0x2] =	wrdreg s3  }
0x21: {  	[dreg:$0x3] =	wrdreg s5  }
0x22: {  	[dreg:$0x4] =	wrdreg $0xC0  }
0x23: {  	_ =	task [dreg:s7], $0x5FFFF  }
0x24: {  	[dreg:$0x1] =	wrdreg $0xFFFFFFFF  }
0x25: {  	[dreg:$0x0] =	wrdreg $0x60  }
0x26: {  	[dreg:$0x2] =	wrdreg s25  }
0x27: {  	[dreg:$0x3] =	wrdreg s2  }
0x28: {  	[dreg:$0x4] =	wrdreg $0x9  }
0x29: {  	_ =	task.clear_ibuf [dreg:s7], $0x5FFFF;
	_ =	strace $0x9000004F  }
0x2a: {  	s29 =	simm.s32 $0x9;
	_ =	strace $0x80000051  }
0x2b: {  	_ =	swait.ge [sflag:s29], $0x1  }
0x2c: {  	[sflag:s29] =	ssyncadd.s32 $0xFFFFFFFF  }
0x2d: {  	_ =	strace $0x90000051  }
0x2e: {  	_ =	sfence  }
0x2f: {  	s30 =	sld [smem:$0x0];
	_ =	sdelay $0x2  }
0x30: {  	s31 =	sshll.u32 s1, $0xD;
	s1 =	sshrl.u32 s1, $0x2  }
0x31: {  	s3 =	sand.u32 $0x4000, s31;
	s1 =	sadd.s32 s1, s30  }
0x32: {  	s0 =	sor.u32 s3, s0;
	s1 =	sshll.u32 s1, $0x11  }
0x33: {  	s0 =	sor.u32 s1, s0  }
0x34: {  	s0 =	sadd.s32 $0x8F2B, s0  }
0x35: {  	[sflag:s0] =	ssyncadd.remote.s32 $0x1  }
0x36: {  	_ =	sfence.sel $0xFFFF  }
0x37: {  	[dreg:$0x0] =	wrdreg $0xFFFFFFFF;
	(pc) =	sbr.abs _section_cstart, $3  }
0x38: {  	[dreg:$0x1] =	wrdreg $0xFFFFFFFF  }
0x39: {  	_ =	task.clear_ibuf [dreg:s7], $0x2FFFF;
	_ =	strace $0x9FFFFFFF  }
0x3a: {  	(tm) =	ssettm $0x7FFFFFFF  }
0x3b: {  	_ =	shalt  }
tec
execute0_lowered:
.L_overlay_start_1:
0x0: {  	(tag) =	ssettag $0x1  }
0x1: {  	s4 =	rddreg [dreg:$0x0]  }
0x2: {  	s0 =	stileid.u32;
	s2 =	rddreg [dreg:$0x1]  }
0x3: {  	s1 =	rddreg [dreg:$0x2];
	_ =	strace $0x80000050;
	s5 =	srdreg.scid  }
0x4: {  	s31 =	simm.s32 $0x2;
	s14 =	simm.s32 $0x0;
	s9 =	simm.s32 $0x8000  }
0x5: {  	s16 =	simm.s32 $0x0;
	s15 =	simm.s32 $0x0;
	s3 =	sshll.u32 s0, $0x7  }
0x6: {  	s10 =	simm.s32 $0x0;
	s5 =	sshll.u32 s5, $0x4;
	s3 =	sand.u32 $0x380, s3  }
0x7: {  	s13 =	simm.s32 $0x0;
	s5 =	sand.u32 $0x10, s5;
	s6 =	ssub.s32 $0x400, s3  }
0x8: {  	s4 =	sadd.s32 $0x1000, s4;
	s5 =	sor.u32 s0, s5;
	s7 =	sand.u32 $0x380, s6  }
.Ltmp0:
0x9: {  	p0 =	sne.s32 s7, $0x0;
	s7 =	simm.s32 $0x1;
	(pc) =	sbr.rel .LBB1_1-.Ltmp0, $4  }
0xa: {  	s12 =	smov.u32 s3;
	s8 =	sshrl.u32 s6, $0xA;
	s7 =	simm.s32 @!p0 $0x0  }
0xb: {  	s5 =	sshrl.u32 s5, $0x3;
	s6 =	simm.s32 $0x1;
	s7 =	sadd.s32 s7, s8  }
0xc: {  	[sflag:s6] =	ssyncpa.u1 $0x0;
	s11 =	smov.u32 s5;
	s7 =	sshll.u32 s7, $0x6  }
0xd: {  	[sflag:s31] =	ssyncpa.u1 $0x0;
	p0 =	por $0x0, $0x0;
	s8 =	sor.u32 $0x1, s7  }
.LBB1_4:
0xe: {  	v5 =	vld [tilespmem:s20+$0xFFFFFFD0];
	[tilespmem:s19+$0x2040 ss:$0x81] =	vst.msk $0xffff, v1  }
0xf: {  	v58 =	vld [tilespmem:s20+$0xFFFFFFE0];
	[tilespmem:s19+$0x2850 ss:$0x81] =	vst.msk $0xffff, v2  }
0x10: {  	s21 =	sshra.s32 s21, $0x2;
	v59 =	vld [tilespmem:s20+$0xFFFFFFF0];
	[tilespmem:s19+$0x3060 ss:$0x81] =	vst.msk $0xffff, v3  }
0x11: {  	v60 =	vld [tilespmem:s20+$0x0];
	[tilespmem:s19+$0x0 ss:$0x81] =	vst.msk $0xffff, v0;
	s18 =	sadd.s32 s21, s18  }
0x12: {  	v61 =	vld [tilespmem:s20+$0x10];
	[tilespmem:s18+$0x3870 ss:$0x81] =	vst.msk $0xffff, v4  }
0x13: {  	v62 =	vld [tilespmem:s20+$0x20];
	s26 =	sshll.u32 s16, $0xA;
	s27 =	sshll.u32 s15, $0x3;
	[tilespmem:s18+$0x810 ss:$0x81] =	vst.msk $0xffff, v5  }
0x14: {  	v63 =	vld [tilespmem:s20+$0xFFFFFFC0];
	s29 =	sshll.u32 s16, $0x7;
	s30 =	sand.u32 $0x78, s15;
	s14 =	sshll.u32 s14, $0xC;
	[tilespmem:s18+$0x1020 ss:$0x81] =	vst.msk $0xffff, v58  }
0x15: {  	s19 =	sand.u32 $0x6000, s26;
	s28 =	sand.u32 $0x7C00, s27;
	s16 =	sand.u32 $0x380, s29;
	[tilespmem:s18+$0x1830 ss:$0x81] =	vst.msk $0xffff, v59  }
0x16: {  	s31 =	sand.u32 $0x7, s15;
	s19 =	sadd.s32 s28, s19;
	s16 =	sor.u32 s30, s16;
	[tilespmem:s18+$0x2040 ss:$0x81] =	vst.msk $0xffff, v60  }
0x17: {  	s14 =	sadd.s32 s2, s14;
	s19 =	sshrl.u32 s19, $0x3;
	s16 =	sshrl.u32 s16, $0x3;
	[tilespmem:s18+$0x2850 ss:$0x81] =	vst.msk $0xffff, v61  }
0x18: {  	s15 =	sshll.u32 s31, $0x12;
	s19 =	sand.u32 $0xF80, s19;
	s14 =	sadd.s32 s16, s14;
	[tilespmem:s18+$0x3060 ss:$0x81] =	vst.msk $0xffff, v62  }
0x19: {  	s15 =	sor.u32 $0x80, s15;
	[tilespmem:s18+$0x0 ss:$0x81] =	vst.msk $0xffff, v63;
	s14 =	sadd.s32 s19, s14  }
0x1a: {  	[hbm4b:s14+s15] =	stream.strided.scatter [tilespmem:s17], [sflag:$0x2], $0x4000, s9, s15, $0x20;
	[tilespmem:$0x10100] =	vst v63  }
.LBB1_5:
0x1b: {  	s17 =	sadd.s32 $0x80, s10  }
0x1c: {  	s14 =	sadd.s32 $0x4, s11;
	s18 =	smov.u32 s11;
	p2 =	sgt.s32 s17, $0x3FF  }
0x1d: {  	s18 =	smov.u32 @p2 s14  }
0x1e: {  	s20 =	smov.u32 s12;
	s14 =	sadd.s32 $0x400, s12;
	p3 =	sgt.s32 s18, $0x1F  }
0x1f: {  	s20 =	smov.u32 @p3 s14  }
0x20: {  	s17 =	simm.s32 @p2 $0x0;
	p2 =	sgt.s32 s20, $0x3FF  }
0x21: {  	p1 =	slt.u32 s13, $0x2;
	s20 =	smov.u32 @p2 s3;
	p2 =	sne.s32 s13, s8  }
.Ltmp1:
0x22: {  	s19 =	simm.s32 @!p1 $0x2;
	(pc) =	sbr.rel @!p2 .LBB1_6-.Ltmp1, $4  }
0x23: {  	s16 =	smov.u32 s11;
	s15 =	smov.u32 s12;
	_ =	swait.ge @!p1 [sflag:s19], $0x4000  }
0x24: {  	p0 =	por !p0, !p0;
	[sflag:s19] =	ssyncset.done @!p1 $0x0;
	s18 =	smov.u32 @p3 s5  }
0x25: {  	s14 =	smov.u32 s10;
	[sflag:s19] =	ssyncadd.s32 @!p1 $0xFFFFC000;
	s10 =	smov.u32 s17  }
0x26: {  	s11 =	smov.u32 s18;
	s13 =	sadd.s32 $0x1, s13;
	s12 =	smov.u32 s20  }
.LBB1_1:
0x27: {  	p1 =	sge.u32 s13, s7  }
0x28: {  	s31 =	sadd.s32 $0xFFFFFFFF, s13;
	s17 =	sshll.u32 @!p1 s11, $0x7  }
0x29: {  	s18 =	sxor.u32 @!p1 $0xFFFFFFFF, s13;
	s19 =	sand.u32 @!p1 $0x78, s10;
	s20 =	sand.u32 @!p1 $0x380, s17  }
0x2a: {  	s18 =	sshll.u32 @!p1 s18, $0xE;
	s19 =	sor.u32 @!p1 s19, s20;
	s20 =	sshll.u32 @!p1 s12, $0xC  }
0x2b: {  	s17 =	sand.u32 @!p1 $0xC00, s17;
	s19 =	sshrl.u32 @!p1 s19, $0x3;
	s20 =	sadd.s32 @!p1 s4, s20  }
0x2c: {  	s17 =	sadd.s32 @!p1 s10, s17;
	s19 =	sadd.s32 @!p1 s19, s20;
	s20 =	sand.u32 @!p1 $0x7, s10  }
0x2d: {  	s18 =	sand.u32 @!p1 $0x4000, s18;
	s17 =	sand.u32 @!p1 $0xF80, s17;
	s20 =	sshll.u32 @!p1 s20, $0x12  }
0x2e: {  	s17 =	sadd.s32 @!p1 s17, s19;
	s19 =	sor.u32 @!p1 $0x80, s20;
	s20 =	simm.s32 @!p1 $0x8000  }
0x2f: {  	[tilespmem:s18], [sflag:$0x1] =	stream.strided.gather @!p1 [hbm4b:s17+s19], $0x4000, s20, s19, $0x38;
	[tilespmem:$0x10100] =	vst v63  }
0x30: {  	p1 =	sge.u32 s31, s7  }
.Ltmp2:
0x31: {  	_ = 	snop;
	(pc) =	sbr.rel @p1 .LBB1_5-.Ltmp2, $1  }
0x32: {  	_ =	sdelay $0x3  }
0x33: {  	s17 =	simm.s32 $0x1  }
0x34: {  	_ =	swait.ge [sflag:s6], $0x4000;
	s17 =	simm.s32 @!p0 $0x0  }
0x35: {  	[sflag:s6] =	ssyncset.done $0x0;
	s18 =	sshll.u32 s17, $0xE  }
0x36: {  	[sflag:s6] =	ssyncadd.s32 $0xFFFFC000;
	s20 =	sor.u32 $0x40, s18  }
0x37: {  	s17 =	smul.u32 $0x10200, s17;
	v0 =	vld [tilespmem:s20+$0x30]  }
0x38: {  	v3 =	vld [tilespmem:s20+$0xFFFFFFD0]  }
0x39: {  	s17 =	sshrl.u32 s17, $0x2;
	v4 =	vld [tilespmem:s20+$0xFFFFFFE0]  }
0x3a: {  	v5 =	vld [tilespmem:s20+$0xFFFFFFF0];
	s18 =	sor.u32 $0x8000, s17  }
0x3b: {  	s31 =	sand.u32 $0x1, s13;
	v1 =	vld [tilespmem:s20+$0x0];
	s19 =	sadd.s32 $0x0, s18  }
0x3c: {  	v2 =	vld [tilespmem:s20+$0x10];
	s17 =	smul.u32 $0x10200, s31;
	[tilespmem:s19+$0x3870 ss:$0x81] =	vst.msk $0xffff, v0  }
0x3d: {  	[tilespmem:s19+$0x810 ss:$0x81] =	vst.msk $0xffff, v3;
	v3 =	vld [tilespmem:s20+$0x20]  }
0x3e: {  	s17 =	sshrl.u32 s17, $0x2;
	v0 =	vld [tilespmem:s20+$0xFFFFFFC0];
	[tilespmem:s19+$0x1020 ss:$0x81] =	vst.msk $0xffff, v4;
	s20 =	sadd.s32 $0x80, s20  }
0x3f: {  	s21 =	simm.s32 $0x4;
	s22 =	simm.s32 $0x8;
	s17 =	sor.u32 $0x8000, s17;
	[tilespmem:s19+$0x1830 ss:$0x81] =	vst.msk $0xffff, v5;
	v4 =	vld [tilespmem:s20+$0x30]  }
.LBB1_3:
0x40: {  	p1 =	sne.s32 s22, $0x1FC;
	v5 =	vld [tilespmem:s20+$0xFFFFFFD0];
	[tilespmem:s19+$0x2040 ss:$0x81] =	vst.msk $0xffff, v1  }
0x41: {  	v6 =	vld [tilespmem:s20+$0xFFFFFFE0];
	[tilespmem:s19+$0x2850 ss:$0x81] =	vst.msk $0xffff, v2  }
0x42: {  	s23 =	sshra.s32 s21, $0x2;
	s21 =	smov.u32 s22;
	v7 =	vld [tilespmem:s20+$0xFFFFFFF0];
	[tilespmem:s19+$0x3060 ss:$0x81] =	vst.msk $0xffff, v3  }
.Ltmp3:
0x43: {  	v1 =	vld [tilespmem:s20+$0x0];
	[tilespmem:s19+$0x0 ss:$0x81] =	vst.msk $0xffff, v0;
	s19 =	sadd.s32 s23, s18;
	(pc) =	sbr.rel @p1 .LBB1_3-.Ltmp3, $4  }
0x44: {  	v2 =	vld [tilespmem:s20+$0x10];
	[tilespmem:s19+$0x3870 ss:$0x81] =	vst.msk $0xffff, v4  }
0x45: {  	[tilespmem:s19+$0x810 ss:$0x81] =	vst.msk $0xffff, v5;
	v3 =	vld [tilespmem:s20+$0x20]  }
0x46: {  	v0 =	vld [tilespmem:s20+$0xFFFFFFC0];
	[tilespmem:s19+$0x1020 ss:$0x81] =	vst.msk $0xffff, v6;
	s20 =	sadd.s32 $0x80, s20  }
0x47: {  	s22 =	sadd.s32 $0x4, s22;
	v4 =	vld [tilespmem:s20+$0x30];
	[tilespmem:s19+$0x1830 ss:$0x81] =	vst.msk $0xffff, v7  }
.Ltmp4:
0x48: {  	_ = 	snop;
	(pc) =	sbr.rel .LBB1_4-.Ltmp4, $1  }
0x49: {  	_ =	sdelay $0x3  }
.LBB1_6:
0x4a: {  	_ =	sfence.sel $0x180000  }
0x4b: {  	s2 =	simm.s32 $0x1;
	[bflag:$0x0] =	sbarrier.arrive $0xFFFF  }
0x4c: {  	s31 =	simm.s32 $0x2;
	[sflag:s2] =	ssyncpa.u1 $0x1  }
0x4d: {  	[sflag:s31] =	ssyncpa.u1 $0x1  }
0x4e: {  	p0 =	sne.s32 s0, $0x0;
	_ =	strace $0x90000050  }
0x4f: {  	s0 =	sadd.s32 @!p0 $0x100000, s1;
	[bflag:$0x2] =	sbarrier.arrive $0xFFFF  }
0x50: {  	[sflag:s0] =	ssyncadd.tile.s32 @!p0 $0x1;
	_ =	shalt  }
.Lfunc_end1:
_tile_overlayer_lowered:
.L_overlay_start_2:
0x51: {  	(tag) =	ssettag $0x2  }
0x52: {  	s0 =	rddreg [dreg:$0x0];
	s2 =	stileid.u32  }
0x53: {  	s1 =	rddreg [dreg:$0x1];
	p0 =	sne.s32 s2, $0x0  }
0x54: {  	s3 =	rddreg [dreg:$0x2];
	[bflag:$0x3] =	sbarrier.arrive $0xFFFF;
	s2 =	simm.s32 @!p0 $0x1C01  }
0x55: {  	[timem:s3], [sflag:s2] =	dma.local @!p0 [hbm:s0], s1  }
0x56: {  	s0 =	simm.s32 @!p0 $0x1  }
0x57: {  	_ =	swait.ge @!p0 [sflag:s0], s1  }
0x58: {  	s1 =	ssub.s32 @!p0 $0x0, s1;
	[sflag:s0] =	ssyncset.done @!p0 $0x0  }
0x59: {  	[sflag:s0] =	ssyncadd.s32 @!p0 s1  }
0x5a: {  	[bflag:$0x3] =	sbarrier.arrive $0xFFFF  }
0x5b: {  	_ =	shalt  }

</sc_bundles>
